<compile_context>
chip_gen: v7x
topology: tpu7x:2x2x1
jax: 0.10.2.dev20260603
libtpu: 0.0.44.dev20260713+nightly
codegen_flags: <defaults>
</compile_context>

<pallas_src>
import functools

import jax
import jax.numpy as jnp
from jax import lax
from jax.experimental import pallas as pl
from jax.experimental.pallas import tpu as pltpu
from jax.experimental.pallas import tpu_sc as plsc

_CAPACITY = 0.8
_LANES = 16
_RADIX_BITS = 10
_RADIX = 1 << _RADIX_BITS
_DIG_MASK = _RADIX - 1
_MIN_I32 = -(2**31)
_KSTRIDE = _LANES + 1
_HSTRIDE = _RADIX + _LANES + 1
_HSIZE = _LANES * _HSTRIDE + _LANES


def _score_body(x_ref, w_ref, o_ref):
    s = lax.dot_general(
        w_ref[...], x_ref[...], (((1,), (1,)), ((), ())),
        preferred_element_type=jnp.float32,
    )
    o_ref[...] = 1.0 / (jnp.exp(-s) + 1.0)


def _probs_tc(x2d, W, blk):
    n, d = x2d.shape
    grid = n // blk
    out = pl.pallas_call(
        _score_body,
        grid=(grid,),
        in_specs=[
            pl.BlockSpec((blk, d), lambda i: (i, 0)),
            pl.BlockSpec((1, d), lambda i: (0, 0)),
        ],
        out_specs=pl.BlockSpec((1, blk), lambda i: (0, i)),
        out_shape=jax.ShapeDtypeStruct((1, n), jnp.float32),
    )(x2d, W)
    return out.reshape(n)


def _key_from_prob(p_chunk):
    b = lax.bitcast_convert_type(p_chunk, jnp.int32)
    u = jnp.where(b < 0, ~b, b ^ _MIN_I32)
    return ~u


def _prob_from_key(key):
    u = ~key
    b = jnp.where(u < 0, u ^ _MIN_I32, ~u)
    return lax.bitcast_convert_type(b, jnp.float32)


def _digit(key, shift):
    return lax.shift_right_logical(key, shift) & _DIG_MASK


def _make_sort_sc(batch, seq):
    nvec = seq // _LANES
    mesh = plsc.VectorSubcoreMesh(
        core_axis_name="c", subcore_axis_name="s", num_cores=1)

    def body(probs_hbm, vals_hbm, idx_hbm, pf, kt, kb, va, vb, h0, h1, h2):
        wid = lax.axis_index("s") * 1 + lax.axis_index("c")

        @pl.when(wid < batch)
        def _():
            base = pl.multiple_of(wid * seq, seq)
            pltpu.sync_copy(probs_hbm.at[pl.ds(base, seq)], pf)

            iota = lax.iota(jnp.int32, _LANES)
            lane_rows = iota * _HSTRIDE
            ones = jnp.full((_LANES,), 1, jnp.int32)

            def zero_body(j, _):
                z = jnp.zeros((_LANES,), jnp.int32)
                sl = pl.ds(j * _LANES, _LANES)
                h0[sl] = z
                h1[sl] = z
                h2[sl] = z
                return 0

            lax.fori_loop(0, _HSIZE // _LANES, zero_body, 0, unroll=8)

            def transpose_body(i, _):
                key = _key_from_prob(pf[pl.ds(i * _LANES, _LANES)])
                u0 = (i & (_LANES - 1)) * _LANES
                plsc.store_scatter(kt, [(u0 + iota) * _KSTRIDE + (i >> 4)],
                                   key)
                return 0

            lax.fori_loop(0, nvec, transpose_body, 0, unroll=8)

            def run_pass(p, src_k, src_v, dst_k, dst_v, hp):
                shift = _RADIX_BITS * p

                def hist_body(i, _):
                    d = _digit(src_k[pl.ds(i * _KSTRIDE, _LANES)], shift)
                    plsc.addupdate_scatter(hp, [lane_rows + d], ones)
                    return 0

                lax.fori_loop(0, nvec, hist_body, 0, unroll=8)

                def prefix_body(j, carry):
                    hs = [hp[pl.ds(l * _HSTRIDE + j * _LANES, _LANES)]
                          for l in range(_LANES)]
                    total = hs[0]
                    for l in range(1, _LANES):
                        total = total + hs[l]
                    cs = plsc.cumsum(total)
                    run = cs - total + carry
                    for l in range(_LANES):
                        hp[pl.ds(l * _HSTRIDE + j * _LANES, _LANES)] = run
                        if l + 1 < _LANES:
                            run = run + hs[l]
                    return carry + jnp.sum(total)

                lax.fori_loop(0, _RADIX // _LANES, prefix_body, jnp.int32(0), unroll=2)

                def perm_body(i, _):
                    key = src_k[pl.ds(i * _KSTRIDE, _LANES)]
                    idx = lane_rows + _digit(key, shift)
                    pos = plsc.load_gather(hp, [idx])
                    plsc.addupdate_scatter(hp, [idx], ones)
                    if p == 0:
                        v = iota * nvec + i
                    else:
                        v = src_v[pl.ds(i * _KSTRIDE, _LANES)]
                    if p < 2:
                        a = (pos & (nvec - 1)) * _KSTRIDE + \
                            lax.shift_right_logical(pos, 8)
                        plsc.store_scatter(dst_k, [a], key)
                        plsc.store_scatter(dst_v, [a], v)
                    else:
                        plsc.store_scatter(dst_k, [pos], _prob_from_key(key))
                        plsc.store_scatter(dst_v, [pos], v)
                    return 0

                lax.fori_loop(0, nvec, perm_body, 0, unroll=8)

            run_pass(0, kt, None, kb, vb, h0)
            run_pass(1, kb, vb, kt, va, h1)
            run_pass(2, kt, va, pf, vb, h2)

            pltpu.sync_copy(pf, vals_hbm.at[pl.ds(base, seq)])
            pltpu.sync_copy(vb.at[pl.ds(0, seq)], idx_hbm.at[pl.ds(base, seq)])

    n = batch * seq
    return pl.kernel(
        body,
        out_type=(
            jax.ShapeDtypeStruct((n,), jnp.float32),
            jax.ShapeDtypeStruct((n,), jnp.int32),
        ),
        mesh=mesh,
        compiler_params=pltpu.CompilerParams(needs_layout_passes=False),
        scratch_types=[
            pltpu.VMEM((seq,), jnp.float32),
            pltpu.VMEM((seq // _LANES * _KSTRIDE + _LANES,), jnp.int32),
            pltpu.VMEM((seq // _LANES * _KSTRIDE + _LANES,), jnp.int32),
            pltpu.VMEM((seq // _LANES * _KSTRIDE + _LANES,), jnp.int32),
            pltpu.VMEM((seq // _LANES * _KSTRIDE + _LANES,), jnp.int32),
            pltpu.VMEM((_HSIZE,), jnp.int32),
            pltpu.VMEM((_HSIZE,), jnp.int32),
            pltpu.VMEM((_HSIZE,), jnp.int32),
        ],
    )


@functools.partial(jax.jit, static_argnames=())
def kernel(x, W):
    batch, seq, d_model = x.shape
    k = max(1, int(seq * _CAPACITY))
    probs = _probs_tc(x.reshape(batch * seq, d_model), W, blk=2048)
    vals_flat, idx_flat = _make_sort_sc(batch, seq)(probs)
    vals = vals_flat.reshape(batch, seq)[:, :k]
    idx = idx_flat.reshape(batch, seq)[:, :k]
    return vals, idx, k

# --- scband reference (transcript-rebuilt; emitter-appended) ---
"""Pipeline reference for scband-mixture-of-depths-router-68685116998072 (READ-ONLY COPY).

The authoritative reference and input builder live on the scoring server;
editing this copy changes nothing except your own understanding.
"""

import jax, jax.numpy as jnp
import numpy as np

D_MODEL = 2048
CAPACITY = 0.8


def setup_inputs(seed: int = 0) -> dict:
    key = jax.random.key(seed)
    kx, kw = jax.random.split(key)
    x = jax.random.normal(kx, (4, 4096, D_MODEL), dtype=jnp.float32)
    # nn.Linear(d_model, 1, bias=False) weight has shape [1, d_model]
    bound = 1.0 / np.sqrt(D_MODEL)
    W = jax.random.uniform(kw, (1, D_MODEL), dtype=jnp.float32, minval=-bound, maxval=bound)
    return {"x": x, "W": W}


def reference(x, W):
    batch_size, seq_len, _ = x.shape
    k = max(1, int(seq_len * CAPACITY))
    # scores = Linear(x).squeeze(-1)  -> x @ W.T, shape [B, S]
    scores = jnp.einsum('bsd,od->bso', x, W)[..., 0]
    probs = jax.nn.sigmoid(scores)
    # torch.topk(probs, k, dim=1) over the sequence dimension (last axis of [B, S])
    topk_probs, topk_indices = jax.lax.top_k(probs, k)
    return (topk_probs, topk_indices, k)

if __name__ == "__main__":
    import jax
    _d = setup_inputs()
    print(jax.jit(kernel)(*tuple(_d.values())))

</pallas_src>

<mosaic_0001>
#map = affine_map<(d0, d1) -> (0)>
module attributes {stable_mosaic.version = 14 : i64} {
  func.func @body(%arg0: i32, %arg1: i32, %arg2: memref<16384xf32, #tpu.memory_space<hbm>>, %arg3: memref<16384xf32, #tpu.memory_space<hbm>>, %arg4: memref<16384xi32, #tpu.memory_space<hbm>>, %arg5: memref<4096xf32, #tpu.memory_space<vmem>>, %arg6: memref<4368xi32, #tpu.memory_space<vmem>>, %arg7: memref<4368xi32, #tpu.memory_space<vmem>>, %arg8: memref<4368xi32, #tpu.memory_space<vmem>>, %arg9: memref<4368xi32, #tpu.memory_space<vmem>>, %arg10: memref<16672xi32, #tpu.memory_space<vmem>>, %arg11: memref<16672xi32, #tpu.memory_space<vmem>>, %arg12: memref<16672xi32, #tpu.memory_space<vmem>>) attributes {dimension_semantics = [#tpu.dimension_semantics<core_parallel>, #tpu.dimension_semantics<subcore_parallel>], iteration_bounds = array<i64: 1, 16>, scalar_prefetch = 0 : i64, scratch_operands = 8 : i64, tpu.core_type = #tpu.core_type<sc_vector_subcore>, window_params = [{transform_indices = #map}, {transform_indices = #map}, {transform_indices = #map}]} {
    %mul3A = arith.constant 1 : i32
    %mul3A_0 = arith.muli %arg1, %mul3A : i32
    %add3A = arith.addi %mul3A_0, %arg0 : i32
    %lt3A = arith.constant 4 : i32
    %lt3A_1 = arith.cmpi slt, %add3A, %lt3A : i32
    %convert_element_type3A = arith.extui %lt3A_1 : i1 to i32
    %cond3A = arith.constant 0 : i32
    %cond3A_2 = arith.cmpi ne, %convert_element_type3A, %cond3A : i32
    scf.if %cond3A_2 {
      %mul3A_3 = arith.constant 4096 : i32
      %mul3A_4 = arith.muli %add3A, %mul3A_3 : i32
      %multiple_of3A = tpu.assume_multiple %mul3A_4, 4096 : i32
      "tpu.region"() ({
        %run_scoped3A = tpu.sem_alloc : memref<!tpu.dma_semaphore, #tpu.memory_space<semaphore_mem>>
        %dma_start3A = tpu.memref_slice %arg2[%multiple_of3A] : memref<16384xf32, #tpu.memory_space<hbm>> -> memref<4096xf32, #tpu.memory_space<hbm>>
        %dma_start3A_110 = tpu.memref_slice %arg2[%multiple_of3A] : memref<16384xf32, #tpu.memory_space<hbm>> -> memref<4096xf32, #tpu.memory_space<hbm>>
        tpu.enqueue_dma source(%dma_start3A_110 : memref<4096xf32, #tpu.memory_space<hbm>>) target(%arg5 : memref<4096xf32, #tpu.memory_space<vmem>>) target_semaphore(%run_scoped3A : memref<!tpu.dma_semaphore, #tpu.memory_space<semaphore_mem>>)
        %dma_wait3A = tpu.memref_slice %arg2[%multiple_of3A] : memref<16384xf32, #tpu.memory_space<hbm>> -> memref<4096xf32, #tpu.memory_space<hbm>>
        %dma_wait3A_111 = tpu.memref_slice %arg2[%multiple_of3A] : memref<16384xf32, #tpu.memory_space<hbm>> -> memref<4096xf32, #tpu.memory_space<hbm>>
        tpu.wait_dma2 semaphore(%run_scoped3A : memref<!tpu.dma_semaphore, #tpu.memory_space<semaphore_mem>>) src(%dma_wait3A_111 : memref<4096xf32, #tpu.memory_space<hbm>>) dst(%arg5 : memref<4096xf32, #tpu.memory_space<vmem>>)
        tpu.yield
      }) : () -> ()
      %iota3A = tpu.iota {dimensions = array<i32: 0>} : vector<16xi32>
      %mul3A_5 = arith.constant 1041 : i32
      %mul3A_6 = vector.broadcast %mul3A_5 : i32 to vector<16xi32>
      %mul3A_7 = arith.muli %iota3A, %mul3A_6 : vector<16xi32>
      %broadcast_in_dim3A = arith.constant 1 : i32
      %broadcast_in_dim3A_8 = vector.broadcast %broadcast_in_dim3A : i32 to vector<16xi32>
      %scan3A = arith.constant 0 : i32
      %scan3A_9 = arith.constant 0 : i32
      %scan3A_10 = arith.constant 1040 : i32
      %scan3A_11 = arith.addi %scan3A_9, %scan3A_10 : i32
      %scan3A_12 = arith.constant 8 : i32
      %scan3A_13 = scf.for %scan3A_110 = %scan3A_9 to %scan3A_11 step %scan3A_12 iter_args(%scan3A_111 = %scan3A) -> (i32)  : i32 {
        %broadcast_in_dim3A_112 = arith.constant 0 : i32
        %broadcast_in_dim3A_113 = vector.broadcast %broadcast_in_dim3A_112 : i32 to vector<16xi32>
        %mul3A_114 = arith.constant 16 : i32
        %mul3A_115 = arith.muli %scan3A_110, %mul3A_114 : i32
        %swap3A_116 = arith.index_cast %mul3A_115 : i32 to index
        %swap3A_117 = tpu.vector_load %arg10[%swap3A_116] {strides = array<i32>} : memref<16672xi32, #tpu.memory_space<vmem>>, vector<16xi32>,
        tpu.vector_store %arg10[%swap3A_116], %broadcast_in_dim3A_113 {strides = array<i32>} : memref<16672xi32, #tpu.memory_space<vmem>>, vector<16xi32>,
        %swap3A_118 = arith.index_cast %mul3A_115 : i32 to index
        %swap3A_119 = tpu.vector_load %arg11[%swap3A_118] {strides = array<i32>} : memref<16672xi32, #tpu.memory_space<vmem>>, vector<16xi32>,
        tpu.vector_store %arg11[%swap3A_118], %broadcast_in_dim3A_113 {strides = array<i32>} : memref<16672xi32, #tpu.memory_space<vmem>>, vector<16xi32>,
        %swap3A_120 = arith.index_cast %mul3A_115 : i32 to index
        %swap3A_121 = tpu.vector_load %arg12[%swap3A_120] {strides = array<i32>} : memref<16672xi32, #tpu.memory_space<vmem>>, vector<16xi32>,
        tpu.vector_store %arg12[%swap3A_120], %broadcast_in_dim3A_113 {strides = array<i32>} : memref<16672xi32, #tpu.memory_space<vmem>>, vector<16xi32>,
        %scan3A_122 = arith.constant 0 : i32
        %scan3A_123 = arith.constant 1 : i32
        %scan3A_124 = arith.addi %scan3A_110, %scan3A_123 : i32
        %broadcast_in_dim3A_125 = arith.constant 0 : i32
        %broadcast_in_dim3A_126 = vector.broadcast %broadcast_in_dim3A_125 : i32 to vector<16xi32>
        %mul3A_127 = arith.constant 16 : i32
        %mul3A_128 = arith.muli %scan3A_124, %mul3A_127 : i32
        %swap3A_129 = arith.index_cast %mul3A_128 : i32 to index
        %swap3A_130 = tpu.vector_load %arg10[%swap3A_129] {strides = array<i32>} : memref<16672xi32, #tpu.memory_space<vmem>>, vector<16xi32>,
        tpu.vector_store %arg10[%swap3A_129], %broadcast_in_dim3A_126 {strides = array<i32>} : memref<16672xi32, #tpu.memory_space<vmem>>, vector<16xi32>,
        %swap3A_131 = arith.index_cast %mul3A_128 : i32 to index
        %swap3A_132 = tpu.vector_load %arg11[%swap3A_131] {strides = array<i32>} : memref<16672xi32, #tpu.memory_space<vmem>>, vector<16xi32>,
        tpu.vector_store %arg11[%swap3A_131], %broadcast_in_dim3A_126 {strides = array<i32>} : memref<16672xi32, #tpu.memory_space<vmem>>, vector<16xi32>,
        %swap3A_133 = arith.index_cast %mul3A_128 : i32 to index
        %swap3A_134 = tpu.vector_load %arg12[%swap3A_133] {strides = array<i32>} : memref<16672xi32, #tpu.memory_space<vmem>>, vector<16xi32>,
        tpu.vector_store %arg12[%swap3A_133], %broadcast_in_dim3A_126 {strides = array<i32>} : memref<16672xi32, #tpu.memory_space<vmem>>, vector<16xi32>,
        %scan3A_135 = arith.constant 0 : i32
        %scan3A_136 = arith.constant 2 : i32
        %scan3A_137 = arith.addi %scan3A_110, %scan3A_136 : i32
        %broadcast_in_dim3A_138 = arith.constant 0 : i32
        %broadcast_in_dim3A_139 = vector.broadcast %broadcast_in_dim3A_138 : i32 to vector<16xi32>
        %mul3A_140 = arith.constant 16 : i32
        %mul3A_141 = arith.muli %scan3A_137, %mul3A_140 : i32
        %swap3A_142 = arith.index_cast %mul3A_141 : i32 to index
        %swap3A_143 = tpu.vector_load %arg10[%swap3A_142] {strides = array<i32>} : memref<16672xi32, #tpu.memory_space<vmem>>, vector<16xi32>,
        tpu.vector_store %arg10[%swap3A_142], %broadcast_in_dim3A_139 {strides = array<i32>} : memref<16672xi32, #tpu.memory_space<vmem>>, vector<16xi32>,
        %swap3A_144 = arith.index_cast %mul3A_141 : i32 to index
        %swap3A_145 = tpu.vector_load %arg11[%swap3A_144] {strides = array<i32>} : memref<16672xi32, #tpu.memory_space<vmem>>, vector<16xi32>,
        tpu.vector_store %arg11[%swap3A_144], %broadcast_in_dim3A_139 {strides = array<i32>} : memref<16672xi32, #tpu.memory_space<vmem>>, vector<16xi32>,
        %swap3A_146 = arith.index_cast %mul3A_141 : i32 to index
        %swap3A_147 = tpu.vector_load %arg12[%swap3A_146] {strides = array<i32>} : memref<16672xi32, #tpu.memory_space<vmem>>, vector<16xi32>,
        tpu.vector_store %arg12[%swap3A_146], %broadcast_in_dim3A_139 {strides = array<i32>} : memref<16672xi32, #tpu.memory_space<vmem>>, vector<16xi32>,
        %scan3A_148 = arith.constant 0 : i32
        %scan3A_149 = arith.constant 3 : i32
        %scan3A_150 = arith.addi %scan3A_110, %scan3A_149 : i32
        %broadcast_in_dim3A_151 = arith.constant 0 : i32
        %broadcast_in_dim3A_152 = vector.broadcast %broadcast_in_dim3A_151 : i32 to vector<16xi32>
        %mul3A_153 = arith.constant 16 : i32
        %mul3A_154 = arith.muli %scan3A_150, %mul3A_153 : i32
        %swap3A_155 = arith.index_cast %mul3A_154 : i32 to index
        %swap3A_156 = tpu.vector_load %arg10[%swap3A_155] {strides = array<i32>} : memref<16672xi32, #tpu.memory_space<vmem>>, vector<16xi32>,
        tpu.vector_store %arg10[%swap3A_155], %broadcast_in_dim3A_152 {strides = array<i32>} : memref<16672xi32, #tpu.memory_space<vmem>>, vector<16xi32>,
        %swap3A_157 = arith.index_cast %mul3A_154 : i32 to index
        %swap3A_158 = tpu.vector_load %arg11[%swap3A_157] {strides = array<i32>} : memref<16672xi32, #tpu.memory_space<vmem>>, vector<16xi32>,
        tpu.vector_store %arg11[%swap3A_157], %broadcast_in_dim3A_152 {strides = array<i32>} : memref<16672xi32, #tpu.memory_space<vmem>>, vector<16xi32>,
        %swap3A_159 = arith.index_cast %mul3A_154 : i32 to index
        %swap3A_160 = tpu.vector_load %arg12[%swap3A_159] {strides = array<i32>} : memref<16672xi32, #tpu.memory_space<vmem>>, vector<16xi32>,
        tpu.vector_store %arg12[%swap3A_159], %broadcast_in_dim3A_152 {strides = array<i32>} : memref<16672xi32, #tpu.memory_space<vmem>>, vector<16xi32>,
        %scan3A_161 = arith.constant 0 : i32
        %scan3A_162 = arith.constant 4 : i32
        %scan3A_163 = arith.addi %scan3A_110, %scan3A_162 : i32
        %broadcast_in_dim3A_164 = arith.constant 0 : i32
        %broadcast_in_dim3A_165 = vector.broadcast %broadcast_in_dim3A_164 : i32 to vector<16xi32>
        %mul3A_166 = arith.constant 16 : i32
        %mul3A_167 = arith.muli %scan3A_163, %mul3A_166 : i32
        %swap3A_168 = arith.index_cast %mul3A_167 : i32 to index
        %swap3A_169 = tpu.vector_load %arg10[%swap3A_168] {strides = array<i32>} : memref<16672xi32, #tpu.memory_space<vmem>>, vector<16xi32>,
        tpu.vector_store %arg10[%swap3A_168], %broadcast_in_dim3A_165 {strides = array<i32>} : memref<16672xi32, #tpu.memory_space<vmem>>, vector<16xi32>,
        %swap3A_170 = arith.index_cast %mul3A_167 : i32 to index
        %swap3A_171 = tpu.vector_load %arg11[%swap3A_170] {strides = array<i32>} : memref<16672xi32, #tpu.memory_space<vmem>>, vector<16xi32>,
        tpu.vector_store %arg11[%swap3A_170], %broadcast_in_dim3A_165 {strides = array<i32>} : memref<16672xi32, #tpu.memory_space<vmem>>, vector<16xi32>,
        %swap3A_172 = arith.index_cast %mul3A_167 : i32 to index
        %swap3A_173 = tpu.vector_load %arg12[%swap3A_172] {strides = array<i32>} : memref<16672xi32, #tpu.memory_space<vmem>>, vector<16xi32>,
        tpu.vector_store %arg12[%swap3A_172], %broadcast_in_dim3A_165 {strides = array<i32>} : memref<16672xi32, #tpu.memory_space<vmem>>, vector<16xi32>,
        %scan3A_174 = arith.constant 0 : i32
        %scan3A_175 = arith.constant 5 : i32
        %scan3A_176 = arith.addi %scan3A_110, %scan3A_175 : i32
        %broadcast_in_dim3A_177 = arith.constant 0 : i32
        %broadcast_in_dim3A_178 = vector.broadcast %broadcast_in_dim3A_177 : i32 to vector<16xi32>
        %mul3A_179 = arith.constant 16 : i32
        %mul3A_180 = arith.muli %scan3A_176, %mul3A_179 : i32
        %swap3A_181 = arith.index_cast %mul3A_180 : i32 to index
        %swap3A_182 = tpu.vector_load %arg10[%swap3A_181] {strides = array<i32>} : memref<16672xi32, #tpu.memory_space<vmem>>, vector<16xi32>,
        tpu.vector_store %arg10[%swap3A_181], %broadcast_in_dim3A_178 {strides = array<i32>} : memref<16672xi32, #tpu.memory_space<vmem>>, vector<16xi32>,
        %swap3A_183 = arith.index_cast %mul3A_180 : i32 to index
        %swap3A_184 = tpu.vector_load %arg11[%swap3A_183] {strides = array<i32>} : memref<16672xi32, #tpu.memory_space<vmem>>, vector<16xi32>,
        tpu.vector_store %arg11[%swap3A_183], %broadcast_in_dim3A_178 {strides = array<i32>} : memref<16672xi32, #tpu.memory_space<vmem>>, vector<16xi32>,
        %swap3A_185 = arith.index_cast %mul3A_180 : i32 to index
        %swap3A_186 = tpu.vector_load %arg12[%swap3A_185] {strides = array<i32>} : memref<16672xi32, #tpu.memory_space<vmem>>, vector<16xi32>,
        tpu.vector_store %arg12[%swap3A_185], %broadcast_in_dim3A_178 {strides = array<i32>} : memref<16672xi32, #tpu.memory_space<vmem>>, vector<16xi32>,
        %scan3A_187 = arith.constant 0 : i32
        %scan3A_188 = arith.constant 6 : i32
        %scan3A_189 = arith.addi %scan3A_110, %scan3A_188 : i32
        %broadcast_in_dim3A_190 = arith.constant 0 : i32
        %broadcast_in_dim3A_191 = vector.broadcast %broadcast_in_dim3A_190 : i32 to vector<16xi32>
        %mul3A_192 = arith.constant 16 : i32
        %mul3A_193 = arith.muli %scan3A_189, %mul3A_192 : i32
        %swap3A_194 = arith.index_cast %mul3A_193 : i32 to index
        %swap3A_195 = tpu.vector_load %arg10[%swap3A_194] {strides = array<i32>} : memref<16672xi32, #tpu.memory_space<vmem>>, vector<16xi32>,
        tpu.vector_store %arg10[%swap3A_194], %broadcast_in_dim3A_191 {strides = array<i32>} : memref<16672xi32, #tpu.memory_space<vmem>>, vector<16xi32>,
        %swap3A_196 = arith.index_cast %mul3A_193 : i32 to index
        %swap3A_197 = tpu.vector_load %arg11[%swap3A_196] {strides = array<i32>} : memref<16672xi32, #tpu.memory_space<vmem>>, vector<16xi32>,
        tpu.vector_store %arg11[%swap3A_196], %broadcast_in_dim3A_191 {strides = array<i32>} : memref<16672xi32, #tpu.memory_space<vmem>>, vector<16xi32>,
        %swap3A_198 = arith.index_cast %mul3A_193 : i32 to index
        %swap3A_199 = tpu.vector_load %arg12[%swap3A_198] {strides = array<i32>} : memref<16672xi32, #tpu.memory_space<vmem>>, vector<16xi32>,
        tpu.vector_store %arg12[%swap3A_198], %broadcast_in_dim3A_191 {strides = array<i32>} : memref<16672xi32, #tpu.memory_space<vmem>>, vector<16xi32>,
        %scan3A_200 = arith.constant 0 : i32
        %scan3A_201 = arith.constant 7 : i32
        %scan3A_202 = arith.addi %scan3A_110, %scan3A_201 : i32
        %broadcast_in_dim3A_203 = arith.constant 0 : i32
        %broadcast_in_dim3A_204 = vector.broadcast %broadcast_in_dim3A_203 : i32 to vector<16xi32>
        %mul3A_205 = arith.constant 16 : i32
        %mul3A_206 = arith.muli %scan3A_202, %mul3A_205 : i32
        %swap3A_207 = arith.index_cast %mul3A_206 : i32 to index
        %swap3A_208 = tpu.vector_load %arg10[%swap3A_207] {strides = array<i32>} : memref<16672xi32, #tpu.memory_space<vmem>>, vector<16xi32>,
        tpu.vector_store %arg10[%swap3A_207], %broadcast_in_dim3A_204 {strides = array<i32>} : memref<16672xi32, #tpu.memory_space<vmem>>, vector<16xi32>,
        %swap3A_209 = arith.index_cast %mul3A_206 : i32 to index
        %swap3A_210 = tpu.vector_load %arg11[%swap3A_209] {strides = array<i32>} : memref<16672xi32, #tpu.memory_space<vmem>>, vector<16xi32>,
        tpu.vector_store %arg11[%swap3A_209], %broadcast_in_dim3A_204 {strides = array<i32>} : memref<16672xi32, #tpu.memory_space<vmem>>, vector<16xi32>,
        %swap3A_211 = arith.index_cast %mul3A_206 : i32 to index
        %swap3A_212 = tpu.vector_load %arg12[%swap3A_211] {strides = array<i32>} : memref<16672xi32, #tpu.memory_space<vmem>>, vector<16xi32>,
        tpu.vector_store %arg12[%swap3A_211], %broadcast_in_dim3A_204 {strides = array<i32>} : memref<16672xi32, #tpu.memory_space<vmem>>, vector<16xi32>,
        %scan3A_213 = arith.constant 0 : i32
        scf.yield %scan3A_213 : i32
      }
      %scan3A_14 = arith.constant 1040 : i32
      %scan3A_15 = arith.addi %scan3A_9, %scan3A_14 : i32
      %broadcast_in_dim3A_16 = arith.constant 0 : i32
      %broadcast_in_dim3A_17 = vector.broadcast %broadcast_in_dim3A_16 : i32 to vector<16xi32>
      %mul3A_18 = arith.constant 16 : i32
      %mul3A_19 = arith.muli %scan3A_15, %mul3A_18 : i32
      %swap3A = arith.index_cast %mul3A_19 : i32 to index
      %swap3A_20 = tpu.vector_load %arg10[%swap3A] {strides = array<i32>} : memref<16672xi32, #tpu.memory_space<vmem>>, vector<16xi32>,
      tpu.vector_store %arg10[%swap3A], %broadcast_in_dim3A_17 {strides = array<i32>} : memref<16672xi32, #tpu.memory_space<vmem>>, vector<16xi32>,
      %swap3A_21 = arith.index_cast %mul3A_19 : i32 to index
      %swap3A_22 = tpu.vector_load %arg11[%swap3A_21] {strides = array<i32>} : memref<16672xi32, #tpu.memory_space<vmem>>, vector<16xi32>,
      tpu.vector_store %arg11[%swap3A_21], %broadcast_in_dim3A_17 {strides = array<i32>} : memref<16672xi32, #tpu.memory_space<vmem>>, vector<16xi32>,
      %swap3A_23 = arith.index_cast %mul3A_19 : i32 to index
      %swap3A_24 = tpu.vector_load %arg12[%swap3A_23] {strides = array<i32>} : memref<16672xi32, #tpu.memory_space<vmem>>, vector<16xi32>,
      tpu.vector_store %arg12[%swap3A_23], %broadcast_in_dim3A_17 {strides = array<i32>} : memref<16672xi32, #tpu.memory_space<vmem>>, vector<16xi32>,
      %scan3A_25 = arith.constant 0 : i32
      %scan3A_26 = arith.constant 1041 : i32
      %scan3A_27 = arith.addi %scan3A_9, %scan3A_26 : i32
      %broadcast_in_dim3A_28 = arith.constant 0 : i32
      %broadcast_in_dim3A_29 = vector.broadcast %broadcast_in_dim3A_28 : i32 to vector<16xi32>
      %mul3A_30 = arith.constant 16 : i32
      %mul3A_31 = arith.muli %scan3A_27, %mul3A_30 : i32
      %swap3A_32 = arith.index_cast %mul3A_31 : i32 to index
      %swap3A_33 = tpu.vector_load %arg10[%swap3A_32] {strides = array<i32>} : memref<16672xi32, #tpu.memory_space<vmem>>, vector<16xi32>,
      tpu.vector_store %arg10[%swap3A_32], %broadcast_in_dim3A_29 {strides = array<i32>} : memref<16672xi32, #tpu.memory_space<vmem>>, vector<16xi32>,
      %swap3A_34 = arith.index_cast %mul3A_31 : i32 to index
      %swap3A_35 = tpu.vector_load %arg11[%swap3A_34] {strides = array<i32>} : memref<16672xi32, #tpu.memory_space<vmem>>, vector<16xi32>,
      tpu.vector_store %arg11[%swap3A_34], %broadcast_in_dim3A_29 {strides = array<i32>} : memref<16672xi32, #tpu.memory_space<vmem>>, vector<16xi32>,
      %swap3A_36 = arith.index_cast %mul3A_31 : i32 to index
      %swap3A_37 = tpu.vector_load %arg12[%swap3A_36] {strides = array<i32>} : memref<16672xi32, #tpu.memory_space<vmem>>, vector<16xi32>,
      tpu.vector_store %arg12[%swap3A_36], %broadcast_in_dim3A_29 {strides = array<i32>} : memref<16672xi32, #tpu.memory_space<vmem>>, vector<16xi32>,
      %scan3A_38 = arith.constant 0 : i32
      %scan3A_39 = arith.constant 1042 : i32
      %scan3A_40 = arith.constant 0 : i32
      %scan3A_41 = arith.constant 0 : i32
      %scan3A_42 = arith.constant 256 : i32
      %scan3A_43 = arith.addi %scan3A_41, %scan3A_42 : i32
      %scan3A_44 = arith.constant 8 : i32
      %scan3A_45 = scf.for %scan3A_110 = %scan3A_41 to %scan3A_43 step %scan3A_44 iter_args(%scan3A_111 = %scan3A_40) -> (i32)  : i32 {
        %mul3A_112 = arith.constant 16 : i32
        %mul3A_113 = arith.muli %scan3A_110, %mul3A_112 : i32
        %get3A = arith.index_cast %mul3A_113 : i32 to index
        %get3A_114 = tpu.vector_load %arg5[%get3A] {strides = array<i32>} : memref<4096xf32, #tpu.memory_space<vmem>>, vector<16xf32>,
        %bitcast_convert_type3A = tpu.bitcast %get3A_114 : vector<16xf32> -> vector<16xi32>
        %lt3A_115 = arith.constant 0 : i32
        %lt3A_116 = vector.broadcast %lt3A_115 : i32 to vector<16xi32>
        %lt3A_117 = arith.cmpi slt, %bitcast_convert_type3A, %lt3A_116 : vector<16xi32>
        %not3A = arith.constant dense<-1> : vector<16xi32>
        %not3A_118 = arith.xori %bitcast_convert_type3A, %not3A : vector<16xi32>
        %xor3A = arith.constant -2147483648 : i32
        %xor3A_119 = vector.broadcast %xor3A : i32 to vector<16xi32>
        %xor3A_120 = arith.xori %bitcast_convert_type3A, %xor3A_119 : vector<16xi32>
        %select_n3A = arith.select %lt3A_117, %not3A_118, %xor3A_120 : vector<16xi1>, vector<16xi32>
        %not3A_121 = arith.constant dense<-1> : vector<16xi32>
        %not3A_122 = arith.xori %select_n3A, %not3A_121 : vector<16xi32>
        %and3A = arith.constant 15 : i32
        %and3A_123 = arith.andi %scan3A_110, %and3A : i32
        %mul3A_124 = arith.constant 16 : i32
        %mul3A_125 = arith.muli %and3A_123, %mul3A_124 : i32
        %add3A_126 = vector.broadcast %mul3A_125 : i32 to vector<16xi32>
        %add3A_127 = arith.addi %add3A_126, %iota3A : vector<16xi32>
        %mul3A_128 = arith.constant 17 : i32
        %mul3A_129 = vector.broadcast %mul3A_128 : i32 to vector<16xi32>
        %mul3A_130 = arith.muli %add3A_127, %mul3A_129 : vector<16xi32>
        %shift_right_arithmetic3A = arith.constant 4 : i32
        %shift_right_arithmetic3A_131 = arith.shrsi %scan3A_110, %shift_right_arithmetic3A : i32
        %add3A_132 = vector.broadcast %shift_right_arithmetic3A_131 : i32 to vector<16xi32>
        %add3A_133 = arith.addi %mul3A_130, %add3A_132 : vector<16xi32>
        tpu.vector_store_idx %arg6[%add3A_133], %not3A_122 : memref<4368xi32, #tpu.memory_space<vmem>>[vector<16xi32>], vector<16xi32>,
        %scan3A_134 = arith.constant 0 : i32
        %scan3A_135 = arith.constant 1 : i32
        %scan3A_136 = arith.addi %scan3A_110, %scan3A_135 : i32
        %mul3A_137 = arith.constant 16 : i32
        %mul3A_138 = arith.muli %scan3A_136, %mul3A_137 : i32
        %get3A_139 = arith.index_cast %mul3A_138 : i32 to index
        %get3A_140 = tpu.vector_load %arg5[%get3A_139] {strides = array<i32>} : memref<4096xf32, #tpu.memory_space<vmem>>, vector<16xf32>,
        %bitcast_convert_type3A_141 = tpu.bitcast %get3A_140 : vector<16xf32> -> vector<16xi32>
        %lt3A_142 = arith.constant 0 : i32
        %lt3A_143 = vector.broadcast %lt3A_142 : i32 to vector<16xi32>
        %lt3A_144 = arith.cmpi slt, %bitcast_convert_type3A_141, %lt3A_143 : vector<16xi32>
        %not3A_145 = arith.constant dense<-1> : vector<16xi32>
        %not3A_146 = arith.xori %bitcast_convert_type3A_141, %not3A_145 : vector<16xi32>
        %xor3A_147 = arith.constant -2147483648 : i32
        %xor3A_148 = vector.broadcast %xor3A_147 : i32 to vector<16xi32>
        %xor3A_149 = arith.xori %bitcast_convert_type3A_141, %xor3A_148 : vector<16xi32>
        %select_n3A_150 = arith.select %lt3A_144, %not3A_146, %xor3A_149 : vector<16xi1>, vector<16xi32>
        %not3A_151 = arith.constant dense<-1> : vector<16xi32>
        %not3A_152 = arith.xori %select_n3A_150, %not3A_151 : vector<16xi32>
        %and3A_153 = arith.constant 15 : i32
        %and3A_154 = arith.andi %scan3A_136, %and3A_153 : i32
        %mul3A_155 = arith.constant 16 : i32
        %mul3A_156 = arith.muli %and3A_154, %mul3A_155 : i32
        %add3A_157 = vector.broadcast %mul3A_156 : i32 to vector<16xi32>
        %add3A_158 = arith.addi %add3A_157, %iota3A : vector<16xi32>
        %mul3A_159 = arith.constant 17 : i32
        %mul3A_160 = vector.broadcast %mul3A_159 : i32 to vector<16xi32>
        %mul3A_161 = arith.muli %add3A_158, %mul3A_160 : vector<16xi32>
        %shift_right_arithmetic3A_162 = arith.constant 4 : i32
        %shift_right_arithmetic3A_163 = arith.shrsi %scan3A_136, %shift_right_arithmetic3A_162 : i32
        %add3A_164 = vector.broadcast %shift_right_arithmetic3A_163 : i32 to vector<16xi32>
        %add3A_165 = arith.addi %mul3A_161, %add3A_164 : vector<16xi32>
        tpu.vector_store_idx %arg6[%add3A_165], %not3A_152 : memref<4368xi32, #tpu.memory_space<vmem>>[vector<16xi32>], vector<16xi32>,
        %scan3A_166 = arith.constant 0 : i32
        %scan3A_167 = arith.constant 2 : i32
        %scan3A_168 = arith.addi %scan3A_110, %scan3A_167 : i32
        %mul3A_169 = arith.constant 16 : i32
        %mul3A_170 = arith.muli %scan3A_168, %mul3A_169 : i32
        %get3A_171 = arith.index_cast %mul3A_170 : i32 to index
        %get3A_172 = tpu.vector_load %arg5[%get3A_171] {strides = array<i32>} : memref<4096xf32, #tpu.memory_space<vmem>>, vector<16xf32>,
        %bitcast_convert_type3A_173 = tpu.bitcast %get3A_172 : vector<16xf32> -> vector<16xi32>
        %lt3A_174 = arith.constant 0 : i32
        %lt3A_175 = vector.broadcast %lt3A_174 : i32 to vector<16xi32>
        %lt3A_176 = arith.cmpi slt, %bitcast_convert_type3A_173, %lt3A_175 : vector<16xi32>
        %not3A_177 = arith.constant dense<-1> : vector<16xi32>
        %not3A_178 = arith.xori %bitcast_convert_type3A_173, %not3A_177 : vector<16xi32>
        %xor3A_179 = arith.constant -2147483648 : i32
        %xor3A_180 = vector.broadcast %xor3A_179 : i32 to vector<16xi32>
        %xor3A_181 = arith.xori %bitcast_convert_type3A_173, %xor3A_180 : vector<16xi32>
        %select_n3A_182 = arith.select %lt3A_176, %not3A_178, %xor3A_181 : vector<16xi1>, vector<16xi32>
        %not3A_183 = arith.constant dense<-1> : vector<16xi32>
        %not3A_184 = arith.xori %select_n3A_182, %not3A_183 : vector<16xi32>
        %and3A_185 = arith.constant 15 : i32
        %and3A_186 = arith.andi %scan3A_168, %and3A_185 : i32
        %mul3A_187 = arith.constant 16 : i32
        %mul3A_188 = arith.muli %and3A_186, %mul3A_187 : i32
        %add3A_189 = vector.broadcast %mul3A_188 : i32 to vector<16xi32>
        %add3A_190 = arith.addi %add3A_189, %iota3A : vector<16xi32>
        %mul3A_191 = arith.constant 17 : i32
        %mul3A_192 = vector.broadcast %mul3A_191 : i32 to vector<16xi32>
        %mul3A_193 = arith.muli %add3A_190, %mul3A_192 : vector<16xi32>
        %shift_right_arithmetic3A_194 = arith.constant 4 : i32
        %shift_right_arithmetic3A_195 = arith.shrsi %scan3A_168, %shift_right_arithmetic3A_194 : i32
        %add3A_196 = vector.broadcast %shift_right_arithmetic3A_195 : i32 to vector<16xi32>
        %add3A_197 = arith.addi %mul3A_193, %add3A_196 : vector<16xi32>
        tpu.vector_store_idx %arg6[%add3A_197], %not3A_184 : memref<4368xi32, #tpu.memory_space<vmem>>[vector<16xi32>], vector<16xi32>,
        %scan3A_198 = arith.constant 0 : i32
        %scan3A_199 = arith.constant 3 : i32
        %scan3A_200 = arith.addi %scan3A_110, %scan3A_199 : i32
        %mul3A_201 = arith.constant 16 : i32
        %mul3A_202 = arith.muli %scan3A_200, %mul3A_201 : i32
        %get3A_203 = arith.index_cast %mul3A_202 : i32 to index
        %get3A_204 = tpu.vector_load %arg5[%get3A_203] {strides = array<i32>} : memref<4096xf32, #tpu.memory_space<vmem>>, vector<16xf32>,
        %bitcast_convert_type3A_205 = tpu.bitcast %get3A_204 : vector<16xf32> -> vector<16xi32>
        %lt3A_206 = arith.constant 0 : i32
        %lt3A_207 = vector.broadcast %lt3A_206 : i32 to vector<16xi32>
        %lt3A_208 = arith.cmpi slt, %bitcast_convert_type3A_205, %lt3A_207 : vector<16xi32>
        %not3A_209 = arith.constant dense<-1> : vector<16xi32>
        %not3A_210 = arith.xori %bitcast_convert_type3A_205, %not3A_209 : vector<16xi32>
        %xor3A_211 = arith.constant -2147483648 : i32
        %xor3A_212 = vector.broadcast %xor3A_211 : i32 to vector<16xi32>
        %xor3A_213 = arith.xori %bitcast_convert_type3A_205, %xor3A_212 : vector<16xi32>
        %select_n3A_214 = arith.select %lt3A_208, %not3A_210, %xor3A_213 : vector<16xi1>, vector<16xi32>
        %not3A_215 = arith.constant dense<-1> : vector<16xi32>
        %not3A_216 = arith.xori %select_n3A_214, %not3A_215 : vector<16xi32>
        %and3A_217 = arith.constant 15 : i32
        %and3A_218 = arith.andi %scan3A_200, %and3A_217 : i32
        %mul3A_219 = arith.constant 16 : i32
        %mul3A_220 = arith.muli %and3A_218, %mul3A_219 : i32
        %add3A_221 = vector.broadcast %mul3A_220 : i32 to vector<16xi32>
        %add3A_222 = arith.addi %add3A_221, %iota3A : vector<16xi32>
        %mul3A_223 = arith.constant 17 : i32
        %mul3A_224 = vector.broadcast %mul3A_223 : i32 to vector<16xi32>
        %mul3A_225 = arith.muli %add3A_222, %mul3A_224 : vector<16xi32>
        %shift_right_arithmetic3A_226 = arith.constant 4 : i32
        %shift_right_arithmetic3A_227 = arith.shrsi %scan3A_200, %shift_right_arithmetic3A_226 : i32
        %add3A_228 = vector.broadcast %shift_right_arithmetic3A_227 : i32 to vector<16xi32>
        %add3A_229 = arith.addi %mul3A_225, %add3A_228 : vector<16xi32>
        tpu.vector_store_idx %arg6[%add3A_229], %not3A_216 : memref<4368xi32, #tpu.memory_space<vmem>>[vector<16xi32>], vector<16xi32>,
        %scan3A_230 = arith.constant 0 : i32
        %scan3A_231 = arith.constant 4 : i32
        %scan3A_232 = arith.addi %scan3A_110, %scan3A_231 : i32
        %mul3A_233 = arith.constant 16 : i32
        %mul3A_234 = arith.muli %scan3A_232, %mul3A_233 : i32
        %get3A_235 = arith.index_cast %mul3A_234 : i32 to index
        %get3A_236 = tpu.vector_load %arg5[%get3A_235] {strides = array<i32>} : memref<4096xf32, #tpu.memory_space<vmem>>, vector<16xf32>,
        %bitcast_convert_type3A_237 = tpu.bitcast %get3A_236 : vector<16xf32> -> vector<16xi32>
        %lt3A_238 = arith.constant 0 : i32
        %lt3A_239 = vector.broadcast %lt3A_238 : i32 to vector<16xi32>
        %lt3A_240 = arith.cmpi slt, %bitcast_convert_type3A_237, %lt3A_239 : vector<16xi32>
        %not3A_241 = arith.constant dense<-1> : vector<16xi32>
        %not3A_242 = arith.xori %bitcast_convert_type3A_237, %not3A_241 : vector<16xi32>
        %xor3A_243 = arith.constant -2147483648 : i32
        %xor3A_244 = vector.broadcast %xor3A_243 : i32 to vector<16xi32>
        %xor3A_245 = arith.xori %bitcast_convert_type3A_237, %xor3A_244 : vector<16xi32>
        %select_n3A_246 = arith.select %lt3A_240, %not3A_242, %xor3A_245 : vector<16xi1>, vector<16xi32>
        %not3A_247 = arith.constant dense<-1> : vector<16xi32>
        %not3A_248 = arith.xori %select_n3A_246, %not3A_247 : vector<16xi32>
        %and3A_249 = arith.constant 15 : i32
        %and3A_250 = arith.andi %scan3A_232, %and3A_249 : i32
        %mul3A_251 = arith.constant 16 : i32
        %mul3A_252 = arith.muli %and3A_250, %mul3A_251 : i32
        %add3A_253 = vector.broadcast %mul3A_252 : i32 to vector<16xi32>
        %add3A_254 = arith.addi %add3A_253, %iota3A : vector<16xi32>
        %mul3A_255 = arith.constant 17 : i32
        %mul3A_256 = vector.broadcast %mul3A_255 : i32 to vector<16xi32>
        %mul3A_257 = arith.muli %add3A_254, %mul3A_256 : vector<16xi32>
        %shift_right_arithmetic3A_258 = arith.constant 4 : i32
        %shift_right_arithmetic3A_259 = arith.shrsi %scan3A_232, %shift_right_arithmetic3A_258 : i32
        %add3A_260 = vector.broadcast %shift_right_arithmetic3A_259 : i32 to vector<16xi32>
        %add3A_261 = arith.addi %mul3A_257, %add3A_260 : vector<16xi32>
        tpu.vector_store_idx %arg6[%add3A_261], %not3A_248 : memref<4368xi32, #tpu.memory_space<vmem>>[vector<16xi32>], vector<16xi32>,
        %scan3A_262 = arith.constant 0 : i32
        %scan3A_263 = arith.constant 5 : i32
        %scan3A_264 = arith.addi %scan3A_110, %scan3A_263 : i32
        %mul3A_265 = arith.constant 16 : i32
        %mul3A_266 = arith.muli %scan3A_264, %mul3A_265 : i32
        %get3A_267 = arith.index_cast %mul3A_266 : i32 to index
        %get3A_268 = tpu.vector_load %arg5[%get3A_267] {strides = array<i32>} : memref<4096xf32, #tpu.memory_space<vmem>>, vector<16xf32>,
        %bitcast_convert_type3A_269 = tpu.bitcast %get3A_268 : vector<16xf32> -> vector<16xi32>
        %lt3A_270 = arith.constant 0 : i32
        %lt3A_271 = vector.broadcast %lt3A_270 : i32 to vector<16xi32>
        %lt3A_272 = arith.cmpi slt, %bitcast_convert_type3A_269, %lt3A_271 : vector<16xi32>
        %not3A_273 = arith.constant dense<-1> : vector<16xi32>
        %not3A_274 = arith.xori %bitcast_convert_type3A_269, %not3A_273 : vector<16xi32>
        %xor3A_275 = arith.constant -2147483648 : i32
        %xor3A_276 = vector.broadcast %xor3A_275 : i32 to vector<16xi32>
        %xor3A_277 = arith.xori %bitcast_convert_type3A_269, %xor3A_276 : vector<16xi32>
        %select_n3A_278 = arith.select %lt3A_272, %not3A_274, %xor3A_277 : vector<16xi1>, vector<16xi32>
        %not3A_279 = arith.constant dense<-1> : vector<16xi32>
        %not3A_280 = arith.xori %select_n3A_278, %not3A_279 : vector<16xi32>
        %and3A_281 = arith.constant 15 : i32
        %and3A_282 = arith.andi %scan3A_264, %and3A_281 : i32
        %mul3A_283 = arith.constant 16 : i32
        %mul3A_284 = arith.muli %and3A_282, %mul3A_283 : i32
        %add3A_285 = vector.broadcast %mul3A_284 : i32 to vector<16xi32>
        %add3A_286 = arith.addi %add3A_285, %iota3A : vector<16xi32>
        %mul3A_287 = arith.constant 17 : i32
        %mul3A_288 = vector.broadcast %mul3A_287 : i32 to vector<16xi32>
        %mul3A_289 = arith.muli %add3A_286, %mul3A_288 : vector<16xi32>
        %shift_right_arithmetic3A_290 = arith.constant 4 : i32
        %shift_right_arithmetic3A_291 = arith.shrsi %scan3A_264, %shift_right_arithmetic3A_290 : i32
        %add3A_292 = vector.broadcast %shift_right_arithmetic3A_291 : i32 to vector<16xi32>
        %add3A_293 = arith.addi %mul3A_289, %add3A_292 : vector<16xi32>
        tpu.vector_store_idx %arg6[%add3A_293], %not3A_280 : memref<4368xi32, #tpu.memory_space<vmem>>[vector<16xi32>], vector<16xi32>,
        %scan3A_294 = arith.constant 0 : i32
        %scan3A_295 = arith.constant 6 : i32
        %scan3A_296 = arith.addi %scan3A_110, %scan3A_295 : i32
        %mul3A_297 = arith.constant 16 : i32
        %mul3A_298 = arith.muli %scan3A_296, %mul3A_297 : i32
        %get3A_299 = arith.index_cast %mul3A_298 : i32 to index
        %get3A_300 = tpu.vector_load %arg5[%get3A_299] {strides = array<i32>} : memref<4096xf32, #tpu.memory_space<vmem>>, vector<16xf32>,
        %bitcast_convert_type3A_301 = tpu.bitcast %get3A_300 : vector<16xf32> -> vector<16xi32>
        %lt3A_302 = arith.constant 0 : i32
        %lt3A_303 = vector.broadcast %lt3A_302 : i32 to vector<16xi32>
        %lt3A_304 = arith.cmpi slt, %bitcast_convert_type3A_301, %lt3A_303 : vector<16xi32>
        %not3A_305 = arith.constant dense<-1> : vector<16xi32>
        %not3A_306 = arith.xori %bitcast_convert_type3A_301, %not3A_305 : vector<16xi32>
        %xor3A_307 = arith.constant -2147483648 : i32
        %xor3A_308 = vector.broadcast %xor3A_307 : i32 to vector<16xi32>
        %xor3A_309 = arith.xori %bitcast_convert_type3A_301, %xor3A_308 : vector<16xi32>
        %select_n3A_310 = arith.select %lt3A_304, %not3A_306, %xor3A_309 : vector<16xi1>, vector<16xi32>
        %not3A_311 = arith.constant dense<-1> : vector<16xi32>
        %not3A_312 = arith.xori %select_n3A_310, %not3A_311 : vector<16xi32>
        %and3A_313 = arith.constant 15 : i32
        %and3A_314 = arith.andi %scan3A_296, %and3A_313 : i32
        %mul3A_315 = arith.constant 16 : i32
        %mul3A_316 = arith.muli %and3A_314, %mul3A_315 : i32
        %add3A_317 = vector.broadcast %mul3A_316 : i32 to vector<16xi32>
        %add3A_318 = arith.addi %add3A_317, %iota3A : vector<16xi32>
        %mul3A_319 = arith.constant 17 : i32
        %mul3A_320 = vector.broadcast %mul3A_319 : i32 to vector<16xi32>
        %mul3A_321 = arith.muli %add3A_318, %mul3A_320 : vector<16xi32>
        %shift_right_arithmetic3A_322 = arith.constant 4 : i32
        %shift_right_arithmetic3A_323 = arith.shrsi %scan3A_296, %shift_right_arithmetic3A_322 : i32
        %add3A_324 = vector.broadcast %shift_right_arithmetic3A_323 : i32 to vector<16xi32>
        %add3A_325 = arith.addi %mul3A_321, %add3A_324 : vector<16xi32>
        tpu.vector_store_idx %arg6[%add3A_325], %not3A_312 : memref<4368xi32, #tpu.memory_space<vmem>>[vector<16xi32>], vector<16xi32>,
        %scan3A_326 = arith.constant 0 : i32
        %scan3A_327 = arith.constant 7 : i32
        %scan3A_328 = arith.addi %scan3A_110, %scan3A_327 : i32
        %mul3A_329 = arith.constant 16 : i32
        %mul3A_330 = arith.muli %scan3A_328, %mul3A_329 : i32
        %get3A_331 = arith.index_cast %mul3A_330 : i32 to index
        %get3A_332 = tpu.vector_load %arg5[%get3A_331] {strides = array<i32>} : memref<4096xf32, #tpu.memory_space<vmem>>, vector<16xf32>,
        %bitcast_convert_type3A_333 = tpu.bitcast %get3A_332 : vector<16xf32> -> vector<16xi32>
        %lt3A_334 = arith.constant 0 : i32
        %lt3A_335 = vector.broadcast %lt3A_334 : i32 to vector<16xi32>
        %lt3A_336 = arith.cmpi slt, %bitcast_convert_type3A_333, %lt3A_335 : vector<16xi32>
        %not3A_337 = arith.constant dense<-1> : vector<16xi32>
        %not3A_338 = arith.xori %bitcast_convert_type3A_333, %not3A_337 : vector<16xi32>
        %xor3A_339 = arith.constant -2147483648 : i32
        %xor3A_340 = vector.broadcast %xor3A_339 : i32 to vector<16xi32>
        %xor3A_341 = arith.xori %bitcast_convert_type3A_333, %xor3A_340 : vector<16xi32>
        %select_n3A_342 = arith.select %lt3A_336, %not3A_338, %xor3A_341 : vector<16xi1>, vector<16xi32>
        %not3A_343 = arith.constant dense<-1> : vector<16xi32>
        %not3A_344 = arith.xori %select_n3A_342, %not3A_343 : vector<16xi32>
        %and3A_345 = arith.constant 15 : i32
        %and3A_346 = arith.andi %scan3A_328, %and3A_345 : i32
        %mul3A_347 = arith.constant 16 : i32
        %mul3A_348 = arith.muli %and3A_346, %mul3A_347 : i32
        %add3A_349 = vector.broadcast %mul3A_348 : i32 to vector<16xi32>
        %add3A_350 = arith.addi %add3A_349, %iota3A : vector<16xi32>
        %mul3A_351 = arith.constant 17 : i32
        %mul3A_352 = vector.broadcast %mul3A_351 : i32 to vector<16xi32>
        %mul3A_353 = arith.muli %add3A_350, %mul3A_352 : vector<16xi32>
        %shift_right_arithmetic3A_354 = arith.constant 4 : i32
        %shift_right_arithmetic3A_355 = arith.shrsi %scan3A_328, %shift_right_arithmetic3A_354 : i32
        %add3A_356 = vector.broadcast %shift_right_arithmetic3A_355 : i32 to vector<16xi32>
        %add3A_357 = arith.addi %mul3A_353, %add3A_356 : vector<16xi32>
        tpu.vector_store_idx %arg6[%add3A_357], %not3A_344 : memref<4368xi32, #tpu.memory_space<vmem>>[vector<16xi32>], vector<16xi32>,
        %scan3A_358 = arith.constant 0 : i32
        scf.yield %scan3A_358 : i32
      }
      %scan3A_46 = arith.constant 256 : i32
      %scan3A_47 = arith.constant 0 : i32
      %scan3A_48 = arith.constant 0 : i32
      %scan3A_49 = arith.constant 256 : i32
      %scan3A_50 = arith.addi %scan3A_48, %scan3A_49 : i32
      %scan3A_51 = arith.constant 8 : i32
      %scan3A_52 = scf.for %scan3A_110 = %scan3A_48 to %scan3A_50 step %scan3A_51 iter_args(%scan3A_111 = %scan3A_47) -> (i32)  : i32 {
        %mul3A_112 = arith.constant 17 : i32
        %mul3A_113 = arith.muli %scan3A_110, %mul3A_112 : i32
        %get3A = arith.index_cast %mul3A_113 : i32 to index
        %get3A_114 = tpu.vector_load %arg6[%get3A] {strides = array<i32>} : memref<4368xi32, #tpu.memory_space<vmem>>, vector<16xi32>,
        %shift_right_logical3A = arith.constant 0 : i32
        %shift_right_logical3A_115 = vector.broadcast %shift_right_logical3A : i32 to vector<16xi32>
        %shift_right_logical3A_116 = arith.shrui %get3A_114, %shift_right_logical3A_115 : vector<16xi32>
        %and3A = arith.constant 1023 : i32
        %and3A_117 = vector.broadcast %and3A : i32 to vector<16xi32>
        %and3A_118 = arith.andi %shift_right_logical3A_116, %and3A_117 : vector<16xi32>
        %add3A_119 = arith.addi %mul3A_7, %and3A_118 : vector<16xi32>
        tpu.vector_store_idx %arg10[%add3A_119], %broadcast_in_dim3A_8 {add = true} : memref<16672xi32, #tpu.memory_space<vmem>>[vector<16xi32>], vector<16xi32>,
        %scan3A_120 = arith.constant 0 : i32
        %scan3A_121 = arith.constant 1 : i32
        %scan3A_122 = arith.addi %scan3A_110, %scan3A_121 : i32
        %mul3A_123 = arith.constant 17 : i32
        %mul3A_124 = arith.muli %scan3A_122, %mul3A_123 : i32
        %get3A_125 = arith.index_cast %mul3A_124 : i32 to index
        %get3A_126 = tpu.vector_load %arg6[%get3A_125] {strides = array<i32>} : memref<4368xi32, #tpu.memory_space<vmem>>, vector<16xi32>,
        %shift_right_logical3A_127 = arith.constant 0 : i32
        %shift_right_logical3A_128 = vector.broadcast %shift_right_logical3A_127 : i32 to vector<16xi32>
        %shift_right_logical3A_129 = arith.shrui %get3A_126, %shift_right_logical3A_128 : vector<16xi32>
        %and3A_130 = arith.constant 1023 : i32
        %and3A_131 = vector.broadcast %and3A_130 : i32 to vector<16xi32>
        %and3A_132 = arith.andi %shift_right_logical3A_129, %and3A_131 : vector<16xi32>
        %add3A_133 = arith.addi %mul3A_7, %and3A_132 : vector<16xi32>
        tpu.vector_store_idx %arg10[%add3A_133], %broadcast_in_dim3A_8 {add = true} : memref<16672xi32, #tpu.memory_space<vmem>>[vector<16xi32>], vector<16xi32>,
        %scan3A_134 = arith.constant 0 : i32
        %scan3A_135 = arith.constant 2 : i32
        %scan3A_136 = arith.addi %scan3A_110, %scan3A_135 : i32
        %mul3A_137 = arith.constant 17 : i32
        %mul3A_138 = arith.muli %scan3A_136, %mul3A_137 : i32
        %get3A_139 = arith.index_cast %mul3A_138 : i32 to index
        %get3A_140 = tpu.vector_load %arg6[%get3A_139] {strides = array<i32>} : memref<4368xi32, #tpu.memory_space<vmem>>, vector<16xi32>,
        %shift_right_logical3A_141 = arith.constant 0 : i32
        %shift_right_logical3A_142 = vector.broadcast %shift_right_logical3A_141 : i32 to vector<16xi32>
        %shift_right_logical3A_143 = arith.shrui %get3A_140, %shift_right_logical3A_142 : vector<16xi32>
        %and3A_144 = arith.constant 1023 : i32
        %and3A_145 = vector.broadcast %and3A_144 : i32 to vector<16xi32>
        %and3A_146 = arith.andi %shift_right_logical3A_143, %and3A_145 : vector<16xi32>
        %add3A_147 = arith.addi %mul3A_7, %and3A_146 : vector<16xi32>
        tpu.vector_store_idx %arg10[%add3A_147], %broadcast_in_dim3A_8 {add = true} : memref<16672xi32, #tpu.memory_space<vmem>>[vector<16xi32>], vector<16xi32>,
        %scan3A_148 = arith.constant 0 : i32
        %scan3A_149 = arith.constant 3 : i32
        %scan3A_150 = arith.addi %scan3A_110, %scan3A_149 : i32
        %mul3A_151 = arith.constant 17 : i32
        %mul3A_152 = arith.muli %scan3A_150, %mul3A_151 : i32
        %get3A_153 = arith.index_cast %mul3A_152 : i32 to index
        %get3A_154 = tpu.vector_load %arg6[%get3A_153] {strides = array<i32>} : memref<4368xi32, #tpu.memory_space<vmem>>, vector<16xi32>,
        %shift_right_logical3A_155 = arith.constant 0 : i32
        %shift_right_logical3A_156 = vector.broadcast %shift_right_logical3A_155 : i32 to vector<16xi32>
        %shift_right_logical3A_157 = arith.shrui %get3A_154, %shift_right_logical3A_156 : vector<16xi32>
        %and3A_158 = arith.constant 1023 : i32
        %and3A_159 = vector.broadcast %and3A_158 : i32 to vector<16xi32>
        %and3A_160 = arith.andi %shift_right_logical3A_157, %and3A_159 : vector<16xi32>
        %add3A_161 = arith.addi %mul3A_7, %and3A_160 : vector<16xi32>
        tpu.vector_store_idx %arg10[%add3A_161], %broadcast_in_dim3A_8 {add = true} : memref<16672xi32, #tpu.memory_space<vmem>>[vector<16xi32>], vector<16xi32>,
        %scan3A_162 = arith.constant 0 : i32
        %scan3A_163 = arith.constant 4 : i32
        %scan3A_164 = arith.addi %scan3A_110, %scan3A_163 : i32
        %mul3A_165 = arith.constant 17 : i32
        %mul3A_166 = arith.muli %scan3A_164, %mul3A_165 : i32
        %get3A_167 = arith.index_cast %mul3A_166 : i32 to index
        %get3A_168 = tpu.vector_load %arg6[%get3A_167] {strides = array<i32>} : memref<4368xi32, #tpu.memory_space<vmem>>, vector<16xi32>,
        %shift_right_logical3A_169 = arith.constant 0 : i32
        %shift_right_logical3A_170 = vector.broadcast %shift_right_logical3A_169 : i32 to vector<16xi32>
        %shift_right_logical3A_171 = arith.shrui %get3A_168, %shift_right_logical3A_170 : vector<16xi32>
        %and3A_172 = arith.constant 1023 : i32
        %and3A_173 = vector.broadcast %and3A_172 : i32 to vector<16xi32>
        %and3A_174 = arith.andi %shift_right_logical3A_171, %and3A_173 : vector<16xi32>
        %add3A_175 = arith.addi %mul3A_7, %and3A_174 : vector<16xi32>
        tpu.vector_store_idx %arg10[%add3A_175], %broadcast_in_dim3A_8 {add = true} : memref<16672xi32, #tpu.memory_space<vmem>>[vector<16xi32>], vector<16xi32>,
        %scan3A_176 = arith.constant 0 : i32
        %scan3A_177 = arith.constant 5 : i32
        %scan3A_178 = arith.addi %scan3A_110, %scan3A_177 : i32
        %mul3A_179 = arith.constant 17 : i32
        %mul3A_180 = arith.muli %scan3A_178, %mul3A_179 : i32
        %get3A_181 = arith.index_cast %mul3A_180 : i32 to index
        %get3A_182 = tpu.vector_load %arg6[%get3A_181] {strides = array<i32>} : memref<4368xi32, #tpu.memory_space<vmem>>, vector<16xi32>,
        %shift_right_logical3A_183 = arith.constant 0 : i32
        %shift_right_logical3A_184 = vector.broadcast %shift_right_logical3A_183 : i32 to vector<16xi32>
        %shift_right_logical3A_185 = arith.shrui %get3A_182, %shift_right_logical3A_184 : vector<16xi32>
        %and3A_186 = arith.constant 1023 : i32
        %and3A_187 = vector.broadcast %and3A_186 : i32 to vector<16xi32>
        %and3A_188 = arith.andi %shift_right_logical3A_185, %and3A_187 : vector<16xi32>
        %add3A_189 = arith.addi %mul3A_7, %and3A_188 : vector<16xi32>
        tpu.vector_store_idx %arg10[%add3A_189], %broadcast_in_dim3A_8 {add = true} : memref<16672xi32, #tpu.memory_space<vmem>>[vector<16xi32>], vector<16xi32>,
        %scan3A_190 = arith.constant 0 : i32
        %scan3A_191 = arith.constant 6 : i32
        %scan3A_192 = arith.addi %scan3A_110, %scan3A_191 : i32
        %mul3A_193 = arith.constant 17 : i32
        %mul3A_194 = arith.muli %scan3A_192, %mul3A_193 : i32
        %get3A_195 = arith.index_cast %mul3A_194 : i32 to index
        %get3A_196 = tpu.vector_load %arg6[%get3A_195] {strides = array<i32>} : memref<4368xi32, #tpu.memory_space<vmem>>, vector<16xi32>,
        %shift_right_logical3A_197 = arith.constant 0 : i32
        %shift_right_logical3A_198 = vector.broadcast %shift_right_logical3A_197 : i32 to vector<16xi32>
        %shift_right_logical3A_199 = arith.shrui %get3A_196, %shift_right_logical3A_198 : vector<16xi32>
        %and3A_200 = arith.constant 1023 : i32
        %and3A_201 = vector.broadcast %and3A_200 : i32 to vector<16xi32>
        %and3A_202 = arith.andi %shift_right_logical3A_199, %and3A_201 : vector<16xi32>
        %add3A_203 = arith.addi %mul3A_7, %and3A_202 : vector<16xi32>
        tpu.vector_store_idx %arg10[%add3A_203], %broadcast_in_dim3A_8 {add = true} : memref<16672xi32, #tpu.memory_space<vmem>>[vector<16xi32>], vector<16xi32>,
        %scan3A_204 = arith.constant 0 : i32
        %scan3A_205 = arith.constant 7 : i32
        %scan3A_206 = arith.addi %scan3A_110, %scan3A_205 : i32
        %mul3A_207 = arith.constant 17 : i32
        %mul3A_208 = arith.muli %scan3A_206, %mul3A_207 : i32
        %get3A_209 = arith.index_cast %mul3A_208 : i32 to index
        %get3A_210 = tpu.vector_load %arg6[%get3A_209] {strides = array<i32>} : memref<4368xi32, #tpu.memory_space<vmem>>, vector<16xi32>,
        %shift_right_logical3A_211 = arith.constant 0 : i32
        %shift_right_logical3A_212 = vector.broadcast %shift_right_logical3A_211 : i32 to vector<16xi32>
        %shift_right_logical3A_213 = arith.shrui %get3A_210, %shift_right_logical3A_212 : vector<16xi32>
        %and3A_214 = arith.constant 1023 : i32
        %and3A_215 = vector.broadcast %and3A_214 : i32 to vector<16xi32>
        %and3A_216 = arith.andi %shift_right_logical3A_213, %and3A_215 : vector<16xi32>
        %add3A_217 = arith.addi %mul3A_7, %and3A_216 : vector<16xi32>
        tpu.vector_store_idx %arg10[%add3A_217], %broadcast_in_dim3A_8 {add = true} : memref<16672xi32, #tpu.memory_space<vmem>>[vector<16xi32>], vector<16xi32>,
        %scan3A_218 = arith.constant 0 : i32
        scf.yield %scan3A_218 : i32
      }
      %scan3A_53 = arith.constant 256 : i32
      %scan3A_54 = arith.constant 0 : i32
      %scan3A_55 = arith.constant 0 : i32
      %scan3A_56 = arith.constant 64 : i32
      %scan3A_57 = arith.addi %scan3A_55, %scan3A_56 : i32
      %scan3A_58 = arith.constant 2 : i32
      %scan3A_59 = scf.for %scan3A_110 = %scan3A_55 to %scan3A_57 step %scan3A_58 iter_args(%scan3A_111 = %scan3A_54) -> (i32)  : i32 {
        %mul3A_112 = arith.constant 16 : i32
        %mul3A_113 = arith.muli %scan3A_110, %mul3A_112 : i32
        %add3A_114 = arith.constant 0 : i32
        %add3A_115 = arith.addi %add3A_114, %mul3A_113 : i32
        %get3A = arith.index_cast %add3A_115 : i32 to index
        %get3A_116 = tpu.vector_load %arg10[%get3A] {strides = array<i32>} : memref<16672xi32, #tpu.memory_space<vmem>>, vector<16xi32>,
        %mul3A_117 = arith.constant 16 : i32
        %mul3A_118 = arith.muli %scan3A_110, %mul3A_117 : i32
        %add3A_119 = arith.constant 1041 : i32
        %add3A_120 = arith.addi %add3A_119, %mul3A_118 : i32
        %get3A_121 = arith.index_cast %add3A_120 : i32 to index
        %get3A_122 = tpu.vector_load %arg10[%get3A_121] {strides = array<i32>} : memref<16672xi32, #tpu.memory_space<vmem>>, vector<16xi32>,
        %mul3A_123 = arith.constant 16 : i32
        %mul3A_124 = arith.muli %scan3A_110, %mul3A_123 : i32
        %add3A_125 = arith.constant 2082 : i32
        %add3A_126 = arith.addi %add3A_125, %mul3A_124 : i32
        %get3A_127 = arith.index_cast %add3A_126 : i32 to index
        %get3A_128 = tpu.vector_load %arg10[%get3A_127] {strides = array<i32>} : memref<16672xi32, #tpu.memory_space<vmem>>, vector<16xi32>,
        %mul3A_129 = arith.constant 16 : i32
        %mul3A_130 = arith.muli %scan3A_110, %mul3A_129 : i32
        %add3A_131 = arith.constant 3123 : i32
        %add3A_132 = arith.addi %add3A_131, %mul3A_130 : i32
        %get3A_133 = arith.index_cast %add3A_132 : i32 to index
        %get3A_134 = tpu.vector_load %arg10[%get3A_133] {strides = array<i32>} : memref<16672xi32, #tpu.memory_space<vmem>>, vector<16xi32>,
        %mul3A_135 = arith.constant 16 : i32
        %mul3A_136 = arith.muli %scan3A_110, %mul3A_135 : i32
        %add3A_137 = arith.constant 4164 : i32
        %add3A_138 = arith.addi %add3A_137, %mul3A_136 : i32
        %get3A_139 = arith.index_cast %add3A_138 : i32 to index
        %get3A_140 = tpu.vector_load %arg10[%get3A_139] {strides = array<i32>} : memref<16672xi32, #tpu.memory_space<vmem>>, vector<16xi32>,
        %mul3A_141 = arith.constant 16 : i32
        %mul3A_142 = arith.muli %scan3A_110, %mul3A_141 : i32
        %add3A_143 = arith.constant 5205 : i32
        %add3A_144 = arith.addi %add3A_143, %mul3A_142 : i32
        %get3A_145 = arith.index_cast %add3A_144 : i32 to index
        %get3A_146 = tpu.vector_load %arg10[%get3A_145] {strides = array<i32>} : memref<16672xi32, #tpu.memory_space<vmem>>, vector<16xi32>,
        %mul3A_147 = arith.constant 16 : i32
        %mul3A_148 = arith.muli %scan3A_110, %mul3A_147 : i32
        %add3A_149 = arith.constant 6246 : i32
        %add3A_150 = arith.addi %add3A_149, %mul3A_148 : i32
        %get3A_151 = arith.index_cast %add3A_150 : i32 to index
        %get3A_152 = tpu.vector_load %arg10[%get3A_151] {strides = array<i32>} : memref<16672xi32, #tpu.memory_space<vmem>>, vector<16xi32>,
        %mul3A_153 = arith.constant 16 : i32
        %mul3A_154 = arith.muli %scan3A_110, %mul3A_153 : i32
        %add3A_155 = arith.constant 7287 : i32
        %add3A_156 = arith.addi %add3A_155, %mul3A_154 : i32
        %get3A_157 = arith.index_cast %add3A_156 : i32 to index
        %get3A_158 = tpu.vector_load %arg10[%get3A_157] {strides = array<i32>} : memref<16672xi32, #tpu.memory_space<vmem>>, vector<16xi32>,
        %mul3A_159 = arith.constant 16 : i32
        %mul3A_160 = arith.muli %scan3A_110, %mul3A_159 : i32
        %add3A_161 = arith.constant 8328 : i32
        %add3A_162 = arith.addi %add3A_161, %mul3A_160 : i32
        %get3A_163 = arith.index_cast %add3A_162 : i32 to index
        %get3A_164 = tpu.vector_load %arg10[%get3A_163] {strides = array<i32>} : memref<16672xi32, #tpu.memory_space<vmem>>, vector<16xi32>,
        %mul3A_165 = arith.constant 16 : i32
        %mul3A_166 = arith.muli %scan3A_110, %mul3A_165 : i32
        %add3A_167 = arith.constant 9369 : i32
        %add3A_168 = arith.addi %add3A_167, %mul3A_166 : i32
        %get3A_169 = arith.index_cast %add3A_168 : i32 to index
        %get3A_170 = tpu.vector_load %arg10[%get3A_169] {strides = array<i32>} : memref<16672xi32, #tpu.memory_space<vmem>>, vector<16xi32>,
        %mul3A_171 = arith.constant 16 : i32
        %mul3A_172 = arith.muli %scan3A_110, %mul3A_171 : i32
        %add3A_173 = arith.constant 10410 : i32
        %add3A_174 = arith.addi %add3A_173, %mul3A_172 : i32
        %get3A_175 = arith.index_cast %add3A_174 : i32 to index
        %get3A_176 = tpu.vector_load %arg10[%get3A_175] {strides = array<i32>} : memref<16672xi32, #tpu.memory_space<vmem>>, vector<16xi32>,
        %mul3A_177 = arith.constant 16 : i32
        %mul3A_178 = arith.muli %scan3A_110, %mul3A_177 : i32
        %add3A_179 = arith.constant 11451 : i32
        %add3A_180 = arith.addi %add3A_179, %mul3A_178 : i32
        %get3A_181 = arith.index_cast %add3A_180 : i32 to index
        %get3A_182 = tpu.vector_load %arg10[%get3A_181] {strides = array<i32>} : memref<16672xi32, #tpu.memory_space<vmem>>, vector<16xi32>,
        %mul3A_183 = arith.constant 16 : i32
        %mul3A_184 = arith.muli %scan3A_110, %mul3A_183 : i32
        %add3A_185 = arith.constant 12492 : i32
        %add3A_186 = arith.addi %add3A_185, %mul3A_184 : i32
        %get3A_187 = arith.index_cast %add3A_186 : i32 to index
        %get3A_188 = tpu.vector_load %arg10[%get3A_187] {strides = array<i32>} : memref<16672xi32, #tpu.memory_space<vmem>>, vector<16xi32>,
        %mul3A_189 = arith.constant 16 : i32
        %mul3A_190 = arith.muli %scan3A_110, %mul3A_189 : i32
        %add3A_191 = arith.constant 13533 : i32
        %add3A_192 = arith.addi %add3A_191, %mul3A_190 : i32
        %get3A_193 = arith.index_cast %add3A_192 : i32 to index
        %get3A_194 = tpu.vector_load %arg10[%get3A_193] {strides = array<i32>} : memref<16672xi32, #tpu.memory_space<vmem>>, vector<16xi32>,
        %mul3A_195 = arith.constant 16 : i32
        %mul3A_196 = arith.muli %scan3A_110, %mul3A_195 : i32
        %add3A_197 = arith.constant 14574 : i32
        %add3A_198 = arith.addi %add3A_197, %mul3A_196 : i32
        %get3A_199 = arith.index_cast %add3A_198 : i32 to index
        %get3A_200 = tpu.vector_load %arg10[%get3A_199] {strides = array<i32>} : memref<16672xi32, #tpu.memory_space<vmem>>, vector<16xi32>,
        %mul3A_201 = arith.constant 16 : i32
        %mul3A_202 = arith.muli %scan3A_110, %mul3A_201 : i32
        %add3A_203 = arith.constant 15615 : i32
        %add3A_204 = arith.addi %add3A_203, %mul3A_202 : i32
        %get3A_205 = arith.index_cast %add3A_204 : i32 to index
        %get3A_206 = tpu.vector_load %arg10[%get3A_205] {strides = array<i32>} : memref<16672xi32, #tpu.memory_space<vmem>>, vector<16xi32>,
        %add3A_207 = arith.addi %get3A_116, %get3A_122 : vector<16xi32>
        %add3A_208 = arith.addi %add3A_207, %get3A_128 : vector<16xi32>
        %add3A_209 = arith.addi %add3A_208, %get3A_134 : vector<16xi32>
        %add3A_210 = arith.addi %add3A_209, %get3A_140 : vector<16xi32>
        %add3A_211 = arith.addi %add3A_210, %get3A_146 : vector<16xi32>
        %add3A_212 = arith.addi %add3A_211, %get3A_152 : vector<16xi32>
        %add3A_213 = arith.addi %add3A_212, %get3A_158 : vector<16xi32>
        %add3A_214 = arith.addi %add3A_213, %get3A_164 : vector<16xi32>
        %add3A_215 = arith.addi %add3A_214, %get3A_170 : vector<16xi32>
        %add3A_216 = arith.addi %add3A_215, %get3A_176 : vector<16xi32>
        %add3A_217 = arith.addi %add3A_216, %get3A_182 : vector<16xi32>
        %add3A_218 = arith.addi %add3A_217, %get3A_188 : vector<16xi32>
        %add3A_219 = arith.addi %add3A_218, %get3A_194 : vector<16xi32>
        %add3A_220 = arith.addi %add3A_219, %get3A_200 : vector<16xi32>
        %add3A_221 = arith.addi %add3A_220, %get3A_206 : vector<16xi32>
        %broadcast_in_dim3A_222 = arith.constant true
        %broadcast_in_dim3A_223 = vector.broadcast %broadcast_in_dim3A_222 : i1 to vector<16xi1>
        %masked_cumsum3A = tpu.scan <sum>, %add3A_221 masked %broadcast_in_dim3A_223 : vector<16xi32>, vector<16xi1> -> vector<16xi32>
        %sub3A = arith.subi %masked_cumsum3A, %add3A_221 : vector<16xi32>
        %add3A_224 = vector.broadcast %scan3A_111 : i32 to vector<16xi32>
        %add3A_225 = arith.addi %sub3A, %add3A_224 : vector<16xi32>
        %mul3A_226 = arith.constant 16 : i32
        %mul3A_227 = arith.muli %scan3A_110, %mul3A_226 : i32
        %add3A_228 = arith.constant 0 : i32
        %add3A_229 = arith.addi %add3A_228, %mul3A_227 : i32
        %swap3A_230 = arith.index_cast %add3A_229 : i32 to index
        %swap3A_231 = tpu.vector_load %arg10[%swap3A_230] {strides = array<i32>} : memref<16672xi32, #tpu.memory_space<vmem>>, vector<16xi32>,
        tpu.vector_store %arg10[%swap3A_230], %add3A_225 {strides = array<i32>} : memref<16672xi32, #tpu.memory_space<vmem>>, vector<16xi32>,
        %add3A_232 = arith.addi %add3A_225, %get3A_116 : vector<16xi32>
        %mul3A_233 = arith.constant 16 : i32
        %mul3A_234 = arith.muli %scan3A_110, %mul3A_233 : i32
        %add3A_235 = arith.constant 1041 : i32
        %add3A_236 = arith.addi %add3A_235, %mul3A_234 : i32
        %swap3A_237 = arith.index_cast %add3A_236 : i32 to index
        %swap3A_238 = tpu.vector_load %arg10[%swap3A_237] {strides = array<i32>} : memref<16672xi32, #tpu.memory_space<vmem>>, vector<16xi32>,
        tpu.vector_store %arg10[%swap3A_237], %add3A_232 {strides = array<i32>} : memref<16672xi32, #tpu.memory_space<vmem>>, vector<16xi32>,
        %add3A_239 = arith.addi %add3A_232, %get3A_122 : vector<16xi32>
        %mul3A_240 = arith.constant 16 : i32
        %mul3A_241 = arith.muli %scan3A_110, %mul3A_240 : i32
        %add3A_242 = arith.constant 2082 : i32
        %add3A_243 = arith.addi %add3A_242, %mul3A_241 : i32
        %swap3A_244 = arith.index_cast %add3A_243 : i32 to index
        %swap3A_245 = tpu.vector_load %arg10[%swap3A_244] {strides = array<i32>} : memref<16672xi32, #tpu.memory_space<vmem>>, vector<16xi32>,
        tpu.vector_store %arg10[%swap3A_244], %add3A_239 {strides = array<i32>} : memref<16672xi32, #tpu.memory_space<vmem>>, vector<16xi32>,
        %add3A_246 = arith.addi %add3A_239, %get3A_128 : vector<16xi32>
        %mul3A_247 = arith.constant 16 : i32
        %mul3A_248 = arith.muli %scan3A_110, %mul3A_247 : i32
        %add3A_249 = arith.constant 3123 : i32
        %add3A_250 = arith.addi %add3A_249, %mul3A_248 : i32
        %swap3A_251 = arith.index_cast %add3A_250 : i32 to index
        %swap3A_252 = tpu.vector_load %arg10[%swap3A_251] {strides = array<i32>} : memref<16672xi32, #tpu.memory_space<vmem>>, vector<16xi32>,
        tpu.vector_store %arg10[%swap3A_251], %add3A_246 {strides = array<i32>} : memref<16672xi32, #tpu.memory_space<vmem>>, vector<16xi32>,
        %add3A_253 = arith.addi %add3A_246, %get3A_134 : vector<16xi32>
        %mul3A_254 = arith.constant 16 : i32
        %mul3A_255 = arith.muli %scan3A_110, %mul3A_254 : i32
        %add3A_256 = arith.constant 4164 : i32
        %add3A_257 = arith.addi %add3A_256, %mul3A_255 : i32
        %swap3A_258 = arith.index_cast %add3A_257 : i32 to index
        %swap3A_259 = tpu.vector_load %arg10[%swap3A_258] {strides = array<i32>} : memref<16672xi32, #tpu.memory_space<vmem>>, vector<16xi32>,
        tpu.vector_store %arg10[%swap3A_258], %add3A_253 {strides = array<i32>} : memref<16672xi32, #tpu.memory_space<vmem>>, vector<16xi32>,
        %add3A_260 = arith.addi %add3A_253, %get3A_140 : vector<16xi32>
        %mul3A_261 = arith.constant 16 : i32
        %mul3A_262 = arith.muli %scan3A_110, %mul3A_261 : i32
        %add3A_263 = arith.constant 5205 : i32
        %add3A_264 = arith.addi %add3A_263, %mul3A_262 : i32
        %swap3A_265 = arith.index_cast %add3A_264 : i32 to index
        %swap3A_266 = tpu.vector_load %arg10[%swap3A_265] {strides = array<i32>} : memref<16672xi32, #tpu.memory_space<vmem>>, vector<16xi32>,
        tpu.vector_store %arg10[%swap3A_265], %add3A_260 {strides = array<i32>} : memref<16672xi32, #tpu.memory_space<vmem>>, vector<16xi32>,
        %add3A_267 = arith.addi %add3A_260, %get3A_146 : vector<16xi32>
        %mul3A_268 = arith.constant 16 : i32
        %mul3A_269 = arith.muli %scan3A_110, %mul3A_268 : i32
        %add3A_270 = arith.constant 6246 : i32
        %add3A_271 = arith.addi %add3A_270, %mul3A_269 : i32
        %swap3A_272 = arith.index_cast %add3A_271 : i32 to index
        %swap3A_273 = tpu.vector_load %arg10[%swap3A_272] {strides = array<i32>} : memref<16672xi32, #tpu.memory_space<vmem>>, vector<16xi32>,
        tpu.vector_store %arg10[%swap3A_272], %add3A_267 {strides = array<i32>} : memref<16672xi32, #tpu.memory_space<vmem>>, vector<16xi32>,
        %add3A_274 = arith.addi %add3A_267, %get3A_152 : vector<16xi32>
        %mul3A_275 = arith.constant 16 : i32
        %mul3A_276 = arith.muli %scan3A_110, %mul3A_275 : i32
        %add3A_277 = arith.constant 7287 : i32
        %add3A_278 = arith.addi %add3A_277, %mul3A_276 : i32
        %swap3A_279 = arith.index_cast %add3A_278 : i32 to index
        %swap3A_280 = tpu.vector_load %arg10[%swap3A_279] {strides = array<i32>} : memref<16672xi32, #tpu.memory_space<vmem>>, vector<16xi32>,
        tpu.vector_store %arg10[%swap3A_279], %add3A_274 {strides = array<i32>} : memref<16672xi32, #tpu.memory_space<vmem>>, vector<16xi32>,
        %add3A_281 = arith.addi %add3A_274, %get3A_158 : vector<16xi32>
        %mul3A_282 = arith.constant 16 : i32
        %mul3A_283 = arith.muli %scan3A_110, %mul3A_282 : i32
        %add3A_284 = arith.constant 8328 : i32
        %add3A_285 = arith.addi %add3A_284, %mul3A_283 : i32
        %swap3A_286 = arith.index_cast %add3A_285 : i32 to index
        %swap3A_287 = tpu.vector_load %arg10[%swap3A_286] {strides = array<i32>} : memref<16672xi32, #tpu.memory_space<vmem>>, vector<16xi32>,
        tpu.vector_store %arg10[%swap3A_286], %add3A_281 {strides = array<i32>} : memref<16672xi32, #tpu.memory_space<vmem>>, vector<16xi32>,
        %add3A_288 = arith.addi %add3A_281, %get3A_164 : vector<16xi32>
        %mul3A_289 = arith.constant 16 : i32
        %mul3A_290 = arith.muli %scan3A_110, %mul3A_289 : i32
        %add3A_291 = arith.constant 9369 : i32
        %add3A_292 = arith.addi %add3A_291, %mul3A_290 : i32
        %swap3A_293 = arith.index_cast %add3A_292 : i32 to index
        %swap3A_294 = tpu.vector_load %arg10[%swap3A_293] {strides = array<i32>} : memref<16672xi32, #tpu.memory_space<vmem>>, vector<16xi32>,
        tpu.vector_store %arg10[%swap3A_293], %add3A_288 {strides = array<i32>} : memref<16672xi32, #tpu.memory_space<vmem>>, vector<16xi32>,
        %add3A_295 = arith.addi %add3A_288, %get3A_170 : vector<16xi32>
        %mul3A_296 = arith.constant 16 : i32
        %mul3A_297 = arith.muli %scan3A_110, %mul3A_296 : i32
        %add3A_298 = arith.constant 10410 : i32
        %add3A_299 = arith.addi %add3A_298, %mul3A_297 : i32
        %swap3A_300 = arith.index_cast %add3A_299 : i32 to index
        %swap3A_301 = tpu.vector_load %arg10[%swap3A_300] {strides = array<i32>} : memref<16672xi32, #tpu.memory_space<vmem>>, vector<16xi32>,
        tpu.vector_store %arg10[%swap3A_300], %add3A_295 {strides = array<i32>} : memref<16672xi32, #tpu.memory_space<vmem>>, vector<16xi32>,
        %add3A_302 = arith.addi %add3A_295, %get3A_176 : vector<16xi32>
        %mul3A_303 = arith.constant 16 : i32
        %mul3A_304 = arith.muli %scan3A_110, %mul3A_303 : i32
        %add3A_305 = arith.constant 11451 : i32
        %add3A_306 = arith.addi %add3A_305, %mul3A_304 : i32
        %swap3A_307 = arith.index_cast %add3A_306 : i32 to index
        %swap3A_308 = tpu.vector_load %arg10[%swap3A_307] {strides = array<i32>} : memref<16672xi32, #tpu.memory_space<vmem>>, vector<16xi32>,
        tpu.vector_store %arg10[%swap3A_307], %add3A_302 {strides = array<i32>} : memref<16672xi32, #tpu.memory_space<vmem>>, vector<16xi32>,
        %add3A_309 = arith.addi %add3A_302, %get3A_182 : vector<16xi32>
        %mul3A_310 = arith.constant 16 : i32
        %mul3A_311 = arith.muli %scan3A_110, %mul3A_310 : i32
        %add3A_312 = arith.constant 12492 : i32
        %add3A_313 = arith.addi %add3A_312, %mul3A_311 : i32
        %swap3A_314 = arith.index_cast %add3A_313 : i32 to index
        %swap3A_315 = tpu.vector_load %arg10[%swap3A_314] {strides = array<i32>} : memref<16672xi32, #tpu.memory_space<vmem>>, vector<16xi32>,
        tpu.vector_store %arg10[%swap3A_314], %add3A_309 {strides = array<i32>} : memref<16672xi32, #tpu.memory_space<vmem>>, vector<16xi32>,
        %add3A_316 = arith.addi %add3A_309, %get3A_188 : vector<16xi32>
        %mul3A_317 = arith.constant 16 : i32
        %mul3A_318 = arith.muli %scan3A_110, %mul3A_317 : i32
        %add3A_319 = arith.constant 13533 : i32
        %add3A_320 = arith.addi %add3A_319, %mul3A_318 : i32
        %swap3A_321 = arith.index_cast %add3A_320 : i32 to index
        %swap3A_322 = tpu.vector_load %arg10[%swap3A_321] {strides = array<i32>} : memref<16672xi32, #tpu.memory_space<vmem>>, vector<16xi32>,
        tpu.vector_store %arg10[%swap3A_321], %add3A_316 {strides = array<i32>} : memref<16672xi32, #tpu.memory_space<vmem>>, vector<16xi32>,
        %add3A_323 = arith.addi %add3A_316, %get3A_194 : vector<16xi32>
        %mul3A_324 = arith.constant 16 : i32
        %mul3A_325 = arith.muli %scan3A_110, %mul3A_324 : i32
        %add3A_326 = arith.constant 14574 : i32
        %add3A_327 = arith.addi %add3A_326, %mul3A_325 : i32
        %swap3A_328 = arith.index_cast %add3A_327 : i32 to index
        %swap3A_329 = tpu.vector_load %arg10[%swap3A_328] {strides = array<i32>} : memref<16672xi32, #tpu.memory_space<vmem>>, vector<16xi32>,
        tpu.vector_store %arg10[%swap3A_328], %add3A_323 {strides = array<i32>} : memref<16672xi32, #tpu.memory_space<vmem>>, vector<16xi32>,
        %add3A_330 = arith.addi %add3A_323, %get3A_200 : vector<16xi32>
        %mul3A_331 = arith.constant 16 : i32
        %mul3A_332 = arith.muli %scan3A_110, %mul3A_331 : i32
        %add3A_333 = arith.constant 15615 : i32
        %add3A_334 = arith.addi %add3A_333, %mul3A_332 : i32
        %swap3A_335 = arith.index_cast %add3A_334 : i32 to index
        %swap3A_336 = tpu.vector_load %arg10[%swap3A_335] {strides = array<i32>} : memref<16672xi32, #tpu.memory_space<vmem>>, vector<16xi32>,
        tpu.vector_store %arg10[%swap3A_335], %add3A_330 {strides = array<i32>} : memref<16672xi32, #tpu.memory_space<vmem>>, vector<16xi32>,
        %reduce_sum3A = arith.constant true
        %reduce_sum3A_337 = vector.broadcast %reduce_sum3A : i1 to vector<16xi1>
        %reduce_sum3A_338 = tpu.scan <sum>, %add3A_221 masked %reduce_sum3A_337 : vector<16xi32>, vector<16xi1> -> vector<16xi32>
        %reduce_sum3A_339 = vector.extract %reduce_sum3A_338[15] : i32 from vector<16xi32>
        %add3A_340 = arith.addi %scan3A_111, %reduce_sum3A_339 : i32
        %scan3A_341 = arith.constant 1 : i32
        %scan3A_342 = arith.addi %scan3A_110, %scan3A_341 : i32
        %mul3A_343 = arith.constant 16 : i32
        %mul3A_344 = arith.muli %scan3A_342, %mul3A_343 : i32
        %add3A_345 = arith.constant 0 : i32
        %add3A_346 = arith.addi %add3A_345, %mul3A_344 : i32
        %get3A_347 = arith.index_cast %add3A_346 : i32 to index
        %get3A_348 = tpu.vector_load %arg10[%get3A_347] {strides = array<i32>} : memref<16672xi32, #tpu.memory_space<vmem>>, vector<16xi32>,
        %mul3A_349 = arith.constant 16 : i32
        %mul3A_350 = arith.muli %scan3A_342, %mul3A_349 : i32
        %add3A_351 = arith.constant 1041 : i32
        %add3A_352 = arith.addi %add3A_351, %mul3A_350 : i32
        %get3A_353 = arith.index_cast %add3A_352 : i32 to index
        %get3A_354 = tpu.vector_load %arg10[%get3A_353] {strides = array<i32>} : memref<16672xi32, #tpu.memory_space<vmem>>, vector<16xi32>,
        %mul3A_355 = arith.constant 16 : i32
        %mul3A_356 = arith.muli %scan3A_342, %mul3A_355 : i32
        %add3A_357 = arith.constant 2082 : i32
        %add3A_358 = arith.addi %add3A_357, %mul3A_356 : i32
        %get3A_359 = arith.index_cast %add3A_358 : i32 to index
        %get3A_360 = tpu.vector_load %arg10[%get3A_359] {strides = array<i32>} : memref<16672xi32, #tpu.memory_space<vmem>>, vector<16xi32>,
        %mul3A_361 = arith.constant 16 : i32
        %mul3A_362 = arith.muli %scan3A_342, %mul3A_361 : i32
        %add3A_363 = arith.constant 3123 : i32
        %add3A_364 = arith.addi %add3A_363, %mul3A_362 : i32
        %get3A_365 = arith.index_cast %add3A_364 : i32 to index
        %get3A_366 = tpu.vector_load %arg10[%get3A_365] {strides = array<i32>} : memref<16672xi32, #tpu.memory_space<vmem>>, vector<16xi32>,
        %mul3A_367 = arith.constant 16 : i32
        %mul3A_368 = arith.muli %scan3A_342, %mul3A_367 : i32
        %add3A_369 = arith.constant 4164 : i32
        %add3A_370 = arith.addi %add3A_369, %mul3A_368 : i32
        %get3A_371 = arith.index_cast %add3A_370 : i32 to index
        %get3A_372 = tpu.vector_load %arg10[%get3A_371] {strides = array<i32>} : memref<16672xi32, #tpu.memory_space<vmem>>, vector<16xi32>,
        %mul3A_373 = arith.constant 16 : i32
        %mul3A_374 = arith.muli %scan3A_342, %mul3A_373 : i32
        %add3A_375 = arith.constant 5205 : i32
        %add3A_376 = arith.addi %add3A_375, %mul3A_374 : i32
        %get3A_377 = arith.index_cast %add3A_376 : i32 to index
        %get3A_378 = tpu.vector_load %arg10[%get3A_377] {strides = array<i32>} : memref<16672xi32, #tpu.memory_space<vmem>>, vector<16xi32>,
        %mul3A_379 = arith.constant 16 : i32
        %mul3A_380 = arith.muli %scan3A_342, %mul3A_379 : i32
        %add3A_381 = arith.constant 6246 : i32
        %add3A_382 = arith.addi %add3A_381, %mul3A_380 : i32
        %get3A_383 = arith.index_cast %add3A_382 : i32 to index
        %get3A_384 = tpu.vector_load %arg10[%get3A_383] {strides = array<i32>} : memref<16672xi32, #tpu.memory_space<vmem>>, vector<16xi32>,
        %mul3A_385 = arith.constant 16 : i32
        %mul3A_386 = arith.muli %scan3A_342, %mul3A_385 : i32
        %add3A_387 = arith.constant 7287 : i32
        %add3A_388 = arith.addi %add3A_387, %mul3A_386 : i32
        %get3A_389 = arith.index_cast %add3A_388 : i32 to index
        %get3A_390 = tpu.vector_load %arg10[%get3A_389] {strides = array<i32>} : memref<16672xi32, #tpu.memory_space<vmem>>, vector<16xi32>,
        %mul3A_391 = arith.constant 16 : i32
        %mul3A_392 = arith.muli %scan3A_342, %mul3A_391 : i32
        %add3A_393 = arith.constant 8328 : i32
        %add3A_394 = arith.addi %add3A_393, %mul3A_392 : i32
        %get3A_395 = arith.index_cast %add3A_394 : i32 to index
        %get3A_396 = tpu.vector_load %arg10[%get3A_395] {strides = array<i32>} : memref<16672xi32, #tpu.memory_space<vmem>>, vector<16xi32>,
        %mul3A_397 = arith.constant 16 : i32
        %mul3A_398 = arith.muli %scan3A_342, %mul3A_397 : i32
        %add3A_399 = arith.constant 9369 : i32
        %add3A_400 = arith.addi %add3A_399, %mul3A_398 : i32
        %get3A_401 = arith.index_cast %add3A_400 : i32 to index
        %get3A_402 = tpu.vector_load %arg10[%get3A_401] {strides = array<i32>} : memref<16672xi32, #tpu.memory_space<vmem>>, vector<16xi32>,
        %mul3A_403 = arith.constant 16 : i32
        %mul3A_404 = arith.muli %scan3A_342, %mul3A_403 : i32
        %add3A_405 = arith.constant 10410 : i32
        %add3A_406 = arith.addi %add3A_405, %mul3A_404 : i32
        %get3A_407 = arith.index_cast %add3A_406 : i32 to index
        %get3A_408 = tpu.vector_load %arg10[%get3A_407] {strides = array<i32>} : memref<16672xi32, #tpu.memory_space<vmem>>, vector<16xi32>,
        %mul3A_409 = arith.constant 16 : i32
        %mul3A_410 = arith.muli %scan3A_342, %mul3A_409 : i32
        %add3A_411 = arith.constant 11451 : i32
        %add3A_412 = arith.addi %add3A_411, %mul3A_410 : i32
        %get3A_413 = arith.index_cast %add3A_412 : i32 to index
        %get3A_414 = tpu.vector_load %arg10[%get3A_413] {strides = array<i32>} : memref<16672xi32, #tpu.memory_space<vmem>>, vector<16xi32>,
        %mul3A_415 = arith.constant 16 : i32
        %mul3A_416 = arith.muli %scan3A_342, %mul3A_415 : i32
        %add3A_417 = arith.constant 12492 : i32
        %add3A_418 = arith.addi %add3A_417, %mul3A_416 : i32
        %get3A_419 = arith.index_cast %add3A_418 : i32 to index
        %get3A_420 = tpu.vector_load %arg10[%get3A_419] {strides = array<i32>} : memref<16672xi32, #tpu.memory_space<vmem>>, vector<16xi32>,
        %mul3A_421 = arith.constant 16 : i32
        %mul3A_422 = arith.muli %scan3A_342, %mul3A_421 : i32
        %add3A_423 = arith.constant 13533 : i32
        %add3A_424 = arith.addi %add3A_423, %mul3A_422 : i32
        %get3A_425 = arith.index_cast %add3A_424 : i32 to index
        %get3A_426 = tpu.vector_load %arg10[%get3A_425] {strides = array<i32>} : memref<16672xi32, #tpu.memory_space<vmem>>, vector<16xi32>,
        %mul3A_427 = arith.constant 16 : i32
        %mul3A_428 = arith.muli %scan3A_342, %mul3A_427 : i32
        %add3A_429 = arith.constant 14574 : i32
        %add3A_430 = arith.addi %add3A_429, %mul3A_428 : i32
        %get3A_431 = arith.index_cast %add3A_430 : i32 to index
        %get3A_432 = tpu.vector_load %arg10[%get3A_431] {strides = array<i32>} : memref<16672xi32, #tpu.memory_space<vmem>>, vector<16xi32>,
        %mul3A_433 = arith.constant 16 : i32
        %mul3A_434 = arith.muli %scan3A_342, %mul3A_433 : i32
        %add3A_435 = arith.constant 15615 : i32
        %add3A_436 = arith.addi %add3A_435, %mul3A_434 : i32
        %get3A_437 = arith.index_cast %add3A_436 : i32 to index
        %get3A_438 = tpu.vector_load %arg10[%get3A_437] {strides = array<i32>} : memref<16672xi32, #tpu.memory_space<vmem>>, vector<16xi32>,
        %add3A_439 = arith.addi %get3A_348, %get3A_354 : vector<16xi32>
        %add3A_440 = arith.addi %add3A_439, %get3A_360 : vector<16xi32>
        %add3A_441 = arith.addi %add3A_440, %get3A_366 : vector<16xi32>
        %add3A_442 = arith.addi %add3A_441, %get3A_372 : vector<16xi32>
        %add3A_443 = arith.addi %add3A_442, %get3A_378 : vector<16xi32>
        %add3A_444 = arith.addi %add3A_443, %get3A_384 : vector<16xi32>
        %add3A_445 = arith.addi %add3A_444, %get3A_390 : vector<16xi32>
        %add3A_446 = arith.addi %add3A_445, %get3A_396 : vector<16xi32>
        %add3A_447 = arith.addi %add3A_446, %get3A_402 : vector<16xi32>
        %add3A_448 = arith.addi %add3A_447, %get3A_408 : vector<16xi32>
        %add3A_449 = arith.addi %add3A_448, %get3A_414 : vector<16xi32>
        %add3A_450 = arith.addi %add3A_449, %get3A_420 : vector<16xi32>
        %add3A_451 = arith.addi %add3A_450, %get3A_426 : vector<16xi32>
        %add3A_452 = arith.addi %add3A_451, %get3A_432 : vector<16xi32>
        %add3A_453 = arith.addi %add3A_452, %get3A_438 : vector<16xi32>
        %broadcast_in_dim3A_454 = arith.constant true
        %broadcast_in_dim3A_455 = vector.broadcast %broadcast_in_dim3A_454 : i1 to vector<16xi1>
        %masked_cumsum3A_456 = tpu.scan <sum>, %add3A_453 masked %broadcast_in_dim3A_455 : vector<16xi32>, vector<16xi1> -> vector<16xi32>
        %sub3A_457 = arith.subi %masked_cumsum3A_456, %add3A_453 : vector<16xi32>
        %add3A_458 = vector.broadcast %add3A_340 : i32 to vector<16xi32>
        %add3A_459 = arith.addi %sub3A_457, %add3A_458 : vector<16xi32>
        %mul3A_460 = arith.constant 16 : i32
        %mul3A_461 = arith.muli %scan3A_342, %mul3A_460 : i32
        %add3A_462 = arith.constant 0 : i32
        %add3A_463 = arith.addi %add3A_462, %mul3A_461 : i32
        %swap3A_464 = arith.index_cast %add3A_463 : i32 to index
        %swap3A_465 = tpu.vector_load %arg10[%swap3A_464] {strides = array<i32>} : memref<16672xi32, #tpu.memory_space<vmem>>, vector<16xi32>,
        tpu.vector_store %arg10[%swap3A_464], %add3A_459 {strides = array<i32>} : memref<16672xi32, #tpu.memory_space<vmem>>, vector<16xi32>,
        %add3A_466 = arith.addi %add3A_459, %get3A_348 : vector<16xi32>
        %mul3A_467 = arith.constant 16 : i32
        %mul3A_468 = arith.muli %scan3A_342, %mul3A_467 : i32
        %add3A_469 = arith.constant 1041 : i32
        %add3A_470 = arith.addi %add3A_469, %mul3A_468 : i32
        %swap3A_471 = arith.index_cast %add3A_470 : i32 to index
        %swap3A_472 = tpu.vector_load %arg10[%swap3A_471] {strides = array<i32>} : memref<16672xi32, #tpu.memory_space<vmem>>, vector<16xi32>,
        tpu.vector_store %arg10[%swap3A_471], %add3A_466 {strides = array<i32>} : memref<16672xi32, #tpu.memory_space<vmem>>, vector<16xi32>,
        %add3A_473 = arith.addi %add3A_466, %get3A_354 : vector<16xi32>
        %mul3A_474 = arith.constant 16 : i32
        %mul3A_475 = arith.muli %scan3A_342, %mul3A_474 : i32
        %add3A_476 = arith.constant 2082 : i32
        %add3A_477 = arith.addi %add3A_476, %mul3A_475 : i32
        %swap3A_478 = arith.index_cast %add3A_477 : i32 to index
        %swap3A_479 = tpu.vector_load %arg10[%swap3A_478] {strides = array<i32>} : memref<16672xi32, #tpu.memory_space<vmem>>, vector<16xi32>,
        tpu.vector_store %arg10[%swap3A_478], %add3A_473 {strides = array<i32>} : memref<16672xi32, #tpu.memory_space<vmem>>, vector<16xi32>,
        %add3A_480 = arith.addi %add3A_473, %get3A_360 : vector<16xi32>
        %mul3A_481 = arith.constant 16 : i32
        %mul3A_482 = arith.muli %scan3A_342, %mul3A_481 : i32
        %add3A_483 = arith.constant 3123 : i32
        %add3A_484 = arith.addi %add3A_483, %mul3A_482 : i32
        %swap3A_485 = arith.index_cast %add3A_484 : i32 to index
        %swap3A_486 = tpu.vector_load %arg10[%swap3A_485] {strides = array<i32>} : memref<16672xi32, #tpu.memory_space<vmem>>, vector<16xi32>,
        tpu.vector_store %arg10[%swap3A_485], %add3A_480 {strides = array<i32>} : memref<16672xi32, #tpu.memory_space<vmem>>, vector<16xi32>,
        %add3A_487 = arith.addi %add3A_480, %get3A_366 : vector<16xi32>
        %mul3A_488 = arith.constant 16 : i32
        %mul3A_489 = arith.muli %scan3A_342, %mul3A_488 : i32
        %add3A_490 = arith.constant 4164 : i32
        %add3A_491 = arith.addi %add3A_490, %mul3A_489 : i32
        %swap3A_492 = arith.index_cast %add3A_491 : i32 to index
        %swap3A_493 = tpu.vector_load %arg10[%swap3A_492] {strides = array<i32>} : memref<16672xi32, #tpu.memory_space<vmem>>, vector<16xi32>,
        tpu.vector_store %arg10[%swap3A_492], %add3A_487 {strides = array<i32>} : memref<16672xi32, #tpu.memory_space<vmem>>, vector<16xi32>,
        %add3A_494 = arith.addi %add3A_487, %get3A_372 : vector<16xi32>
        %mul3A_495 = arith.constant 16 : i32
        %mul3A_496 = arith.muli %scan3A_342, %mul3A_495 : i32
        %add3A_497 = arith.constant 5205 : i32
        %add3A_498 = arith.addi %add3A_497, %mul3A_496 : i32
        %swap3A_499 = arith.index_cast %add3A_498 : i32 to index
        %swap3A_500 = tpu.vector_load %arg10[%swap3A_499] {strides = array<i32>} : memref<16672xi32, #tpu.memory_space<vmem>>, vector<16xi32>,
        tpu.vector_store %arg10[%swap3A_499], %add3A_494 {strides = array<i32>} : memref<16672xi32, #tpu.memory_space<vmem>>, vector<16xi32>,
        %add3A_501 = arith.addi %add3A_494, %get3A_378 : vector<16xi32>
        %mul3A_502 = arith.constant 16 : i32
        %mul3A_503 = arith.muli %scan3A_342, %mul3A_502 : i32
        %add3A_504 = arith.constant 6246 : i32
        %add3A_505 = arith.addi %add3A_504, %mul3A_503 : i32
        %swap3A_506 = arith.index_cast %add3A_505 : i32 to index
        %swap3A_507 = tpu.vector_load %arg10[%swap3A_506] {strides = array<i32>} : memref<16672xi32, #tpu.memory_space<vmem>>, vector<16xi32>,
        tpu.vector_store %arg10[%swap3A_506], %add3A_501 {strides = array<i32>} : memref<16672xi32, #tpu.memory_space<vmem>>, vector<16xi32>,
        %add3A_508 = arith.addi %add3A_501, %get3A_384 : vector<16xi32>
        %mul3A_509 = arith.constant 16 : i32
        %mul3A_510 = arith.muli %scan3A_342, %mul3A_509 : i32
        %add3A_511 = arith.constant 7287 : i32
        %add3A_512 = arith.addi %add3A_511, %mul3A_510 : i32
        %swap3A_513 = arith.index_cast %add3A_512 : i32 to index
        %swap3A_514 = tpu.vector_load %arg10[%swap3A_513] {strides = array<i32>} : memref<16672xi32, #tpu.memory_space<vmem>>, vector<16xi32>,
        tpu.vector_store %arg10[%swap3A_513], %add3A_508 {strides = array<i32>} : memref<16672xi32, #tpu.memory_space<vmem>>, vector<16xi32>,
        %add3A_515 = arith.addi %add3A_508, %get3A_390 : vector<16xi32>
        %mul3A_516 = arith.constant 16 : i32
        %mul3A_517 = arith.muli %scan3A_342, %mul3A_516 : i32
        %add3A_518 = arith.constant 8328 : i32
        %add3A_519 = arith.addi %add3A_518, %mul3A_517 : i32
        %swap3A_520 = arith.index_cast %add3A_519 : i32 to index
        %swap3A_521 = tpu.vector_load %arg10[%swap3A_520] {strides = array<i32>} : memref<16672xi32, #tpu.memory_space<vmem>>, vector<16xi32>,
        tpu.vector_store %arg10[%swap3A_520], %add3A_515 {strides = array<i32>} : memref<16672xi32, #tpu.memory_space<vmem>>, vector<16xi32>,
        %add3A_522 = arith.addi %add3A_515, %get3A_396 : vector<16xi32>
        %mul3A_523 = arith.constant 16 : i32
        %mul3A_524 = arith.muli %scan3A_342, %mul3A_523 : i32
        %add3A_525 = arith.constant 9369 : i32
        %add3A_526 = arith.addi %add3A_525, %mul3A_524 : i32
        %swap3A_527 = arith.index_cast %add3A_526 : i32 to index
        %swap3A_528 = tpu.vector_load %arg10[%swap3A_527] {strides = array<i32>} : memref<16672xi32, #tpu.memory_space<vmem>>, vector<16xi32>,
        tpu.vector_store %arg10[%swap3A_527], %add3A_522 {strides = array<i32>} : memref<16672xi32, #tpu.memory_space<vmem>>, vector<16xi32>,
        %add3A_529 = arith.addi %add3A_522, %get3A_402 : vector<16xi32>
        %mul3A_530 = arith.constant 16 : i32
        %mul3A_531 = arith.muli %scan3A_342, %mul3A_530 : i32
        %add3A_532 = arith.constant 10410 : i32
        %add3A_533 = arith.addi %add3A_532, %mul3A_531 : i32
        %swap3A_534 = arith.index_cast %add3A_533 : i32 to index
        %swap3A_535 = tpu.vector_load %arg10[%swap3A_534] {strides = array<i32>} : memref<16672xi32, #tpu.memory_space<vmem>>, vector<16xi32>,
        tpu.vector_store %arg10[%swap3A_534], %add3A_529 {strides = array<i32>} : memref<16672xi32, #tpu.memory_space<vmem>>, vector<16xi32>,
        %add3A_536 = arith.addi %add3A_529, %get3A_408 : vector<16xi32>
        %mul3A_537 = arith.constant 16 : i32
        %mul3A_538 = arith.muli %scan3A_342, %mul3A_537 : i32
        %add3A_539 = arith.constant 11451 : i32
        %add3A_540 = arith.addi %add3A_539, %mul3A_538 : i32
        %swap3A_541 = arith.index_cast %add3A_540 : i32 to index
        %swap3A_542 = tpu.vector_load %arg10[%swap3A_541] {strides = array<i32>} : memref<16672xi32, #tpu.memory_space<vmem>>, vector<16xi32>,
        tpu.vector_store %arg10[%swap3A_541], %add3A_536 {strides = array<i32>} : memref<16672xi32, #tpu.memory_space<vmem>>, vector<16xi32>,
        %add3A_543 = arith.addi %add3A_536, %get3A_414 : vector<16xi32>
        %mul3A_544 = arith.constant 16 : i32
        %mul3A_545 = arith.muli %scan3A_342, %mul3A_544 : i32
        %add3A_546 = arith.constant 12492 : i32
        %add3A_547 = arith.addi %add3A_546, %mul3A_545 : i32
        %swap3A_548 = arith.index_cast %add3A_547 : i32 to index
        %swap3A_549 = tpu.vector_load %arg10[%swap3A_548] {strides = array<i32>} : memref<16672xi32, #tpu.memory_space<vmem>>, vector<16xi32>,
        tpu.vector_store %arg10[%swap3A_548], %add3A_543 {strides = array<i32>} : memref<16672xi32, #tpu.memory_space<vmem>>, vector<16xi32>,
        %add3A_550 = arith.addi %add3A_543, %get3A_420 : vector<16xi32>
        %mul3A_551 = arith.constant 16 : i32
        %mul3A_552 = arith.muli %scan3A_342, %mul3A_551 : i32
        %add3A_553 = arith.constant 13533 : i32
        %add3A_554 = arith.addi %add3A_553, %mul3A_552 : i32
        %swap3A_555 = arith.index_cast %add3A_554 : i32 to index
        %swap3A_556 = tpu.vector_load %arg10[%swap3A_555] {strides = array<i32>} : memref<16672xi32, #tpu.memory_space<vmem>>, vector<16xi32>,
        tpu.vector_store %arg10[%swap3A_555], %add3A_550 {strides = array<i32>} : memref<16672xi32, #tpu.memory_space<vmem>>, vector<16xi32>,
        %add3A_557 = arith.addi %add3A_550, %get3A_426 : vector<16xi32>
        %mul3A_558 = arith.constant 16 : i32
        %mul3A_559 = arith.muli %scan3A_342, %mul3A_558 : i32
        %add3A_560 = arith.constant 14574 : i32
        %add3A_561 = arith.addi %add3A_560, %mul3A_559 : i32
        %swap3A_562 = arith.index_cast %add3A_561 : i32 to index
        %swap3A_563 = tpu.vector_load %arg10[%swap3A_562] {strides = array<i32>} : memref<16672xi32, #tpu.memory_space<vmem>>, vector<16xi32>,
        tpu.vector_store %arg10[%swap3A_562], %add3A_557 {strides = array<i32>} : memref<16672xi32, #tpu.memory_space<vmem>>, vector<16xi32>,
        %add3A_564 = arith.addi %add3A_557, %get3A_432 : vector<16xi32>
        %mul3A_565 = arith.constant 16 : i32
        %mul3A_566 = arith.muli %scan3A_342, %mul3A_565 : i32
        %add3A_567 = arith.constant 15615 : i32
        %add3A_568 = arith.addi %add3A_567, %mul3A_566 : i32
        %swap3A_569 = arith.index_cast %add3A_568 : i32 to index
        %swap3A_570 = tpu.vector_load %arg10[%swap3A_569] {strides = array<i32>} : memref<16672xi32, #tpu.memory_space<vmem>>, vector<16xi32>,
        tpu.vector_store %arg10[%swap3A_569], %add3A_564 {strides = array<i32>} : memref<16672xi32, #tpu.memory_space<vmem>>, vector<16xi32>,
        %reduce_sum3A_571 = arith.constant true
        %reduce_sum3A_572 = vector.broadcast %reduce_sum3A_571 : i1 to vector<16xi1>
        %reduce_sum3A_573 = tpu.scan <sum>, %add3A_453 masked %reduce_sum3A_572 : vector<16xi32>, vector<16xi1> -> vector<16xi32>
        %reduce_sum3A_574 = vector.extract %reduce_sum3A_573[15] : i32 from vector<16xi32>
        %add3A_575 = arith.addi %add3A_340, %reduce_sum3A_574 : i32
        scf.yield %add3A_575 : i32
      }
      %scan3A_60 = arith.constant 64 : i32
      %scan3A_61 = arith.constant 0 : i32
      %scan3A_62 = arith.constant 0 : i32
      %scan3A_63 = arith.constant 256 : i32
      %scan3A_64 = arith.addi %scan3A_62, %scan3A_63 : i32
      %scan3A_65 = arith.constant 8 : i32
      %scan3A_66 = scf.for %scan3A_110 = %scan3A_62 to %scan3A_64 step %scan3A_65 iter_args(%scan3A_111 = %scan3A_61) -> (i32)  : i32 {
        %mul3A_112 = arith.constant 17 : i32
        %mul3A_113 = arith.muli %scan3A_110, %mul3A_112 : i32
        %get3A = arith.index_cast %mul3A_113 : i32 to index
        %get3A_114 = tpu.vector_load %arg6[%get3A] {strides = array<i32>} : memref<4368xi32, #tpu.memory_space<vmem>>, vector<16xi32>,
        %shift_right_logical3A = arith.constant 0 : i32
        %shift_right_logical3A_115 = vector.broadcast %shift_right_logical3A : i32 to vector<16xi32>
        %shift_right_logical3A_116 = arith.shrui %get3A_114, %shift_right_logical3A_115 : vector<16xi32>
        %and3A = arith.constant 1023 : i32
        %and3A_117 = vector.broadcast %and3A : i32 to vector<16xi32>
        %and3A_118 = arith.andi %shift_right_logical3A_116, %and3A_117 : vector<16xi32>
        %add3A_119 = arith.addi %mul3A_7, %and3A_118 : vector<16xi32>
        %gather3A = tpu.vector_load_idx %arg10[%add3A_119] : memref<16672xi32, #tpu.memory_space<vmem>>[vector<16xi32>], vector<16xi32>,
        tpu.vector_store_idx %arg10[%add3A_119], %broadcast_in_dim3A_8 {add = true} : memref<16672xi32, #tpu.memory_space<vmem>>[vector<16xi32>], vector<16xi32>,
        %mul3A_120 = arith.constant 256 : i32
        %mul3A_121 = vector.broadcast %mul3A_120 : i32 to vector<16xi32>
        %mul3A_122 = arith.muli %iota3A, %mul3A_121 : vector<16xi32>
        %add3A_123 = vector.broadcast %scan3A_110 : i32 to vector<16xi32>
        %add3A_124 = arith.addi %mul3A_122, %add3A_123 : vector<16xi32>
        %and3A_125 = arith.constant 255 : i32
        %and3A_126 = vector.broadcast %and3A_125 : i32 to vector<16xi32>
        %and3A_127 = arith.andi %gather3A, %and3A_126 : vector<16xi32>
        %mul3A_128 = arith.constant 17 : i32
        %mul3A_129 = vector.broadcast %mul3A_128 : i32 to vector<16xi32>
        %mul3A_130 = arith.muli %and3A_127, %mul3A_129 : vector<16xi32>
        %shift_right_logical3A_131 = arith.constant 8 : i32
        %shift_right_logical3A_132 = vector.broadcast %shift_right_logical3A_131 : i32 to vector<16xi32>
        %shift_right_logical3A_133 = arith.shrui %gather3A, %shift_right_logical3A_132 : vector<16xi32>
        %add3A_134 = arith.addi %mul3A_130, %shift_right_logical3A_133 : vector<16xi32>
        tpu.vector_store_idx %arg7[%add3A_134], %get3A_114 : memref<4368xi32, #tpu.memory_space<vmem>>[vector<16xi32>], vector<16xi32>,
        tpu.vector_store_idx %arg9[%add3A_134], %add3A_124 : memref<4368xi32, #tpu.memory_space<vmem>>[vector<16xi32>], vector<16xi32>,
        %scan3A_135 = arith.constant 0 : i32
        %scan3A_136 = arith.constant 1 : i32
        %scan3A_137 = arith.addi %scan3A_110, %scan3A_136 : i32
        %mul3A_138 = arith.constant 17 : i32
        %mul3A_139 = arith.muli %scan3A_137, %mul3A_138 : i32
        %get3A_140 = arith.index_cast %mul3A_139 : i32 to index
        %get3A_141 = tpu.vector_load %arg6[%get3A_140] {strides = array<i32>} : memref<4368xi32, #tpu.memory_space<vmem>>, vector<16xi32>,
        %shift_right_logical3A_142 = arith.constant 0 : i32
        %shift_right_logical3A_143 = vector.broadcast %shift_right_logical3A_142 : i32 to vector<16xi32>
        %shift_right_logical3A_144 = arith.shrui %get3A_141, %shift_right_logical3A_143 : vector<16xi32>
        %and3A_145 = arith.constant 1023 : i32
        %and3A_146 = vector.broadcast %and3A_145 : i32 to vector<16xi32>
        %and3A_147 = arith.andi %shift_right_logical3A_144, %and3A_146 : vector<16xi32>
        %add3A_148 = arith.addi %mul3A_7, %and3A_147 : vector<16xi32>
        %gather3A_149 = tpu.vector_load_idx %arg10[%add3A_148] : memref<16672xi32, #tpu.memory_space<vmem>>[vector<16xi32>], vector<16xi32>,
        tpu.vector_store_idx %arg10[%add3A_148], %broadcast_in_dim3A_8 {add = true} : memref<16672xi32, #tpu.memory_space<vmem>>[vector<16xi32>], vector<16xi32>,
        %mul3A_150 = arith.constant 256 : i32
        %mul3A_151 = vector.broadcast %mul3A_150 : i32 to vector<16xi32>
        %mul3A_152 = arith.muli %iota3A, %mul3A_151 : vector<16xi32>
        %add3A_153 = vector.broadcast %scan3A_137 : i32 to vector<16xi32>
        %add3A_154 = arith.addi %mul3A_152, %add3A_153 : vector<16xi32>
        %and3A_155 = arith.constant 255 : i32
        %and3A_156 = vector.broadcast %and3A_155 : i32 to vector<16xi32>
        %and3A_157 = arith.andi %gather3A_149, %and3A_156 : vector<16xi32>
        %mul3A_158 = arith.constant 17 : i32
        %mul3A_159 = vector.broadcast %mul3A_158 : i32 to vector<16xi32>
        %mul3A_160 = arith.muli %and3A_157, %mul3A_159 : vector<16xi32>
        %shift_right_logical3A_161 = arith.constant 8 : i32
        %shift_right_logical3A_162 = vector.broadcast %shift_right_logical3A_161 : i32 to vector<16xi32>
        %shift_right_logical3A_163 = arith.shrui %gather3A_149, %shift_right_logical3A_162 : vector<16xi32>
        %add3A_164 = arith.addi %mul3A_160, %shift_right_logical3A_163 : vector<16xi32>
        tpu.vector_store_idx %arg7[%add3A_164], %get3A_141 : memref<4368xi32, #tpu.memory_space<vmem>>[vector<16xi32>], vector<16xi32>,
        tpu.vector_store_idx %arg9[%add3A_164], %add3A_154 : memref<4368xi32, #tpu.memory_space<vmem>>[vector<16xi32>], vector<16xi32>,
        %scan3A_165 = arith.constant 0 : i32
        %scan3A_166 = arith.constant 2 : i32
        %scan3A_167 = arith.addi %scan3A_110, %scan3A_166 : i32
        %mul3A_168 = arith.constant 17 : i32
        %mul3A_169 = arith.muli %scan3A_167, %mul3A_168 : i32
        %get3A_170 = arith.index_cast %mul3A_169 : i32 to index
        %get3A_171 = tpu.vector_load %arg6[%get3A_170] {strides = array<i32>} : memref<4368xi32, #tpu.memory_space<vmem>>, vector<16xi32>,
        %shift_right_logical3A_172 = arith.constant 0 : i32
        %shift_right_logical3A_173 = vector.broadcast %shift_right_logical3A_172 : i32 to vector<16xi32>
        %shift_right_logical3A_174 = arith.shrui %get3A_171, %shift_right_logical3A_173 : vector<16xi32>
        %and3A_175 = arith.constant 1023 : i32
        %and3A_176 = vector.broadcast %and3A_175 : i32 to vector<16xi32>
        %and3A_177 = arith.andi %shift_right_logical3A_174, %and3A_176 : vector<16xi32>
        %add3A_178 = arith.addi %mul3A_7, %and3A_177 : vector<16xi32>
        %gather3A_179 = tpu.vector_load_idx %arg10[%add3A_178] : memref<16672xi32, #tpu.memory_space<vmem>>[vector<16xi32>], vector<16xi32>,
        tpu.vector_store_idx %arg10[%add3A_178], %broadcast_in_dim3A_8 {add = true} : memref<16672xi32, #tpu.memory_space<vmem>>[vector<16xi32>], vector<16xi32>,
        %mul3A_180 = arith.constant 256 : i32
        %mul3A_181 = vector.broadcast %mul3A_180 : i32 to vector<16xi32>
        %mul3A_182 = arith.muli %iota3A, %mul3A_181 : vector<16xi32>
        %add3A_183 = vector.broadcast %scan3A_167 : i32 to vector<16xi32>
        %add3A_184 = arith.addi %mul3A_182, %add3A_183 : vector<16xi32>
        %and3A_185 = arith.constant 255 : i32
        %and3A_186 = vector.broadcast %and3A_185 : i32 to vector<16xi32>
        %and3A_187 = arith.andi %gather3A_179, %and3A_186 : vector<16xi32>
        %mul3A_188 = arith.constant 17 : i32
        %mul3A_189 = vector.broadcast %mul3A_188 : i32 to vector<16xi32>
        %mul3A_190 = arith.muli %and3A_187, %mul3A_189 : vector<16xi32>
        %shift_right_logical3A_191 = arith.constant 8 : i32
        %shift_right_logical3A_192 = vector.broadcast %shift_right_logical3A_191 : i32 to vector<16xi32>
        %shift_right_logical3A_193 = arith.shrui %gather3A_179, %shift_right_logical3A_192 : vector<16xi32>
        %add3A_194 = arith.addi %mul3A_190, %shift_right_logical3A_193 : vector<16xi32>
        tpu.vector_store_idx %arg7[%add3A_194], %get3A_171 : memref<4368xi32, #tpu.memory_space<vmem>>[vector<16xi32>], vector<16xi32>,
        tpu.vector_store_idx %arg9[%add3A_194], %add3A_184 : memref<4368xi32, #tpu.memory_space<vmem>>[vector<16xi32>], vector<16xi32>,
        %scan3A_195 = arith.constant 0 : i32
        %scan3A_196 = arith.constant 3 : i32
        %scan3A_197 = arith.addi %scan3A_110, %scan3A_196 : i32
        %mul3A_198 = arith.constant 17 : i32
        %mul3A_199 = arith.muli %scan3A_197, %mul3A_198 : i32
        %get3A_200 = arith.index_cast %mul3A_199 : i32 to index
        %get3A_201 = tpu.vector_load %arg6[%get3A_200] {strides = array<i32>} : memref<4368xi32, #tpu.memory_space<vmem>>, vector<16xi32>,
        %shift_right_logical3A_202 = arith.constant 0 : i32
        %shift_right_logical3A_203 = vector.broadcast %shift_right_logical3A_202 : i32 to vector<16xi32>
        %shift_right_logical3A_204 = arith.shrui %get3A_201, %shift_right_logical3A_203 : vector<16xi32>
        %and3A_205 = arith.constant 1023 : i32
        %and3A_206 = vector.broadcast %and3A_205 : i32 to vector<16xi32>
        %and3A_207 = arith.andi %shift_right_logical3A_204, %and3A_206 : vector<16xi32>
        %add3A_208 = arith.addi %mul3A_7, %and3A_207 : vector<16xi32>
        %gather3A_209 = tpu.vector_load_idx %arg10[%add3A_208] : memref<16672xi32, #tpu.memory_space<vmem>>[vector<16xi32>], vector<16xi32>,
        tpu.vector_store_idx %arg10[%add3A_208], %broadcast_in_dim3A_8 {add = true} : memref<16672xi32, #tpu.memory_space<vmem>>[vector<16xi32>], vector<16xi32>,
        %mul3A_210 = arith.constant 256 : i32
        %mul3A_211 = vector.broadcast %mul3A_210 : i32 to vector<16xi32>
        %mul3A_212 = arith.muli %iota3A, %mul3A_211 : vector<16xi32>
        %add3A_213 = vector.broadcast %scan3A_197 : i32 to vector<16xi32>
        %add3A_214 = arith.addi %mul3A_212, %add3A_213 : vector<16xi32>
        %and3A_215 = arith.constant 255 : i32
        %and3A_216 = vector.broadcast %and3A_215 : i32 to vector<16xi32>
        %and3A_217 = arith.andi %gather3A_209, %and3A_216 : vector<16xi32>
        %mul3A_218 = arith.constant 17 : i32
        %mul3A_219 = vector.broadcast %mul3A_218 : i32 to vector<16xi32>
        %mul3A_220 = arith.muli %and3A_217, %mul3A_219 : vector<16xi32>
        %shift_right_logical3A_221 = arith.constant 8 : i32
        %shift_right_logical3A_222 = vector.broadcast %shift_right_logical3A_221 : i32 to vector<16xi32>
        %shift_right_logical3A_223 = arith.shrui %gather3A_209, %shift_right_logical3A_222 : vector<16xi32>
        %add3A_224 = arith.addi %mul3A_220, %shift_right_logical3A_223 : vector<16xi32>
        tpu.vector_store_idx %arg7[%add3A_224], %get3A_201 : memref<4368xi32, #tpu.memory_space<vmem>>[vector<16xi32>], vector<16xi32>,
        tpu.vector_store_idx %arg9[%add3A_224], %add3A_214 : memref<4368xi32, #tpu.memory_space<vmem>>[vector<16xi32>], vector<16xi32>,
        %scan3A_225 = arith.constant 0 : i32
        %scan3A_226 = arith.constant 4 : i32
        %scan3A_227 = arith.addi %scan3A_110, %scan3A_226 : i32
        %mul3A_228 = arith.constant 17 : i32
        %mul3A_229 = arith.muli %scan3A_227, %mul3A_228 : i32
        %get3A_230 = arith.index_cast %mul3A_229 : i32 to index
        %get3A_231 = tpu.vector_load %arg6[%get3A_230] {strides = array<i32>} : memref<4368xi32, #tpu.memory_space<vmem>>, vector<16xi32>,
        %shift_right_logical3A_232 = arith.constant 0 : i32
        %shift_right_logical3A_233 = vector.broadcast %shift_right_logical3A_232 : i32 to vector<16xi32>
        %shift_right_logical3A_234 = arith.shrui %get3A_231, %shift_right_logical3A_233 : vector<16xi32>
        %and3A_235 = arith.constant 1023 : i32
        %and3A_236 = vector.broadcast %and3A_235 : i32 to vector<16xi32>
        %and3A_237 = arith.andi %shift_right_logical3A_234, %and3A_236 : vector<16xi32>
        %add3A_238 = arith.addi %mul3A_7, %and3A_237 : vector<16xi32>
        %gather3A_239 = tpu.vector_load_idx %arg10[%add3A_238] : memref<16672xi32, #tpu.memory_space<vmem>>[vector<16xi32>], vector<16xi32>,
        tpu.vector_store_idx %arg10[%add3A_238], %broadcast_in_dim3A_8 {add = true} : memref<16672xi32, #tpu.memory_space<vmem>>[vector<16xi32>], vector<16xi32>,
        %mul3A_240 = arith.constant 256 : i32
        %mul3A_241 = vector.broadcast %mul3A_240 : i32 to vector<16xi32>
        %mul3A_242 = arith.muli %iota3A, %mul3A_241 : vector<16xi32>
        %add3A_243 = vector.broadcast %scan3A_227 : i32 to vector<16xi32>
        %add3A_244 = arith.addi %mul3A_242, %add3A_243 : vector<16xi32>
        %and3A_245 = arith.constant 255 : i32
        %and3A_246 = vector.broadcast %and3A_245 : i32 to vector<16xi32>
        %and3A_247 = arith.andi %gather3A_239, %and3A_246 : vector<16xi32>
        %mul3A_248 = arith.constant 17 : i32
        %mul3A_249 = vector.broadcast %mul3A_248 : i32 to vector<16xi32>
        %mul3A_250 = arith.muli %and3A_247, %mul3A_249 : vector<16xi32>
        %shift_right_logical3A_251 = arith.constant 8 : i32
        %shift_right_logical3A_252 = vector.broadcast %shift_right_logical3A_251 : i32 to vector<16xi32>
        %shift_right_logical3A_253 = arith.shrui %gather3A_239, %shift_right_logical3A_252 : vector<16xi32>
        %add3A_254 = arith.addi %mul3A_250, %shift_right_logical3A_253 : vector<16xi32>
        tpu.vector_store_idx %arg7[%add3A_254], %get3A_231 : memref<4368xi32, #tpu.memory_space<vmem>>[vector<16xi32>], vector<16xi32>,
        tpu.vector_store_idx %arg9[%add3A_254], %add3A_244 : memref<4368xi32, #tpu.memory_space<vmem>>[vector<16xi32>], vector<16xi32>,
        %scan3A_255 = arith.constant 0 : i32
        %scan3A_256 = arith.constant 5 : i32
        %scan3A_257 = arith.addi %scan3A_110, %scan3A_256 : i32
        %mul3A_258 = arith.constant 17 : i32
        %mul3A_259 = arith.muli %scan3A_257, %mul3A_258 : i32
        %get3A_260 = arith.index_cast %mul3A_259 : i32 to index
        %get3A_261 = tpu.vector_load %arg6[%get3A_260] {strides = array<i32>} : memref<4368xi32, #tpu.memory_space<vmem>>, vector<16xi32>,
        %shift_right_logical3A_262 = arith.constant 0 : i32
        %shift_right_logical3A_263 = vector.broadcast %shift_right_logical3A_262 : i32 to vector<16xi32>
        %shift_right_logical3A_264 = arith.shrui %get3A_261, %shift_right_logical3A_263 : vector<16xi32>
        %and3A_265 = arith.constant 1023 : i32
        %and3A_266 = vector.broadcast %and3A_265 : i32 to vector<16xi32>
        %and3A_267 = arith.andi %shift_right_logical3A_264, %and3A_266 : vector<16xi32>
        %add3A_268 = arith.addi %mul3A_7, %and3A_267 : vector<16xi32>
        %gather3A_269 = tpu.vector_load_idx %arg10[%add3A_268] : memref<16672xi32, #tpu.memory_space<vmem>>[vector<16xi32>], vector<16xi32>,
        tpu.vector_store_idx %arg10[%add3A_268], %broadcast_in_dim3A_8 {add = true} : memref<16672xi32, #tpu.memory_space<vmem>>[vector<16xi32>], vector<16xi32>,
        %mul3A_270 = arith.constant 256 : i32
        %mul3A_271 = vector.broadcast %mul3A_270 : i32 to vector<16xi32>
        %mul3A_272 = arith.muli %iota3A, %mul3A_271 : vector<16xi32>
        %add3A_273 = vector.broadcast %scan3A_257 : i32 to vector<16xi32>
        %add3A_274 = arith.addi %mul3A_272, %add3A_273 : vector<16xi32>
        %and3A_275 = arith.constant 255 : i32
        %and3A_276 = vector.broadcast %and3A_275 : i32 to vector<16xi32>
        %and3A_277 = arith.andi %gather3A_269, %and3A_276 : vector<16xi32>
        %mul3A_278 = arith.constant 17 : i32
        %mul3A_279 = vector.broadcast %mul3A_278 : i32 to vector<16xi32>
        %mul3A_280 = arith.muli %and3A_277, %mul3A_279 : vector<16xi32>
        %shift_right_logical3A_281 = arith.constant 8 : i32
        %shift_right_logical3A_282 = vector.broadcast %shift_right_logical3A_281 : i32 to vector<16xi32>
        %shift_right_logical3A_283 = arith.shrui %gather3A_269, %shift_right_logical3A_282 : vector<16xi32>
        %add3A_284 = arith.addi %mul3A_280, %shift_right_logical3A_283 : vector<16xi32>
        tpu.vector_store_idx %arg7[%add3A_284], %get3A_261 : memref<4368xi32, #tpu.memory_space<vmem>>[vector<16xi32>], vector<16xi32>,
        tpu.vector_store_idx %arg9[%add3A_284], %add3A_274 : memref<4368xi32, #tpu.memory_space<vmem>>[vector<16xi32>], vector<16xi32>,
        %scan3A_285 = arith.constant 0 : i32
        %scan3A_286 = arith.constant 6 : i32
        %scan3A_287 = arith.addi %scan3A_110, %scan3A_286 : i32
        %mul3A_288 = arith.constant 17 : i32
        %mul3A_289 = arith.muli %scan3A_287, %mul3A_288 : i32
        %get3A_290 = arith.index_cast %mul3A_289 : i32 to index
        %get3A_291 = tpu.vector_load %arg6[%get3A_290] {strides = array<i32>} : memref<4368xi32, #tpu.memory_space<vmem>>, vector<16xi32>,
        %shift_right_logical3A_292 = arith.constant 0 : i32
        %shift_right_logical3A_293 = vector.broadcast %shift_right_logical3A_292 : i32 to vector<16xi32>
        %shift_right_logical3A_294 = arith.shrui %get3A_291, %shift_right_logical3A_293 : vector<16xi32>
        %and3A_295 = arith.constant 1023 : i32
        %and3A_296 = vector.broadcast %and3A_295 : i32 to vector<16xi32>
        %and3A_297 = arith.andi %shift_right_logical3A_294, %and3A_296 : vector<16xi32>
        %add3A_298 = arith.addi %mul3A_7, %and3A_297 : vector<16xi32>
        %gather3A_299 = tpu.vector_load_idx %arg10[%add3A_298] : memref<16672xi32, #tpu.memory_space<vmem>>[vector<16xi32>], vector<16xi32>,
        tpu.vector_store_idx %arg10[%add3A_298], %broadcast_in_dim3A_8 {add = true} : memref<16672xi32, #tpu.memory_space<vmem>>[vector<16xi32>], vector<16xi32>,
        %mul3A_300 = arith.constant 256 : i32
        %mul3A_301 = vector.broadcast %mul3A_300 : i32 to vector<16xi32>
        %mul3A_302 = arith.muli %iota3A, %mul3A_301 : vector<16xi32>
        %add3A_303 = vector.broadcast %scan3A_287 : i32 to vector<16xi32>
        %add3A_304 = arith.addi %mul3A_302, %add3A_303 : vector<16xi32>
        %and3A_305 = arith.constant 255 : i32
        %and3A_306 = vector.broadcast %and3A_305 : i32 to vector<16xi32>
        %and3A_307 = arith.andi %gather3A_299, %and3A_306 : vector<16xi32>
        %mul3A_308 = arith.constant 17 : i32
        %mul3A_309 = vector.broadcast %mul3A_308 : i32 to vector<16xi32>
        %mul3A_310 = arith.muli %and3A_307, %mul3A_309 : vector<16xi32>
        %shift_right_logical3A_311 = arith.constant 8 : i32
        %shift_right_logical3A_312 = vector.broadcast %shift_right_logical3A_311 : i32 to vector<16xi32>
        %shift_right_logical3A_313 = arith.shrui %gather3A_299, %shift_right_logical3A_312 : vector<16xi32>
        %add3A_314 = arith.addi %mul3A_310, %shift_right_logical3A_313 : vector<16xi32>
        tpu.vector_store_idx %arg7[%add3A_314], %get3A_291 : memref<4368xi32, #tpu.memory_space<vmem>>[vector<16xi32>], vector<16xi32>,
        tpu.vector_store_idx %arg9[%add3A_314], %add3A_304 : memref<4368xi32, #tpu.memory_space<vmem>>[vector<16xi32>], vector<16xi32>,
        %scan3A_315 = arith.constant 0 : i32
        %scan3A_316 = arith.constant 7 : i32
        %scan3A_317 = arith.addi %scan3A_110, %scan3A_316 : i32
        %mul3A_318 = arith.constant 17 : i32
        %mul3A_319 = arith.muli %scan3A_317, %mul3A_318 : i32
        %get3A_320 = arith.index_cast %mul3A_319 : i32 to index
        %get3A_321 = tpu.vector_load %arg6[%get3A_320] {strides = array<i32>} : memref<4368xi32, #tpu.memory_space<vmem>>, vector<16xi32>,
        %shift_right_logical3A_322 = arith.constant 0 : i32
        %shift_right_logical3A_323 = vector.broadcast %shift_right_logical3A_322 : i32 to vector<16xi32>
        %shift_right_logical3A_324 = arith.shrui %get3A_321, %shift_right_logical3A_323 : vector<16xi32>
        %and3A_325 = arith.constant 1023 : i32
        %and3A_326 = vector.broadcast %and3A_325 : i32 to vector<16xi32>
        %and3A_327 = arith.andi %shift_right_logical3A_324, %and3A_326 : vector<16xi32>
        %add3A_328 = arith.addi %mul3A_7, %and3A_327 : vector<16xi32>
        %gather3A_329 = tpu.vector_load_idx %arg10[%add3A_328] : memref<16672xi32, #tpu.memory_space<vmem>>[vector<16xi32>], vector<16xi32>,
        tpu.vector_store_idx %arg10[%add3A_328], %broadcast_in_dim3A_8 {add = true} : memref<16672xi32, #tpu.memory_space<vmem>>[vector<16xi32>], vector<16xi32>,
        %mul3A_330 = arith.constant 256 : i32
        %mul3A_331 = vector.broadcast %mul3A_330 : i32 to vector<16xi32>
        %mul3A_332 = arith.muli %iota3A, %mul3A_331 : vector<16xi32>
        %add3A_333 = vector.broadcast %scan3A_317 : i32 to vector<16xi32>
        %add3A_334 = arith.addi %mul3A_332, %add3A_333 : vector<16xi32>
        %and3A_335 = arith.constant 255 : i32
        %and3A_336 = vector.broadcast %and3A_335 : i32 to vector<16xi32>
        %and3A_337 = arith.andi %gather3A_329, %and3A_336 : vector<16xi32>
        %mul3A_338 = arith.constant 17 : i32
        %mul3A_339 = vector.broadcast %mul3A_338 : i32 to vector<16xi32>
        %mul3A_340 = arith.muli %and3A_337, %mul3A_339 : vector<16xi32>
        %shift_right_logical3A_341 = arith.constant 8 : i32
        %shift_right_logical3A_342 = vector.broadcast %shift_right_logical3A_341 : i32 to vector<16xi32>
        %shift_right_logical3A_343 = arith.shrui %gather3A_329, %shift_right_logical3A_342 : vector<16xi32>
        %add3A_344 = arith.addi %mul3A_340, %shift_right_logical3A_343 : vector<16xi32>
        tpu.vector_store_idx %arg7[%add3A_344], %get3A_321 : memref<4368xi32, #tpu.memory_space<vmem>>[vector<16xi32>], vector<16xi32>,
        tpu.vector_store_idx %arg9[%add3A_344], %add3A_334 : memref<4368xi32, #tpu.memory_space<vmem>>[vector<16xi32>], vector<16xi32>,
        %scan3A_345 = arith.constant 0 : i32
        scf.yield %scan3A_345 : i32
      }
      %scan3A_67 = arith.constant 256 : i32
      %scan3A_68 = arith.constant 0 : i32
      %scan3A_69 = arith.constant 0 : i32
      %scan3A_70 = arith.constant 256 : i32
      %scan3A_71 = arith.addi %scan3A_69, %scan3A_70 : i32
      %scan3A_72 = arith.constant 8 : i32
      %scan3A_73 = scf.for %scan3A_110 = %scan3A_69 to %scan3A_71 step %scan3A_72 iter_args(%scan3A_111 = %scan3A_68) -> (i32)  : i32 {
        %mul3A_112 = arith.constant 17 : i32
        %mul3A_113 = arith.muli %scan3A_110, %mul3A_112 : i32
        %get3A = arith.index_cast %mul3A_113 : i32 to index
        %get3A_114 = tpu.vector_load %arg7[%get3A] {strides = array<i32>} : memref<4368xi32, #tpu.memory_space<vmem>>, vector<16xi32>,
        %shift_right_logical3A = arith.constant 10 : i32
        %shift_right_logical3A_115 = vector.broadcast %shift_right_logical3A : i32 to vector<16xi32>
        %shift_right_logical3A_116 = arith.shrui %get3A_114, %shift_right_logical3A_115 : vector<16xi32>
        %and3A = arith.constant 1023 : i32
        %and3A_117 = vector.broadcast %and3A : i32 to vector<16xi32>
        %and3A_118 = arith.andi %shift_right_logical3A_116, %and3A_117 : vector<16xi32>
        %add3A_119 = arith.addi %mul3A_7, %and3A_118 : vector<16xi32>
        tpu.vector_store_idx %arg11[%add3A_119], %broadcast_in_dim3A_8 {add = true} : memref<16672xi32, #tpu.memory_space<vmem>>[vector<16xi32>], vector<16xi32>,
        %scan3A_120 = arith.constant 0 : i32
        %scan3A_121 = arith.constant 1 : i32
        %scan3A_122 = arith.addi %scan3A_110, %scan3A_121 : i32
        %mul3A_123 = arith.constant 17 : i32
        %mul3A_124 = arith.muli %scan3A_122, %mul3A_123 : i32
        %get3A_125 = arith.index_cast %mul3A_124 : i32 to index
        %get3A_126 = tpu.vector_load %arg7[%get3A_125] {strides = array<i32>} : memref<4368xi32, #tpu.memory_space<vmem>>, vector<16xi32>,
        %shift_right_logical3A_127 = arith.constant 10 : i32
        %shift_right_logical3A_128 = vector.broadcast %shift_right_logical3A_127 : i32 to vector<16xi32>
        %shift_right_logical3A_129 = arith.shrui %get3A_126, %shift_right_logical3A_128 : vector<16xi32>
        %and3A_130 = arith.constant 1023 : i32
        %and3A_131 = vector.broadcast %and3A_130 : i32 to vector<16xi32>
        %and3A_132 = arith.andi %shift_right_logical3A_129, %and3A_131 : vector<16xi32>
        %add3A_133 = arith.addi %mul3A_7, %and3A_132 : vector<16xi32>
        tpu.vector_store_idx %arg11[%add3A_133], %broadcast_in_dim3A_8 {add = true} : memref<16672xi32, #tpu.memory_space<vmem>>[vector<16xi32>], vector<16xi32>,
        %scan3A_134 = arith.constant 0 : i32
        %scan3A_135 = arith.constant 2 : i32
        %scan3A_136 = arith.addi %scan3A_110, %scan3A_135 : i32
        %mul3A_137 = arith.constant 17 : i32
        %mul3A_138 = arith.muli %scan3A_136, %mul3A_137 : i32
        %get3A_139 = arith.index_cast %mul3A_138 : i32 to index
        %get3A_140 = tpu.vector_load %arg7[%get3A_139] {strides = array<i32>} : memref<4368xi32, #tpu.memory_space<vmem>>, vector<16xi32>,
        %shift_right_logical3A_141 = arith.constant 10 : i32
        %shift_right_logical3A_142 = vector.broadcast %shift_right_logical3A_141 : i32 to vector<16xi32>
        %shift_right_logical3A_143 = arith.shrui %get3A_140, %shift_right_logical3A_142 : vector<16xi32>
        %and3A_144 = arith.constant 1023 : i32
        %and3A_145 = vector.broadcast %and3A_144 : i32 to vector<16xi32>
        %and3A_146 = arith.andi %shift_right_logical3A_143, %and3A_145 : vector<16xi32>
        %add3A_147 = arith.addi %mul3A_7, %and3A_146 : vector<16xi32>
        tpu.vector_store_idx %arg11[%add3A_147], %broadcast_in_dim3A_8 {add = true} : memref<16672xi32, #tpu.memory_space<vmem>>[vector<16xi32>], vector<16xi32>,
        %scan3A_148 = arith.constant 0 : i32
        %scan3A_149 = arith.constant 3 : i32
        %scan3A_150 = arith.addi %scan3A_110, %scan3A_149 : i32
        %mul3A_151 = arith.constant 17 : i32
        %mul3A_152 = arith.muli %scan3A_150, %mul3A_151 : i32
        %get3A_153 = arith.index_cast %mul3A_152 : i32 to index
        %get3A_154 = tpu.vector_load %arg7[%get3A_153] {strides = array<i32>} : memref<4368xi32, #tpu.memory_space<vmem>>, vector<16xi32>,
        %shift_right_logical3A_155 = arith.constant 10 : i32
        %shift_right_logical3A_156 = vector.broadcast %shift_right_logical3A_155 : i32 to vector<16xi32>
        %shift_right_logical3A_157 = arith.shrui %get3A_154, %shift_right_logical3A_156 : vector<16xi32>
        %and3A_158 = arith.constant 1023 : i32
        %and3A_159 = vector.broadcast %and3A_158 : i32 to vector<16xi32>
        %and3A_160 = arith.andi %shift_right_logical3A_157, %and3A_159 : vector<16xi32>
        %add3A_161 = arith.addi %mul3A_7, %and3A_160 : vector<16xi32>
        tpu.vector_store_idx %arg11[%add3A_161], %broadcast_in_dim3A_8 {add = true} : memref<16672xi32, #tpu.memory_space<vmem>>[vector<16xi32>], vector<16xi32>,
        %scan3A_162 = arith.constant 0 : i32
        %scan3A_163 = arith.constant 4 : i32
        %scan3A_164 = arith.addi %scan3A_110, %scan3A_163 : i32
        %mul3A_165 = arith.constant 17 : i32
        %mul3A_166 = arith.muli %scan3A_164, %mul3A_165 : i32
        %get3A_167 = arith.index_cast %mul3A_166 : i32 to index
        %get3A_168 = tpu.vector_load %arg7[%get3A_167] {strides = array<i32>} : memref<4368xi32, #tpu.memory_space<vmem>>, vector<16xi32>,
        %shift_right_logical3A_169 = arith.constant 10 : i32
        %shift_right_logical3A_170 = vector.broadcast %shift_right_logical3A_169 : i32 to vector<16xi32>
        %shift_right_logical3A_171 = arith.shrui %get3A_168, %shift_right_logical3A_170 : vector<16xi32>
        %and3A_172 = arith.constant 1023 : i32
        %and3A_173 = vector.broadcast %and3A_172 : i32 to vector<16xi32>
        %and3A_174 = arith.andi %shift_right_logical3A_171, %and3A_173 : vector<16xi32>
        %add3A_175 = arith.addi %mul3A_7, %and3A_174 : vector<16xi32>
        tpu.vector_store_idx %arg11[%add3A_175], %broadcast_in_dim3A_8 {add = true} : memref<16672xi32, #tpu.memory_space<vmem>>[vector<16xi32>], vector<16xi32>,
        %scan3A_176 = arith.constant 0 : i32
        %scan3A_177 = arith.constant 5 : i32
        %scan3A_178 = arith.addi %scan3A_110, %scan3A_177 : i32
        %mul3A_179 = arith.constant 17 : i32
        %mul3A_180 = arith.muli %scan3A_178, %mul3A_179 : i32
        %get3A_181 = arith.index_cast %mul3A_180 : i32 to index
        %get3A_182 = tpu.vector_load %arg7[%get3A_181] {strides = array<i32>} : memref<4368xi32, #tpu.memory_space<vmem>>, vector<16xi32>,
        %shift_right_logical3A_183 = arith.constant 10 : i32
        %shift_right_logical3A_184 = vector.broadcast %shift_right_logical3A_183 : i32 to vector<16xi32>
        %shift_right_logical3A_185 = arith.shrui %get3A_182, %shift_right_logical3A_184 : vector<16xi32>
        %and3A_186 = arith.constant 1023 : i32
        %and3A_187 = vector.broadcast %and3A_186 : i32 to vector<16xi32>
        %and3A_188 = arith.andi %shift_right_logical3A_185, %and3A_187 : vector<16xi32>
        %add3A_189 = arith.addi %mul3A_7, %and3A_188 : vector<16xi32>
        tpu.vector_store_idx %arg11[%add3A_189], %broadcast_in_dim3A_8 {add = true} : memref<16672xi32, #tpu.memory_space<vmem>>[vector<16xi32>], vector<16xi32>,
        %scan3A_190 = arith.constant 0 : i32
        %scan3A_191 = arith.constant 6 : i32
        %scan3A_192 = arith.addi %scan3A_110, %scan3A_191 : i32
        %mul3A_193 = arith.constant 17 : i32
        %mul3A_194 = arith.muli %scan3A_192, %mul3A_193 : i32
        %get3A_195 = arith.index_cast %mul3A_194 : i32 to index
        %get3A_196 = tpu.vector_load %arg7[%get3A_195] {strides = array<i32>} : memref<4368xi32, #tpu.memory_space<vmem>>, vector<16xi32>,
        %shift_right_logical3A_197 = arith.constant 10 : i32
        %shift_right_logical3A_198 = vector.broadcast %shift_right_logical3A_197 : i32 to vector<16xi32>
        %shift_right_logical3A_199 = arith.shrui %get3A_196, %shift_right_logical3A_198 : vector<16xi32>
        %and3A_200 = arith.constant 1023 : i32
        %and3A_201 = vector.broadcast %and3A_200 : i32 to vector<16xi32>
        %and3A_202 = arith.andi %shift_right_logical3A_199, %and3A_201 : vector<16xi32>
        %add3A_203 = arith.addi %mul3A_7, %and3A_202 : vector<16xi32>
        tpu.vector_store_idx %arg11[%add3A_203], %broadcast_in_dim3A_8 {add = true} : memref<16672xi32, #tpu.memory_space<vmem>>[vector<16xi32>], vector<16xi32>,
        %scan3A_204 = arith.constant 0 : i32
        %scan3A_205 = arith.constant 7 : i32
        %scan3A_206 = arith.addi %scan3A_110, %scan3A_205 : i32
        %mul3A_207 = arith.constant 17 : i32
        %mul3A_208 = arith.muli %scan3A_206, %mul3A_207 : i32
        %get3A_209 = arith.index_cast %mul3A_208 : i32 to index
        %get3A_210 = tpu.vector_load %arg7[%get3A_209] {strides = array<i32>} : memref<4368xi32, #tpu.memory_space<vmem>>, vector<16xi32>,
        %shift_right_logical3A_211 = arith.constant 10 : i32
        %shift_right_logical3A_212 = vector.broadcast %shift_right_logical3A_211 : i32 to vector<16xi32>
        %shift_right_logical3A_213 = arith.shrui %get3A_210, %shift_right_logical3A_212 : vector<16xi32>
        %and3A_214 = arith.constant 1023 : i32
        %and3A_215 = vector.broadcast %and3A_214 : i32 to vector<16xi32>
        %and3A_216 = arith.andi %shift_right_logical3A_213, %and3A_215 : vector<16xi32>
        %add3A_217 = arith.addi %mul3A_7, %and3A_216 : vector<16xi32>
        tpu.vector_store_idx %arg11[%add3A_217], %broadcast_in_dim3A_8 {add = true} : memref<16672xi32, #tpu.memory_space<vmem>>[vector<16xi32>], vector<16xi32>,
        %scan3A_218 = arith.constant 0 : i32
        scf.yield %scan3A_218 : i32
      }
      %scan3A_74 = arith.constant 256 : i32
      %scan3A_75 = arith.constant 0 : i32
      %scan3A_76 = arith.constant 0 : i32
      %scan3A_77 = arith.constant 64 : i32
      %scan3A_78 = arith.addi %scan3A_76, %scan3A_77 : i32
      %scan3A_79 = arith.constant 2 : i32
      %scan3A_80 = scf.for %scan3A_110 = %scan3A_76 to %scan3A_78 step %scan3A_79 iter_args(%scan3A_111 = %scan3A_75) -> (i32)  : i32 {
        %mul3A_112 = arith.constant 16 : i32
        %mul3A_113 = arith.muli %scan3A_110, %mul3A_112 : i32
        %add3A_114 = arith.constant 0 : i32
        %add3A_115 = arith.addi %add3A_114, %mul3A_113 : i32
        %get3A = arith.index_cast %add3A_115 : i32 to index
        %get3A_116 = tpu.vector_load %arg11[%get3A] {strides = array<i32>} : memref<16672xi32, #tpu.memory_space<vmem>>, vector<16xi32>,
        %mul3A_117 = arith.constant 16 : i32
        %mul3A_118 = arith.muli %scan3A_110, %mul3A_117 : i32
        %add3A_119 = arith.constant 1041 : i32
        %add3A_120 = arith.addi %add3A_119, %mul3A_118 : i32
        %get3A_121 = arith.index_cast %add3A_120 : i32 to index
        %get3A_122 = tpu.vector_load %arg11[%get3A_121] {strides = array<i32>} : memref<16672xi32, #tpu.memory_space<vmem>>, vector<16xi32>,
        %mul3A_123 = arith.constant 16 : i32
        %mul3A_124 = arith.muli %scan3A_110, %mul3A_123 : i32
        %add3A_125 = arith.constant 2082 : i32
        %add3A_126 = arith.addi %add3A_125, %mul3A_124 : i32
        %get3A_127 = arith.index_cast %add3A_126 : i32 to index
        %get3A_128 = tpu.vector_load %arg11[%get3A_127] {strides = array<i32>} : memref<16672xi32, #tpu.memory_space<vmem>>, vector<16xi32>,
        %mul3A_129 = arith.constant 16 : i32
        %mul3A_130 = arith.muli %scan3A_110, %mul3A_129 : i32
        %add3A_131 = arith.constant 3123 : i32
        %add3A_132 = arith.addi %add3A_131, %mul3A_130 : i32
        %get3A_133 = arith.index_cast %add3A_132 : i32 to index
        %get3A_134 = tpu.vector_load %arg11[%get3A_133] {strides = array<i32>} : memref<16672xi32, #tpu.memory_space<vmem>>, vector<16xi32>,
        %mul3A_135 = arith.constant 16 : i32
        %mul3A_136 = arith.muli %scan3A_110, %mul3A_135 : i32
        %add3A_137 = arith.constant 4164 : i32
        %add3A_138 = arith.addi %add3A_137, %mul3A_136 : i32
        %get3A_139 = arith.index_cast %add3A_138 : i32 to index
        %get3A_140 = tpu.vector_load %arg11[%get3A_139] {strides = array<i32>} : memref<16672xi32, #tpu.memory_space<vmem>>, vector<16xi32>,
        %mul3A_141 = arith.constant 16 : i32
        %mul3A_142 = arith.muli %scan3A_110, %mul3A_141 : i32
        %add3A_143 = arith.constant 5205 : i32
        %add3A_144 = arith.addi %add3A_143, %mul3A_142 : i32
        %get3A_145 = arith.index_cast %add3A_144 : i32 to index
        %get3A_146 = tpu.vector_load %arg11[%get3A_145] {strides = array<i32>} : memref<16672xi32, #tpu.memory_space<vmem>>, vector<16xi32>,
        %mul3A_147 = arith.constant 16 : i32
        %mul3A_148 = arith.muli %scan3A_110, %mul3A_147 : i32
        %add3A_149 = arith.constant 6246 : i32
        %add3A_150 = arith.addi %add3A_149, %mul3A_148 : i32
        %get3A_151 = arith.index_cast %add3A_150 : i32 to index
        %get3A_152 = tpu.vector_load %arg11[%get3A_151] {strides = array<i32>} : memref<16672xi32, #tpu.memory_space<vmem>>, vector<16xi32>,
        %mul3A_153 = arith.constant 16 : i32
        %mul3A_154 = arith.muli %scan3A_110, %mul3A_153 : i32
        %add3A_155 = arith.constant 7287 : i32
        %add3A_156 = arith.addi %add3A_155, %mul3A_154 : i32
        %get3A_157 = arith.index_cast %add3A_156 : i32 to index
        %get3A_158 = tpu.vector_load %arg11[%get3A_157] {strides = array<i32>} : memref<16672xi32, #tpu.memory_space<vmem>>, vector<16xi32>,
        %mul3A_159 = arith.constant 16 : i32
        %mul3A_160 = arith.muli %scan3A_110, %mul3A_159 : i32
        %add3A_161 = arith.constant 8328 : i32
        %add3A_162 = arith.addi %add3A_161, %mul3A_160 : i32
        %get3A_163 = arith.index_cast %add3A_162 : i32 to index
        %get3A_164 = tpu.vector_load %arg11[%get3A_163] {strides = array<i32>} : memref<16672xi32, #tpu.memory_space<vmem>>, vector<16xi32>,
        %mul3A_165 = arith.constant 16 : i32
        %mul3A_166 = arith.muli %scan3A_110, %mul3A_165 : i32
        %add3A_167 = arith.constant 9369 : i32
        %add3A_168 = arith.addi %add3A_167, %mul3A_166 : i32
        %get3A_169 = arith.index_cast %add3A_168 : i32 to index
        %get3A_170 = tpu.vector_load %arg11[%get3A_169] {strides = array<i32>} : memref<16672xi32, #tpu.memory_space<vmem>>, vector<16xi32>,
        %mul3A_171 = arith.constant 16 : i32
        %mul3A_172 = arith.muli %scan3A_110, %mul3A_171 : i32
        %add3A_173 = arith.constant 10410 : i32
        %add3A_174 = arith.addi %add3A_173, %mul3A_172 : i32
        %get3A_175 = arith.index_cast %add3A_174 : i32 to index
        %get3A_176 = tpu.vector_load %arg11[%get3A_175] {strides = array<i32>} : memref<16672xi32, #tpu.memory_space<vmem>>, vector<16xi32>,
        %mul3A_177 = arith.constant 16 : i32
        %mul3A_178 = arith.muli %scan3A_110, %mul3A_177 : i32
        %add3A_179 = arith.constant 11451 : i32
        %add3A_180 = arith.addi %add3A_179, %mul3A_178 : i32
        %get3A_181 = arith.index_cast %add3A_180 : i32 to index
        %get3A_182 = tpu.vector_load %arg11[%get3A_181] {strides = array<i32>} : memref<16672xi32, #tpu.memory_space<vmem>>, vector<16xi32>,
        %mul3A_183 = arith.constant 16 : i32
        %mul3A_184 = arith.muli %scan3A_110, %mul3A_183 : i32
        %add3A_185 = arith.constant 12492 : i32
        %add3A_186 = arith.addi %add3A_185, %mul3A_184 : i32
        %get3A_187 = arith.index_cast %add3A_186 : i32 to index
        %get3A_188 = tpu.vector_load %arg11[%get3A_187] {strides = array<i32>} : memref<16672xi32, #tpu.memory_space<vmem>>, vector<16xi32>,
        %mul3A_189 = arith.constant 16 : i32
        %mul3A_190 = arith.muli %scan3A_110, %mul3A_189 : i32
        %add3A_191 = arith.constant 13533 : i32
        %add3A_192 = arith.addi %add3A_191, %mul3A_190 : i32
        %get3A_193 = arith.index_cast %add3A_192 : i32 to index
        %get3A_194 = tpu.vector_load %arg11[%get3A_193] {strides = array<i32>} : memref<16672xi32, #tpu.memory_space<vmem>>, vector<16xi32>,
        %mul3A_195 = arith.constant 16 : i32
        %mul3A_196 = arith.muli %scan3A_110, %mul3A_195 : i32
        %add3A_197 = arith.constant 14574 : i32
        %add3A_198 = arith.addi %add3A_197, %mul3A_196 : i32
        %get3A_199 = arith.index_cast %add3A_198 : i32 to index
        %get3A_200 = tpu.vector_load %arg11[%get3A_199] {strides = array<i32>} : memref<16672xi32, #tpu.memory_space<vmem>>, vector<16xi32>,
        %mul3A_201 = arith.constant 16 : i32
        %mul3A_202 = arith.muli %scan3A_110, %mul3A_201 : i32
        %add3A_203 = arith.constant 15615 : i32
        %add3A_204 = arith.addi %add3A_203, %mul3A_202 : i32
        %get3A_205 = arith.index_cast %add3A_204 : i32 to index
        %get3A_206 = tpu.vector_load %arg11[%get3A_205] {strides = array<i32>} : memref<16672xi32, #tpu.memory_space<vmem>>, vector<16xi32>,
        %add3A_207 = arith.addi %get3A_116, %get3A_122 : vector<16xi32>
        %add3A_208 = arith.addi %add3A_207, %get3A_128 : vector<16xi32>
        %add3A_209 = arith.addi %add3A_208, %get3A_134 : vector<16xi32>
        %add3A_210 = arith.addi %add3A_209, %get3A_140 : vector<16xi32>
        %add3A_211 = arith.addi %add3A_210, %get3A_146 : vector<16xi32>
        %add3A_212 = arith.addi %add3A_211, %get3A_152 : vector<16xi32>
        %add3A_213 = arith.addi %add3A_212, %get3A_158 : vector<16xi32>
        %add3A_214 = arith.addi %add3A_213, %get3A_164 : vector<16xi32>
        %add3A_215 = arith.addi %add3A_214, %get3A_170 : vector<16xi32>
        %add3A_216 = arith.addi %add3A_215, %get3A_176 : vector<16xi32>
        %add3A_217 = arith.addi %add3A_216, %get3A_182 : vector<16xi32>
        %add3A_218 = arith.addi %add3A_217, %get3A_188 : vector<16xi32>
        %add3A_219 = arith.addi %add3A_218, %get3A_194 : vector<16xi32>
        %add3A_220 = arith.addi %add3A_219, %get3A_200 : vector<16xi32>
        %add3A_221 = arith.addi %add3A_220, %get3A_206 : vector<16xi32>
        %broadcast_in_dim3A_222 = arith.constant true
        %broadcast_in_dim3A_223 = vector.broadcast %broadcast_in_dim3A_222 : i1 to vector<16xi1>
        %masked_cumsum3A = tpu.scan <sum>, %add3A_221 masked %broadcast_in_dim3A_223 : vector<16xi32>, vector<16xi1> -> vector<16xi32>
        %sub3A = arith.subi %masked_cumsum3A, %add3A_221 : vector<16xi32>
        %add3A_224 = vector.broadcast %scan3A_111 : i32 to vector<16xi32>
        %add3A_225 = arith.addi %sub3A, %add3A_224 : vector<16xi32>
        %mul3A_226 = arith.constant 16 : i32
        %mul3A_227 = arith.muli %scan3A_110, %mul3A_226 : i32
        %add3A_228 = arith.constant 0 : i32
        %add3A_229 = arith.addi %add3A_228, %mul3A_227 : i32
        %swap3A_230 = arith.index_cast %add3A_229 : i32 to index
        %swap3A_231 = tpu.vector_load %arg11[%swap3A_230] {strides = array<i32>} : memref<16672xi32, #tpu.memory_space<vmem>>, vector<16xi32>,
        tpu.vector_store %arg11[%swap3A_230], %add3A_225 {strides = array<i32>} : memref<16672xi32, #tpu.memory_space<vmem>>, vector<16xi32>,
        %add3A_232 = arith.addi %add3A_225, %get3A_116 : vector<16xi32>
        %mul3A_233 = arith.constant 16 : i32
        %mul3A_234 = arith.muli %scan3A_110, %mul3A_233 : i32
        %add3A_235 = arith.constant 1041 : i32
        %add3A_236 = arith.addi %add3A_235, %mul3A_234 : i32
        %swap3A_237 = arith.index_cast %add3A_236 : i32 to index
        %swap3A_238 = tpu.vector_load %arg11[%swap3A_237] {strides = array<i32>} : memref<16672xi32, #tpu.memory_space<vmem>>, vector<16xi32>,
        tpu.vector_store %arg11[%swap3A_237], %add3A_232 {strides = array<i32>} : memref<16672xi32, #tpu.memory_space<vmem>>, vector<16xi32>,
        %add3A_239 = arith.addi %add3A_232, %get3A_122 : vector<16xi32>
        %mul3A_240 = arith.constant 16 : i32
        %mul3A_241 = arith.muli %scan3A_110, %mul3A_240 : i32
        %add3A_242 = arith.constant 2082 : i32
        %add3A_243 = arith.addi %add3A_242, %mul3A_241 : i32
        %swap3A_244 = arith.index_cast %add3A_243 : i32 to index
        %swap3A_245 = tpu.vector_load %arg11[%swap3A_244] {strides = array<i32>} : memref<16672xi32, #tpu.memory_space<vmem>>, vector<16xi32>,
        tpu.vector_store %arg11[%swap3A_244], %add3A_239 {strides = array<i32>} : memref<16672xi32, #tpu.memory_space<vmem>>, vector<16xi32>,
        %add3A_246 = arith.addi %add3A_239, %get3A_128 : vector<16xi32>
        %mul3A_247 = arith.constant 16 : i32
        %mul3A_248 = arith.muli %scan3A_110, %mul3A_247 : i32
        %add3A_249 = arith.constant 3123 : i32
        %add3A_250 = arith.addi %add3A_249, %mul3A_248 : i32
        %swap3A_251 = arith.index_cast %add3A_250 : i32 to index
        %swap3A_252 = tpu.vector_load %arg11[%swap3A_251] {strides = array<i32>} : memref<16672xi32, #tpu.memory_space<vmem>>, vector<16xi32>,
        tpu.vector_store %arg11[%swap3A_251], %add3A_246 {strides = array<i32>} : memref<16672xi32, #tpu.memory_space<vmem>>, vector<16xi32>,
        %add3A_253 = arith.addi %add3A_246, %get3A_134 : vector<16xi32>
        %mul3A_254 = arith.constant 16 : i32
        %mul3A_255 = arith.muli %scan3A_110, %mul3A_254 : i32
        %add3A_256 = arith.constant 4164 : i32
        %add3A_257 = arith.addi %add3A_256, %mul3A_255 : i32
        %swap3A_258 = arith.index_cast %add3A_257 : i32 to index
        %swap3A_259 = tpu.vector_load %arg11[%swap3A_258] {strides = array<i32>} : memref<16672xi32, #tpu.memory_space<vmem>>, vector<16xi32>,
        tpu.vector_store %arg11[%swap3A_258], %add3A_253 {strides = array<i32>} : memref<16672xi32, #tpu.memory_space<vmem>>, vector<16xi32>,
        %add3A_260 = arith.addi %add3A_253, %get3A_140 : vector<16xi32>
        %mul3A_261 = arith.constant 16 : i32
        %mul3A_262 = arith.muli %scan3A_110, %mul3A_261 : i32
        %add3A_263 = arith.constant 5205 : i32
        %add3A_264 = arith.addi %add3A_263, %mul3A_262 : i32
        %swap3A_265 = arith.index_cast %add3A_264 : i32 to index
        %swap3A_266 = tpu.vector_load %arg11[%swap3A_265] {strides = array<i32>} : memref<16672xi32, #tpu.memory_space<vmem>>, vector<16xi32>,
        tpu.vector_store %arg11[%swap3A_265], %add3A_260 {strides = array<i32>} : memref<16672xi32, #tpu.memory_space<vmem>>, vector<16xi32>,
        %add3A_267 = arith.addi %add3A_260, %get3A_146 : vector<16xi32>
        %mul3A_268 = arith.constant 16 : i32
        %mul3A_269 = arith.muli %scan3A_110, %mul3A_268 : i32
        %add3A_270 = arith.constant 6246 : i32
        %add3A_271 = arith.addi %add3A_270, %mul3A_269 : i32
        %swap3A_272 = arith.index_cast %add3A_271 : i32 to index
        %swap3A_273 = tpu.vector_load %arg11[%swap3A_272] {strides = array<i32>} : memref<16672xi32, #tpu.memory_space<vmem>>, vector<16xi32>,
        tpu.vector_store %arg11[%swap3A_272], %add3A_267 {strides = array<i32>} : memref<16672xi32, #tpu.memory_space<vmem>>, vector<16xi32>,
        %add3A_274 = arith.addi %add3A_267, %get3A_152 : vector<16xi32>
        %mul3A_275 = arith.constant 16 : i32
        %mul3A_276 = arith.muli %scan3A_110, %mul3A_275 : i32
        %add3A_277 = arith.constant 7287 : i32
        %add3A_278 = arith.addi %add3A_277, %mul3A_276 : i32
        %swap3A_279 = arith.index_cast %add3A_278 : i32 to index
        %swap3A_280 = tpu.vector_load %arg11[%swap3A_279] {strides = array<i32>} : memref<16672xi32, #tpu.memory_space<vmem>>, vector<16xi32>,
        tpu.vector_store %arg11[%swap3A_279], %add3A_274 {strides = array<i32>} : memref<16672xi32, #tpu.memory_space<vmem>>, vector<16xi32>,
        %add3A_281 = arith.addi %add3A_274, %get3A_158 : vector<16xi32>
        %mul3A_282 = arith.constant 16 : i32
        %mul3A_283 = arith.muli %scan3A_110, %mul3A_282 : i32
        %add3A_284 = arith.constant 8328 : i32
        %add3A_285 = arith.addi %add3A_284, %mul3A_283 : i32
        %swap3A_286 = arith.index_cast %add3A_285 : i32 to index
        %swap3A_287 = tpu.vector_load %arg11[%swap3A_286] {strides = array<i32>} : memref<16672xi32, #tpu.memory_space<vmem>>, vector<16xi32>,
        tpu.vector_store %arg11[%swap3A_286], %add3A_281 {strides = array<i32>} : memref<16672xi32, #tpu.memory_space<vmem>>, vector<16xi32>,
        %add3A_288 = arith.addi %add3A_281, %get3A_164 : vector<16xi32>
        %mul3A_289 = arith.constant 16 : i32
        %mul3A_290 = arith.muli %scan3A_110, %mul3A_289 : i32
        %add3A_291 = arith.constant 9369 : i32
        %add3A_292 = arith.addi %add3A_291, %mul3A_290 : i32
        %swap3A_293 = arith.index_cast %add3A_292 : i32 to index
        %swap3A_294 = tpu.vector_load %arg11[%swap3A_293] {strides = array<i32>} : memref<16672xi32, #tpu.memory_space<vmem>>, vector<16xi32>,
        tpu.vector_store %arg11[%swap3A_293], %add3A_288 {strides = array<i32>} : memref<16672xi32, #tpu.memory_space<vmem>>, vector<16xi32>,
        %add3A_295 = arith.addi %add3A_288, %get3A_170 : vector<16xi32>
        %mul3A_296 = arith.constant 16 : i32
        %mul3A_297 = arith.muli %scan3A_110, %mul3A_296 : i32
        %add3A_298 = arith.constant 10410 : i32
        %add3A_299 = arith.addi %add3A_298, %mul3A_297 : i32
        %swap3A_300 = arith.index_cast %add3A_299 : i32 to index
        %swap3A_301 = tpu.vector_load %arg11[%swap3A_300] {strides = array<i32>} : memref<16672xi32, #tpu.memory_space<vmem>>, vector<16xi32>,
        tpu.vector_store %arg11[%swap3A_300], %add3A_295 {strides = array<i32>} : memref<16672xi32, #tpu.memory_space<vmem>>, vector<16xi32>,
        %add3A_302 = arith.addi %add3A_295, %get3A_176 : vector<16xi32>
        %mul3A_303 = arith.constant 16 : i32
        %mul3A_304 = arith.muli %scan3A_110, %mul3A_303 : i32
        %add3A_305 = arith.constant 11451 : i32
        %add3A_306 = arith.addi %add3A_305, %mul3A_304 : i32
        %swap3A_307 = arith.index_cast %add3A_306 : i32 to index
        %swap3A_308 = tpu.vector_load %arg11[%swap3A_307] {strides = array<i32>} : memref<16672xi32, #tpu.memory_space<vmem>>, vector<16xi32>,
        tpu.vector_store %arg11[%swap3A_307], %add3A_302 {strides = array<i32>} : memref<16672xi32, #tpu.memory_space<vmem>>, vector<16xi32>,
        %add3A_309 = arith.addi %add3A_302, %get3A_182 : vector<16xi32>
        %mul3A_310 = arith.constant 16 : i32
        %mul3A_311 = arith.muli %scan3A_110, %mul3A_310 : i32
        %add3A_312 = arith.constant 12492 : i32
        %add3A_313 = arith.addi %add3A_312, %mul3A_311 : i32
        %swap3A_314 = arith.index_cast %add3A_313 : i32 to index
        %swap3A_315 = tpu.vector_load %arg11[%swap3A_314] {strides = array<i32>} : memref<16672xi32, #tpu.memory_space<vmem>>, vector<16xi32>,
        tpu.vector_store %arg11[%swap3A_314], %add3A_309 {strides = array<i32>} : memref<16672xi32, #tpu.memory_space<vmem>>, vector<16xi32>,
        %add3A_316 = arith.addi %add3A_309, %get3A_188 : vector<16xi32>
        %mul3A_317 = arith.constant 16 : i32
        %mul3A_318 = arith.muli %scan3A_110, %mul3A_317 : i32
        %add3A_319 = arith.constant 13533 : i32
        %add3A_320 = arith.addi %add3A_319, %mul3A_318 : i32
        %swap3A_321 = arith.index_cast %add3A_320 : i32 to index
        %swap3A_322 = tpu.vector_load %arg11[%swap3A_321] {strides = array<i32>} : memref<16672xi32, #tpu.memory_space<vmem>>, vector<16xi32>,
        tpu.vector_store %arg11[%swap3A_321], %add3A_316 {strides = array<i32>} : memref<16672xi32, #tpu.memory_space<vmem>>, vector<16xi32>,
        %add3A_323 = arith.addi %add3A_316, %get3A_194 : vector<16xi32>
        %mul3A_324 = arith.constant 16 : i32
        %mul3A_325 = arith.muli %scan3A_110, %mul3A_324 : i32
        %add3A_326 = arith.constant 14574 : i32
        %add3A_327 = arith.addi %add3A_326, %mul3A_325 : i32
        %swap3A_328 = arith.index_cast %add3A_327 : i32 to index
        %swap3A_329 = tpu.vector_load %arg11[%swap3A_328] {strides = array<i32>} : memref<16672xi32, #tpu.memory_space<vmem>>, vector<16xi32>,
        tpu.vector_store %arg11[%swap3A_328], %add3A_323 {strides = array<i32>} : memref<16672xi32, #tpu.memory_space<vmem>>, vector<16xi32>,
        %add3A_330 = arith.addi %add3A_323, %get3A_200 : vector<16xi32>
        %mul3A_331 = arith.constant 16 : i32
        %mul3A_332 = arith.muli %scan3A_110, %mul3A_331 : i32
        %add3A_333 = arith.constant 15615 : i32
        %add3A_334 = arith.addi %add3A_333, %mul3A_332 : i32
        %swap3A_335 = arith.index_cast %add3A_334 : i32 to index
        %swap3A_336 = tpu.vector_load %arg11[%swap3A_335] {strides = array<i32>} : memref<16672xi32, #tpu.memory_space<vmem>>, vector<16xi32>,
        tpu.vector_store %arg11[%swap3A_335], %add3A_330 {strides = array<i32>} : memref<16672xi32, #tpu.memory_space<vmem>>, vector<16xi32>,
        %reduce_sum3A = arith.constant true
        %reduce_sum3A_337 = vector.broadcast %reduce_sum3A : i1 to vector<16xi1>
        %reduce_sum3A_338 = tpu.scan <sum>, %add3A_221 masked %reduce_sum3A_337 : vector<16xi32>, vector<16xi1> -> vector<16xi32>
        %reduce_sum3A_339 = vector.extract %reduce_sum3A_338[15] : i32 from vector<16xi32>
        %add3A_340 = arith.addi %scan3A_111, %reduce_sum3A_339 : i32
        %scan3A_341 = arith.constant 1 : i32
        %scan3A_342 = arith.addi %scan3A_110, %scan3A_341 : i32
        %mul3A_343 = arith.constant 16 : i32
        %mul3A_344 = arith.muli %scan3A_342, %mul3A_343 : i32
        %add3A_345 = arith.constant 0 : i32
        %add3A_346 = arith.addi %add3A_345, %mul3A_344 : i32
        %get3A_347 = arith.index_cast %add3A_346 : i32 to index
        %get3A_348 = tpu.vector_load %arg11[%get3A_347] {strides = array<i32>} : memref<16672xi32, #tpu.memory_space<vmem>>, vector<16xi32>,
        %mul3A_349 = arith.constant 16 : i32
        %mul3A_350 = arith.muli %scan3A_342, %mul3A_349 : i32
        %add3A_351 = arith.constant 1041 : i32
        %add3A_352 = arith.addi %add3A_351, %mul3A_350 : i32
        %get3A_353 = arith.index_cast %add3A_352 : i32 to index
        %get3A_354 = tpu.vector_load %arg11[%get3A_353] {strides = array<i32>} : memref<16672xi32, #tpu.memory_space<vmem>>, vector<16xi32>,
        %mul3A_355 = arith.constant 16 : i32
        %mul3A_356 = arith.muli %scan3A_342, %mul3A_355 : i32
        %add3A_357 = arith.constant 2082 : i32
        %add3A_358 = arith.addi %add3A_357, %mul3A_356 : i32
        %get3A_359 = arith.index_cast %add3A_358 : i32 to index
        %get3A_360 = tpu.vector_load %arg11[%get3A_359] {strides = array<i32>} : memref<16672xi32, #tpu.memory_space<vmem>>, vector<16xi32>,
        %mul3A_361 = arith.constant 16 : i32
        %mul3A_362 = arith.muli %scan3A_342, %mul3A_361 : i32
        %add3A_363 = arith.constant 3123 : i32
        %add3A_364 = arith.addi %add3A_363, %mul3A_362 : i32
        %get3A_365 = arith.index_cast %add3A_364 : i32 to index
        %get3A_366 = tpu.vector_load %arg11[%get3A_365] {strides = array<i32>} : memref<16672xi32, #tpu.memory_space<vmem>>, vector<16xi32>,
        %mul3A_367 = arith.constant 16 : i32
        %mul3A_368 = arith.muli %scan3A_342, %mul3A_367 : i32
        %add3A_369 = arith.constant 4164 : i32
        %add3A_370 = arith.addi %add3A_369, %mul3A_368 : i32
        %get3A_371 = arith.index_cast %add3A_370 : i32 to index
        %get3A_372 = tpu.vector_load %arg11[%get3A_371] {strides = array<i32>} : memref<16672xi32, #tpu.memory_space<vmem>>, vector<16xi32>,
        %mul3A_373 = arith.constant 16 : i32
        %mul3A_374 = arith.muli %scan3A_342, %mul3A_373 : i32
        %add3A_375 = arith.constant 5205 : i32
        %add3A_376 = arith.addi %add3A_375, %mul3A_374 : i32
        %get3A_377 = arith.index_cast %add3A_376 : i32 to index
        %get3A_378 = tpu.vector_load %arg11[%get3A_377] {strides = array<i32>} : memref<16672xi32, #tpu.memory_space<vmem>>, vector<16xi32>,
        %mul3A_379 = arith.constant 16 : i32
        %mul3A_380 = arith.muli %scan3A_342, %mul3A_379 : i32
        %add3A_381 = arith.constant 6246 : i32
        %add3A_382 = arith.addi %add3A_381, %mul3A_380 : i32
        %get3A_383 = arith.index_cast %add3A_382 : i32 to index
        %get3A_384 = tpu.vector_load %arg11[%get3A_383] {strides = array<i32>} : memref<16672xi32, #tpu.memory_space<vmem>>, vector<16xi32>,
        %mul3A_385 = arith.constant 16 : i32
        %mul3A_386 = arith.muli %scan3A_342, %mul3A_385 : i32
        %add3A_387 = arith.constant 7287 : i32
        %add3A_388 = arith.addi %add3A_387, %mul3A_386 : i32
        %get3A_389 = arith.index_cast %add3A_388 : i32 to index
        %get3A_390 = tpu.vector_load %arg11[%get3A_389] {strides = array<i32>} : memref<16672xi32, #tpu.memory_space<vmem>>, vector<16xi32>,
        %mul3A_391 = arith.constant 16 : i32
        %mul3A_392 = arith.muli %scan3A_342, %mul3A_391 : i32
        %add3A_393 = arith.constant 8328 : i32
        %add3A_394 = arith.addi %add3A_393, %mul3A_392 : i32
        %get3A_395 = arith.index_cast %add3A_394 : i32 to index
        %get3A_396 = tpu.vector_load %arg11[%get3A_395] {strides = array<i32>} : memref<16672xi32, #tpu.memory_space<vmem>>, vector<16xi32>,
        %mul3A_397 = arith.constant 16 : i32
        %mul3A_398 = arith.muli %scan3A_342, %mul3A_397 : i32
        %add3A_399 = arith.constant 9369 : i32
        %add3A_400 = arith.addi %add3A_399, %mul3A_398 : i32
        %get3A_401 = arith.index_cast %add3A_400 : i32 to index
        %get3A_402 = tpu.vector_load %arg11[%get3A_401] {strides = array<i32>} : memref<16672xi32, #tpu.memory_space<vmem>>, vector<16xi32>,
        %mul3A_403 = arith.constant 16 : i32
        %mul3A_404 = arith.muli %scan3A_342, %mul3A_403 : i32
        %add3A_405 = arith.constant 10410 : i32
        %add3A_406 = arith.addi %add3A_405, %mul3A_404 : i32
        %get3A_407 = arith.index_cast %add3A_406 : i32 to index
        %get3A_408 = tpu.vector_load %arg11[%get3A_407] {strides = array<i32>} : memref<16672xi32, #tpu.memory_space<vmem>>, vector<16xi32>,
        %mul3A_409 = arith.constant 16 : i32
        %mul3A_410 = arith.muli %scan3A_342, %mul3A_409 : i32
        %add3A_411 = arith.constant 11451 : i32
        %add3A_412 = arith.addi %add3A_411, %mul3A_410 : i32
        %get3A_413 = arith.index_cast %add3A_412 : i32 to index
        %get3A_414 = tpu.vector_load %arg11[%get3A_413] {strides = array<i32>} : memref<16672xi32, #tpu.memory_space<vmem>>, vector<16xi32>,
        %mul3A_415 = arith.constant 16 : i32
        %mul3A_416 = arith.muli %scan3A_342, %mul3A_415 : i32
        %add3A_417 = arith.constant 12492 : i32
        %add3A_418 = arith.addi %add3A_417, %mul3A_416 : i32
        %get3A_419 = arith.index_cast %add3A_418 : i32 to index
        %get3A_420 = tpu.vector_load %arg11[%get3A_419] {strides = array<i32>} : memref<16672xi32, #tpu.memory_space<vmem>>, vector<16xi32>,
        %mul3A_421 = arith.constant 16 : i32
        %mul3A_422 = arith.muli %scan3A_342, %mul3A_421 : i32
        %add3A_423 = arith.constant 13533 : i32
        %add3A_424 = arith.addi %add3A_423, %mul3A_422 : i32
        %get3A_425 = arith.index_cast %add3A_424 : i32 to index
        %get3A_426 = tpu.vector_load %arg11[%get3A_425] {strides = array<i32>} : memref<16672xi32, #tpu.memory_space<vmem>>, vector<16xi32>,
        %mul3A_427 = arith.constant 16 : i32
        %mul3A_428 = arith.muli %scan3A_342, %mul3A_427 : i32
        %add3A_429 = arith.constant 14574 : i32
        %add3A_430 = arith.addi %add3A_429, %mul3A_428 : i32
        %get3A_431 = arith.index_cast %add3A_430 : i32 to index
        %get3A_432 = tpu.vector_load %arg11[%get3A_431] {strides = array<i32>} : memref<16672xi32, #tpu.memory_space<vmem>>, vector<16xi32>,
        %mul3A_433 = arith.constant 16 : i32
        %mul3A_434 = arith.muli %scan3A_342, %mul3A_433 : i32
        %add3A_435 = arith.constant 15615 : i32
        %add3A_436 = arith.addi %add3A_435, %mul3A_434 : i32
        %get3A_437 = arith.index_cast %add3A_436 : i32 to index
        %get3A_438 = tpu.vector_load %arg11[%get3A_437] {strides = array<i32>} : memref<16672xi32, #tpu.memory_space<vmem>>, vector<16xi32>,
        %add3A_439 = arith.addi %get3A_348, %get3A_354 : vector<16xi32>
        %add3A_440 = arith.addi %add3A_439, %get3A_360 : vector<16xi32>
        %add3A_441 = arith.addi %add3A_440, %get3A_366 : vector<16xi32>
        %add3A_442 = arith.addi %add3A_441, %get3A_372 : vector<16xi32>
        %add3A_443 = arith.addi %add3A_442, %get3A_378 : vector<16xi32>
        %add3A_444 = arith.addi %add3A_443, %get3A_384 : vector<16xi32>
        %add3A_445 = arith.addi %add3A_444, %get3A_390 : vector<16xi32>
        %add3A_446 = arith.addi %add3A_445, %get3A_396 : vector<16xi32>
        %add3A_447 = arith.addi %add3A_446, %get3A_402 : vector<16xi32>
        %add3A_448 = arith.addi %add3A_447, %get3A_408 : vector<16xi32>
        %add3A_449 = arith.addi %add3A_448, %get3A_414 : vector<16xi32>
        %add3A_450 = arith.addi %add3A_449, %get3A_420 : vector<16xi32>
        %add3A_451 = arith.addi %add3A_450, %get3A_426 : vector<16xi32>
        %add3A_452 = arith.addi %add3A_451, %get3A_432 : vector<16xi32>
        %add3A_453 = arith.addi %add3A_452, %get3A_438 : vector<16xi32>
        %broadcast_in_dim3A_454 = arith.constant true
        %broadcast_in_dim3A_455 = vector.broadcast %broadcast_in_dim3A_454 : i1 to vector<16xi1>
        %masked_cumsum3A_456 = tpu.scan <sum>, %add3A_453 masked %broadcast_in_dim3A_455 : vector<16xi32>, vector<16xi1> -> vector<16xi32>
        %sub3A_457 = arith.subi %masked_cumsum3A_456, %add3A_453 : vector<16xi32>
        %add3A_458 = vector.broadcast %add3A_340 : i32 to vector<16xi32>
        %add3A_459 = arith.addi %sub3A_457, %add3A_458 : vector<16xi32>
        %mul3A_460 = arith.constant 16 : i32
        %mul3A_461 = arith.muli %scan3A_342, %mul3A_460 : i32
        %add3A_462 = arith.constant 0 : i32
        %add3A_463 = arith.addi %add3A_462, %mul3A_461 : i32
        %swap3A_464 = arith.index_cast %add3A_463 : i32 to index
        %swap3A_465 = tpu.vector_load %arg11[%swap3A_464] {strides = array<i32>} : memref<16672xi32, #tpu.memory_space<vmem>>, vector<16xi32>,
        tpu.vector_store %arg11[%swap3A_464], %add3A_459 {strides = array<i32>} : memref<16672xi32, #tpu.memory_space<vmem>>, vector<16xi32>,
        %add3A_466 = arith.addi %add3A_459, %get3A_348 : vector<16xi32>
        %mul3A_467 = arith.constant 16 : i32
        %mul3A_468 = arith.muli %scan3A_342, %mul3A_467 : i32
        %add3A_469 = arith.constant 1041 : i32
        %add3A_470 = arith.addi %add3A_469, %mul3A_468 : i32
        %swap3A_471 = arith.index_cast %add3A_470 : i32 to index
        %swap3A_472 = tpu.vector_load %arg11[%swap3A_471] {strides = array<i32>} : memref<16672xi32, #tpu.memory_space<vmem>>, vector<16xi32>,
        tpu.vector_store %arg11[%swap3A_471], %add3A_466 {strides = array<i32>} : memref<16672xi32, #tpu.memory_space<vmem>>, vector<16xi32>,
        %add3A_473 = arith.addi %add3A_466, %get3A_354 : vector<16xi32>
        %mul3A_474 = arith.constant 16 : i32
        %mul3A_475 = arith.muli %scan3A_342, %mul3A_474 : i32
        %add3A_476 = arith.constant 2082 : i32
        %add3A_477 = arith.addi %add3A_476, %mul3A_475 : i32
        %swap3A_478 = arith.index_cast %add3A_477 : i32 to index
        %swap3A_479 = tpu.vector_load %arg11[%swap3A_478] {strides = array<i32>} : memref<16672xi32, #tpu.memory_space<vmem>>, vector<16xi32>,
        tpu.vector_store %arg11[%swap3A_478], %add3A_473 {strides = array<i32>} : memref<16672xi32, #tpu.memory_space<vmem>>, vector<16xi32>,
        %add3A_480 = arith.addi %add3A_473, %get3A_360 : vector<16xi32>
        %mul3A_481 = arith.constant 16 : i32
        %mul3A_482 = arith.muli %scan3A_342, %mul3A_481 : i32
        %add3A_483 = arith.constant 3123 : i32
        %add3A_484 = arith.addi %add3A_483, %mul3A_482 : i32
        %swap3A_485 = arith.index_cast %add3A_484 : i32 to index
        %swap3A_486 = tpu.vector_load %arg11[%swap3A_485] {strides = array<i32>} : memref<16672xi32, #tpu.memory_space<vmem>>, vector<16xi32>,
        tpu.vector_store %arg11[%swap3A_485], %add3A_480 {strides = array<i32>} : memref<16672xi32, #tpu.memory_space<vmem>>, vector<16xi32>,
        %add3A_487 = arith.addi %add3A_480, %get3A_366 : vector<16xi32>
        %mul3A_488 = arith.constant 16 : i32
        %mul3A_489 = arith.muli %scan3A_342, %mul3A_488 : i32
        %add3A_490 = arith.constant 4164 : i32
        %add3A_491 = arith.addi %add3A_490, %mul3A_489 : i32
        %swap3A_492 = arith.index_cast %add3A_491 : i32 to index
        %swap3A_493 = tpu.vector_load %arg11[%swap3A_492] {strides = array<i32>} : memref<16672xi32, #tpu.memory_space<vmem>>, vector<16xi32>,
        tpu.vector_store %arg11[%swap3A_492], %add3A_487 {strides = array<i32>} : memref<16672xi32, #tpu.memory_space<vmem>>, vector<16xi32>,
        %add3A_494 = arith.addi %add3A_487, %get3A_372 : vector<16xi32>
        %mul3A_495 = arith.constant 16 : i32
        %mul3A_496 = arith.muli %scan3A_342, %mul3A_495 : i32
        %add3A_497 = arith.constant 5205 : i32
        %add3A_498 = arith.addi %add3A_497, %mul3A_496 : i32
        %swap3A_499 = arith.index_cast %add3A_498 : i32 to index
        %swap3A_500 = tpu.vector_load %arg11[%swap3A_499] {strides = array<i32>} : memref<16672xi32, #tpu.memory_space<vmem>>, vector<16xi32>,
        tpu.vector_store %arg11[%swap3A_499], %add3A_494 {strides = array<i32>} : memref<16672xi32, #tpu.memory_space<vmem>>, vector<16xi32>,
        %add3A_501 = arith.addi %add3A_494, %get3A_378 : vector<16xi32>
        %mul3A_502 = arith.constant 16 : i32
        %mul3A_503 = arith.muli %scan3A_342, %mul3A_502 : i32
        %add3A_504 = arith.constant 6246 : i32
        %add3A_505 = arith.addi %add3A_504, %mul3A_503 : i32
        %swap3A_506 = arith.index_cast %add3A_505 : i32 to index
        %swap3A_507 = tpu.vector_load %arg11[%swap3A_506] {strides = array<i32>} : memref<16672xi32, #tpu.memory_space<vmem>>, vector<16xi32>,
        tpu.vector_store %arg11[%swap3A_506], %add3A_501 {strides = array<i32>} : memref<16672xi32, #tpu.memory_space<vmem>>, vector<16xi32>,
        %add3A_508 = arith.addi %add3A_501, %get3A_384 : vector<16xi32>
        %mul3A_509 = arith.constant 16 : i32
        %mul3A_510 = arith.muli %scan3A_342, %mul3A_509 : i32
        %add3A_511 = arith.constant 7287 : i32
        %add3A_512 = arith.addi %add3A_511, %mul3A_510 : i32
        %swap3A_513 = arith.index_cast %add3A_512 : i32 to index
        %swap3A_514 = tpu.vector_load %arg11[%swap3A_513] {strides = array<i32>} : memref<16672xi32, #tpu.memory_space<vmem>>, vector<16xi32>,
        tpu.vector_store %arg11[%swap3A_513], %add3A_508 {strides = array<i32>} : memref<16672xi32, #tpu.memory_space<vmem>>, vector<16xi32>,
        %add3A_515 = arith.addi %add3A_508, %get3A_390 : vector<16xi32>
        %mul3A_516 = arith.constant 16 : i32
        %mul3A_517 = arith.muli %scan3A_342, %mul3A_516 : i32
        %add3A_518 = arith.constant 8328 : i32
        %add3A_519 = arith.addi %add3A_518, %mul3A_517 : i32
        %swap3A_520 = arith.index_cast %add3A_519 : i32 to index
        %swap3A_521 = tpu.vector_load %arg11[%swap3A_520] {strides = array<i32>} : memref<16672xi32, #tpu.memory_space<vmem>>, vector<16xi32>,
        tpu.vector_store %arg11[%swap3A_520], %add3A_515 {strides = array<i32>} : memref<16672xi32, #tpu.memory_space<vmem>>, vector<16xi32>,
        %add3A_522 = arith.addi %add3A_515, %get3A_396 : vector<16xi32>
        %mul3A_523 = arith.constant 16 : i32
        %mul3A_524 = arith.muli %scan3A_342, %mul3A_523 : i32
        %add3A_525 = arith.constant 9369 : i32
        %add3A_526 = arith.addi %add3A_525, %mul3A_524 : i32
        %swap3A_527 = arith.index_cast %add3A_526 : i32 to index
        %swap3A_528 = tpu.vector_load %arg11[%swap3A_527] {strides = array<i32>} : memref<16672xi32, #tpu.memory_space<vmem>>, vector<16xi32>,
        tpu.vector_store %arg11[%swap3A_527], %add3A_522 {strides = array<i32>} : memref<16672xi32, #tpu.memory_space<vmem>>, vector<16xi32>,
        %add3A_529 = arith.addi %add3A_522, %get3A_402 : vector<16xi32>
        %mul3A_530 = arith.constant 16 : i32
        %mul3A_531 = arith.muli %scan3A_342, %mul3A_530 : i32
        %add3A_532 = arith.constant 10410 : i32
        %add3A_533 = arith.addi %add3A_532, %mul3A_531 : i32
        %swap3A_534 = arith.index_cast %add3A_533 : i32 to index
        %swap3A_535 = tpu.vector_load %arg11[%swap3A_534] {strides = array<i32>} : memref<16672xi32, #tpu.memory_space<vmem>>, vector<16xi32>,
        tpu.vector_store %arg11[%swap3A_534], %add3A_529 {strides = array<i32>} : memref<16672xi32, #tpu.memory_space<vmem>>, vector<16xi32>,
        %add3A_536 = arith.addi %add3A_529, %get3A_408 : vector<16xi32>
        %mul3A_537 = arith.constant 16 : i32
        %mul3A_538 = arith.muli %scan3A_342, %mul3A_537 : i32
        %add3A_539 = arith.constant 11451 : i32
        %add3A_540 = arith.addi %add3A_539, %mul3A_538 : i32
        %swap3A_541 = arith.index_cast %add3A_540 : i32 to index
        %swap3A_542 = tpu.vector_load %arg11[%swap3A_541] {strides = array<i32>} : memref<16672xi32, #tpu.memory_space<vmem>>, vector<16xi32>,
        tpu.vector_store %arg11[%swap3A_541], %add3A_536 {strides = array<i32>} : memref<16672xi32, #tpu.memory_space<vmem>>, vector<16xi32>,
        %add3A_543 = arith.addi %add3A_536, %get3A_414 : vector<16xi32>
        %mul3A_544 = arith.constant 16 : i32
        %mul3A_545 = arith.muli %scan3A_342, %mul3A_544 : i32
        %add3A_546 = arith.constant 12492 : i32
        %add3A_547 = arith.addi %add3A_546, %mul3A_545 : i32
        %swap3A_548 = arith.index_cast %add3A_547 : i32 to index
        %swap3A_549 = tpu.vector_load %arg11[%swap3A_548] {strides = array<i32>} : memref<16672xi32, #tpu.memory_space<vmem>>, vector<16xi32>,
        tpu.vector_store %arg11[%swap3A_548], %add3A_543 {strides = array<i32>} : memref<16672xi32, #tpu.memory_space<vmem>>, vector<16xi32>,
        %add3A_550 = arith.addi %add3A_543, %get3A_420 : vector<16xi32>
        %mul3A_551 = arith.constant 16 : i32
        %mul3A_552 = arith.muli %scan3A_342, %mul3A_551 : i32
        %add3A_553 = arith.constant 13533 : i32
        %add3A_554 = arith.addi %add3A_553, %mul3A_552 : i32
        %swap3A_555 = arith.index_cast %add3A_554 : i32 to index
        %swap3A_556 = tpu.vector_load %arg11[%swap3A_555] {strides = array<i32>} : memref<16672xi32, #tpu.memory_space<vmem>>, vector<16xi32>,
        tpu.vector_store %arg11[%swap3A_555], %add3A_550 {strides = array<i32>} : memref<16672xi32, #tpu.memory_space<vmem>>, vector<16xi32>,
        %add3A_557 = arith.addi %add3A_550, %get3A_426 : vector<16xi32>
        %mul3A_558 = arith.constant 16 : i32
        %mul3A_559 = arith.muli %scan3A_342, %mul3A_558 : i32
        %add3A_560 = arith.constant 14574 : i32
        %add3A_561 = arith.addi %add3A_560, %mul3A_559 : i32
        %swap3A_562 = arith.index_cast %add3A_561 : i32 to index
        %swap3A_563 = tpu.vector_load %arg11[%swap3A_562] {strides = array<i32>} : memref<16672xi32, #tpu.memory_space<vmem>>, vector<16xi32>,
        tpu.vector_store %arg11[%swap3A_562], %add3A_557 {strides = array<i32>} : memref<16672xi32, #tpu.memory_space<vmem>>, vector<16xi32>,
        %add3A_564 = arith.addi %add3A_557, %get3A_432 : vector<16xi32>
        %mul3A_565 = arith.constant 16 : i32
        %mul3A_566 = arith.muli %scan3A_342, %mul3A_565 : i32
        %add3A_567 = arith.constant 15615 : i32
        %add3A_568 = arith.addi %add3A_567, %mul3A_566 : i32
        %swap3A_569 = arith.index_cast %add3A_568 : i32 to index
        %swap3A_570 = tpu.vector_load %arg11[%swap3A_569] {strides = array<i32>} : memref<16672xi32, #tpu.memory_space<vmem>>, vector<16xi32>,
        tpu.vector_store %arg11[%swap3A_569], %add3A_564 {strides = array<i32>} : memref<16672xi32, #tpu.memory_space<vmem>>, vector<16xi32>,
        %reduce_sum3A_571 = arith.constant true
        %reduce_sum3A_572 = vector.broadcast %reduce_sum3A_571 : i1 to vector<16xi1>
        %reduce_sum3A_573 = tpu.scan <sum>, %add3A_453 masked %reduce_sum3A_572 : vector<16xi32>, vector<16xi1> -> vector<16xi32>
        %reduce_sum3A_574 = vector.extract %reduce_sum3A_573[15] : i32 from vector<16xi32>
        %add3A_575 = arith.addi %add3A_340, %reduce_sum3A_574 : i32
        scf.yield %add3A_575 : i32
      }
      %scan3A_81 = arith.constant 64 : i32
      %scan3A_82 = arith.constant 0 : i32
      %scan3A_83 = arith.constant 0 : i32
      %scan3A_84 = arith.constant 256 : i32
      %scan3A_85 = arith.addi %scan3A_83, %scan3A_84 : i32
      %scan3A_86 = arith.constant 8 : i32
      %scan3A_87 = scf.for %scan3A_110 = %scan3A_83 to %scan3A_85 step %scan3A_86 iter_args(%scan3A_111 = %scan3A_82) -> (i32)  : i32 {
        %mul3A_112 = arith.constant 17 : i32
        %mul3A_113 = arith.muli %scan3A_110, %mul3A_112 : i32
        %get3A = arith.index_cast %mul3A_113 : i32 to index
        %get3A_114 = tpu.vector_load %arg7[%get3A] {strides = array<i32>} : memref<4368xi32, #tpu.memory_space<vmem>>, vector<16xi32>,
        %shift_right_logical3A = arith.constant 10 : i32
        %shift_right_logical3A_115 = vector.broadcast %shift_right_logical3A : i32 to vector<16xi32>
        %shift_right_logical3A_116 = arith.shrui %get3A_114, %shift_right_logical3A_115 : vector<16xi32>
        %and3A = arith.constant 1023 : i32
        %and3A_117 = vector.broadcast %and3A : i32 to vector<16xi32>
        %and3A_118 = arith.andi %shift_right_logical3A_116, %and3A_117 : vector<16xi32>
        %add3A_119 = arith.addi %mul3A_7, %and3A_118 : vector<16xi32>
        %gather3A = tpu.vector_load_idx %arg11[%add3A_119] : memref<16672xi32, #tpu.memory_space<vmem>>[vector<16xi32>], vector<16xi32>,
        tpu.vector_store_idx %arg11[%add3A_119], %broadcast_in_dim3A_8 {add = true} : memref<16672xi32, #tpu.memory_space<vmem>>[vector<16xi32>], vector<16xi32>,
        %mul3A_120 = arith.constant 17 : i32
        %mul3A_121 = arith.muli %scan3A_110, %mul3A_120 : i32
        %get3A_122 = arith.index_cast %mul3A_121 : i32 to index
        %get3A_123 = tpu.vector_load %arg9[%get3A_122] {strides = array<i32>} : memref<4368xi32, #tpu.memory_space<vmem>>, vector<16xi32>,
        %and3A_124 = arith.constant 255 : i32
        %and3A_125 = vector.broadcast %and3A_124 : i32 to vector<16xi32>
        %and3A_126 = arith.andi %gather3A, %and3A_125 : vector<16xi32>
        %mul3A_127 = arith.constant 17 : i32
        %mul3A_128 = vector.broadcast %mul3A_127 : i32 to vector<16xi32>
        %mul3A_129 = arith.muli %and3A_126, %mul3A_128 : vector<16xi32>
        %shift_right_logical3A_130 = arith.constant 8 : i32
        %shift_right_logical3A_131 = vector.broadcast %shift_right_logical3A_130 : i32 to vector<16xi32>
        %shift_right_logical3A_132 = arith.shrui %gather3A, %shift_right_logical3A_131 : vector<16xi32>
        %add3A_133 = arith.addi %mul3A_129, %shift_right_logical3A_132 : vector<16xi32>
        tpu.vector_store_idx %arg6[%add3A_133], %get3A_114 : memref<4368xi32, #tpu.memory_space<vmem>>[vector<16xi32>], vector<16xi32>,
        tpu.vector_store_idx %arg8[%add3A_133], %get3A_123 : memref<4368xi32, #tpu.memory_space<vmem>>[vector<16xi32>], vector<16xi32>,
        %scan3A_134 = arith.constant 0 : i32
        %scan3A_135 = arith.constant 1 : i32
        %scan3A_136 = arith.addi %scan3A_110, %scan3A_135 : i32
        %mul3A_137 = arith.constant 17 : i32
        %mul3A_138 = arith.muli %scan3A_136, %mul3A_137 : i32
        %get3A_139 = arith.index_cast %mul3A_138 : i32 to index
        %get3A_140 = tpu.vector_load %arg7[%get3A_139] {strides = array<i32>} : memref<4368xi32, #tpu.memory_space<vmem>>, vector<16xi32>,
        %shift_right_logical3A_141 = arith.constant 10 : i32
        %shift_right_logical3A_142 = vector.broadcast %shift_right_logical3A_141 : i32 to vector<16xi32>
        %shift_right_logical3A_143 = arith.shrui %get3A_140, %shift_right_logical3A_142 : vector<16xi32>
        %and3A_144 = arith.constant 1023 : i32
        %and3A_145 = vector.broadcast %and3A_144 : i32 to vector<16xi32>
        %and3A_146 = arith.andi %shift_right_logical3A_143, %and3A_145 : vector<16xi32>
        %add3A_147 = arith.addi %mul3A_7, %and3A_146 : vector<16xi32>
        %gather3A_148 = tpu.vector_load_idx %arg11[%add3A_147] : memref<16672xi32, #tpu.memory_space<vmem>>[vector<16xi32>], vector<16xi32>,
        tpu.vector_store_idx %arg11[%add3A_147], %broadcast_in_dim3A_8 {add = true} : memref<16672xi32, #tpu.memory_space<vmem>>[vector<16xi32>], vector<16xi32>,
        %mul3A_149 = arith.constant 17 : i32
        %mul3A_150 = arith.muli %scan3A_136, %mul3A_149 : i32
        %get3A_151 = arith.index_cast %mul3A_150 : i32 to index
        %get3A_152 = tpu.vector_load %arg9[%get3A_151] {strides = array<i32>} : memref<4368xi32, #tpu.memory_space<vmem>>, vector<16xi32>,
        %and3A_153 = arith.constant 255 : i32
        %and3A_154 = vector.broadcast %and3A_153 : i32 to vector<16xi32>
        %and3A_155 = arith.andi %gather3A_148, %and3A_154 : vector<16xi32>
        %mul3A_156 = arith.constant 17 : i32
        %mul3A_157 = vector.broadcast %mul3A_156 : i32 to vector<16xi32>
        %mul3A_158 = arith.muli %and3A_155, %mul3A_157 : vector<16xi32>
        %shift_right_logical3A_159 = arith.constant 8 : i32
        %shift_right_logical3A_160 = vector.broadcast %shift_right_logical3A_159 : i32 to vector<16xi32>
        %shift_right_logical3A_161 = arith.shrui %gather3A_148, %shift_right_logical3A_160 : vector<16xi32>
        %add3A_162 = arith.addi %mul3A_158, %shift_right_logical3A_161 : vector<16xi32>
        tpu.vector_store_idx %arg6[%add3A_162], %get3A_140 : memref<4368xi32, #tpu.memory_space<vmem>>[vector<16xi32>], vector<16xi32>,
        tpu.vector_store_idx %arg8[%add3A_162], %get3A_152 : memref<4368xi32, #tpu.memory_space<vmem>>[vector<16xi32>], vector<16xi32>,
        %scan3A_163 = arith.constant 0 : i32
        %scan3A_164 = arith.constant 2 : i32
        %scan3A_165 = arith.addi %scan3A_110, %scan3A_164 : i32
        %mul3A_166 = arith.constant 17 : i32
        %mul3A_167 = arith.muli %scan3A_165, %mul3A_166 : i32
        %get3A_168 = arith.index_cast %mul3A_167 : i32 to index
        %get3A_169 = tpu.vector_load %arg7[%get3A_168] {strides = array<i32>} : memref<4368xi32, #tpu.memory_space<vmem>>, vector<16xi32>,
        %shift_right_logical3A_170 = arith.constant 10 : i32
        %shift_right_logical3A_171 = vector.broadcast %shift_right_logical3A_170 : i32 to vector<16xi32>
        %shift_right_logical3A_172 = arith.shrui %get3A_169, %shift_right_logical3A_171 : vector<16xi32>
        %and3A_173 = arith.constant 1023 : i32
        %and3A_174 = vector.broadcast %and3A_173 : i32 to vector<16xi32>
        %and3A_175 = arith.andi %shift_right_logical3A_172, %and3A_174 : vector<16xi32>
        %add3A_176 = arith.addi %mul3A_7, %and3A_175 : vector<16xi32>
        %gather3A_177 = tpu.vector_load_idx %arg11[%add3A_176] : memref<16672xi32, #tpu.memory_space<vmem>>[vector<16xi32>], vector<16xi32>,
        tpu.vector_store_idx %arg11[%add3A_176], %broadcast_in_dim3A_8 {add = true} : memref<16672xi32, #tpu.memory_space<vmem>>[vector<16xi32>], vector<16xi32>,
        %mul3A_178 = arith.constant 17 : i32
        %mul3A_179 = arith.muli %scan3A_165, %mul3A_178 : i32
        %get3A_180 = arith.index_cast %mul3A_179 : i32 to index
        %get3A_181 = tpu.vector_load %arg9[%get3A_180] {strides = array<i32>} : memref<4368xi32, #tpu.memory_space<vmem>>, vector<16xi32>,
        %and3A_182 = arith.constant 255 : i32
        %and3A_183 = vector.broadcast %and3A_182 : i32 to vector<16xi32>
        %and3A_184 = arith.andi %gather3A_177, %and3A_183 : vector<16xi32>
        %mul3A_185 = arith.constant 17 : i32
        %mul3A_186 = vector.broadcast %mul3A_185 : i32 to vector<16xi32>
        %mul3A_187 = arith.muli %and3A_184, %mul3A_186 : vector<16xi32>
        %shift_right_logical3A_188 = arith.constant 8 : i32
        %shift_right_logical3A_189 = vector.broadcast %shift_right_logical3A_188 : i32 to vector<16xi32>
        %shift_right_logical3A_190 = arith.shrui %gather3A_177, %shift_right_logical3A_189 : vector<16xi32>
        %add3A_191 = arith.addi %mul3A_187, %shift_right_logical3A_190 : vector<16xi32>
        tpu.vector_store_idx %arg6[%add3A_191], %get3A_169 : memref<4368xi32, #tpu.memory_space<vmem>>[vector<16xi32>], vector<16xi32>,
        tpu.vector_store_idx %arg8[%add3A_191], %get3A_181 : memref<4368xi32, #tpu.memory_space<vmem>>[vector<16xi32>], vector<16xi32>,
        %scan3A_192 = arith.constant 0 : i32
        %scan3A_193 = arith.constant 3 : i32
        %scan3A_194 = arith.addi %scan3A_110, %scan3A_193 : i32
        %mul3A_195 = arith.constant 17 : i32
        %mul3A_196 = arith.muli %scan3A_194, %mul3A_195 : i32
        %get3A_197 = arith.index_cast %mul3A_196 : i32 to index
        %get3A_198 = tpu.vector_load %arg7[%get3A_197] {strides = array<i32>} : memref<4368xi32, #tpu.memory_space<vmem>>, vector<16xi32>,
        %shift_right_logical3A_199 = arith.constant 10 : i32
        %shift_right_logical3A_200 = vector.broadcast %shift_right_logical3A_199 : i32 to vector<16xi32>
        %shift_right_logical3A_201 = arith.shrui %get3A_198, %shift_right_logical3A_200 : vector<16xi32>
        %and3A_202 = arith.constant 1023 : i32
        %and3A_203 = vector.broadcast %and3A_202 : i32 to vector<16xi32>
        %and3A_204 = arith.andi %shift_right_logical3A_201, %and3A_203 : vector<16xi32>
        %add3A_205 = arith.addi %mul3A_7, %and3A_204 : vector<16xi32>
        %gather3A_206 = tpu.vector_load_idx %arg11[%add3A_205] : memref<16672xi32, #tpu.memory_space<vmem>>[vector<16xi32>], vector<16xi32>,
        tpu.vector_store_idx %arg11[%add3A_205], %broadcast_in_dim3A_8 {add = true} : memref<16672xi32, #tpu.memory_space<vmem>>[vector<16xi32>], vector<16xi32>,
        %mul3A_207 = arith.constant 17 : i32
        %mul3A_208 = arith.muli %scan3A_194, %mul3A_207 : i32
        %get3A_209 = arith.index_cast %mul3A_208 : i32 to index
        %get3A_210 = tpu.vector_load %arg9[%get3A_209] {strides = array<i32>} : memref<4368xi32, #tpu.memory_space<vmem>>, vector<16xi32>,
        %and3A_211 = arith.constant 255 : i32
        %and3A_212 = vector.broadcast %and3A_211 : i32 to vector<16xi32>
        %and3A_213 = arith.andi %gather3A_206, %and3A_212 : vector<16xi32>
        %mul3A_214 = arith.constant 17 : i32
        %mul3A_215 = vector.broadcast %mul3A_214 : i32 to vector<16xi32>
        %mul3A_216 = arith.muli %and3A_213, %mul3A_215 : vector<16xi32>
        %shift_right_logical3A_217 = arith.constant 8 : i32
        %shift_right_logical3A_218 = vector.broadcast %shift_right_logical3A_217 : i32 to vector<16xi32>
        %shift_right_logical3A_219 = arith.shrui %gather3A_206, %shift_right_logical3A_218 : vector<16xi32>
        %add3A_220 = arith.addi %mul3A_216, %shift_right_logical3A_219 : vector<16xi32>
        tpu.vector_store_idx %arg6[%add3A_220], %get3A_198 : memref<4368xi32, #tpu.memory_space<vmem>>[vector<16xi32>], vector<16xi32>,
        tpu.vector_store_idx %arg8[%add3A_220], %get3A_210 : memref<4368xi32, #tpu.memory_space<vmem>>[vector<16xi32>], vector<16xi32>,
        %scan3A_221 = arith.constant 0 : i32
        %scan3A_222 = arith.constant 4 : i32
        %scan3A_223 = arith.addi %scan3A_110, %scan3A_222 : i32
        %mul3A_224 = arith.constant 17 : i32
        %mul3A_225 = arith.muli %scan3A_223, %mul3A_224 : i32
        %get3A_226 = arith.index_cast %mul3A_225 : i32 to index
        %get3A_227 = tpu.vector_load %arg7[%get3A_226] {strides = array<i32>} : memref<4368xi32, #tpu.memory_space<vmem>>, vector<16xi32>,
        %shift_right_logical3A_228 = arith.constant 10 : i32
        %shift_right_logical3A_229 = vector.broadcast %shift_right_logical3A_228 : i32 to vector<16xi32>
        %shift_right_logical3A_230 = arith.shrui %get3A_227, %shift_right_logical3A_229 : vector<16xi32>
        %and3A_231 = arith.constant 1023 : i32
        %and3A_232 = vector.broadcast %and3A_231 : i32 to vector<16xi32>
        %and3A_233 = arith.andi %shift_right_logical3A_230, %and3A_232 : vector<16xi32>
        %add3A_234 = arith.addi %mul3A_7, %and3A_233 : vector<16xi32>
        %gather3A_235 = tpu.vector_load_idx %arg11[%add3A_234] : memref<16672xi32, #tpu.memory_space<vmem>>[vector<16xi32>], vector<16xi32>,
        tpu.vector_store_idx %arg11[%add3A_234], %broadcast_in_dim3A_8 {add = true} : memref<16672xi32, #tpu.memory_space<vmem>>[vector<16xi32>], vector<16xi32>,
        %mul3A_236 = arith.constant 17 : i32
        %mul3A_237 = arith.muli %scan3A_223, %mul3A_236 : i32
        %get3A_238 = arith.index_cast %mul3A_237 : i32 to index
        %get3A_239 = tpu.vector_load %arg9[%get3A_238] {strides = array<i32>} : memref<4368xi32, #tpu.memory_space<vmem>>, vector<16xi32>,
        %and3A_240 = arith.constant 255 : i32
        %and3A_241 = vector.broadcast %and3A_240 : i32 to vector<16xi32>
        %and3A_242 = arith.andi %gather3A_235, %and3A_241 : vector<16xi32>
        %mul3A_243 = arith.constant 17 : i32
        %mul3A_244 = vector.broadcast %mul3A_243 : i32 to vector<16xi32>
        %mul3A_245 = arith.muli %and3A_242, %mul3A_244 : vector<16xi32>
        %shift_right_logical3A_246 = arith.constant 8 : i32
        %shift_right_logical3A_247 = vector.broadcast %shift_right_logical3A_246 : i32 to vector<16xi32>
        %shift_right_logical3A_248 = arith.shrui %gather3A_235, %shift_right_logical3A_247 : vector<16xi32>
        %add3A_249 = arith.addi %mul3A_245, %shift_right_logical3A_248 : vector<16xi32>
        tpu.vector_store_idx %arg6[%add3A_249], %get3A_227 : memref<4368xi32, #tpu.memory_space<vmem>>[vector<16xi32>], vector<16xi32>,
        tpu.vector_store_idx %arg8[%add3A_249], %get3A_239 : memref<4368xi32, #tpu.memory_space<vmem>>[vector<16xi32>], vector<16xi32>,
        %scan3A_250 = arith.constant 0 : i32
        %scan3A_251 = arith.constant 5 : i32
        %scan3A_252 = arith.addi %scan3A_110, %scan3A_251 : i32
        %mul3A_253 = arith.constant 17 : i32
        %mul3A_254 = arith.muli %scan3A_252, %mul3A_253 : i32
        %get3A_255 = arith.index_cast %mul3A_254 : i32 to index
        %get3A_256 = tpu.vector_load %arg7[%get3A_255] {strides = array<i32>} : memref<4368xi32, #tpu.memory_space<vmem>>, vector<16xi32>,
        %shift_right_logical3A_257 = arith.constant 10 : i32
        %shift_right_logical3A_258 = vector.broadcast %shift_right_logical3A_257 : i32 to vector<16xi32>
        %shift_right_logical3A_259 = arith.shrui %get3A_256, %shift_right_logical3A_258 : vector<16xi32>
        %and3A_260 = arith.constant 1023 : i32
        %and3A_261 = vector.broadcast %and3A_260 : i32 to vector<16xi32>
        %and3A_262 = arith.andi %shift_right_logical3A_259, %and3A_261 : vector<16xi32>
        %add3A_263 = arith.addi %mul3A_7, %and3A_262 : vector<16xi32>
        %gather3A_264 = tpu.vector_load_idx %arg11[%add3A_263] : memref<16672xi32, #tpu.memory_space<vmem>>[vector<16xi32>], vector<16xi32>,
        tpu.vector_store_idx %arg11[%add3A_263], %broadcast_in_dim3A_8 {add = true} : memref<16672xi32, #tpu.memory_space<vmem>>[vector<16xi32>], vector<16xi32>,
        %mul3A_265 = arith.constant 17 : i32
        %mul3A_266 = arith.muli %scan3A_252, %mul3A_265 : i32
        %get3A_267 = arith.index_cast %mul3A_266 : i32 to index
        %get3A_268 = tpu.vector_load %arg9[%get3A_267] {strides = array<i32>} : memref<4368xi32, #tpu.memory_space<vmem>>, vector<16xi32>,
        %and3A_269 = arith.constant 255 : i32
        %and3A_270 = vector.broadcast %and3A_269 : i32 to vector<16xi32>
        %and3A_271 = arith.andi %gather3A_264, %and3A_270 : vector<16xi32>
        %mul3A_272 = arith.constant 17 : i32
        %mul3A_273 = vector.broadcast %mul3A_272 : i32 to vector<16xi32>
        %mul3A_274 = arith.muli %and3A_271, %mul3A_273 : vector<16xi32>
        %shift_right_logical3A_275 = arith.constant 8 : i32
        %shift_right_logical3A_276 = vector.broadcast %shift_right_logical3A_275 : i32 to vector<16xi32>
        %shift_right_logical3A_277 = arith.shrui %gather3A_264, %shift_right_logical3A_276 : vector<16xi32>
        %add3A_278 = arith.addi %mul3A_274, %shift_right_logical3A_277 : vector<16xi32>
        tpu.vector_store_idx %arg6[%add3A_278], %get3A_256 : memref<4368xi32, #tpu.memory_space<vmem>>[vector<16xi32>], vector<16xi32>,
        tpu.vector_store_idx %arg8[%add3A_278], %get3A_268 : memref<4368xi32, #tpu.memory_space<vmem>>[vector<16xi32>], vector<16xi32>,
        %scan3A_279 = arith.constant 0 : i32
        %scan3A_280 = arith.constant 6 : i32
        %scan3A_281 = arith.addi %scan3A_110, %scan3A_280 : i32
        %mul3A_282 = arith.constant 17 : i32
        %mul3A_283 = arith.muli %scan3A_281, %mul3A_282 : i32
        %get3A_284 = arith.index_cast %mul3A_283 : i32 to index
        %get3A_285 = tpu.vector_load %arg7[%get3A_284] {strides = array<i32>} : memref<4368xi32, #tpu.memory_space<vmem>>, vector<16xi32>,
        %shift_right_logical3A_286 = arith.constant 10 : i32
        %shift_right_logical3A_287 = vector.broadcast %shift_right_logical3A_286 : i32 to vector<16xi32>
        %shift_right_logical3A_288 = arith.shrui %get3A_285, %shift_right_logical3A_287 : vector<16xi32>
        %and3A_289 = arith.constant 1023 : i32
        %and3A_290 = vector.broadcast %and3A_289 : i32 to vector<16xi32>
        %and3A_291 = arith.andi %shift_right_logical3A_288, %and3A_290 : vector<16xi32>
        %add3A_292 = arith.addi %mul3A_7, %and3A_291 : vector<16xi32>
        %gather3A_293 = tpu.vector_load_idx %arg11[%add3A_292] : memref<16672xi32, #tpu.memory_space<vmem>>[vector<16xi32>], vector<16xi32>,
        tpu.vector_store_idx %arg11[%add3A_292], %broadcast_in_dim3A_8 {add = true} : memref<16672xi32, #tpu.memory_space<vmem>>[vector<16xi32>], vector<16xi32>,
        %mul3A_294 = arith.constant 17 : i32
        %mul3A_295 = arith.muli %scan3A_281, %mul3A_294 : i32
        %get3A_296 = arith.index_cast %mul3A_295 : i32 to index
        %get3A_297 = tpu.vector_load %arg9[%get3A_296] {strides = array<i32>} : memref<4368xi32, #tpu.memory_space<vmem>>, vector<16xi32>,
        %and3A_298 = arith.constant 255 : i32
        %and3A_299 = vector.broadcast %and3A_298 : i32 to vector<16xi32>
        %and3A_300 = arith.andi %gather3A_293, %and3A_299 : vector<16xi32>
        %mul3A_301 = arith.constant 17 : i32
        %mul3A_302 = vector.broadcast %mul3A_301 : i32 to vector<16xi32>
        %mul3A_303 = arith.muli %and3A_300, %mul3A_302 : vector<16xi32>
        %shift_right_logical3A_304 = arith.constant 8 : i32
        %shift_right_logical3A_305 = vector.broadcast %shift_right_logical3A_304 : i32 to vector<16xi32>
        %shift_right_logical3A_306 = arith.shrui %gather3A_293, %shift_right_logical3A_305 : vector<16xi32>
        %add3A_307 = arith.addi %mul3A_303, %shift_right_logical3A_306 : vector<16xi32>
        tpu.vector_store_idx %arg6[%add3A_307], %get3A_285 : memref<4368xi32, #tpu.memory_space<vmem>>[vector<16xi32>], vector<16xi32>,
        tpu.vector_store_idx %arg8[%add3A_307], %get3A_297 : memref<4368xi32, #tpu.memory_space<vmem>>[vector<16xi32>], vector<16xi32>,
        %scan3A_308 = arith.constant 0 : i32
        %scan3A_309 = arith.constant 7 : i32
        %scan3A_310 = arith.addi %scan3A_110, %scan3A_309 : i32
        %mul3A_311 = arith.constant 17 : i32
        %mul3A_312 = arith.muli %scan3A_310, %mul3A_311 : i32
        %get3A_313 = arith.index_cast %mul3A_312 : i32 to index
        %get3A_314 = tpu.vector_load %arg7[%get3A_313] {strides = array<i32>} : memref<4368xi32, #tpu.memory_space<vmem>>, vector<16xi32>,
        %shift_right_logical3A_315 = arith.constant 10 : i32
        %shift_right_logical3A_316 = vector.broadcast %shift_right_logical3A_315 : i32 to vector<16xi32>
        %shift_right_logical3A_317 = arith.shrui %get3A_314, %shift_right_logical3A_316 : vector<16xi32>
        %and3A_318 = arith.constant 1023 : i32
        %and3A_319 = vector.broadcast %and3A_318 : i32 to vector<16xi32>
        %and3A_320 = arith.andi %shift_right_logical3A_317, %and3A_319 : vector<16xi32>
        %add3A_321 = arith.addi %mul3A_7, %and3A_320 : vector<16xi32>
        %gather3A_322 = tpu.vector_load_idx %arg11[%add3A_321] : memref<16672xi32, #tpu.memory_space<vmem>>[vector<16xi32>], vector<16xi32>,
        tpu.vector_store_idx %arg11[%add3A_321], %broadcast_in_dim3A_8 {add = true} : memref<16672xi32, #tpu.memory_space<vmem>>[vector<16xi32>], vector<16xi32>,
        %mul3A_323 = arith.constant 17 : i32
        %mul3A_324 = arith.muli %scan3A_310, %mul3A_323 : i32
        %get3A_325 = arith.index_cast %mul3A_324 : i32 to index
        %get3A_326 = tpu.vector_load %arg9[%get3A_325] {strides = array<i32>} : memref<4368xi32, #tpu.memory_space<vmem>>, vector<16xi32>,
        %and3A_327 = arith.constant 255 : i32
        %and3A_328 = vector.broadcast %and3A_327 : i32 to vector<16xi32>
        %and3A_329 = arith.andi %gather3A_322, %and3A_328 : vector<16xi32>
        %mul3A_330 = arith.constant 17 : i32
        %mul3A_331 = vector.broadcast %mul3A_330 : i32 to vector<16xi32>
        %mul3A_332 = arith.muli %and3A_329, %mul3A_331 : vector<16xi32>
        %shift_right_logical3A_333 = arith.constant 8 : i32
        %shift_right_logical3A_334 = vector.broadcast %shift_right_logical3A_333 : i32 to vector<16xi32>
        %shift_right_logical3A_335 = arith.shrui %gather3A_322, %shift_right_logical3A_334 : vector<16xi32>
        %add3A_336 = arith.addi %mul3A_332, %shift_right_logical3A_335 : vector<16xi32>
        tpu.vector_store_idx %arg6[%add3A_336], %get3A_314 : memref<4368xi32, #tpu.memory_space<vmem>>[vector<16xi32>], vector<16xi32>,
        tpu.vector_store_idx %arg8[%add3A_336], %get3A_326 : memref<4368xi32, #tpu.memory_space<vmem>>[vector<16xi32>], vector<16xi32>,
        %scan3A_337 = arith.constant 0 : i32
        scf.yield %scan3A_337 : i32
      }
      %scan3A_88 = arith.constant 256 : i32
      %scan3A_89 = arith.constant 0 : i32
      %scan3A_90 = arith.constant 0 : i32
      %scan3A_91 = arith.constant 256 : i32
      %scan3A_92 = arith.addi %scan3A_90, %scan3A_91 : i32
      %scan3A_93 = arith.constant 8 : i32
      %scan3A_94 = scf.for %scan3A_110 = %scan3A_90 to %scan3A_92 step %scan3A_93 iter_args(%scan3A_111 = %scan3A_89) -> (i32)  : i32 {
        %mul3A_112 = arith.constant 17 : i32
        %mul3A_113 = arith.muli %scan3A_110, %mul3A_112 : i32
        %get3A = arith.index_cast %mul3A_113 : i32 to index
        %get3A_114 = tpu.vector_load %arg6[%get3A] {strides = array<i32>} : memref<4368xi32, #tpu.memory_space<vmem>>, vector<16xi32>,
        %shift_right_logical3A = arith.constant 20 : i32
        %shift_right_logical3A_115 = vector.broadcast %shift_right_logical3A : i32 to vector<16xi32>
        %shift_right_logical3A_116 = arith.shrui %get3A_114, %shift_right_logical3A_115 : vector<16xi32>
        %and3A = arith.constant 1023 : i32
        %and3A_117 = vector.broadcast %and3A : i32 to vector<16xi32>
        %and3A_118 = arith.andi %shift_right_logical3A_116, %and3A_117 : vector<16xi32>
        %add3A_119 = arith.addi %mul3A_7, %and3A_118 : vector<16xi32>
        tpu.vector_store_idx %arg12[%add3A_119], %broadcast_in_dim3A_8 {add = true} : memref<16672xi32, #tpu.memory_space<vmem>>[vector<16xi32>], vector<16xi32>,
        %scan3A_120 = arith.constant 0 : i32
        %scan3A_121 = arith.constant 1 : i32
        %scan3A_122 = arith.addi %scan3A_110, %scan3A_121 : i32
        %mul3A_123 = arith.constant 17 : i32
        %mul3A_124 = arith.muli %scan3A_122, %mul3A_123 : i32
        %get3A_125 = arith.index_cast %mul3A_124 : i32 to index
        %get3A_126 = tpu.vector_load %arg6[%get3A_125] {strides = array<i32>} : memref<4368xi32, #tpu.memory_space<vmem>>, vector<16xi32>,
        %shift_right_logical3A_127 = arith.constant 20 : i32
        %shift_right_logical3A_128 = vector.broadcast %shift_right_logical3A_127 : i32 to vector<16xi32>
        %shift_right_logical3A_129 = arith.shrui %get3A_126, %shift_right_logical3A_128 : vector<16xi32>
        %and3A_130 = arith.constant 1023 : i32
        %and3A_131 = vector.broadcast %and3A_130 : i32 to vector<16xi32>
        %and3A_132 = arith.andi %shift_right_logical3A_129, %and3A_131 : vector<16xi32>
        %add3A_133 = arith.addi %mul3A_7, %and3A_132 : vector<16xi32>
        tpu.vector_store_idx %arg12[%add3A_133], %broadcast_in_dim3A_8 {add = true} : memref<16672xi32, #tpu.memory_space<vmem>>[vector<16xi32>], vector<16xi32>,
        %scan3A_134 = arith.constant 0 : i32
        %scan3A_135 = arith.constant 2 : i32
        %scan3A_136 = arith.addi %scan3A_110, %scan3A_135 : i32
        %mul3A_137 = arith.constant 17 : i32
        %mul3A_138 = arith.muli %scan3A_136, %mul3A_137 : i32
        %get3A_139 = arith.index_cast %mul3A_138 : i32 to index
        %get3A_140 = tpu.vector_load %arg6[%get3A_139] {strides = array<i32>} : memref<4368xi32, #tpu.memory_space<vmem>>, vector<16xi32>,
        %shift_right_logical3A_141 = arith.constant 20 : i32
        %shift_right_logical3A_142 = vector.broadcast %shift_right_logical3A_141 : i32 to vector<16xi32>
        %shift_right_logical3A_143 = arith.shrui %get3A_140, %shift_right_logical3A_142 : vector<16xi32>
        %and3A_144 = arith.constant 1023 : i32
        %and3A_145 = vector.broadcast %and3A_144 : i32 to vector<16xi32>
        %and3A_146 = arith.andi %shift_right_logical3A_143, %and3A_145 : vector<16xi32>
        %add3A_147 = arith.addi %mul3A_7, %and3A_146 : vector<16xi32>
        tpu.vector_store_idx %arg12[%add3A_147], %broadcast_in_dim3A_8 {add = true} : memref<16672xi32, #tpu.memory_space<vmem>>[vector<16xi32>], vector<16xi32>,
        %scan3A_148 = arith.constant 0 : i32
        %scan3A_149 = arith.constant 3 : i32
        %scan3A_150 = arith.addi %scan3A_110, %scan3A_149 : i32
        %mul3A_151 = arith.constant 17 : i32
        %mul3A_152 = arith.muli %scan3A_150, %mul3A_151 : i32
        %get3A_153 = arith.index_cast %mul3A_152 : i32 to index
        %get3A_154 = tpu.vector_load %arg6[%get3A_153] {strides = array<i32>} : memref<4368xi32, #tpu.memory_space<vmem>>, vector<16xi32>,
        %shift_right_logical3A_155 = arith.constant 20 : i32
        %shift_right_logical3A_156 = vector.broadcast %shift_right_logical3A_155 : i32 to vector<16xi32>
        %shift_right_logical3A_157 = arith.shrui %get3A_154, %shift_right_logical3A_156 : vector<16xi32>
        %and3A_158 = arith.constant 1023 : i32
        %and3A_159 = vector.broadcast %and3A_158 : i32 to vector<16xi32>
        %and3A_160 = arith.andi %shift_right_logical3A_157, %and3A_159 : vector<16xi32>
        %add3A_161 = arith.addi %mul3A_7, %and3A_160 : vector<16xi32>
        tpu.vector_store_idx %arg12[%add3A_161], %broadcast_in_dim3A_8 {add = true} : memref<16672xi32, #tpu.memory_space<vmem>>[vector<16xi32>], vector<16xi32>,
        %scan3A_162 = arith.constant 0 : i32
        %scan3A_163 = arith.constant 4 : i32
        %scan3A_164 = arith.addi %scan3A_110, %scan3A_163 : i32
        %mul3A_165 = arith.constant 17 : i32
        %mul3A_166 = arith.muli %scan3A_164, %mul3A_165 : i32
        %get3A_167 = arith.index_cast %mul3A_166 : i32 to index
        %get3A_168 = tpu.vector_load %arg6[%get3A_167] {strides = array<i32>} : memref<4368xi32, #tpu.memory_space<vmem>>, vector<16xi32>,
        %shift_right_logical3A_169 = arith.constant 20 : i32
        %shift_right_logical3A_170 = vector.broadcast %shift_right_logical3A_169 : i32 to vector<16xi32>
        %shift_right_logical3A_171 = arith.shrui %get3A_168, %shift_right_logical3A_170 : vector<16xi32>
        %and3A_172 = arith.constant 1023 : i32
        %and3A_173 = vector.broadcast %and3A_172 : i32 to vector<16xi32>
        %and3A_174 = arith.andi %shift_right_logical3A_171, %and3A_173 : vector<16xi32>
        %add3A_175 = arith.addi %mul3A_7, %and3A_174 : vector<16xi32>
        tpu.vector_store_idx %arg12[%add3A_175], %broadcast_in_dim3A_8 {add = true} : memref<16672xi32, #tpu.memory_space<vmem>>[vector<16xi32>], vector<16xi32>,
        %scan3A_176 = arith.constant 0 : i32
        %scan3A_177 = arith.constant 5 : i32
        %scan3A_178 = arith.addi %scan3A_110, %scan3A_177 : i32
        %mul3A_179 = arith.constant 17 : i32
        %mul3A_180 = arith.muli %scan3A_178, %mul3A_179 : i32
        %get3A_181 = arith.index_cast %mul3A_180 : i32 to index
        %get3A_182 = tpu.vector_load %arg6[%get3A_181] {strides = array<i32>} : memref<4368xi32, #tpu.memory_space<vmem>>, vector<16xi32>,
        %shift_right_logical3A_183 = arith.constant 20 : i32
        %shift_right_logical3A_184 = vector.broadcast %shift_right_logical3A_183 : i32 to vector<16xi32>
        %shift_right_logical3A_185 = arith.shrui %get3A_182, %shift_right_logical3A_184 : vector<16xi32>
        %and3A_186 = arith.constant 1023 : i32
        %and3A_187 = vector.broadcast %and3A_186 : i32 to vector<16xi32>
        %and3A_188 = arith.andi %shift_right_logical3A_185, %and3A_187 : vector<16xi32>
        %add3A_189 = arith.addi %mul3A_7, %and3A_188 : vector<16xi32>
        tpu.vector_store_idx %arg12[%add3A_189], %broadcast_in_dim3A_8 {add = true} : memref<16672xi32, #tpu.memory_space<vmem>>[vector<16xi32>], vector<16xi32>,
        %scan3A_190 = arith.constant 0 : i32
        %scan3A_191 = arith.constant 6 : i32
        %scan3A_192 = arith.addi %scan3A_110, %scan3A_191 : i32
        %mul3A_193 = arith.constant 17 : i32
        %mul3A_194 = arith.muli %scan3A_192, %mul3A_193 : i32
        %get3A_195 = arith.index_cast %mul3A_194 : i32 to index
        %get3A_196 = tpu.vector_load %arg6[%get3A_195] {strides = array<i32>} : memref<4368xi32, #tpu.memory_space<vmem>>, vector<16xi32>,
        %shift_right_logical3A_197 = arith.constant 20 : i32
        %shift_right_logical3A_198 = vector.broadcast %shift_right_logical3A_197 : i32 to vector<16xi32>
        %shift_right_logical3A_199 = arith.shrui %get3A_196, %shift_right_logical3A_198 : vector<16xi32>
        %and3A_200 = arith.constant 1023 : i32
        %and3A_201 = vector.broadcast %and3A_200 : i32 to vector<16xi32>
        %and3A_202 = arith.andi %shift_right_logical3A_199, %and3A_201 : vector<16xi32>
        %add3A_203 = arith.addi %mul3A_7, %and3A_202 : vector<16xi32>
        tpu.vector_store_idx %arg12[%add3A_203], %broadcast_in_dim3A_8 {add = true} : memref<16672xi32, #tpu.memory_space<vmem>>[vector<16xi32>], vector<16xi32>,
        %scan3A_204 = arith.constant 0 : i32
        %scan3A_205 = arith.constant 7 : i32
        %scan3A_206 = arith.addi %scan3A_110, %scan3A_205 : i32
        %mul3A_207 = arith.constant 17 : i32
        %mul3A_208 = arith.muli %scan3A_206, %mul3A_207 : i32
        %get3A_209 = arith.index_cast %mul3A_208 : i32 to index
        %get3A_210 = tpu.vector_load %arg6[%get3A_209] {strides = array<i32>} : memref<4368xi32, #tpu.memory_space<vmem>>, vector<16xi32>,
        %shift_right_logical3A_211 = arith.constant 20 : i32
        %shift_right_logical3A_212 = vector.broadcast %shift_right_logical3A_211 : i32 to vector<16xi32>
        %shift_right_logical3A_213 = arith.shrui %get3A_210, %shift_right_logical3A_212 : vector<16xi32>
        %and3A_214 = arith.constant 1023 : i32
        %and3A_215 = vector.broadcast %and3A_214 : i32 to vector<16xi32>
        %and3A_216 = arith.andi %shift_right_logical3A_213, %and3A_215 : vector<16xi32>
        %add3A_217 = arith.addi %mul3A_7, %and3A_216 : vector<16xi32>
        tpu.vector_store_idx %arg12[%add3A_217], %broadcast_in_dim3A_8 {add = true} : memref<16672xi32, #tpu.memory_space<vmem>>[vector<16xi32>], vector<16xi32>,
        %scan3A_218 = arith.constant 0 : i32
        scf.yield %scan3A_218 : i32
      }
      %scan3A_95 = arith.constant 256 : i32
      %scan3A_96 = arith.constant 0 : i32
      %scan3A_97 = arith.constant 0 : i32
      %scan3A_98 = arith.constant 64 : i32
      %scan3A_99 = arith.addi %scan3A_97, %scan3A_98 : i32
      %scan3A_100 = arith.constant 2 : i32
      %scan3A_101 = scf.for %scan3A_110 = %scan3A_97 to %scan3A_99 step %scan3A_100 iter_args(%scan3A_111 = %scan3A_96) -> (i32)  : i32 {
        %mul3A_112 = arith.constant 16 : i32
        %mul3A_113 = arith.muli %scan3A_110, %mul3A_112 : i32
        %add3A_114 = arith.constant 0 : i32
        %add3A_115 = arith.addi %add3A_114, %mul3A_113 : i32
        %get3A = arith.index_cast %add3A_115 : i32 to index
        %get3A_116 = tpu.vector_load %arg12[%get3A] {strides = array<i32>} : memref<16672xi32, #tpu.memory_space<vmem>>, vector<16xi32>,
        %mul3A_117 = arith.constant 16 : i32
        %mul3A_118 = arith.muli %scan3A_110, %mul3A_117 : i32
        %add3A_119 = arith.constant 1041 : i32
        %add3A_120 = arith.addi %add3A_119, %mul3A_118 : i32
        %get3A_121 = arith.index_cast %add3A_120 : i32 to index
        %get3A_122 = tpu.vector_load %arg12[%get3A_121] {strides = array<i32>} : memref<16672xi32, #tpu.memory_space<vmem>>, vector<16xi32>,
        %mul3A_123 = arith.constant 16 : i32
        %mul3A_124 = arith.muli %scan3A_110, %mul3A_123 : i32
        %add3A_125 = arith.constant 2082 : i32
        %add3A_126 = arith.addi %add3A_125, %mul3A_124 : i32
        %get3A_127 = arith.index_cast %add3A_126 : i32 to index
        %get3A_128 = tpu.vector_load %arg12[%get3A_127] {strides = array<i32>} : memref<16672xi32, #tpu.memory_space<vmem>>, vector<16xi32>,
        %mul3A_129 = arith.constant 16 : i32
        %mul3A_130 = arith.muli %scan3A_110, %mul3A_129 : i32
        %add3A_131 = arith.constant 3123 : i32
        %add3A_132 = arith.addi %add3A_131, %mul3A_130 : i32
        %get3A_133 = arith.index_cast %add3A_132 : i32 to index
        %get3A_134 = tpu.vector_load %arg12[%get3A_133] {strides = array<i32>} : memref<16672xi32, #tpu.memory_space<vmem>>, vector<16xi32>,
        %mul3A_135 = arith.constant 16 : i32
        %mul3A_136 = arith.muli %scan3A_110, %mul3A_135 : i32
        %add3A_137 = arith.constant 4164 : i32
        %add3A_138 = arith.addi %add3A_137, %mul3A_136 : i32
        %get3A_139 = arith.index_cast %add3A_138 : i32 to index
        %get3A_140 = tpu.vector_load %arg12[%get3A_139] {strides = array<i32>} : memref<16672xi32, #tpu.memory_space<vmem>>, vector<16xi32>,
        %mul3A_141 = arith.constant 16 : i32
        %mul3A_142 = arith.muli %scan3A_110, %mul3A_141 : i32
        %add3A_143 = arith.constant 5205 : i32
        %add3A_144 = arith.addi %add3A_143, %mul3A_142 : i32
        %get3A_145 = arith.index_cast %add3A_144 : i32 to index
        %get3A_146 = tpu.vector_load %arg12[%get3A_145] {strides = array<i32>} : memref<16672xi32, #tpu.memory_space<vmem>>, vector<16xi32>,
        %mul3A_147 = arith.constant 16 : i32
        %mul3A_148 = arith.muli %scan3A_110, %mul3A_147 : i32
        %add3A_149 = arith.constant 6246 : i32
        %add3A_150 = arith.addi %add3A_149, %mul3A_148 : i32
        %get3A_151 = arith.index_cast %add3A_150 : i32 to index
        %get3A_152 = tpu.vector_load %arg12[%get3A_151] {strides = array<i32>} : memref<16672xi32, #tpu.memory_space<vmem>>, vector<16xi32>,
        %mul3A_153 = arith.constant 16 : i32
        %mul3A_154 = arith.muli %scan3A_110, %mul3A_153 : i32
        %add3A_155 = arith.constant 7287 : i32
        %add3A_156 = arith.addi %add3A_155, %mul3A_154 : i32
        %get3A_157 = arith.index_cast %add3A_156 : i32 to index
        %get3A_158 = tpu.vector_load %arg12[%get3A_157] {strides = array<i32>} : memref<16672xi32, #tpu.memory_space<vmem>>, vector<16xi32>,
        %mul3A_159 = arith.constant 16 : i32
        %mul3A_160 = arith.muli %scan3A_110, %mul3A_159 : i32
        %add3A_161 = arith.constant 8328 : i32
        %add3A_162 = arith.addi %add3A_161, %mul3A_160 : i32
        %get3A_163 = arith.index_cast %add3A_162 : i32 to index
        %get3A_164 = tpu.vector_load %arg12[%get3A_163] {strides = array<i32>} : memref<16672xi32, #tpu.memory_space<vmem>>, vector<16xi32>,
        %mul3A_165 = arith.constant 16 : i32
        %mul3A_166 = arith.muli %scan3A_110, %mul3A_165 : i32
        %add3A_167 = arith.constant 9369 : i32
        %add3A_168 = arith.addi %add3A_167, %mul3A_166 : i32
        %get3A_169 = arith.index_cast %add3A_168 : i32 to index
        %get3A_170 = tpu.vector_load %arg12[%get3A_169] {strides = array<i32>} : memref<16672xi32, #tpu.memory_space<vmem>>, vector<16xi32>,
        %mul3A_171 = arith.constant 16 : i32
        %mul3A_172 = arith.muli %scan3A_110, %mul3A_171 : i32
        %add3A_173 = arith.constant 10410 : i32
        %add3A_174 = arith.addi %add3A_173, %mul3A_172 : i32
        %get3A_175 = arith.index_cast %add3A_174 : i32 to index
        %get3A_176 = tpu.vector_load %arg12[%get3A_175] {strides = array<i32>} : memref<16672xi32, #tpu.memory_space<vmem>>, vector<16xi32>,
        %mul3A_177 = arith.constant 16 : i32
        %mul3A_178 = arith.muli %scan3A_110, %mul3A_177 : i32
        %add3A_179 = arith.constant 11451 : i32
        %add3A_180 = arith.addi %add3A_179, %mul3A_178 : i32
        %get3A_181 = arith.index_cast %add3A_180 : i32 to index
        %get3A_182 = tpu.vector_load %arg12[%get3A_181] {strides = array<i32>} : memref<16672xi32, #tpu.memory_space<vmem>>, vector<16xi32>,
        %mul3A_183 = arith.constant 16 : i32
        %mul3A_184 = arith.muli %scan3A_110, %mul3A_183 : i32
        %add3A_185 = arith.constant 12492 : i32
        %add3A_186 = arith.addi %add3A_185, %mul3A_184 : i32
        %get3A_187 = arith.index_cast %add3A_186 : i32 to index
        %get3A_188 = tpu.vector_load %arg12[%get3A_187] {strides = array<i32>} : memref<16672xi32, #tpu.memory_space<vmem>>, vector<16xi32>,
        %mul3A_189 = arith.constant 16 : i32
        %mul3A_190 = arith.muli %scan3A_110, %mul3A_189 : i32
        %add3A_191 = arith.constant 13533 : i32
        %add3A_192 = arith.addi %add3A_191, %mul3A_190 : i32
        %get3A_193 = arith.index_cast %add3A_192 : i32 to index
        %get3A_194 = tpu.vector_load %arg12[%get3A_193] {strides = array<i32>} : memref<16672xi32, #tpu.memory_space<vmem>>, vector<16xi32>,
        %mul3A_195 = arith.constant 16 : i32
        %mul3A_196 = arith.muli %scan3A_110, %mul3A_195 : i32
        %add3A_197 = arith.constant 14574 : i32
        %add3A_198 = arith.addi %add3A_197, %mul3A_196 : i32
        %get3A_199 = arith.index_cast %add3A_198 : i32 to index
        %get3A_200 = tpu.vector_load %arg12[%get3A_199] {strides = array<i32>} : memref<16672xi32, #tpu.memory_space<vmem>>, vector<16xi32>,
        %mul3A_201 = arith.constant 16 : i32
        %mul3A_202 = arith.muli %scan3A_110, %mul3A_201 : i32
        %add3A_203 = arith.constant 15615 : i32
        %add3A_204 = arith.addi %add3A_203, %mul3A_202 : i32
        %get3A_205 = arith.index_cast %add3A_204 : i32 to index
        %get3A_206 = tpu.vector_load %arg12[%get3A_205] {strides = array<i32>} : memref<16672xi32, #tpu.memory_space<vmem>>, vector<16xi32>,
        %add3A_207 = arith.addi %get3A_116, %get3A_122 : vector<16xi32>
        %add3A_208 = arith.addi %add3A_207, %get3A_128 : vector<16xi32>
        %add3A_209 = arith.addi %add3A_208, %get3A_134 : vector<16xi32>
        %add3A_210 = arith.addi %add3A_209, %get3A_140 : vector<16xi32>
        %add3A_211 = arith.addi %add3A_210, %get3A_146 : vector<16xi32>
        %add3A_212 = arith.addi %add3A_211, %get3A_152 : vector<16xi32>
        %add3A_213 = arith.addi %add3A_212, %get3A_158 : vector<16xi32>
        %add3A_214 = arith.addi %add3A_213, %get3A_164 : vector<16xi32>
        %add3A_215 = arith.addi %add3A_214, %get3A_170 : vector<16xi32>
        %add3A_216 = arith.addi %add3A_215, %get3A_176 : vector<16xi32>
        %add3A_217 = arith.addi %add3A_216, %get3A_182 : vector<16xi32>
        %add3A_218 = arith.addi %add3A_217, %get3A_188 : vector<16xi32>
        %add3A_219 = arith.addi %add3A_218, %get3A_194 : vector<16xi32>
        %add3A_220 = arith.addi %add3A_219, %get3A_200 : vector<16xi32>
        %add3A_221 = arith.addi %add3A_220, %get3A_206 : vector<16xi32>
        %broadcast_in_dim3A_222 = arith.constant true
        %broadcast_in_dim3A_223 = vector.broadcast %broadcast_in_dim3A_222 : i1 to vector<16xi1>
        %masked_cumsum3A = tpu.scan <sum>, %add3A_221 masked %broadcast_in_dim3A_223 : vector<16xi32>, vector<16xi1> -> vector<16xi32>
        %sub3A = arith.subi %masked_cumsum3A, %add3A_221 : vector<16xi32>
        %add3A_224 = vector.broadcast %scan3A_111 : i32 to vector<16xi32>
        %add3A_225 = arith.addi %sub3A, %add3A_224 : vector<16xi32>
        %mul3A_226 = arith.constant 16 : i32
        %mul3A_227 = arith.muli %scan3A_110, %mul3A_226 : i32
        %add3A_228 = arith.constant 0 : i32
        %add3A_229 = arith.addi %add3A_228, %mul3A_227 : i32
        %swap3A_230 = arith.index_cast %add3A_229 : i32 to index
        %swap3A_231 = tpu.vector_load %arg12[%swap3A_230] {strides = array<i32>} : memref<16672xi32, #tpu.memory_space<vmem>>, vector<16xi32>,
        tpu.vector_store %arg12[%swap3A_230], %add3A_225 {strides = array<i32>} : memref<16672xi32, #tpu.memory_space<vmem>>, vector<16xi32>,
        %add3A_232 = arith.addi %add3A_225, %get3A_116 : vector<16xi32>
        %mul3A_233 = arith.constant 16 : i32
        %mul3A_234 = arith.muli %scan3A_110, %mul3A_233 : i32
        %add3A_235 = arith.constant 1041 : i32
        %add3A_236 = arith.addi %add3A_235, %mul3A_234 : i32
        %swap3A_237 = arith.index_cast %add3A_236 : i32 to index
        %swap3A_238 = tpu.vector_load %arg12[%swap3A_237] {strides = array<i32>} : memref<16672xi32, #tpu.memory_space<vmem>>, vector<16xi32>,
        tpu.vector_store %arg12[%swap3A_237], %add3A_232 {strides = array<i32>} : memref<16672xi32, #tpu.memory_space<vmem>>, vector<16xi32>,
        %add3A_239 = arith.addi %add3A_232, %get3A_122 : vector<16xi32>
        %mul3A_240 = arith.constant 16 : i32
        %mul3A_241 = arith.muli %scan3A_110, %mul3A_240 : i32
        %add3A_242 = arith.constant 2082 : i32
        %add3A_243 = arith.addi %add3A_242, %mul3A_241 : i32
        %swap3A_244 = arith.index_cast %add3A_243 : i32 to index
        %swap3A_245 = tpu.vector_load %arg12[%swap3A_244] {strides = array<i32>} : memref<16672xi32, #tpu.memory_space<vmem>>, vector<16xi32>,
        tpu.vector_store %arg12[%swap3A_244], %add3A_239 {strides = array<i32>} : memref<16672xi32, #tpu.memory_space<vmem>>, vector<16xi32>,
        %add3A_246 = arith.addi %add3A_239, %get3A_128 : vector<16xi32>
        %mul3A_247 = arith.constant 16 : i32
        %mul3A_248 = arith.muli %scan3A_110, %mul3A_247 : i32
        %add3A_249 = arith.constant 3123 : i32
        %add3A_250 = arith.addi %add3A_249, %mul3A_248 : i32
        %swap3A_251 = arith.index_cast %add3A_250 : i32 to index
        %swap3A_252 = tpu.vector_load %arg12[%swap3A_251] {strides = array<i32>} : memref<16672xi32, #tpu.memory_space<vmem>>, vector<16xi32>,
        tpu.vector_store %arg12[%swap3A_251], %add3A_246 {strides = array<i32>} : memref<16672xi32, #tpu.memory_space<vmem>>, vector<16xi32>,
        %add3A_253 = arith.addi %add3A_246, %get3A_134 : vector<16xi32>
        %mul3A_254 = arith.constant 16 : i32
        %mul3A_255 = arith.muli %scan3A_110, %mul3A_254 : i32
        %add3A_256 = arith.constant 4164 : i32
        %add3A_257 = arith.addi %add3A_256, %mul3A_255 : i32
        %swap3A_258 = arith.index_cast %add3A_257 : i32 to index
        %swap3A_259 = tpu.vector_load %arg12[%swap3A_258] {strides = array<i32>} : memref<16672xi32, #tpu.memory_space<vmem>>, vector<16xi32>,
        tpu.vector_store %arg12[%swap3A_258], %add3A_253 {strides = array<i32>} : memref<16672xi32, #tpu.memory_space<vmem>>, vector<16xi32>,
        %add3A_260 = arith.addi %add3A_253, %get3A_140 : vector<16xi32>
        %mul3A_261 = arith.constant 16 : i32
        %mul3A_262 = arith.muli %scan3A_110, %mul3A_261 : i32
        %add3A_263 = arith.constant 5205 : i32
        %add3A_264 = arith.addi %add3A_263, %mul3A_262 : i32
        %swap3A_265 = arith.index_cast %add3A_264 : i32 to index
        %swap3A_266 = tpu.vector_load %arg12[%swap3A_265] {strides = array<i32>} : memref<16672xi32, #tpu.memory_space<vmem>>, vector<16xi32>,
        tpu.vector_store %arg12[%swap3A_265], %add3A_260 {strides = array<i32>} : memref<16672xi32, #tpu.memory_space<vmem>>, vector<16xi32>,
        %add3A_267 = arith.addi %add3A_260, %get3A_146 : vector<16xi32>
        %mul3A_268 = arith.constant 16 : i32
        %mul3A_269 = arith.muli %scan3A_110, %mul3A_268 : i32
        %add3A_270 = arith.constant 6246 : i32
        %add3A_271 = arith.addi %add3A_270, %mul3A_269 : i32
        %swap3A_272 = arith.index_cast %add3A_271 : i32 to index
        %swap3A_273 = tpu.vector_load %arg12[%swap3A_272] {strides = array<i32>} : memref<16672xi32, #tpu.memory_space<vmem>>, vector<16xi32>,
        tpu.vector_store %arg12[%swap3A_272], %add3A_267 {strides = array<i32>} : memref<16672xi32, #tpu.memory_space<vmem>>, vector<16xi32>,
        %add3A_274 = arith.addi %add3A_267, %get3A_152 : vector<16xi32>
        %mul3A_275 = arith.constant 16 : i32
        %mul3A_276 = arith.muli %scan3A_110, %mul3A_275 : i32
        %add3A_277 = arith.constant 7287 : i32
        %add3A_278 = arith.addi %add3A_277, %mul3A_276 : i32
        %swap3A_279 = arith.index_cast %add3A_278 : i32 to index
        %swap3A_280 = tpu.vector_load %arg12[%swap3A_279] {strides = array<i32>} : memref<16672xi32, #tpu.memory_space<vmem>>, vector<16xi32>,
        tpu.vector_store %arg12[%swap3A_279], %add3A_274 {strides = array<i32>} : memref<16672xi32, #tpu.memory_space<vmem>>, vector<16xi32>,
        %add3A_281 = arith.addi %add3A_274, %get3A_158 : vector<16xi32>
        %mul3A_282 = arith.constant 16 : i32
        %mul3A_283 = arith.muli %scan3A_110, %mul3A_282 : i32
        %add3A_284 = arith.constant 8328 : i32
        %add3A_285 = arith.addi %add3A_284, %mul3A_283 : i32
        %swap3A_286 = arith.index_cast %add3A_285 : i32 to index
        %swap3A_287 = tpu.vector_load %arg12[%swap3A_286] {strides = array<i32>} : memref<16672xi32, #tpu.memory_space<vmem>>, vector<16xi32>,
        tpu.vector_store %arg12[%swap3A_286], %add3A_281 {strides = array<i32>} : memref<16672xi32, #tpu.memory_space<vmem>>, vector<16xi32>,
        %add3A_288 = arith.addi %add3A_281, %get3A_164 : vector<16xi32>
        %mul3A_289 = arith.constant 16 : i32
        %mul3A_290 = arith.muli %scan3A_110, %mul3A_289 : i32
        %add3A_291 = arith.constant 9369 : i32
        %add3A_292 = arith.addi %add3A_291, %mul3A_290 : i32
        %swap3A_293 = arith.index_cast %add3A_292 : i32 to index
        %swap3A_294 = tpu.vector_load %arg12[%swap3A_293] {strides = array<i32>} : memref<16672xi32, #tpu.memory_space<vmem>>, vector<16xi32>,
        tpu.vector_store %arg12[%swap3A_293], %add3A_288 {strides = array<i32>} : memref<16672xi32, #tpu.memory_space<vmem>>, vector<16xi32>,
        %add3A_295 = arith.addi %add3A_288, %get3A_170 : vector<16xi32>
        %mul3A_296 = arith.constant 16 : i32
        %mul3A_297 = arith.muli %scan3A_110, %mul3A_296 : i32
        %add3A_298 = arith.constant 10410 : i32
        %add3A_299 = arith.addi %add3A_298, %mul3A_297 : i32
        %swap3A_300 = arith.index_cast %add3A_299 : i32 to index
        %swap3A_301 = tpu.vector_load %arg12[%swap3A_300] {strides = array<i32>} : memref<16672xi32, #tpu.memory_space<vmem>>, vector<16xi32>,
        tpu.vector_store %arg12[%swap3A_300], %add3A_295 {strides = array<i32>} : memref<16672xi32, #tpu.memory_space<vmem>>, vector<16xi32>,
        %add3A_302 = arith.addi %add3A_295, %get3A_176 : vector<16xi32>
        %mul3A_303 = arith.constant 16 : i32
        %mul3A_304 = arith.muli %scan3A_110, %mul3A_303 : i32
        %add3A_305 = arith.constant 11451 : i32
        %add3A_306 = arith.addi %add3A_305, %mul3A_304 : i32
        %swap3A_307 = arith.index_cast %add3A_306 : i32 to index
        %swap3A_308 = tpu.vector_load %arg12[%swap3A_307] {strides = array<i32>} : memref<16672xi32, #tpu.memory_space<vmem>>, vector<16xi32>,
        tpu.vector_store %arg12[%swap3A_307], %add3A_302 {strides = array<i32>} : memref<16672xi32, #tpu.memory_space<vmem>>, vector<16xi32>,
        %add3A_309 = arith.addi %add3A_302, %get3A_182 : vector<16xi32>
        %mul3A_310 = arith.constant 16 : i32
        %mul3A_311 = arith.muli %scan3A_110, %mul3A_310 : i32
        %add3A_312 = arith.constant 12492 : i32
        %add3A_313 = arith.addi %add3A_312, %mul3A_311 : i32
        %swap3A_314 = arith.index_cast %add3A_313 : i32 to index
        %swap3A_315 = tpu.vector_load %arg12[%swap3A_314] {strides = array<i32>} : memref<16672xi32, #tpu.memory_space<vmem>>, vector<16xi32>,
        tpu.vector_store %arg12[%swap3A_314], %add3A_309 {strides = array<i32>} : memref<16672xi32, #tpu.memory_space<vmem>>, vector<16xi32>,
        %add3A_316 = arith.addi %add3A_309, %get3A_188 : vector<16xi32>
        %mul3A_317 = arith.constant 16 : i32
        %mul3A_318 = arith.muli %scan3A_110, %mul3A_317 : i32
        %add3A_319 = arith.constant 13533 : i32
        %add3A_320 = arith.addi %add3A_319, %mul3A_318 : i32
        %swap3A_321 = arith.index_cast %add3A_320 : i32 to index
        %swap3A_322 = tpu.vector_load %arg12[%swap3A_321] {strides = array<i32>} : memref<16672xi32, #tpu.memory_space<vmem>>, vector<16xi32>,
        tpu.vector_store %arg12[%swap3A_321], %add3A_316 {strides = array<i32>} : memref<16672xi32, #tpu.memory_space<vmem>>, vector<16xi32>,
        %add3A_323 = arith.addi %add3A_316, %get3A_194 : vector<16xi32>
        %mul3A_324 = arith.constant 16 : i32
        %mul3A_325 = arith.muli %scan3A_110, %mul3A_324 : i32
        %add3A_326 = arith.constant 14574 : i32
        %add3A_327 = arith.addi %add3A_326, %mul3A_325 : i32
        %swap3A_328 = arith.index_cast %add3A_327 : i32 to index
        %swap3A_329 = tpu.vector_load %arg12[%swap3A_328] {strides = array<i32>} : memref<16672xi32, #tpu.memory_space<vmem>>, vector<16xi32>,
        tpu.vector_store %arg12[%swap3A_328], %add3A_323 {strides = array<i32>} : memref<16672xi32, #tpu.memory_space<vmem>>, vector<16xi32>,
        %add3A_330 = arith.addi %add3A_323, %get3A_200 : vector<16xi32>
        %mul3A_331 = arith.constant 16 : i32
        %mul3A_332 = arith.muli %scan3A_110, %mul3A_331 : i32
        %add3A_333 = arith.constant 15615 : i32
        %add3A_334 = arith.addi %add3A_333, %mul3A_332 : i32
        %swap3A_335 = arith.index_cast %add3A_334 : i32 to index
        %swap3A_336 = tpu.vector_load %arg12[%swap3A_335] {strides = array<i32>} : memref<16672xi32, #tpu.memory_space<vmem>>, vector<16xi32>,
        tpu.vector_store %arg12[%swap3A_335], %add3A_330 {strides = array<i32>} : memref<16672xi32, #tpu.memory_space<vmem>>, vector<16xi32>,
        %reduce_sum3A = arith.constant true
        %reduce_sum3A_337 = vector.broadcast %reduce_sum3A : i1 to vector<16xi1>
        %reduce_sum3A_338 = tpu.scan <sum>, %add3A_221 masked %reduce_sum3A_337 : vector<16xi32>, vector<16xi1> -> vector<16xi32>
        %reduce_sum3A_339 = vector.extract %reduce_sum3A_338[15] : i32 from vector<16xi32>
        %add3A_340 = arith.addi %scan3A_111, %reduce_sum3A_339 : i32
        %scan3A_341 = arith.constant 1 : i32
        %scan3A_342 = arith.addi %scan3A_110, %scan3A_341 : i32
        %mul3A_343 = arith.constant 16 : i32
        %mul3A_344 = arith.muli %scan3A_342, %mul3A_343 : i32
        %add3A_345 = arith.constant 0 : i32
        %add3A_346 = arith.addi %add3A_345, %mul3A_344 : i32
        %get3A_347 = arith.index_cast %add3A_346 : i32 to index
        %get3A_348 = tpu.vector_load %arg12[%get3A_347] {strides = array<i32>} : memref<16672xi32, #tpu.memory_space<vmem>>, vector<16xi32>,
        %mul3A_349 = arith.constant 16 : i32
        %mul3A_350 = arith.muli %scan3A_342, %mul3A_349 : i32
        %add3A_351 = arith.constant 1041 : i32
        %add3A_352 = arith.addi %add3A_351, %mul3A_350 : i32
        %get3A_353 = arith.index_cast %add3A_352 : i32 to index
        %get3A_354 = tpu.vector_load %arg12[%get3A_353] {strides = array<i32>} : memref<16672xi32, #tpu.memory_space<vmem>>, vector<16xi32>,
        %mul3A_355 = arith.constant 16 : i32
        %mul3A_356 = arith.muli %scan3A_342, %mul3A_355 : i32
        %add3A_357 = arith.constant 2082 : i32
        %add3A_358 = arith.addi %add3A_357, %mul3A_356 : i32
        %get3A_359 = arith.index_cast %add3A_358 : i32 to index
        %get3A_360 = tpu.vector_load %arg12[%get3A_359] {strides = array<i32>} : memref<16672xi32, #tpu.memory_space<vmem>>, vector<16xi32>,
        %mul3A_361 = arith.constant 16 : i32
        %mul3A_362 = arith.muli %scan3A_342, %mul3A_361 : i32
        %add3A_363 = arith.constant 3123 : i32
        %add3A_364 = arith.addi %add3A_363, %mul3A_362 : i32
        %get3A_365 = arith.index_cast %add3A_364 : i32 to index
        %get3A_366 = tpu.vector_load %arg12[%get3A_365] {strides = array<i32>} : memref<16672xi32, #tpu.memory_space<vmem>>, vector<16xi32>,
        %mul3A_367 = arith.constant 16 : i32
        %mul3A_368 = arith.muli %scan3A_342, %mul3A_367 : i32
        %add3A_369 = arith.constant 4164 : i32
        %add3A_370 = arith.addi %add3A_369, %mul3A_368 : i32
        %get3A_371 = arith.index_cast %add3A_370 : i32 to index
        %get3A_372 = tpu.vector_load %arg12[%get3A_371] {strides = array<i32>} : memref<16672xi32, #tpu.memory_space<vmem>>, vector<16xi32>,
        %mul3A_373 = arith.constant 16 : i32
        %mul3A_374 = arith.muli %scan3A_342, %mul3A_373 : i32
        %add3A_375 = arith.constant 5205 : i32
        %add3A_376 = arith.addi %add3A_375, %mul3A_374 : i32
        %get3A_377 = arith.index_cast %add3A_376 : i32 to index
        %get3A_378 = tpu.vector_load %arg12[%get3A_377] {strides = array<i32>} : memref<16672xi32, #tpu.memory_space<vmem>>, vector<16xi32>,
        %mul3A_379 = arith.constant 16 : i32
        %mul3A_380 = arith.muli %scan3A_342, %mul3A_379 : i32
        %add3A_381 = arith.constant 6246 : i32
        %add3A_382 = arith.addi %add3A_381, %mul3A_380 : i32
        %get3A_383 = arith.index_cast %add3A_382 : i32 to index
        %get3A_384 = tpu.vector_load %arg12[%get3A_383] {strides = array<i32>} : memref<16672xi32, #tpu.memory_space<vmem>>, vector<16xi32>,
        %mul3A_385 = arith.constant 16 : i32
        %mul3A_386 = arith.muli %scan3A_342, %mul3A_385 : i32
        %add3A_387 = arith.constant 7287 : i32
        %add3A_388 = arith.addi %add3A_387, %mul3A_386 : i32
        %get3A_389 = arith.index_cast %add3A_388 : i32 to index
        %get3A_390 = tpu.vector_load %arg12[%get3A_389] {strides = array<i32>} : memref<16672xi32, #tpu.memory_space<vmem>>, vector<16xi32>,
        %mul3A_391 = arith.constant 16 : i32
        %mul3A_392 = arith.muli %scan3A_342, %mul3A_391 : i32
        %add3A_393 = arith.constant 8328 : i32
        %add3A_394 = arith.addi %add3A_393, %mul3A_392 : i32
        %get3A_395 = arith.index_cast %add3A_394 : i32 to index
        %get3A_396 = tpu.vector_load %arg12[%get3A_395] {strides = array<i32>} : memref<16672xi32, #tpu.memory_space<vmem>>, vector<16xi32>,
        %mul3A_397 = arith.constant 16 : i32
        %mul3A_398 = arith.muli %scan3A_342, %mul3A_397 : i32
        %add3A_399 = arith.constant 9369 : i32
        %add3A_400 = arith.addi %add3A_399, %mul3A_398 : i32
        %get3A_401 = arith.index_cast %add3A_400 : i32 to index
        %get3A_402 = tpu.vector_load %arg12[%get3A_401] {strides = array<i32>} : memref<16672xi32, #tpu.memory_space<vmem>>, vector<16xi32>,
        %mul3A_403 = arith.constant 16 : i32
        %mul3A_404 = arith.muli %scan3A_342, %mul3A_403 : i32
        %add3A_405 = arith.constant 10410 : i32
        %add3A_406 = arith.addi %add3A_405, %mul3A_404 : i32
        %get3A_407 = arith.index_cast %add3A_406 : i32 to index
        %get3A_408 = tpu.vector_load %arg12[%get3A_407] {strides = array<i32>} : memref<16672xi32, #tpu.memory_space<vmem>>, vector<16xi32>,
        %mul3A_409 = arith.constant 16 : i32
        %mul3A_410 = arith.muli %scan3A_342, %mul3A_409 : i32
        %add3A_411 = arith.constant 11451 : i32
        %add3A_412 = arith.addi %add3A_411, %mul3A_410 : i32
        %get3A_413 = arith.index_cast %add3A_412 : i32 to index
        %get3A_414 = tpu.vector_load %arg12[%get3A_413] {strides = array<i32>} : memref<16672xi32, #tpu.memory_space<vmem>>, vector<16xi32>,
        %mul3A_415 = arith.constant 16 : i32
        %mul3A_416 = arith.muli %scan3A_342, %mul3A_415 : i32
        %add3A_417 = arith.constant 12492 : i32
        %add3A_418 = arith.addi %add3A_417, %mul3A_416 : i32
        %get3A_419 = arith.index_cast %add3A_418 : i32 to index
        %get3A_420 = tpu.vector_load %arg12[%get3A_419] {strides = array<i32>} : memref<16672xi32, #tpu.memory_space<vmem>>, vector<16xi32>,
        %mul3A_421 = arith.constant 16 : i32
        %mul3A_422 = arith.muli %scan3A_342, %mul3A_421 : i32
        %add3A_423 = arith.constant 13533 : i32
        %add3A_424 = arith.addi %add3A_423, %mul3A_422 : i32
        %get3A_425 = arith.index_cast %add3A_424 : i32 to index
        %get3A_426 = tpu.vector_load %arg12[%get3A_425] {strides = array<i32>} : memref<16672xi32, #tpu.memory_space<vmem>>, vector<16xi32>,
        %mul3A_427 = arith.constant 16 : i32
        %mul3A_428 = arith.muli %scan3A_342, %mul3A_427 : i32
        %add3A_429 = arith.constant 14574 : i32
        %add3A_430 = arith.addi %add3A_429, %mul3A_428 : i32
        %get3A_431 = arith.index_cast %add3A_430 : i32 to index
        %get3A_432 = tpu.vector_load %arg12[%get3A_431] {strides = array<i32>} : memref<16672xi32, #tpu.memory_space<vmem>>, vector<16xi32>,
        %mul3A_433 = arith.constant 16 : i32
        %mul3A_434 = arith.muli %scan3A_342, %mul3A_433 : i32
        %add3A_435 = arith.constant 15615 : i32
        %add3A_436 = arith.addi %add3A_435, %mul3A_434 : i32
        %get3A_437 = arith.index_cast %add3A_436 : i32 to index
        %get3A_438 = tpu.vector_load %arg12[%get3A_437] {strides = array<i32>} : memref<16672xi32, #tpu.memory_space<vmem>>, vector<16xi32>,
        %add3A_439 = arith.addi %get3A_348, %get3A_354 : vector<16xi32>
        %add3A_440 = arith.addi %add3A_439, %get3A_360 : vector<16xi32>
        %add3A_441 = arith.addi %add3A_440, %get3A_366 : vector<16xi32>
        %add3A_442 = arith.addi %add3A_441, %get3A_372 : vector<16xi32>
        %add3A_443 = arith.addi %add3A_442, %get3A_378 : vector<16xi32>
        %add3A_444 = arith.addi %add3A_443, %get3A_384 : vector<16xi32>
        %add3A_445 = arith.addi %add3A_444, %get3A_390 : vector<16xi32>
        %add3A_446 = arith.addi %add3A_445, %get3A_396 : vector<16xi32>
        %add3A_447 = arith.addi %add3A_446, %get3A_402 : vector<16xi32>
        %add3A_448 = arith.addi %add3A_447, %get3A_408 : vector<16xi32>
        %add3A_449 = arith.addi %add3A_448, %get3A_414 : vector<16xi32>
        %add3A_450 = arith.addi %add3A_449, %get3A_420 : vector<16xi32>
        %add3A_451 = arith.addi %add3A_450, %get3A_426 : vector<16xi32>
        %add3A_452 = arith.addi %add3A_451, %get3A_432 : vector<16xi32>
        %add3A_453 = arith.addi %add3A_452, %get3A_438 : vector<16xi32>
        %broadcast_in_dim3A_454 = arith.constant true
        %broadcast_in_dim3A_455 = vector.broadcast %broadcast_in_dim3A_454 : i1 to vector<16xi1>
        %masked_cumsum3A_456 = tpu.scan <sum>, %add3A_453 masked %broadcast_in_dim3A_455 : vector<16xi32>, vector<16xi1> -> vector<16xi32>
        %sub3A_457 = arith.subi %masked_cumsum3A_456, %add3A_453 : vector<16xi32>
        %add3A_458 = vector.broadcast %add3A_340 : i32 to vector<16xi32>
        %add3A_459 = arith.addi %sub3A_457, %add3A_458 : vector<16xi32>
        %mul3A_460 = arith.constant 16 : i32
        %mul3A_461 = arith.muli %scan3A_342, %mul3A_460 : i32
        %add3A_462 = arith.constant 0 : i32
        %add3A_463 = arith.addi %add3A_462, %mul3A_461 : i32
        %swap3A_464 = arith.index_cast %add3A_463 : i32 to index
        %swap3A_465 = tpu.vector_load %arg12[%swap3A_464] {strides = array<i32>} : memref<16672xi32, #tpu.memory_space<vmem>>, vector<16xi32>,
        tpu.vector_store %arg12[%swap3A_464], %add3A_459 {strides = array<i32>} : memref<16672xi32, #tpu.memory_space<vmem>>, vector<16xi32>,
        %add3A_466 = arith.addi %add3A_459, %get3A_348 : vector<16xi32>
        %mul3A_467 = arith.constant 16 : i32
        %mul3A_468 = arith.muli %scan3A_342, %mul3A_467 : i32
        %add3A_469 = arith.constant 1041 : i32
        %add3A_470 = arith.addi %add3A_469, %mul3A_468 : i32
        %swap3A_471 = arith.index_cast %add3A_470 : i32 to index
        %swap3A_472 = tpu.vector_load %arg12[%swap3A_471] {strides = array<i32>} : memref<16672xi32, #tpu.memory_space<vmem>>, vector<16xi32>,
        tpu.vector_store %arg12[%swap3A_471], %add3A_466 {strides = array<i32>} : memref<16672xi32, #tpu.memory_space<vmem>>, vector<16xi32>,
        %add3A_473 = arith.addi %add3A_466, %get3A_354 : vector<16xi32>
        %mul3A_474 = arith.constant 16 : i32
        %mul3A_475 = arith.muli %scan3A_342, %mul3A_474 : i32
        %add3A_476 = arith.constant 2082 : i32
        %add3A_477 = arith.addi %add3A_476, %mul3A_475 : i32
        %swap3A_478 = arith.index_cast %add3A_477 : i32 to index
        %swap3A_479 = tpu.vector_load %arg12[%swap3A_478] {strides = array<i32>} : memref<16672xi32, #tpu.memory_space<vmem>>, vector<16xi32>,
        tpu.vector_store %arg12[%swap3A_478], %add3A_473 {strides = array<i32>} : memref<16672xi32, #tpu.memory_space<vmem>>, vector<16xi32>,
        %add3A_480 = arith.addi %add3A_473, %get3A_360 : vector<16xi32>
        %mul3A_481 = arith.constant 16 : i32
        %mul3A_482 = arith.muli %scan3A_342, %mul3A_481 : i32
        %add3A_483 = arith.constant 3123 : i32
        %add3A_484 = arith.addi %add3A_483, %mul3A_482 : i32
        %swap3A_485 = arith.index_cast %add3A_484 : i32 to index
        %swap3A_486 = tpu.vector_load %arg12[%swap3A_485] {strides = array<i32>} : memref<16672xi32, #tpu.memory_space<vmem>>, vector<16xi32>,
        tpu.vector_store %arg12[%swap3A_485], %add3A_480 {strides = array<i32>} : memref<16672xi32, #tpu.memory_space<vmem>>, vector<16xi32>,
        %add3A_487 = arith.addi %add3A_480, %get3A_366 : vector<16xi32>
        %mul3A_488 = arith.constant 16 : i32
        %mul3A_489 = arith.muli %scan3A_342, %mul3A_488 : i32
        %add3A_490 = arith.constant 4164 : i32
        %add3A_491 = arith.addi %add3A_490, %mul3A_489 : i32
        %swap3A_492 = arith.index_cast %add3A_491 : i32 to index
        %swap3A_493 = tpu.vector_load %arg12[%swap3A_492] {strides = array<i32>} : memref<16672xi32, #tpu.memory_space<vmem>>, vector<16xi32>,
        tpu.vector_store %arg12[%swap3A_492], %add3A_487 {strides = array<i32>} : memref<16672xi32, #tpu.memory_space<vmem>>, vector<16xi32>,
        %add3A_494 = arith.addi %add3A_487, %get3A_372 : vector<16xi32>
        %mul3A_495 = arith.constant 16 : i32
        %mul3A_496 = arith.muli %scan3A_342, %mul3A_495 : i32
        %add3A_497 = arith.constant 5205 : i32
        %add3A_498 = arith.addi %add3A_497, %mul3A_496 : i32
        %swap3A_499 = arith.index_cast %add3A_498 : i32 to index
        %swap3A_500 = tpu.vector_load %arg12[%swap3A_499] {strides = array<i32>} : memref<16672xi32, #tpu.memory_space<vmem>>, vector<16xi32>,
        tpu.vector_store %arg12[%swap3A_499], %add3A_494 {strides = array<i32>} : memref<16672xi32, #tpu.memory_space<vmem>>, vector<16xi32>,
        %add3A_501 = arith.addi %add3A_494, %get3A_378 : vector<16xi32>
        %mul3A_502 = arith.constant 16 : i32
        %mul3A_503 = arith.muli %scan3A_342, %mul3A_502 : i32
        %add3A_504 = arith.constant 6246 : i32
        %add3A_505 = arith.addi %add3A_504, %mul3A_503 : i32
        %swap3A_506 = arith.index_cast %add3A_505 : i32 to index
        %swap3A_507 = tpu.vector_load %arg12[%swap3A_506] {strides = array<i32>} : memref<16672xi32, #tpu.memory_space<vmem>>, vector<16xi32>,
        tpu.vector_store %arg12[%swap3A_506], %add3A_501 {strides = array<i32>} : memref<16672xi32, #tpu.memory_space<vmem>>, vector<16xi32>,
        %add3A_508 = arith.addi %add3A_501, %get3A_384 : vector<16xi32>
        %mul3A_509 = arith.constant 16 : i32
        %mul3A_510 = arith.muli %scan3A_342, %mul3A_509 : i32
        %add3A_511 = arith.constant 7287 : i32
        %add3A_512 = arith.addi %add3A_511, %mul3A_510 : i32
        %swap3A_513 = arith.index_cast %add3A_512 : i32 to index
        %swap3A_514 = tpu.vector_load %arg12[%swap3A_513] {strides = array<i32>} : memref<16672xi32, #tpu.memory_space<vmem>>, vector<16xi32>,
        tpu.vector_store %arg12[%swap3A_513], %add3A_508 {strides = array<i32>} : memref<16672xi32, #tpu.memory_space<vmem>>, vector<16xi32>,
        %add3A_515 = arith.addi %add3A_508, %get3A_390 : vector<16xi32>
        %mul3A_516 = arith.constant 16 : i32
        %mul3A_517 = arith.muli %scan3A_342, %mul3A_516 : i32
        %add3A_518 = arith.constant 8328 : i32
        %add3A_519 = arith.addi %add3A_518, %mul3A_517 : i32
        %swap3A_520 = arith.index_cast %add3A_519 : i32 to index
        %swap3A_521 = tpu.vector_load %arg12[%swap3A_520] {strides = array<i32>} : memref<16672xi32, #tpu.memory_space<vmem>>, vector<16xi32>,
        tpu.vector_store %arg12[%swap3A_520], %add3A_515 {strides = array<i32>} : memref<16672xi32, #tpu.memory_space<vmem>>, vector<16xi32>,
        %add3A_522 = arith.addi %add3A_515, %get3A_396 : vector<16xi32>
        %mul3A_523 = arith.constant 16 : i32
        %mul3A_524 = arith.muli %scan3A_342, %mul3A_523 : i32
        %add3A_525 = arith.constant 9369 : i32
        %add3A_526 = arith.addi %add3A_525, %mul3A_524 : i32
        %swap3A_527 = arith.index_cast %add3A_526 : i32 to index
        %swap3A_528 = tpu.vector_load %arg12[%swap3A_527] {strides = array<i32>} : memref<16672xi32, #tpu.memory_space<vmem>>, vector<16xi32>,
        tpu.vector_store %arg12[%swap3A_527], %add3A_522 {strides = array<i32>} : memref<16672xi32, #tpu.memory_space<vmem>>, vector<16xi32>,
        %add3A_529 = arith.addi %add3A_522, %get3A_402 : vector<16xi32>
        %mul3A_530 = arith.constant 16 : i32
        %mul3A_531 = arith.muli %scan3A_342, %mul3A_530 : i32
        %add3A_532 = arith.constant 10410 : i32
        %add3A_533 = arith.addi %add3A_532, %mul3A_531 : i32
        %swap3A_534 = arith.index_cast %add3A_533 : i32 to index
        %swap3A_535 = tpu.vector_load %arg12[%swap3A_534] {strides = array<i32>} : memref<16672xi32, #tpu.memory_space<vmem>>, vector<16xi32>,
        tpu.vector_store %arg12[%swap3A_534], %add3A_529 {strides = array<i32>} : memref<16672xi32, #tpu.memory_space<vmem>>, vector<16xi32>,
        %add3A_536 = arith.addi %add3A_529, %get3A_408 : vector<16xi32>
        %mul3A_537 = arith.constant 16 : i32
        %mul3A_538 = arith.muli %scan3A_342, %mul3A_537 : i32
        %add3A_539 = arith.constant 11451 : i32
        %add3A_540 = arith.addi %add3A_539, %mul3A_538 : i32
        %swap3A_541 = arith.index_cast %add3A_540 : i32 to index
        %swap3A_542 = tpu.vector_load %arg12[%swap3A_541] {strides = array<i32>} : memref<16672xi32, #tpu.memory_space<vmem>>, vector<16xi32>,
        tpu.vector_store %arg12[%swap3A_541], %add3A_536 {strides = array<i32>} : memref<16672xi32, #tpu.memory_space<vmem>>, vector<16xi32>,
        %add3A_543 = arith.addi %add3A_536, %get3A_414 : vector<16xi32>
        %mul3A_544 = arith.constant 16 : i32
        %mul3A_545 = arith.muli %scan3A_342, %mul3A_544 : i32
        %add3A_546 = arith.constant 12492 : i32
        %add3A_547 = arith.addi %add3A_546, %mul3A_545 : i32
        %swap3A_548 = arith.index_cast %add3A_547 : i32 to index
        %swap3A_549 = tpu.vector_load %arg12[%swap3A_548] {strides = array<i32>} : memref<16672xi32, #tpu.memory_space<vmem>>, vector<16xi32>,
        tpu.vector_store %arg12[%swap3A_548], %add3A_543 {strides = array<i32>} : memref<16672xi32, #tpu.memory_space<vmem>>, vector<16xi32>,
        %add3A_550 = arith.addi %add3A_543, %get3A_420 : vector<16xi32>
        %mul3A_551 = arith.constant 16 : i32
        %mul3A_552 = arith.muli %scan3A_342, %mul3A_551 : i32
        %add3A_553 = arith.constant 13533 : i32
        %add3A_554 = arith.addi %add3A_553, %mul3A_552 : i32
        %swap3A_555 = arith.index_cast %add3A_554 : i32 to index
        %swap3A_556 = tpu.vector_load %arg12[%swap3A_555] {strides = array<i32>} : memref<16672xi32, #tpu.memory_space<vmem>>, vector<16xi32>,
        tpu.vector_store %arg12[%swap3A_555], %add3A_550 {strides = array<i32>} : memref<16672xi32, #tpu.memory_space<vmem>>, vector<16xi32>,
        %add3A_557 = arith.addi %add3A_550, %get3A_426 : vector<16xi32>
        %mul3A_558 = arith.constant 16 : i32
        %mul3A_559 = arith.muli %scan3A_342, %mul3A_558 : i32
        %add3A_560 = arith.constant 14574 : i32
        %add3A_561 = arith.addi %add3A_560, %mul3A_559 : i32
        %swap3A_562 = arith.index_cast %add3A_561 : i32 to index
        %swap3A_563 = tpu.vector_load %arg12[%swap3A_562] {strides = array<i32>} : memref<16672xi32, #tpu.memory_space<vmem>>, vector<16xi32>,
        tpu.vector_store %arg12[%swap3A_562], %add3A_557 {strides = array<i32>} : memref<16672xi32, #tpu.memory_space<vmem>>, vector<16xi32>,
        %add3A_564 = arith.addi %add3A_557, %get3A_432 : vector<16xi32>
        %mul3A_565 = arith.constant 16 : i32
        %mul3A_566 = arith.muli %scan3A_342, %mul3A_565 : i32
        %add3A_567 = arith.constant 15615 : i32
        %add3A_568 = arith.addi %add3A_567, %mul3A_566 : i32
        %swap3A_569 = arith.index_cast %add3A_568 : i32 to index
        %swap3A_570 = tpu.vector_load %arg12[%swap3A_569] {strides = array<i32>} : memref<16672xi32, #tpu.memory_space<vmem>>, vector<16xi32>,
        tpu.vector_store %arg12[%swap3A_569], %add3A_564 {strides = array<i32>} : memref<16672xi32, #tpu.memory_space<vmem>>, vector<16xi32>,
        %reduce_sum3A_571 = arith.constant true
        %reduce_sum3A_572 = vector.broadcast %reduce_sum3A_571 : i1 to vector<16xi1>
        %reduce_sum3A_573 = tpu.scan <sum>, %add3A_453 masked %reduce_sum3A_572 : vector<16xi32>, vector<16xi1> -> vector<16xi32>
        %reduce_sum3A_574 = vector.extract %reduce_sum3A_573[15] : i32 from vector<16xi32>
        %add3A_575 = arith.addi %add3A_340, %reduce_sum3A_574 : i32
        scf.yield %add3A_575 : i32
      }
      %scan3A_102 = arith.constant 64 : i32
      %scan3A_103 = arith.constant 0 : i32
      %scan3A_104 = arith.constant 0 : i32
      %scan3A_105 = arith.constant 256 : i32
      %scan3A_106 = arith.addi %scan3A_104, %scan3A_105 : i32
      %scan3A_107 = arith.constant 8 : i32
      %scan3A_108 = scf.for %scan3A_110 = %scan3A_104 to %scan3A_106 step %scan3A_107 iter_args(%scan3A_111 = %scan3A_103) -> (i32)  : i32 {
        %mul3A_112 = arith.constant 17 : i32
        %mul3A_113 = arith.muli %scan3A_110, %mul3A_112 : i32
        %get3A = arith.index_cast %mul3A_113 : i32 to index
        %get3A_114 = tpu.vector_load %arg6[%get3A] {strides = array<i32>} : memref<4368xi32, #tpu.memory_space<vmem>>, vector<16xi32>,
        %shift_right_logical3A = arith.constant 20 : i32
        %shift_right_logical3A_115 = vector.broadcast %shift_right_logical3A : i32 to vector<16xi32>
        %shift_right_logical3A_116 = arith.shrui %get3A_114, %shift_right_logical3A_115 : vector<16xi32>
        %and3A = arith.constant 1023 : i32
        %and3A_117 = vector.broadcast %and3A : i32 to vector<16xi32>
        %and3A_118 = arith.andi %shift_right_logical3A_116, %and3A_117 : vector<16xi32>
        %add3A_119 = arith.addi %mul3A_7, %and3A_118 : vector<16xi32>
        %gather3A = tpu.vector_load_idx %arg12[%add3A_119] : memref<16672xi32, #tpu.memory_space<vmem>>[vector<16xi32>], vector<16xi32>,
        tpu.vector_store_idx %arg12[%add3A_119], %broadcast_in_dim3A_8 {add = true} : memref<16672xi32, #tpu.memory_space<vmem>>[vector<16xi32>], vector<16xi32>,
        %mul3A_120 = arith.constant 17 : i32
        %mul3A_121 = arith.muli %scan3A_110, %mul3A_120 : i32
        %get3A_122 = arith.index_cast %mul3A_121 : i32 to index
        %get3A_123 = tpu.vector_load %arg8[%get3A_122] {strides = array<i32>} : memref<4368xi32, #tpu.memory_space<vmem>>, vector<16xi32>,
        %not3A = arith.constant dense<-1> : vector<16xi32>
        %not3A_124 = arith.xori %get3A_114, %not3A : vector<16xi32>
        %lt3A_125 = arith.constant 0 : i32
        %lt3A_126 = vector.broadcast %lt3A_125 : i32 to vector<16xi32>
        %lt3A_127 = arith.cmpi slt, %not3A_124, %lt3A_126 : vector<16xi32>
        %xor3A = arith.constant -2147483648 : i32
        %xor3A_128 = vector.broadcast %xor3A : i32 to vector<16xi32>
        %xor3A_129 = arith.xori %not3A_124, %xor3A_128 : vector<16xi32>
        %not3A_130 = arith.constant dense<-1> : vector<16xi32>
        %not3A_131 = arith.xori %not3A_124, %not3A_130 : vector<16xi32>
        %select_n3A = arith.select %lt3A_127, %xor3A_129, %not3A_131 : vector<16xi1>, vector<16xi32>
        %bitcast_convert_type3A = tpu.bitcast %select_n3A : vector<16xi32> -> vector<16xf32>
        tpu.vector_store_idx %arg5[%gather3A], %bitcast_convert_type3A : memref<4096xf32, #tpu.memory_space<vmem>>[vector<16xi32>], vector<16xf32>,
        tpu.vector_store_idx %arg9[%gather3A], %get3A_123 : memref<4368xi32, #tpu.memory_space<vmem>>[vector<16xi32>], vector<16xi32>,
        %scan3A_132 = arith.constant 0 : i32
        %scan3A_133 = arith.constant 1 : i32
        %scan3A_134 = arith.addi %scan3A_110, %scan3A_133 : i32
        %mul3A_135 = arith.constant 17 : i32
        %mul3A_136 = arith.muli %scan3A_134, %mul3A_135 : i32
        %get3A_137 = arith.index_cast %mul3A_136 : i32 to index
        %get3A_138 = tpu.vector_load %arg6[%get3A_137] {strides = array<i32>} : memref<4368xi32, #tpu.memory_space<vmem>>, vector<16xi32>,
        %shift_right_logical3A_139 = arith.constant 20 : i32
        %shift_right_logical3A_140 = vector.broadcast %shift_right_logical3A_139 : i32 to vector<16xi32>
        %shift_right_logical3A_141 = arith.shrui %get3A_138, %shift_right_logical3A_140 : vector<16xi32>
        %and3A_142 = arith.constant 1023 : i32
        %and3A_143 = vector.broadcast %and3A_142 : i32 to vector<16xi32>
        %and3A_144 = arith.andi %shift_right_logical3A_141, %and3A_143 : vector<16xi32>
        %add3A_145 = arith.addi %mul3A_7, %and3A_144 : vector<16xi32>
        %gather3A_146 = tpu.vector_load_idx %arg12[%add3A_145] : memref<16672xi32, #tpu.memory_space<vmem>>[vector<16xi32>], vector<16xi32>,
        tpu.vector_store_idx %arg12[%add3A_145], %broadcast_in_dim3A_8 {add = true} : memref<16672xi32, #tpu.memory_space<vmem>>[vector<16xi32>], vector<16xi32>,
        %mul3A_147 = arith.constant 17 : i32
        %mul3A_148 = arith.muli %scan3A_134, %mul3A_147 : i32
        %get3A_149 = arith.index_cast %mul3A_148 : i32 to index
        %get3A_150 = tpu.vector_load %arg8[%get3A_149] {strides = array<i32>} : memref<4368xi32, #tpu.memory_space<vmem>>, vector<16xi32>,
        %not3A_151 = arith.constant dense<-1> : vector<16xi32>
        %not3A_152 = arith.xori %get3A_138, %not3A_151 : vector<16xi32>
        %lt3A_153 = arith.constant 0 : i32
        %lt3A_154 = vector.broadcast %lt3A_153 : i32 to vector<16xi32>
        %lt3A_155 = arith.cmpi slt, %not3A_152, %lt3A_154 : vector<16xi32>
        %xor3A_156 = arith.constant -2147483648 : i32
        %xor3A_157 = vector.broadcast %xor3A_156 : i32 to vector<16xi32>
        %xor3A_158 = arith.xori %not3A_152, %xor3A_157 : vector<16xi32>
        %not3A_159 = arith.constant dense<-1> : vector<16xi32>
        %not3A_160 = arith.xori %not3A_152, %not3A_159 : vector<16xi32>
        %select_n3A_161 = arith.select %lt3A_155, %xor3A_158, %not3A_160 : vector<16xi1>, vector<16xi32>
        %bitcast_convert_type3A_162 = tpu.bitcast %select_n3A_161 : vector<16xi32> -> vector<16xf32>
        tpu.vector_store_idx %arg5[%gather3A_146], %bitcast_convert_type3A_162 : memref<4096xf32, #tpu.memory_space<vmem>>[vector<16xi32>], vector<16xf32>,
        tpu.vector_store_idx %arg9[%gather3A_146], %get3A_150 : memref<4368xi32, #tpu.memory_space<vmem>>[vector<16xi32>], vector<16xi32>,
        %scan3A_163 = arith.constant 0 : i32
        %scan3A_164 = arith.constant 2 : i32
        %scan3A_165 = arith.addi %scan3A_110, %scan3A_164 : i32
        %mul3A_166 = arith.constant 17 : i32
        %mul3A_167 = arith.muli %scan3A_165, %mul3A_166 : i32
        %get3A_168 = arith.index_cast %mul3A_167 : i32 to index
        %get3A_169 = tpu.vector_load %arg6[%get3A_168] {strides = array<i32>} : memref<4368xi32, #tpu.memory_space<vmem>>, vector<16xi32>,
        %shift_right_logical3A_170 = arith.constant 20 : i32
        %shift_right_logical3A_171 = vector.broadcast %shift_right_logical3A_170 : i32 to vector<16xi32>
        %shift_right_logical3A_172 = arith.shrui %get3A_169, %shift_right_logical3A_171 : vector<16xi32>
        %and3A_173 = arith.constant 1023 : i32
        %and3A_174 = vector.broadcast %and3A_173 : i32 to vector<16xi32>
        %and3A_175 = arith.andi %shift_right_logical3A_172, %and3A_174 : vector<16xi32>
        %add3A_176 = arith.addi %mul3A_7, %and3A_175 : vector<16xi32>
        %gather3A_177 = tpu.vector_load_idx %arg12[%add3A_176] : memref<16672xi32, #tpu.memory_space<vmem>>[vector<16xi32>], vector<16xi32>,
        tpu.vector_store_idx %arg12[%add3A_176], %broadcast_in_dim3A_8 {add = true} : memref<16672xi32, #tpu.memory_space<vmem>>[vector<16xi32>], vector<16xi32>,
        %mul3A_178 = arith.constant 17 : i32
        %mul3A_179 = arith.muli %scan3A_165, %mul3A_178 : i32
        %get3A_180 = arith.index_cast %mul3A_179 : i32 to index
        %get3A_181 = tpu.vector_load %arg8[%get3A_180] {strides = array<i32>} : memref<4368xi32, #tpu.memory_space<vmem>>, vector<16xi32>,
        %not3A_182 = arith.constant dense<-1> : vector<16xi32>
        %not3A_183 = arith.xori %get3A_169, %not3A_182 : vector<16xi32>
        %lt3A_184 = arith.constant 0 : i32
        %lt3A_185 = vector.broadcast %lt3A_184 : i32 to vector<16xi32>
        %lt3A_186 = arith.cmpi slt, %not3A_183, %lt3A_185 : vector<16xi32>
        %xor3A_187 = arith.constant -2147483648 : i32
        %xor3A_188 = vector.broadcast %xor3A_187 : i32 to vector<16xi32>
        %xor3A_189 = arith.xori %not3A_183, %xor3A_188 : vector<16xi32>
        %not3A_190 = arith.constant dense<-1> : vector<16xi32>
        %not3A_191 = arith.xori %not3A_183, %not3A_190 : vector<16xi32>
        %select_n3A_192 = arith.select %lt3A_186, %xor3A_189, %not3A_191 : vector<16xi1>, vector<16xi32>
        %bitcast_convert_type3A_193 = tpu.bitcast %select_n3A_192 : vector<16xi32> -> vector<16xf32>
        tpu.vector_store_idx %arg5[%gather3A_177], %bitcast_convert_type3A_193 : memref<4096xf32, #tpu.memory_space<vmem>>[vector<16xi32>], vector<16xf32>,
        tpu.vector_store_idx %arg9[%gather3A_177], %get3A_181 : memref<4368xi32, #tpu.memory_space<vmem>>[vector<16xi32>], vector<16xi32>,
        %scan3A_194 = arith.constant 0 : i32
        %scan3A_195 = arith.constant 3 : i32
        %scan3A_196 = arith.addi %scan3A_110, %scan3A_195 : i32
        %mul3A_197 = arith.constant 17 : i32
        %mul3A_198 = arith.muli %scan3A_196, %mul3A_197 : i32
        %get3A_199 = arith.index_cast %mul3A_198 : i32 to index
        %get3A_200 = tpu.vector_load %arg6[%get3A_199] {strides = array<i32>} : memref<4368xi32, #tpu.memory_space<vmem>>, vector<16xi32>,
        %shift_right_logical3A_201 = arith.constant 20 : i32
        %shift_right_logical3A_202 = vector.broadcast %shift_right_logical3A_201 : i32 to vector<16xi32>
        %shift_right_logical3A_203 = arith.shrui %get3A_200, %shift_right_logical3A_202 : vector<16xi32>
        %and3A_204 = arith.constant 1023 : i32
        %and3A_205 = vector.broadcast %and3A_204 : i32 to vector<16xi32>
        %and3A_206 = arith.andi %shift_right_logical3A_203, %and3A_205 : vector<16xi32>
        %add3A_207 = arith.addi %mul3A_7, %and3A_206 : vector<16xi32>
        %gather3A_208 = tpu.vector_load_idx %arg12[%add3A_207] : memref<16672xi32, #tpu.memory_space<vmem>>[vector<16xi32>], vector<16xi32>,
        tpu.vector_store_idx %arg12[%add3A_207], %broadcast_in_dim3A_8 {add = true} : memref<16672xi32, #tpu.memory_space<vmem>>[vector<16xi32>], vector<16xi32>,
        %mul3A_209 = arith.constant 17 : i32
        %mul3A_210 = arith.muli %scan3A_196, %mul3A_209 : i32
        %get3A_211 = arith.index_cast %mul3A_210 : i32 to index
        %get3A_212 = tpu.vector_load %arg8[%get3A_211] {strides = array<i32>} : memref<4368xi32, #tpu.memory_space<vmem>>, vector<16xi32>,
        %not3A_213 = arith.constant dense<-1> : vector<16xi32>
        %not3A_214 = arith.xori %get3A_200, %not3A_213 : vector<16xi32>
        %lt3A_215 = arith.constant 0 : i32
        %lt3A_216 = vector.broadcast %lt3A_215 : i32 to vector<16xi32>
        %lt3A_217 = arith.cmpi slt, %not3A_214, %lt3A_216 : vector<16xi32>
        %xor3A_218 = arith.constant -2147483648 : i32
        %xor3A_219 = vector.broadcast %xor3A_218 : i32 to vector<16xi32>
        %xor3A_220 = arith.xori %not3A_214, %xor3A_219 : vector<16xi32>
        %not3A_221 = arith.constant dense<-1> : vector<16xi32>
        %not3A_222 = arith.xori %not3A_214, %not3A_221 : vector<16xi32>
        %select_n3A_223 = arith.select %lt3A_217, %xor3A_220, %not3A_222 : vector<16xi1>, vector<16xi32>
        %bitcast_convert_type3A_224 = tpu.bitcast %select_n3A_223 : vector<16xi32> -> vector<16xf32>
        tpu.vector_store_idx %arg5[%gather3A_208], %bitcast_convert_type3A_224 : memref<4096xf32, #tpu.memory_space<vmem>>[vector<16xi32>], vector<16xf32>,
        tpu.vector_store_idx %arg9[%gather3A_208], %get3A_212 : memref<4368xi32, #tpu.memory_space<vmem>>[vector<16xi32>], vector<16xi32>,
        %scan3A_225 = arith.constant 0 : i32
        %scan3A_226 = arith.constant 4 : i32
        %scan3A_227 = arith.addi %scan3A_110, %scan3A_226 : i32
        %mul3A_228 = arith.constant 17 : i32
        %mul3A_229 = arith.muli %scan3A_227, %mul3A_228 : i32
        %get3A_230 = arith.index_cast %mul3A_229 : i32 to index
        %get3A_231 = tpu.vector_load %arg6[%get3A_230] {strides = array<i32>} : memref<4368xi32, #tpu.memory_space<vmem>>, vector<16xi32>,
        %shift_right_logical3A_232 = arith.constant 20 : i32
        %shift_right_logical3A_233 = vector.broadcast %shift_right_logical3A_232 : i32 to vector<16xi32>
        %shift_right_logical3A_234 = arith.shrui %get3A_231, %shift_right_logical3A_233 : vector<16xi32>
        %and3A_235 = arith.constant 1023 : i32
        %and3A_236 = vector.broadcast %and3A_235 : i32 to vector<16xi32>
        %and3A_237 = arith.andi %shift_right_logical3A_234, %and3A_236 : vector<16xi32>
        %add3A_238 = arith.addi %mul3A_7, %and3A_237 : vector<16xi32>
        %gather3A_239 = tpu.vector_load_idx %arg12[%add3A_238] : memref<16672xi32, #tpu.memory_space<vmem>>[vector<16xi32>], vector<16xi32>,
        tpu.vector_store_idx %arg12[%add3A_238], %broadcast_in_dim3A_8 {add = true} : memref<16672xi32, #tpu.memory_space<vmem>>[vector<16xi32>], vector<16xi32>,
        %mul3A_240 = arith.constant 17 : i32
        %mul3A_241 = arith.muli %scan3A_227, %mul3A_240 : i32
        %get3A_242 = arith.index_cast %mul3A_241 : i32 to index
        %get3A_243 = tpu.vector_load %arg8[%get3A_242] {strides = array<i32>} : memref<4368xi32, #tpu.memory_space<vmem>>, vector<16xi32>,
        %not3A_244 = arith.constant dense<-1> : vector<16xi32>
        %not3A_245 = arith.xori %get3A_231, %not3A_244 : vector<16xi32>
        %lt3A_246 = arith.constant 0 : i32
        %lt3A_247 = vector.broadcast %lt3A_246 : i32 to vector<16xi32>
        %lt3A_248 = arith.cmpi slt, %not3A_245, %lt3A_247 : vector<16xi32>
        %xor3A_249 = arith.constant -2147483648 : i32
        %xor3A_250 = vector.broadcast %xor3A_249 : i32 to vector<16xi32>
        %xor3A_251 = arith.xori %not3A_245, %xor3A_250 : vector<16xi32>
        %not3A_252 = arith.constant dense<-1> : vector<16xi32>
        %not3A_253 = arith.xori %not3A_245, %not3A_252 : vector<16xi32>
        %select_n3A_254 = arith.select %lt3A_248, %xor3A_251, %not3A_253 : vector<16xi1>, vector<16xi32>
        %bitcast_convert_type3A_255 = tpu.bitcast %select_n3A_254 : vector<16xi32> -> vector<16xf32>
        tpu.vector_store_idx %arg5[%gather3A_239], %bitcast_convert_type3A_255 : memref<4096xf32, #tpu.memory_space<vmem>>[vector<16xi32>], vector<16xf32>,
        tpu.vector_store_idx %arg9[%gather3A_239], %get3A_243 : memref<4368xi32, #tpu.memory_space<vmem>>[vector<16xi32>], vector<16xi32>,
        %scan3A_256 = arith.constant 0 : i32
        %scan3A_257 = arith.constant 5 : i32
        %scan3A_258 = arith.addi %scan3A_110, %scan3A_257 : i32
        %mul3A_259 = arith.constant 17 : i32
        %mul3A_260 = arith.muli %scan3A_258, %mul3A_259 : i32
        %get3A_261 = arith.index_cast %mul3A_260 : i32 to index
        %get3A_262 = tpu.vector_load %arg6[%get3A_261] {strides = array<i32>} : memref<4368xi32, #tpu.memory_space<vmem>>, vector<16xi32>,
        %shift_right_logical3A_263 = arith.constant 20 : i32
        %shift_right_logical3A_264 = vector.broadcast %shift_right_logical3A_263 : i32 to vector<16xi32>
        %shift_right_logical3A_265 = arith.shrui %get3A_262, %shift_right_logical3A_264 : vector<16xi32>
        %and3A_266 = arith.constant 1023 : i32
        %and3A_267 = vector.broadcast %and3A_266 : i32 to vector<16xi32>
        %and3A_268 = arith.andi %shift_right_logical3A_265, %and3A_267 : vector<16xi32>
        %add3A_269 = arith.addi %mul3A_7, %and3A_268 : vector<16xi32>
        %gather3A_270 = tpu.vector_load_idx %arg12[%add3A_269] : memref<16672xi32, #tpu.memory_space<vmem>>[vector<16xi32>], vector<16xi32>,
        tpu.vector_store_idx %arg12[%add3A_269], %broadcast_in_dim3A_8 {add = true} : memref<16672xi32, #tpu.memory_space<vmem>>[vector<16xi32>], vector<16xi32>,
        %mul3A_271 = arith.constant 17 : i32
        %mul3A_272 = arith.muli %scan3A_258, %mul3A_271 : i32
        %get3A_273 = arith.index_cast %mul3A_272 : i32 to index
        %get3A_274 = tpu.vector_load %arg8[%get3A_273] {strides = array<i32>} : memref<4368xi32, #tpu.memory_space<vmem>>, vector<16xi32>,
        %not3A_275 = arith.constant dense<-1> : vector<16xi32>
        %not3A_276 = arith.xori %get3A_262, %not3A_275 : vector<16xi32>
        %lt3A_277 = arith.constant 0 : i32
        %lt3A_278 = vector.broadcast %lt3A_277 : i32 to vector<16xi32>
        %lt3A_279 = arith.cmpi slt, %not3A_276, %lt3A_278 : vector<16xi32>
        %xor3A_280 = arith.constant -2147483648 : i32
        %xor3A_281 = vector.broadcast %xor3A_280 : i32 to vector<16xi32>
        %xor3A_282 = arith.xori %not3A_276, %xor3A_281 : vector<16xi32>
        %not3A_283 = arith.constant dense<-1> : vector<16xi32>
        %not3A_284 = arith.xori %not3A_276, %not3A_283 : vector<16xi32>
        %select_n3A_285 = arith.select %lt3A_279, %xor3A_282, %not3A_284 : vector<16xi1>, vector<16xi32>
        %bitcast_convert_type3A_286 = tpu.bitcast %select_n3A_285 : vector<16xi32> -> vector<16xf32>
        tpu.vector_store_idx %arg5[%gather3A_270], %bitcast_convert_type3A_286 : memref<4096xf32, #tpu.memory_space<vmem>>[vector<16xi32>], vector<16xf32>,
        tpu.vector_store_idx %arg9[%gather3A_270], %get3A_274 : memref<4368xi32, #tpu.memory_space<vmem>>[vector<16xi32>], vector<16xi32>,
        %scan3A_287 = arith.constant 0 : i32
        %scan3A_288 = arith.constant 6 : i32
        %scan3A_289 = arith.addi %scan3A_110, %scan3A_288 : i32
        %mul3A_290 = arith.constant 17 : i32
        %mul3A_291 = arith.muli %scan3A_289, %mul3A_290 : i32
        %get3A_292 = arith.index_cast %mul3A_291 : i32 to index
        %get3A_293 = tpu.vector_load %arg6[%get3A_292] {strides = array<i32>} : memref<4368xi32, #tpu.memory_space<vmem>>, vector<16xi32>,
        %shift_right_logical3A_294 = arith.constant 20 : i32
        %shift_right_logical3A_295 = vector.broadcast %shift_right_logical3A_294 : i32 to vector<16xi32>
        %shift_right_logical3A_296 = arith.shrui %get3A_293, %shift_right_logical3A_295 : vector<16xi32>
        %and3A_297 = arith.constant 1023 : i32
        %and3A_298 = vector.broadcast %and3A_297 : i32 to vector<16xi32>
        %and3A_299 = arith.andi %shift_right_logical3A_296, %and3A_298 : vector<16xi32>
        %add3A_300 = arith.addi %mul3A_7, %and3A_299 : vector<16xi32>
        %gather3A_301 = tpu.vector_load_idx %arg12[%add3A_300] : memref<16672xi32, #tpu.memory_space<vmem>>[vector<16xi32>], vector<16xi32>,
        tpu.vector_store_idx %arg12[%add3A_300], %broadcast_in_dim3A_8 {add = true} : memref<16672xi32, #tpu.memory_space<vmem>>[vector<16xi32>], vector<16xi32>,
        %mul3A_302 = arith.constant 17 : i32
        %mul3A_303 = arith.muli %scan3A_289, %mul3A_302 : i32
        %get3A_304 = arith.index_cast %mul3A_303 : i32 to index
        %get3A_305 = tpu.vector_load %arg8[%get3A_304] {strides = array<i32>} : memref<4368xi32, #tpu.memory_space<vmem>>, vector<16xi32>,
        %not3A_306 = arith.constant dense<-1> : vector<16xi32>
        %not3A_307 = arith.xori %get3A_293, %not3A_306 : vector<16xi32>
        %lt3A_308 = arith.constant 0 : i32
        %lt3A_309 = vector.broadcast %lt3A_308 : i32 to vector<16xi32>
        %lt3A_310 = arith.cmpi slt, %not3A_307, %lt3A_309 : vector<16xi32>
        %xor3A_311 = arith.constant -2147483648 : i32
        %xor3A_312 = vector.broadcast %xor3A_311 : i32 to vector<16xi32>
        %xor3A_313 = arith.xori %not3A_307, %xor3A_312 : vector<16xi32>
        %not3A_314 = arith.constant dense<-1> : vector<16xi32>
        %not3A_315 = arith.xori %not3A_307, %not3A_314 : vector<16xi32>
        %select_n3A_316 = arith.select %lt3A_310, %xor3A_313, %not3A_315 : vector<16xi1>, vector<16xi32>
        %bitcast_convert_type3A_317 = tpu.bitcast %select_n3A_316 : vector<16xi32> -> vector<16xf32>
        tpu.vector_store_idx %arg5[%gather3A_301], %bitcast_convert_type3A_317 : memref<4096xf32, #tpu.memory_space<vmem>>[vector<16xi32>], vector<16xf32>,
        tpu.vector_store_idx %arg9[%gather3A_301], %get3A_305 : memref<4368xi32, #tpu.memory_space<vmem>>[vector<16xi32>], vector<16xi32>,
        %scan3A_318 = arith.constant 0 : i32
        %scan3A_319 = arith.constant 7 : i32
        %scan3A_320 = arith.addi %scan3A_110, %scan3A_319 : i32
        %mul3A_321 = arith.constant 17 : i32
        %mul3A_322 = arith.muli %scan3A_320, %mul3A_321 : i32
        %get3A_323 = arith.index_cast %mul3A_322 : i32 to index
        %get3A_324 = tpu.vector_load %arg6[%get3A_323] {strides = array<i32>} : memref<4368xi32, #tpu.memory_space<vmem>>, vector<16xi32>,
        %shift_right_logical3A_325 = arith.constant 20 : i32
        %shift_right_logical3A_326 = vector.broadcast %shift_right_logical3A_325 : i32 to vector<16xi32>
        %shift_right_logical3A_327 = arith.shrui %get3A_324, %shift_right_logical3A_326 : vector<16xi32>
        %and3A_328 = arith.constant 1023 : i32
        %and3A_329 = vector.broadcast %and3A_328 : i32 to vector<16xi32>
        %and3A_330 = arith.andi %shift_right_logical3A_327, %and3A_329 : vector<16xi32>
        %add3A_331 = arith.addi %mul3A_7, %and3A_330 : vector<16xi32>
        %gather3A_332 = tpu.vector_load_idx %arg12[%add3A_331] : memref<16672xi32, #tpu.memory_space<vmem>>[vector<16xi32>], vector<16xi32>,
        tpu.vector_store_idx %arg12[%add3A_331], %broadcast_in_dim3A_8 {add = true} : memref<16672xi32, #tpu.memory_space<vmem>>[vector<16xi32>], vector<16xi32>,
        %mul3A_333 = arith.constant 17 : i32
        %mul3A_334 = arith.muli %scan3A_320, %mul3A_333 : i32
        %get3A_335 = arith.index_cast %mul3A_334 : i32 to index
        %get3A_336 = tpu.vector_load %arg8[%get3A_335] {strides = array<i32>} : memref<4368xi32, #tpu.memory_space<vmem>>, vector<16xi32>,
        %not3A_337 = arith.constant dense<-1> : vector<16xi32>
        %not3A_338 = arith.xori %get3A_324, %not3A_337 : vector<16xi32>
        %lt3A_339 = arith.constant 0 : i32
        %lt3A_340 = vector.broadcast %lt3A_339 : i32 to vector<16xi32>
        %lt3A_341 = arith.cmpi slt, %not3A_338, %lt3A_340 : vector<16xi32>
        %xor3A_342 = arith.constant -2147483648 : i32
        %xor3A_343 = vector.broadcast %xor3A_342 : i32 to vector<16xi32>
        %xor3A_344 = arith.xori %not3A_338, %xor3A_343 : vector<16xi32>
        %not3A_345 = arith.constant dense<-1> : vector<16xi32>
        %not3A_346 = arith.xori %not3A_338, %not3A_345 : vector<16xi32>
        %select_n3A_347 = arith.select %lt3A_341, %xor3A_344, %not3A_346 : vector<16xi1>, vector<16xi32>
        %bitcast_convert_type3A_348 = tpu.bitcast %select_n3A_347 : vector<16xi32> -> vector<16xf32>
        tpu.vector_store_idx %arg5[%gather3A_332], %bitcast_convert_type3A_348 : memref<4096xf32, #tpu.memory_space<vmem>>[vector<16xi32>], vector<16xf32>,
        tpu.vector_store_idx %arg9[%gather3A_332], %get3A_336 : memref<4368xi32, #tpu.memory_space<vmem>>[vector<16xi32>], vector<16xi32>,
        %scan3A_349 = arith.constant 0 : i32
        scf.yield %scan3A_349 : i32
      }
      %scan3A_109 = arith.constant 256 : i32
      "tpu.region"() ({
        %run_scoped3A = tpu.sem_alloc : memref<!tpu.dma_semaphore, #tpu.memory_space<semaphore_mem>>
        %dma_start3A = tpu.memref_slice %arg3[%multiple_of3A] : memref<16384xf32, #tpu.memory_space<hbm>> -> memref<4096xf32, #tpu.memory_space<hbm>>
        %dma_start3A_110 = tpu.memref_slice %arg3[%multiple_of3A] : memref<16384xf32, #tpu.memory_space<hbm>> -> memref<4096xf32, #tpu.memory_space<hbm>>
        tpu.enqueue_dma source(%arg5 : memref<4096xf32, #tpu.memory_space<vmem>>) target(%dma_start3A_110 : memref<4096xf32, #tpu.memory_space<hbm>>) target_semaphore(%run_scoped3A : memref<!tpu.dma_semaphore, #tpu.memory_space<semaphore_mem>>)
        %dma_wait3A = tpu.memref_slice %arg3[%multiple_of3A] : memref<16384xf32, #tpu.memory_space<hbm>> -> memref<4096xf32, #tpu.memory_space<hbm>>
        %dma_wait3A_111 = tpu.memref_slice %arg3[%multiple_of3A] : memref<16384xf32, #tpu.memory_space<hbm>> -> memref<4096xf32, #tpu.memory_space<hbm>>
        tpu.wait_dma2 semaphore(%run_scoped3A : memref<!tpu.dma_semaphore, #tpu.memory_space<semaphore_mem>>) src(%arg5 : memref<4096xf32, #tpu.memory_space<vmem>>) dst(%dma_wait3A_111 : memref<4096xf32, #tpu.memory_space<hbm>>)
        tpu.yield
      }) : () -> ()
      "tpu.region"() ({
        %run_scoped3A = tpu.sem_alloc : memref<!tpu.dma_semaphore, #tpu.memory_space<semaphore_mem>>
        %dma_start3A = arith.constant 0 : i32
        %dma_start3A_110 = tpu.memref_slice %arg9[%dma_start3A] : memref<4368xi32, #tpu.memory_space<vmem>> -> memref<4096xi32, #tpu.memory_space<vmem>>
        %dma_start3A_111 = tpu.memref_slice %arg4[%multiple_of3A] : memref<16384xi32, #tpu.memory_space<hbm>> -> memref<4096xi32, #tpu.memory_space<hbm>>
        %dma_start3A_112 = tpu.memref_slice %arg4[%multiple_of3A] : memref<16384xi32, #tpu.memory_space<hbm>> -> memref<4096xi32, #tpu.memory_space<hbm>>
        %dma_start3A_113 = arith.constant 0 : i32
        %dma_start3A_114 = tpu.memref_slice %arg9[%dma_start3A_113] : memref<4368xi32, #tpu.memory_space<vmem>> -> memref<4096xi32, #tpu.memory_space<vmem>>
        tpu.enqueue_dma source(%dma_start3A_114 : memref<4096xi32, #tpu.memory_space<vmem>>) target(%dma_start3A_112 : memref<4096xi32, #tpu.memory_space<hbm>>) target_semaphore(%run_scoped3A : memref<!tpu.dma_semaphore, #tpu.memory_space<semaphore_mem>>)
        %dma_wait3A = arith.constant 0 : i32
        %dma_wait3A_115 = tpu.memref_slice %arg9[%dma_wait3A] : memref<4368xi32, #tpu.memory_space<vmem>> -> memref<4096xi32, #tpu.memory_space<vmem>>
        %dma_wait3A_116 = tpu.memref_slice %arg4[%multiple_of3A] : memref<16384xi32, #tpu.memory_space<hbm>> -> memref<4096xi32, #tpu.memory_space<hbm>>
        %dma_wait3A_117 = tpu.memref_slice %arg4[%multiple_of3A] : memref<16384xi32, #tpu.memory_space<hbm>> -> memref<4096xi32, #tpu.memory_space<hbm>>
        %dma_wait3A_118 = arith.constant 0 : i32
        %dma_wait3A_119 = tpu.memref_slice %arg9[%dma_wait3A_118] : memref<4368xi32, #tpu.memory_space<vmem>> -> memref<4096xi32, #tpu.memory_space<vmem>>
        tpu.wait_dma2 semaphore(%run_scoped3A : memref<!tpu.dma_semaphore, #tpu.memory_space<semaphore_mem>>) src(%dma_wait3A_119 : memref<4096xi32, #tpu.memory_space<vmem>>) dst(%dma_wait3A_117 : memref<4096xi32, #tpu.memory_space<hbm>>)
        tpu.yield
      }) : () -> ()
    } else {
    }
    return
  }
}

module attributes {stable_mosaic.version = 14 : i64} {
  func.func @_score_body(%arg0: i32, %arg1: memref<2048x2048xf32, #tpu.memory_space<vmem>>, %arg2: memref<1x2048xf32, #tpu.memory_space<vmem>>, %arg3: memref<1x2048xf32, #tpu.memory_space<vmem>>) attributes {dimension_semantics = [#tpu.dimension_semantics<arbitrary>], iteration_bounds = array<i64: 8>, scalar_prefetch = 0 : i64, scratch_operands = 0 : i64, tpu.core_type = #tpu.core_type<tc>, window_params = [{transform_indices = @transform_0, window_bounds = array<i64: 2048, 2048>}, {pipeline_mode = #tpu.pipeline_mode<synchronous>, transform_indices = @transform_1, window_bounds = array<i64: 1, 2048>}, {transform_indices = @transform_2, window_bounds = array<i64: 1, 2048>}]} {
    %get3A = arith.constant 0 : index
    %get3A_0 = arith.constant 0 : index
    %get3A_1 = vector.load %arg2[%get3A, %get3A_0] : memref<1x2048xf32, #tpu.memory_space<vmem>>, vector<1x2048xf32>
    %get3A_2 = arith.constant 0 : index
    %get3A_3 = arith.constant 0 : index
    %get3A_4 = vector.load %arg1[%get3A_2, %get3A_3] : memref<2048x2048xf32, #tpu.memory_space<vmem>>, vector<2048x2048xf32>
    %dot_general3A = arith.constant dense<0.000000e+00> : vector<1x2048xf32>
    %dot_general3A_5 = tpu.matmul %get3A_1, %get3A_4, %dot_general3A {dimension_numbers = #tpu.dot_dimension_numbers<[1], [1], [0], [0], [0, 0, 1, 0], [], []>, transpose_lhs_hint = false} : vector<1x2048xf32>, vector<2048x2048xf32>, vector<1x2048xf32> -> vector<1x2048xf32>
    %neg3A = arith.constant 0.000000e+00 : f32
    %neg3A_6 = vector.broadcast %neg3A : f32 to vector<1x2048xf32>
    %neg3A_7 = arith.subf %neg3A_6, %dot_general3A_5 : vector<1x2048xf32>
    %exp3A = math.exp %neg3A_7 : vector<1x2048xf32>
    %add3A = arith.constant 1.000000e+00 : f32
    %add3A_8 = vector.broadcast %add3A : f32 to vector<1x2048xf32>
    %add3A_9 = arith.addf %exp3A, %add3A_8 : vector<1x2048xf32>
    %div3A = arith.constant 1.000000e+00 : f32
    %div3A_10 = vector.broadcast %div3A : f32 to vector<1x2048xf32>
    %div3A_11 = arith.divf %div3A_10, %add3A_9 : vector<1x2048xf32>
    %swap3A = arith.constant 0 : index
    %swap3A_12 = arith.constant 0 : index
    %swap3A_13 = vector.load %arg3[%swap3A, %swap3A_12] : memref<1x2048xf32, #tpu.memory_space<vmem>>, vector<1x2048xf32>
    tpu.vector_store %arg3[%swap3A, %swap3A_12], %div3A_11 {strides = array<i32>} : memref<1x2048xf32, #tpu.memory_space<vmem>>, vector<1x2048xf32>,
    return
  }
  func.func @transform_0(%arg0: i32) -> (i32, i32) {
    %c0_i32 = arith.constant 0 : i32
    %c0_i32_0 = arith.constant 0 : i32
    return %arg0, %c0_i32 : i32, i32
  }
  func.func @transform_1(%arg0: i32) -> (i32, i32) {
    %c0_i32 = arith.constant 0 : i32
    %c0_i32_0 = arith.constant 0 : i32
    %c0_i32_1 = arith.constant 0 : i32
    return %c0_i32, %c0_i32_0 : i32, i32
  }
  func.func @transform_2(%arg0: i32) -> (i32, i32) {
    %c0_i32 = arith.constant 0 : i32
    %c0_i32_0 = arith.constant 0 : i32
    return %c0_i32, %arg0 : i32, i32
  }
}

</mosaic_0001>

<sc_bundles>
// kernel: kernel.4.cloned.1.call-start
scs
__scs_entry_jumppad:
0x0: {  	(pc) =	sbr.rel $0x88, $3  }
0x1: {  	(tag) =	ssettag $0x0;
	lr =	simm.s32 $0x1  }
0x2: {  	[smem:$0x3F9F] =	sst lr;
	_ =	strace $0xD0000000  }
0x3: {  	_ = 	snop  }
0x4: {  	_ = 	snop  }
0x5: {  	_ = 	snop  }
0x6: {  	_ = 	snop  }
0x7: {  	_ = 	snop  }
__scs_overlays_trampoline_lowered:
0x8: {  	[smem:$0x3FAE] =	sst s0  }
0x9: {  	[smem:$0x3FAF] =	sst s1  }
0xa: {  	[smem:$0x3FB0] =	sst s2  }
0xb: {  	[smem:$0x3FB1] =	sst s3  }
0xc: {  	[smem:$0x3FB2] =	sst s4  }
0xd: {  	[smem:$0x3FB3] =	sst s5  }
0xe: {  	[smem:$0x3FB4] =	sst s6  }
0xf: {  	[smem:$0x3FB5] =	sst s7  }
0x10: {  	[smem:$0x3FB6] =	sst s8  }
0x11: {  	[smem:$0x3FB7] =	sst s9;
	s0 =	simm.s32 @!p0 $0x0  }
0x12: {  	s1 =	sld [smem:$0x3F9D];
	s0 =	simm.s32 @p0 $0x1  }
0x13: {  	[smem:$0x3FB8] =	sst s0;
	s0 =	simm.s32 @!p1 $0x0  }
0x14: {  	s2 =	sld [smem:$0x3F9C];
	s0 =	simm.s32 @p1 $0x1  }
0x15: {  	[smem:$0x3FB9] =	sst s0;
	s0 =	simm.s32 @!p2 $0x0  }
0x16: {  	s3 =	sld [smem:$0x3FDB];
	s0 =	simm.s32 @p2 $0x1  }
0x17: {  	s4 =	simm.s32 $0x1BF5;
	[smem:$0x3FBB] =	sst s0  }
0x18: {  	s0 =	sld [smem:$0x3F9E];
	_ =	swait.ge [sflag:s4], $0x0  }
0x19: {  	s7 =	sld [smem:$0x3F9F]  }
0x1a: {  	s8 =	sadd.s32 $0xFFFFE003, lr  }
0x1b: {  	s9 =	sadd.s32 $0xFFFFFEF7, lr;
	s5 =	simm.s32 $0xFFFFFFFF;
	p2 =	slt.u32 s8, $0xFFFFF086  }
0x1c: {  	p1 =	slt.u32 s9, $0xF7A;
	s5 =	simm.s32 @!p2 $0x0  }
0x1d: {  	s5 =	simm.s32 @p1 $0x1;
	p0 =	seq.s32 s7, s2  }
0x1e: {  	s7 =	smul.u32 @!p0 $0xF7A, s2;
	p2 =	seq.s32 @!p0 s5, $0x0  }
0x1f: {  	s9 =	smul.u32 $0xF7A, s1;
	s8 =	simm.s32 @!p0 $0x1BF5;
	p2 =	por !p2, p0  }
0x20: {  	[sflag:s8] =	ssyncset.s32 @!p0 $0xFFFFF086;
	s6 =	sadd.s32 @!p0 s3, s7;
	s7 =	simm.s32 @!p0 $0x108  }
0x21: {  	s3 =	sadd.s32 s3, s9;
	s6 =	sadd.s32 @!p0 $0x88, s6;
	s7 =	simm.s32 @p2 $0x1082  }
0x22: {  	[simem:s7], [sflag:s8] =	dma.local @!p0 [hbm:s6], $0xF7A  }
0x23: {  	s9 =	sor.u32 $0xD0000000, s2;
	s6 =	simm.s32 $0x108;
	_ =	swait.ge @!p0 [sflag:s8], $0x0  }
0x24: {  	s3 =	sadd.s32 $0x88, s3;
	s6 =	simm.s32 @!p1 $0x1082;
	[sflag:s4] =	ssyncset.s32 $0xFFFFF086  }
0x25: {  	[simem:s6], [sflag:s4] =	dma.local [hbm:s3], $0xF7A  }
0x26: {  	[smem:$0x3F9F] =	sst s1;
	(tag) =	ssettag s2;
	_ =	strace s9  }
0x27: {  	s1 =	sld [smem:$0x3FAF]  }
0x28: {  	s2 =	sld [smem:$0x3FB0]  }
0x29: {  	s4 =	sld [smem:$0x3FB2]  }
0x2a: {  	p0 =	seq.s32 s5, $0x0;
	s5 =	sld [smem:$0x3FB3]  }
0x2b: {  	s6 =	sld [smem:$0x3FB4]  }
0x2c: {  	s7 =	sld [smem:$0x3FB5]  }
0x2d: {  	s3 =	simm.s32 $0x108;
	s8 =	sld [smem:$0x3FB6]  }
0x2e: {  	s3 =	simm.s32 @!p0 $0x1082;
	s9 =	sld [smem:$0x3FB7]  }
0x2f: {  	lr =	sadd.s32 s0, s3;
	s0 =	sld [smem:$0x3FAE]  }
0x30: {  	s3 =	sld [smem:$0x3FB1]  }
0x31: {  	[smem:$0x3FBA] =	sst s10  }
0x32: {  	s10 =	sld [smem:$0x3FB8];
	_ =	sdelay $0x3  }
0x33: {  	p0 =	seq.s32 s10, $0x1;
	s10 =	sld [smem:$0x3FBA];
	_ =	sdelay $0x3  }
0x34: {  	[smem:$0x3FBA] =	sst s10  }
0x35: {  	s10 =	sld [smem:$0x3FB9];
	_ =	sdelay $0x3  }
0x36: {  	p1 =	seq.s32 s10, $0x1;
	s10 =	sld [smem:$0x3FBA];
	_ =	sdelay $0x3  }
0x37: {  	[smem:$0x3FBA] =	sst s10  }
0x38: {  	s10 =	sld [smem:$0x3FBB]  }
0x39: {  	_ = 	snop;
	(pc) =	sbr.ind lr, $3  }
0x3a: {  	_ = 	snop  }
0x3b: {  	_ = 	snop  }
0x3c: {  	p2 =	seq.s32 s10, $0x1;
	s10 =	sld [smem:$0x3FBA]  }
0x3d: {  	_ =	shalt  }
0x3e: {  	_ =	shalt  }
0x3f: {  	_ =	shalt  }
0x40: {  	_ =	shalt  }
0x41: {  	_ =	shalt  }
0x42: {  	_ =	shalt  }
0x43: {  	_ =	shalt  }
0x44: {  	_ =	shalt  }
0x45: {  	_ =	shalt  }
0x46: {  	_ =	shalt  }
0x47: {  	_ =	shalt  }
0x48: {  	_ =	shalt  }
0x49: {  	_ =	shalt  }
0x4a: {  	_ =	shalt  }
0x4b: {  	_ =	shalt  }
0x4c: {  	_ =	shalt  }
0x4d: {  	_ =	shalt  }
0x4e: {  	_ =	shalt  }
0x4f: {  	_ =	shalt  }
0x50: {  	_ =	shalt  }
0x51: {  	_ =	shalt  }
0x52: {  	_ =	shalt  }
0x53: {  	_ =	shalt  }
0x54: {  	_ =	shalt  }
0x55: {  	_ =	shalt  }
0x56: {  	_ =	shalt  }
0x57: {  	_ =	shalt  }
0x58: {  	_ =	shalt  }
0x59: {  	_ =	shalt  }
0x5a: {  	_ =	shalt  }
0x5b: {  	_ =	shalt  }
0x5c: {  	_ =	shalt  }
0x5d: {  	_ =	shalt  }
0x5e: {  	_ =	shalt  }
0x5f: {  	_ =	shalt  }
0x60: {  	_ =	shalt  }
0x61: {  	_ =	shalt  }
0x62: {  	_ =	shalt  }
0x63: {  	_ =	shalt  }
0x64: {  	_ =	shalt  }
0x65: {  	_ =	shalt  }
0x66: {  	_ =	shalt  }
0x67: {  	_ =	shalt  }
0x68: {  	_ =	shalt  }
0x69: {  	_ =	shalt  }
0x6a: {  	_ =	shalt  }
0x6b: {  	_ =	shalt  }
0x6c: {  	_ =	shalt  }
0x6d: {  	_ =	shalt  }
0x6e: {  	_ =	shalt  }
0x6f: {  	_ =	shalt  }
0x70: {  	_ =	shalt  }
0x71: {  	_ =	shalt  }
0x72: {  	_ =	shalt  }
0x73: {  	_ =	shalt  }
0x74: {  	_ =	shalt  }
0x75: {  	_ =	shalt  }
0x76: {  	_ =	shalt  }
0x77: {  	_ =	shalt  }
0x78: {  	_ =	shalt  }
0x79: {  	_ =	shalt  }
0x7a: {  	_ =	shalt  }
0x7b: {  	_ =	shalt  }
0x7c: {  	_ =	shalt  }
0x7d: {  	_ =	shalt  }
0x7e: {  	_ =	shalt  }
0x7f: {  	_ =	shalt  }
0x80: {  	_ =	shalt  }
0x81: {  	_ =	shalt  }
0x82: {  	_ =	shalt  }
0x83: {  	_ =	shalt  }
0x84: {  	_ =	shalt  }
0x85: {  	_ =	shalt  }
0x86: {  	_ =	shalt  }
0x87: {  	_ =	shalt  }
.Lfunc_end0:
.L_simem_size_0:
called_computation_lowered:
.L_overlay_start_0:
0x88: {  	s0 =	sld [smem:$0x3FD9]  }
0x89: {  	s1 =	sld [smem:$0x3FFE];
	_ =	sdelay $0x3  }
0x8a: {  	s0 =	sadd.s32 s1, s0  }
0x8b: {  	[smem:$0x3FC6] =	sst s0  }
0x8c: {  	_ = 	snop  }
0x8d: {  	(tm) =	ssettm $0x1  }
0x8e: {  	s15 =	sld [smem:$0x3FFB];
	_ =	sdelay $0x3  }
0x8f: {  	_ =	strace s15  }
0x90: {  	s0 =	sld [smem:$0x3FFC];
	_ =	sdelay $0x3  }
0x91: {  	_ =	strace s0  }
0x92: {  	s0 =	sld [smem:$0x3FFD];
	_ =	sdelay $0x3  }
0x93: {  	_ =	strace s0  }
0x94: {  	_ =	strace $0x8FFFFFFF  }
0x95: {  	s16 =	sld [smem:$0x3FDB];
	_ =	sdelay $0x1  }
0x96: {  	s17 =	simm.s32 $_scs_section_size  }
0x97: {  	s2 =	simm.s32 $_size__tile_overlayer_lowered;
	s3 =	simm.s32 $_tile_overlayer_lowered  }
0x98: {  	s20 =	simm.s32 $0x1BFF;
	s19 =	sshll.u32 s3, $0x1;
	s0 =	sadd.s32 s17, s16  }
0x99: {  	s4 =	simm.s32 $0x0;
	s18 =	sshll.u32 s2, $0x1;
	s2 =	sadd.s32 s19, s0  }
0x9a: {  	[timem:s4], [sflag:s20] =	dma.local [hbm:s2], s18  }
0x9b: {  	_ =	swait.ge [sflag:s20], s18  }
0x9c: {  	s1 =	ssub.s32 $0x0, s18;
	[sflag:s20] =	ssyncset.done $0x0  }
0x9d: {  	[sflag:s20] =	ssyncadd.s32 s1;
	_ =	sdelay $0x1  }
0x9e: {  	s21 =	simm.s32 $0x1B8B  }
0x9f: {  	_ =	swait.ge [sflag:s21], $0x1  }
0xa0: {  	[sflag:s21] =	ssyncset.done $0x0  }
0xa1: {  	s23 =	simm.s32 $0x1B8E;
	s22 =	sld [smem:$0x3FFE];
	[sflag:s21] =	ssyncadd.s32 $0xFFFFFFFF  }
0xa2: {  	s24 =	simm.s32 $execute0_lowered;
	[smem:$0x3FD2] =	sst s23  }
0xa3: {  	s2 =	sshll.u32 s24, $0x1;
	_ =	strace $0x80000046;
	[dreg:$0x1] =	wrdreg $0xFFFFFFFF  }
0xa4: {  	s25 =	simm.s32 $_size_execute0_lowered;
	s0 =	sadd.s32 s0, s2;
	[dreg:$0x0] =	wrdreg $0x0  }
0xa5: {  	s2 =	sshll.u32 s25, $0x1;
	[dreg:$0x2] =	wrdreg s0  }
0xa6: {  	[dreg:$0x3] =	wrdreg s2  }
0xa7: {  	[dreg:$0x4] =	wrdreg $0xC0  }
0xa8: {  	_ =	task [dreg:s4], $0x5FFFF  }
0xa9: {  	[dreg:$0x1] =	wrdreg $0xFFFFFFFF  }
0xaa: {  	[dreg:$0x0] =	wrdreg $0x60  }
0xab: {  	[dreg:$0x2] =	wrdreg s22  }
0xac: {  	[dreg:$0x3] =	wrdreg $0x9  }
0xad: {  	_ =	task.clear_ibuf [dreg:s4], $0x4FFFF;
	_ =	strace $0x90000046  }
0xae: {  	s26 =	simm.s32 $0x9;
	_ =	strace $0x80000048  }
0xaf: {  	_ =	swait.ge [sflag:s26], $0x1  }
0xb0: {  	[sflag:s26] =	ssyncadd.s32 $0xFFFFFFFF  }
0xb1: {  	_ =	strace $0x90000048  }
0xb2: {  	_ =	sfence  }
0xb3: {  	s28 =	sld [smem:$0x0];
	_ =	sdelay $0x1  }
0xb4: {  	s29 =	srdreg.scid  }
0xb5: {  	s30 =	sshll.u32 s29, $0xD;
	s31 =	sshrl.u32 s29, $0x2  }
0xb6: {  	s1 =	sand.u32 $0x1, s29;
	s2 =	sand.u32 $0x4000, s30;
	s0 =	sadd.s32 s31, s28  }
0xb7: {  	s1 =	sor.u32 s2, s1;
	s0 =	sshll.u32 s0, $0x11  }
0xb8: {  	s0 =	sor.u32 s0, s1  }
0xb9: {  	s0 =	sadd.s32 $0x8F2B, s0  }
0xba: {  	[sflag:s0] =	ssyncadd.remote.s32 $0x1  }
0xbb: {  	_ =	sfence.sel $0xFFFF  }
0xbc: {  	[dreg:$0x0] =	wrdreg $0xFFFFFFFF;
	(pc) =	sbr.abs _section_cstart, $3  }
0xbd: {  	[dreg:$0x1] =	wrdreg $0xFFFFFFFF  }
0xbe: {  	_ =	task.clear_ibuf [dreg:s4], $0x2FFFF;
	_ =	strace $0x9FFFFFFF  }
0xbf: {  	(tm) =	ssettm $0x7FFFFFFF  }
tec
execute0_lowered:
.L_overlay_start_1:
0x0: {  	(tag) =	ssettag $0x1  }
0x1: {  	s1 =	stileid.u32  }
0x2: {  	p0 =	sgt.u32 s1, $0x3  }
.Ltmp0:
0x3: {  	_ = 	snop;
	(pc) =	sbr.rel @p0 .LBB2_24-.Ltmp0, $4  }
0x4: {  	_ = 	snop  }
0x5: {  	s2 =	rddreg [dreg:$0x0];
	s3 =	simm.s32 $0x0  }
0x6: {  	[smem:$0x7FF] =	sst s3  }
0x7: {  	s0 =	rddreg [dreg:$0x1];
	_ =	strace $0x80000047  }
0x8: {  	s4 =	sadd.s32 $0xC00, s2;
	s6 =	sshll.u32 s1, $0x9  }
0x9: {  	s29 =	simm.s32 $0x1;
	s4 =	sadd.s32 s4, s6  }
0xa: {  	[tilespmem:s3], [sflag:$0x1] =	stream.linear.gather [hbm4b:s4+s3], $0x1000, $0x38;
	[tilespmem:$0x11A80] =	vst v63  }
0xb: {  	_ =	swait.ge [sflag:s29], $0x1000  }
0xc: {  	[sflag:s29] =	ssyncset.done $0x0  }
0xd: {  	s30 =	simm.s32 $0x5640;
	v0 =	vimm.s32 $0x0;
	[sflag:s29] =	ssyncadd.s32 $0xFFFFF000  }
0xe: {  	s4 =	simm.s32 $0x97C0;
	[tilespmem:s30+$0xFFFFFFC0] =	vst v0  }
0xf: {  	s5 =	simm.s32 $0xD940;
	[tilespmem:s4+$0xFFFFFFC0] =	vst v0  }
0x10: {  	[tilespmem:s5+$0xFFFFFFC0] =	vst v0  }
0x11: {  	[tilespmem:s30+$0xFFFFFFD0] =	vst v0  }
0x12: {  	[tilespmem:s4+$0xFFFFFFD0] =	vst v0  }
0x13: {  	[tilespmem:s5+$0xFFFFFFD0] =	vst v0  }
0x14: {  	[tilespmem:s30+$0xFFFFFFE0] =	vst v0  }
0x15: {  	[tilespmem:s4+$0xFFFFFFE0] =	vst v0  }
0x16: {  	[tilespmem:s5+$0xFFFFFFE0] =	vst v0  }
0x17: {  	[tilespmem:s30+$0xFFFFFFF0] =	vst v0  }
0x18: {  	[tilespmem:s4+$0xFFFFFFF0] =	vst v0  }
0x19: {  	[tilespmem:s5+$0xFFFFFFF0] =	vst v0  }
0x1a: {  	[tilespmem:s30+$0x0] =	vst v0  }
0x1b: {  	[tilespmem:s4+$0x0] =	vst v0  }
0x1c: {  	[tilespmem:s5+$0x0] =	vst v0  }
0x1d: {  	[tilespmem:s30+$0x10] =	vst v0  }
0x1e: {  	[tilespmem:s4+$0x10] =	vst v0  }
0x1f: {  	[tilespmem:s5+$0x10] =	vst v0  }
0x20: {  	[tilespmem:s30+$0x20] =	vst v0  }
0x21: {  	[tilespmem:s4+$0x20] =	vst v0  }
0x22: {  	[tilespmem:s5+$0x20] =	vst v0  }
0x23: {  	[tilespmem:s30+$0x30] =	vst v0  }
0x24: {  	s7 =	simm.s32 $0x56C0;
	s31 =	sadd.s32 s6, s2;
	[tilespmem:s4+$0x30] =	vst v0  }
0x25: {  	s6 =	simm.s32 $0x0;
	s3 =	sadd.s32 $0x1400, s31;
	s2 =	sadd.s32 $0x1C00, s31;
	[tilespmem:s5+$0x30] =	vst v0  }
.LBB2_2:
0x26: {  	[tilespmem:s7+$0xFFFFFFC0] =	vst v0;
	s4 =	sadd.s32 $0x80, s4  }
0x27: {  	s5 =	sadd.s32 $0x80, s5;
	[tilespmem:s4+$0xFFFFFFC0] =	vst v0  }
0x28: {  	[tilespmem:s5+$0xFFFFFFC0] =	vst v0  }
0x29: {  	[tilespmem:s7+$0xFFFFFFD0] =	vst v0  }
0x2a: {  	[tilespmem:s4+$0xFFFFFFD0] =	vst v0  }
0x2b: {  	[tilespmem:s5+$0xFFFFFFD0] =	vst v0  }
0x2c: {  	[tilespmem:s7+$0xFFFFFFE0] =	vst v0  }
0x2d: {  	[tilespmem:s4+$0xFFFFFFE0] =	vst v0  }
0x2e: {  	[tilespmem:s5+$0xFFFFFFE0] =	vst v0  }
0x2f: {  	[tilespmem:s7+$0xFFFFFFF0] =	vst v0  }
0x30: {  	[tilespmem:s4+$0xFFFFFFF0] =	vst v0  }
0x31: {  	[tilespmem:s5+$0xFFFFFFF0] =	vst v0  }
0x32: {  	[tilespmem:s7+$0x0] =	vst v0  }
0x33: {  	[tilespmem:s4+$0x0] =	vst v0  }
0x34: {  	[tilespmem:s5+$0x0] =	vst v0  }
0x35: {  	[tilespmem:s7+$0x10] =	vst v0  }
0x36: {  	[tilespmem:s4+$0x10] =	vst v0  }
0x37: {  	s6 =	sadd.s32 $0x8, s6;
	[tilespmem:s5+$0x10] =	vst v0  }
0x38: {  	p0 =	slt.u32 s6, $0x408;
	[tilespmem:s7+$0x20] =	vst v0  }
.Ltmp1:
0x39: {  	[tilespmem:s4+$0x20] =	vst v0;
	(pc) =	sbr.rel @p0 .LBB2_2-.Ltmp1, $4  }
0x3a: {  	[tilespmem:s5+$0x20] =	vst v0  }
0x3b: {  	[tilespmem:s7+$0x30] =	vst v0  }
0x3c: {  	[tilespmem:s4+$0x30] =	vst v0  }
0x3d: {  	s7 =	sadd.s32 $0x80, s7;
	[tilespmem:s5+$0x30] =	vst v0  }
0x3e: {  	v0 =	vimm.s32 $0x0  }
0x3f: {  	[tilespmem:$0x9700] =	vst v0  }
0x40: {  	s4 =	simm.s32 $0x0;
	[tilespmem:$0xD880] =	vst v0  }
0x41: {  	[tilespmem:$0x11A00] =	vst v0;
	s6 =	sand.u32 $0x80, s4  }
0x42: {  	[tilespmem:$0x9710] =	vst v0;
	v1 =	vmov s6  }
0x43: {  	[tilespmem:$0xD890] =	vst v0;
	v1 =	vmul.u32 $0x11, v1  }
0x44: {  	s5 =	simm.s32 $0x40;
	s7 =	simm.s32 $0x0;
	[tilespmem:$0x11A10] =	vst v0  }
0x45: {  	v0 =	vlaneseq.u32;
	v2 =	vld [tilespmem:s5+$0xFFFFFFC0];
	v1 =	vadd.s32 s7, v1  }
0x46: {  	v0 =	vmul.u32 $0x11, v0;
	v1 =	vbroadcast v1, $0x0;
	_ =	sdelay $0x1  }
0x47: {  	v3 =	vadd.s32 v0, v1;
	_ =	sdelay $0x1  }
0x48: {  	s4 =	sor.u32 $0x10, s6;
	vm0 =	vlt.s32 v2, $0x0;
	v1 =	vimm.s32 $0x7FFFFFFF  }
0x49: {  	v4 =	vmov s4;
	v5 =	vsel vm0, $0x0, v1  }
0x4a: {  	s4 =	simm.s32 $0x1000;
	v4 =	vmul.u32 $0x11, v4;
	v2 =	vxor.u32 v2, v5  }
0x4b: {  	[tilespmem:v3+s4+$0x0] =	vst.idx.msk $0xffff, v2  }
0x4c: {  	v3 =	vadd.s32 s7, v4;
	v2 =	vld [tilespmem:s5+$0xFFFFFFD0]  }
0x4d: {  	v3 =	vbroadcast v3, $0x0;
	_ =	sdelay $0x1  }
0x4e: {  	v3 =	vadd.s32 v0, v3;
	_ =	sdelay $0x1  }
0x4f: {  	s8 =	sor.u32 $0x20, s6;
	vm9 =	vlt.s32 v2, $0x0  }
0x50: {  	v4 =	vmov s8;
	v5 =	vsel vm9, $0x0, v1  }
0x51: {  	v4 =	vmul.u32 $0x11, v4;
	v2 =	vxor.u32 v2, v5  }
0x52: {  	[tilespmem:v3+s4+$0x0] =	vst.idx.msk $0xffff, v2  }
0x53: {  	v3 =	vadd.s32 s7, v4;
	v2 =	vld [tilespmem:s5+$0xFFFFFFE0]  }
0x54: {  	v3 =	vbroadcast v3, $0x0;
	_ =	sdelay $0x1  }
0x55: {  	v3 =	vadd.s32 v0, v3;
	_ =	sdelay $0x1  }
0x56: {  	s28 =	sor.u32 $0x30, s6;
	vm10 =	vlt.s32 v2, $0x0  }
0x57: {  	v4 =	vmov s28;
	v5 =	vsel vm10, $0x0, v1  }
0x58: {  	v4 =	vmul.u32 $0x11, v4;
	v2 =	vxor.u32 v2, v5  }
0x59: {  	[tilespmem:v3+s4+$0x0] =	vst.idx.msk $0xffff, v2  }
0x5a: {  	v2 =	vadd.s32 s7, v4;
	v3 =	vld [tilespmem:s5+$0xFFFFFFF0]  }
0x5b: {  	v2 =	vbroadcast v2, $0x0;
	_ =	sdelay $0x1  }
0x5c: {  	v2 =	vadd.s32 v0, v2;
	_ =	sdelay $0x1  }
0x5d: {  	s29 =	sor.u32 $0x40, s6;
	vm11 =	vlt.s32 v3, $0x0  }
0x5e: {  	v5 =	vmov s29;
	v4 =	vsel vm11, $0x0, v1  }
0x5f: {  	v3 =	vxor.u32 v3, v4;
	v4 =	vmul.u32 $0x11, v5  }
0x60: {  	[tilespmem:v2+s4+$0x0] =	vst.idx.msk $0xffff, v3  }
0x61: {  	v2 =	vld [tilespmem:s5+$0x0];
	v3 =	vadd.s32 s7, v4  }
0x62: {  	v3 =	vbroadcast v3, $0x0;
	_ =	sdelay $0x1  }
0x63: {  	v3 =	vadd.s32 v0, v3;
	_ =	sdelay $0x1  }
0x64: {  	s30 =	sor.u32 $0x50, s6;
	vm12 =	vlt.s32 v2, $0x0  }
0x65: {  	v5 =	vmov s30;
	v4 =	vsel vm12, $0x0, v1  }
0x66: {  	v2 =	vxor.u32 v2, v4;
	v4 =	vmul.u32 $0x11, v5  }
0x67: {  	[tilespmem:v3+s4+$0x0] =	vst.idx.msk $0xffff, v2  }
0x68: {  	v2 =	vld [tilespmem:s5+$0x10];
	v3 =	vadd.s32 s7, v4  }
0x69: {  	v3 =	vbroadcast v3, $0x0;
	_ =	sdelay $0x1  }
0x6a: {  	v3 =	vadd.s32 v0, v3;
	_ =	sdelay $0x1  }
0x6b: {  	s31 =	sor.u32 $0x60, s6;
	vm13 =	vlt.s32 v2, $0x0  }
0x6c: {  	v5 =	vmov s31;
	v4 =	vsel vm13, $0x0, v1  }
0x6d: {  	v2 =	vxor.u32 v2, v4;
	v4 =	vmul.u32 $0x11, v5  }
0x6e: {  	[tilespmem:v3+s4+$0x0] =	vst.idx.msk $0xffff, v2  }
0x6f: {  	v2 =	vld [tilespmem:s5+$0x20];
	v3 =	vadd.s32 s7, v4  }
0x70: {  	v3 =	vbroadcast v3, $0x0;
	_ =	sdelay $0x1  }
0x71: {  	v3 =	vadd.s32 v0, v3;
	_ =	sdelay $0x1  }
0x72: {  	vm14 =	vlt.s32 v2, $0x0  }
0x73: {  	v4 =	vsel vm14, $0x0, v1  }
0x74: {  	s6 =	sor.u32 $0x70, s6;
	v2 =	vxor.u32 v2, v4  }
0x75: {  	[tilespmem:v3+s4+$0x0] =	vst.idx.msk $0xffff, v2;
	v2 =	vmov s6  }
0x76: {  	v2 =	vmul.u32 $0x11, v2;
	_ =	sdelay $0x1  }
0x77: {  	v5 =	vld [tilespmem:s5+$0x30];
	v2 =	vadd.s32 s7, v2  }
0x78: {  	v2 =	vbroadcast v2, $0x0;
	_ =	sdelay $0x1  }
0x79: {  	v3 =	vadd.s32 v0, v2  }
0x7a: {  	s7 =	simm.s32 $0x80  }
0x7b: {  	s8 =	simm.s32 $0x8;
	s6 =	simm.s32 $0x0;
	s12 =	sand.u32 $0x80, s7;
	vm15 =	vlt.s32 v5, $0x0  }
0x7c: {  	s9 =	sor.u32 $0x10, s12;
	s14 =	sor.u32 $0x20, s12;
	s13 =	sor.u32 $0x30, s12;
	v2 =	vmov s12;
	v6 =	vsel vm15, $0x0, v1  }
0x7d: {  	s11 =	sor.u32 $0x40, s12;
	s10 =	sor.u32 $0x50, s12;
	v4 =	vmul.u32 $0x11, v2;
	v2 =	vmov s9;
	s9 =	sor.u32 $0x60, s12;
	v5 =	vxor.u32 v5, v6  }
.LBB2_4:
0x7e: {  	s8 =	sadd.s32 $0x8, s8;
	v6 =	vmov s14;
	v7 =	vmov s13;
	s13 =	sor.u32 $0x70, s12;
	[tilespmem:v3+s4+$0x0] =	vst.idx.msk $0xffff, v5;
	s5 =	sadd.s32 $0x80, s5  }
0x7f: {  	s12 =	sshrl.u32 s8, $0x4;
	p0 =	slt.u32 s8, $0xF8;
	v3 =	vld [tilespmem:s5+$0xFFFFFFC0];
	v4 =	vadd.s32 s6, v4;
	v5 =	vmul.u32 $0x11, v6;
	v6 =	vmul.u32 $0x11, v7  }
0x80: {  	v7 =	vmov s13;
	v4 =	vbroadcast v4, $0x0  }
0x81: {  	v7 =	vmul.u32 $0x11, v7;
	v6 =	vadd.s32 s6, v6  }
0x82: {  	v4 =	vadd.s32 v0, v4;
	v6 =	vbroadcast v6, $0x0  }
0x83: {  	v7 =	vadd.s32 s6, v7  }
0x84: {  	v7 =	vbroadcast v7, $0x0;
	vm0 =	vlt.s32 v3, $0x0  }
0x85: {  	v8 =	vsel vm0, $0x0, v1  }
0x86: {  	v2 =	vmul.u32 $0x11, v2;
	v3 =	vxor.u32 v3, v8  }
0x87: {  	[tilespmem:v4+s4+$0x0] =	vst.idx.msk $0xffff, v3  }
0x88: {  	v2 =	vadd.s32 s6, v2;
	v3 =	vld [tilespmem:s5+$0xFFFFFFD0]  }
0x89: {  	v2 =	vbroadcast v2, $0x0;
	_ =	sdelay $0x1  }
0x8a: {  	v2 =	vadd.s32 v0, v2;
	_ =	sdelay $0x1  }
0x8b: {  	vm0 =	vlt.s32 v3, $0x0  }
0x8c: {  	v4 =	vsel vm0, $0x0, v1  }
0x8d: {  	v3 =	vxor.u32 v3, v4  }
0x8e: {  	[tilespmem:v2+s4+$0x0] =	vst.idx.msk $0xffff, v3  }
0x8f: {  	v3 =	vadd.s32 s6, v5;
	v2 =	vld [tilespmem:s5+$0xFFFFFFE0]  }
0x90: {  	v3 =	vbroadcast v3, $0x0;
	_ =	sdelay $0x1  }
0x91: {  	v3 =	vadd.s32 v0, v3;
	_ =	sdelay $0x1  }
0x92: {  	vm0 =	vlt.s32 v2, $0x0  }
0x93: {  	v4 =	vsel vm0, $0x0, v1  }
0x94: {  	v2 =	vxor.u32 v2, v4  }
0x95: {  	[tilespmem:v3+s4+$0x0] =	vst.idx.msk $0xffff, v2  }
0x96: {  	v2 =	vld [tilespmem:s5+$0xFFFFFFF0];
	_ =	sdelay $0x2  }
0x97: {  	v3 =	vadd.s32 v0, v6;
	_ =	sdelay $0x1  }
0x98: {  	vm0 =	vlt.s32 v2, $0x0  }
0x99: {  	v5 =	vmov s11;
	v4 =	vsel vm0, $0x0, v1  }
0x9a: {  	v2 =	vxor.u32 v2, v4;
	v4 =	vmul.u32 $0x11, v5  }
0x9b: {  	[tilespmem:v3+s4+$0x0] =	vst.idx.msk $0xffff, v2  }
0x9c: {  	v2 =	vld [tilespmem:s5+$0x0];
	v3 =	vadd.s32 s6, v4  }
0x9d: {  	v3 =	vbroadcast v3, $0x0;
	_ =	sdelay $0x1  }
0x9e: {  	v3 =	vadd.s32 v0, v3;
	_ =	sdelay $0x1  }
0x9f: {  	vm0 =	vlt.s32 v2, $0x0  }
0xa0: {  	v5 =	vmov s10;
	v4 =	vsel vm0, $0x0, v1  }
0xa1: {  	v2 =	vxor.u32 v2, v4;
	v4 =	vmul.u32 $0x11, v5  }
0xa2: {  	[tilespmem:v3+s4+$0x0] =	vst.idx.msk $0xffff, v2  }
0xa3: {  	v2 =	vld [tilespmem:s5+$0x10];
	v3 =	vadd.s32 s6, v4  }
0xa4: {  	v3 =	vbroadcast v3, $0x0;
	_ =	sdelay $0x1  }
0xa5: {  	v3 =	vadd.s32 v0, v3;
	_ =	sdelay $0x1  }
0xa6: {  	vm0 =	vlt.s32 v2, $0x0  }
0xa7: {  	v5 =	vmov s9;
	v4 =	vsel vm0, $0x0, v1  }
0xa8: {  	v2 =	vxor.u32 v2, v4;
	v4 =	vmul.u32 $0x11, v5  }
0xa9: {  	[tilespmem:v3+s4+$0x0] =	vst.idx.msk $0xffff, v2  }
0xaa: {  	v2 =	vld [tilespmem:s5+$0x20];
	v3 =	vadd.s32 s6, v4;
	s6 =	smov.u32 s12  }
0xab: {  	v3 =	vbroadcast v3, $0x0;
	_ =	sdelay $0x1  }
0xac: {  	v3 =	vadd.s32 v0, v3;
	_ =	sdelay $0x1  }
0xad: {  	vm0 =	vlt.s32 v2, $0x0  }
0xae: {  	v4 =	vsel vm0, $0x0, v1  }
0xaf: {  	v2 =	vxor.u32 v2, v4  }
0xb0: {  	[tilespmem:v3+s4+$0x0] =	vst.idx.msk $0xffff, v2  }
0xb1: {  	v5 =	vld [tilespmem:s5+$0x30];
	_ =	sdelay $0x2  }
.Ltmp2:
0xb2: {  	v3 =	vadd.s32 v0, v7;
	(pc) =	sbr.rel @p0 .LBB2_4-.Ltmp2, $4  }
0xb3: {  	s7 =	sadd.s32 $0x80, s7  }
0xb4: {  	s12 =	sand.u32 $0x80, s7;
	vm0 =	vlt.s32 v5, $0x0  }
0xb5: {  	s9 =	sor.u32 $0x10, s12;
	s14 =	sor.u32 $0x20, s12;
	s13 =	sor.u32 $0x30, s12;
	v2 =	vmov s12;
	v6 =	vsel vm0, $0x0, v1  }
0xb6: {  	s11 =	sor.u32 $0x40, s12;
	s10 =	sor.u32 $0x50, s12;
	v4 =	vmul.u32 $0x11, v2;
	v2 =	vmov s9;
	s9 =	sor.u32 $0x60, s12;
	v5 =	vxor.u32 v5, v6  }
0xb7: {  	_ =	sdelay $0x3  }
0xb8: {  	[tilespmem:v3+s4+$0x0] =	vst.idx.msk $0xffff, v5;
	s5 =	sadd.s32 $0x80, s5  }
0xb9: {  	v3 =	vld [tilespmem:s5+$0xFFFFFFC0];
	v4 =	vadd.s32 s6, v4  }
0xba: {  	v4 =	vbroadcast v4, $0x0;
	_ =	sdelay $0x1  }
0xbb: {  	v4 =	vadd.s32 v0, v4;
	_ =	sdelay $0x1  }
0xbc: {  	vm0 =	vlt.s32 v3, $0x0  }
0xbd: {  	v48 =	vsel vm0, $0x0, v1  }
0xbe: {  	v2 =	vmul.u32 $0x11, v2;
	v3 =	vxor.u32 v3, v48  }
0xbf: {  	[tilespmem:v4+s4+$0x0] =	vst.idx.msk $0xffff, v3  }
0xc0: {  	v2 =	vadd.s32 s6, v2;
	v3 =	vld [tilespmem:s5+$0xFFFFFFD0]  }
0xc1: {  	v2 =	vbroadcast v2, $0x0;
	_ =	sdelay $0x1  }
0xc2: {  	v2 =	vadd.s32 v0, v2;
	_ =	sdelay $0x1  }
0xc3: {  	vm9 =	vlt.s32 v3, $0x0  }
0xc4: {  	v49 =	vmov s14;
	v50 =	vsel vm9, $0x0, v1  }
0xc5: {  	v4 =	vmul.u32 $0x11, v49;
	v3 =	vxor.u32 v3, v50  }
0xc6: {  	[tilespmem:v2+s4+$0x0] =	vst.idx.msk $0xffff, v3  }
0xc7: {  	v3 =	vadd.s32 s6, v4;
	v2 =	vld [tilespmem:s5+$0xFFFFFFE0]  }
0xc8: {  	v3 =	vbroadcast v3, $0x0;
	_ =	sdelay $0x1  }
0xc9: {  	v3 =	vadd.s32 v0, v3;
	_ =	sdelay $0x1  }
0xca: {  	vm10 =	vlt.s32 v2, $0x0  }
0xcb: {  	v51 =	vmov s13;
	v52 =	vsel vm10, $0x0, v1  }
0xcc: {  	v4 =	vmul.u32 $0x11, v51;
	v2 =	vxor.u32 v2, v52  }
0xcd: {  	[tilespmem:v3+s4+$0x0] =	vst.idx.msk $0xffff, v2  }
0xce: {  	v2 =	vadd.s32 s6, v4;
	v3 =	vld [tilespmem:s5+$0xFFFFFFF0]  }
0xcf: {  	v2 =	vbroadcast v2, $0x0;
	_ =	sdelay $0x1  }
0xd0: {  	v2 =	vadd.s32 v0, v2;
	_ =	sdelay $0x1  }
0xd1: {  	vm11 =	vlt.s32 v3, $0x0  }
0xd2: {  	v54 =	vmov s11;
	v53 =	vsel vm11, $0x0, v1  }
0xd3: {  	v55 =	vmul.u32 $0x11, v54;
	v3 =	vxor.u32 v3, v53  }
0xd4: {  	[tilespmem:v2+s4+$0x0] =	vst.idx.msk $0xffff, v3  }
0xd5: {  	v3 =	vadd.s32 s6, v55;
	v2 =	vld [tilespmem:s5+$0x0]  }
0xd6: {  	v3 =	vbroadcast v3, $0x0;
	_ =	sdelay $0x1  }
0xd7: {  	v3 =	vadd.s32 v0, v3;
	_ =	sdelay $0x1  }
0xd8: {  	vm12 =	vlt.s32 v2, $0x0  }
0xd9: {  	v57 =	vmov s10;
	v56 =	vsel vm12, $0x0, v1  }
0xda: {  	v58 =	vmul.u32 $0x11, v57;
	v2 =	vxor.u32 v2, v56  }
0xdb: {  	[tilespmem:v3+s4+$0x0] =	vst.idx.msk $0xffff, v2  }
0xdc: {  	v3 =	vadd.s32 s6, v58;
	v2 =	vld [tilespmem:s5+$0x10]  }
0xdd: {  	v3 =	vbroadcast v3, $0x0;
	_ =	sdelay $0x1  }
0xde: {  	v3 =	vadd.s32 v0, v3;
	_ =	sdelay $0x1  }
0xdf: {  	vm13 =	vlt.s32 v2, $0x0  }
0xe0: {  	v60 =	vmov s9;
	v59 =	vsel vm13, $0x0, v1  }
0xe1: {  	v61 =	vmul.u32 $0x11, v60;
	v2 =	vxor.u32 v2, v59  }
0xe2: {  	[tilespmem:v3+s4+$0x0] =	vst.idx.msk $0xffff, v2  }
0xe3: {  	v3 =	vadd.s32 s6, v61;
	v2 =	vld [tilespmem:s5+$0x20]  }
0xe4: {  	v3 =	vbroadcast v3, $0x0;
	_ =	sdelay $0x1  }
0xe5: {  	v3 =	vadd.s32 v0, v3;
	_ =	sdelay $0x1  }
0xe6: {  	s7 =	sor.u32 $0x70, s12;
	vm14 =	vlt.s32 v2, $0x0  }
0xe7: {  	v62 =	vmov s7;
	v63 =	vsel vm14, $0x0, v1  }
0xe8: {  	v4 =	vmul.u32 $0x11, v62;
	v2 =	vxor.u32 v2, v63  }
0xe9: {  	[tilespmem:v3+s4+$0x0] =	vst.idx.msk $0xffff, v2  }
0xea: {  	v2 =	vadd.s32 s6, v4;
	v3 =	vld [tilespmem:s5+$0x30]  }
0xeb: {  	v2 =	vbroadcast v2, $0x0;
	_ =	sdelay $0x1  }
0xec: {  	v0 =	vadd.s32 v0, v2;
	_ =	sdelay $0x1  }
0xed: {  	vm15 =	vlt.s32 v3, $0x0  }
0xee: {  	v1 =	vsel vm15, $0x0, v1  }
0xef: {  	v2 =	vlaneseq.u32;
	v1 =	vxor.u32 v3, v1  }
0xf0: {  	s6 =	simm.s32 $0x5600;
	s5 =	simm.s32 $0x1044;
	[tilespmem:v0+s4+$0x0] =	vst.idx.msk $0xffff, v1;
	s4 =	simm.s32 $0xFFFFFFF8;
	v0 =	vmul.u32 $0x411, v2;
	v1 =	vimm.s32 $0x1  }
.LBB2_6:
0xf1: {  	v2 =	vld [tilespmem:s5+$0xFFFFFFBC];
	_ =	sdelay $0x4  }
0xf2: {  	v2 =	vand.u32 $0x3FF, v2  }
0xf3: {  	v2 =	vadd.s32 v0, v2;
	_ =	sdelay $0x4  }
0xf4: {  	[tilespmem:v2+s6+$0x0] =	vst.idx.add.s32.msk $0xffff, v1  }
0xf5: {  	v2 =	vld [tilespmem:s5+$0xFFFFFFCD];
	_ =	sdelay $0x4  }
0xf6: {  	v2 =	vand.u32 $0x3FF, v2  }
0xf7: {  	v2 =	vadd.s32 v0, v2;
	_ =	sdelay $0x4  }
0xf8: {  	[tilespmem:v2+s6+$0x0] =	vst.idx.add.s32.msk $0xffff, v1  }
0xf9: {  	v2 =	vld [tilespmem:s5+$0xFFFFFFDE];
	_ =	sdelay $0x4  }
0xfa: {  	v2 =	vand.u32 $0x3FF, v2  }
0xfb: {  	v2 =	vadd.s32 v0, v2;
	_ =	sdelay $0x4  }
0xfc: {  	[tilespmem:v2+s6+$0x0] =	vst.idx.add.s32.msk $0xffff, v1  }
0xfd: {  	v2 =	vld [tilespmem:s5+$0xFFFFFFEF];
	_ =	sdelay $0x4  }
0xfe: {  	v2 =	vand.u32 $0x3FF, v2  }
0xff: {  	v2 =	vadd.s32 v0, v2;
	_ =	sdelay $0x4  }
0x100: {  	[tilespmem:v2+s6+$0x0] =	vst.idx.add.s32.msk $0xffff, v1  }
0x101: {  	v2 =	vld [tilespmem:s5+$0x0];
	_ =	sdelay $0x4  }
0x102: {  	v2 =	vand.u32 $0x3FF, v2  }
0x103: {  	v2 =	vadd.s32 v0, v2;
	_ =	sdelay $0x4  }
0x104: {  	[tilespmem:v2+s6+$0x0] =	vst.idx.add.s32.msk $0xffff, v1  }
0x105: {  	v2 =	vld [tilespmem:s5+$0x11];
	_ =	sdelay $0x4  }
0x106: {  	v2 =	vand.u32 $0x3FF, v2  }
0x107: {  	v2 =	vadd.s32 v0, v2;
	_ =	sdelay $0x4  }
0x108: {  	[tilespmem:v2+s6+$0x0] =	vst.idx.add.s32.msk $0xffff, v1  }
0x109: {  	v2 =	vld [tilespmem:s5+$0x22];
	_ =	sdelay $0x4  }
0x10a: {  	v2 =	vand.u32 $0x3FF, v2  }
0x10b: {  	v2 =	vadd.s32 v0, v2;
	_ =	sdelay $0x4  }
0x10c: {  	[tilespmem:v2+s6+$0x0] =	vst.idx.add.s32.msk $0xffff, v1  }
0x10d: {  	v2 =	vld [tilespmem:s5+$0x33];
	_ =	sdelay $0x4  }
0x10e: {  	s4 =	sadd.s32 $0x8, s4;
	v2 =	vand.u32 $0x3FF, v2  }
0x10f: {  	p0 =	slt.u32 s4, $0xF8;
	v2 =	vadd.s32 v0, v2  }
.Ltmp3:
0x110: {  	_ = 	snop;
	(pc) =	sbr.rel @p0 .LBB2_6-.Ltmp3, $2  }
0x111: {  	_ =	sdelay $0x2  }
0x112: {  	s5 =	sadd.s32 $0x88, s5;
	[tilespmem:v2+s6+$0x0] =	vst.idx.add.s32.msk $0xffff, v1  }
0x113: {  	s4 =	simm.s32 $0x7688  }
0x114: {  	v0 =	vld [tilespmem:s4+$0xFFFFDF78]  }
0x115: {  	v2 =	vld [tilespmem:s4+$0xFFFFE389]  }
0x116: {  	v3 =	vld [tilespmem:s4+$0xFFFFE79A]  }
0x117: {  	v5 =	vld [tilespmem:s4+$0xFFFFEBAB]  }
0x118: {  	v7 =	vld [tilespmem:s4+$0xFFFFEFBC]  }
0x119: {  	v9 =	vld [tilespmem:s4+$0xFFFFF3CD]  }
0x11a: {  	v10 =	vld [tilespmem:s4+$0xFFFFF7DE]  }
0x11b: {  	v13 =	vld [tilespmem:s4+$0xFFFFFBEF];
	v1 =	vadd.s32 v0, v2  }
0x11c: {  	v15 =	vld [tilespmem:s4+$0x0];
	v1 =	vadd.s32 v3, v1  }
0x11d: {  	v17 =	vld [tilespmem:s4+$0x411];
	v1 =	vadd.s32 v5, v1  }
0x11e: {  	v19 =	vld [tilespmem:s4+$0x822];
	v1 =	vadd.s32 v7, v1  }
0x11f: {  	v21 =	vld [tilespmem:s4+$0xC33];
	v1 =	vadd.s32 v9, v1  }
0x120: {  	v22 =	vld [tilespmem:s4+$0x1044];
	v1 =	vadd.s32 v10, v1  }
0x121: {  	v23 =	vld [tilespmem:s4+$0x1455];
	v1 =	vadd.s32 v13, v1  }
0x122: {  	v24 =	vld [tilespmem:s4+$0x1866];
	v1 =	vadd.s32 v15, v1  }
0x123: {  	v4 =	vld [tilespmem:s4+$0x1C77];
	v1 =	vadd.s32 v17, v1  }
0x124: {  	v25 =	vld [tilespmem:s4+$0xFFFFDF88];
	v1 =	vadd.s32 v19, v1  }
0x125: {  	v26 =	vld [tilespmem:s4+$0xFFFFE399];
	v1 =	vadd.s32 v21, v1  }
0x126: {  	v27 =	vld [tilespmem:s4+$0xFFFFE7AA];
	v1 =	vadd.s32 v22, v1  }
0x127: {  	v28 =	vld [tilespmem:s4+$0xFFFFEBBB];
	v1 =	vadd.s32 v23, v1  }
0x128: {  	v29 =	vld [tilespmem:s4+$0xFFFFEFCC];
	v1 =	vadd.s32 v24, v1  }
0x129: {  	v31 =	vld [tilespmem:s4+$0xFFFFF3DD];
	v1 =	vadd.s32 v4, v1  }
0x12a: {  	v20 =	vld [tilespmem:s4+$0xFFFFF7EE];
	v4 =	vadd.s32 v25, v26;
	(xrf0) =	vadd.scan.msk.s32 $0xffff, v1  }
0x12b: {  	v18 =	vld [tilespmem:s4+$0xFFFFFBFF];
	v4 =	vadd.s32 v27, v4  }
0x12c: {  	v16 =	vld [tilespmem:s4+$0x10];
	v4 =	vadd.s32 v28, v4  }
0x12d: {  	v14 =	vld [tilespmem:s4+$0x421];
	v4 =	vadd.s32 v29, v4  }
0x12e: {  	v12 =	vld [tilespmem:s4+$0x832];
	v4 =	vadd.s32 v31, v4  }
0x12f: {  	v8 =	vld [tilespmem:s4+$0xC43];
	v4 =	vadd.s32 v20, v4  }
0x130: {  	v6 =	vld [tilespmem:s4+$0x1054];
	v4 =	vadd.s32 v18, v4;
	v11, _, _ =	vpop (xrf0)  }
0x131: {  	s5 =	simm.s32 $0x0;
	v30 =	vadd.s32 v16, v4;
	(v2sf) =	vpush v11, $0xF;
	v1 =	vsub.s32 v11, v1;
	v11 =	vld [tilespmem:s4+$0x1465]  }
0x132: {  	v4 =	vld [tilespmem:s4+$0x1876];
	v30 =	vadd.s32 v14, v30;
	v1 =	vadd.s32 s5, v1  }
0x133: {  	s6 =	simm.s32 $0x76A8;
	v32 =	vld [tilespmem:s4+$0x1C87];
	v30 =	vadd.s32 v12, v30;
	[tilespmem:s4+$0xFFFFDF78] =	vst v1;
	v0 =	vadd.s32 v0, v1  }
0x134: {  	v30 =	vadd.s32 v8, v30;
	v1 =	vld [tilespmem:s6+$0xFFFFDF78];
	[tilespmem:s4+$0xFFFFE389] =	vst v0;
	v2 =	vadd.s32 v2, v0  }
0x135: {  	v30 =	vadd.s32 v6, v30;
	v0 =	vld [tilespmem:s6+$0xFFFFE389];
	[tilespmem:s4+$0xFFFFE79A] =	vst v2;
	v3 =	vadd.s32 v3, v2  }
0x136: {  	v2 =	vld [tilespmem:s6+$0xFFFFE79A];
	[tilespmem:s4+$0xFFFFEBAB] =	vst v3;
	v5 =	vadd.s32 v5, v3;
	v30 =	vadd.s32 v11, v30  }
0x137: {  	v3 =	vld [tilespmem:s6+$0xFFFFEBAB];
	[tilespmem:s4+$0xFFFFEFBC] =	vst v5;
	v7 =	vadd.s32 v7, v5;
	v30 =	vadd.s32 v4, v30  }
0x138: {  	v5 =	vld [tilespmem:s6+$0xFFFFEFBC];
	[tilespmem:s4+$0xFFFFF3CD] =	vst v7;
	v9 =	vadd.s32 v9, v7;
	v30 =	vadd.s32 v32, v30  }
0x139: {  	v7 =	vld [tilespmem:s6+$0xFFFFF3CD];
	[tilespmem:s4+$0xFFFFF7DE] =	vst v9;
	v10 =	vadd.s32 v10, v9;
	(xrf0) =	vadd.scan.msk.s32 $0xffff, v30  }
0x13a: {  	v9 =	vld [tilespmem:s6+$0xFFFFF7DE];
	v63 =	vadd.s32 v1, v0;
	[tilespmem:s4+$0xFFFFFBEF] =	vst v10;
	v13 =	vadd.s32 v13, v10  }
0x13b: {  	v10 =	vld [tilespmem:s6+$0xFFFFFBEF];
	v32 =	vadd.s32 v2, v63;
	[tilespmem:s4+$0x0] =	vst v13;
	v15 =	vadd.s32 v15, v13  }
0x13c: {  	v13 =	vld [tilespmem:s6+$0x0];
	v32 =	vadd.s32 v3, v32;
	[tilespmem:s4+$0x411] =	vst v15;
	v17 =	vadd.s32 v17, v15  }
0x13d: {  	v15 =	vld [tilespmem:s6+$0x411];
	v32 =	vadd.s32 v5, v32;
	[tilespmem:s4+$0x822] =	vst v17;
	v19 =	vadd.s32 v19, v17  }
0x13e: {  	v17 =	vld [tilespmem:s6+$0x822];
	v32 =	vadd.s32 v7, v32;
	[tilespmem:s4+$0xC33] =	vst v19;
	v21 =	vadd.s32 v21, v19  }
0x13f: {  	v19 =	vld [tilespmem:s6+$0xC33];
	v32 =	vadd.s32 v9, v32;
	[tilespmem:s4+$0x1044] =	vst v21;
	v22 =	vadd.s32 v22, v21;
	v33, _, _ =	vpop (xrf0)  }
0x140: {  	s31 =	spop (v2sf);
	v21 =	vld [tilespmem:s6+$0x1044];
	v32 =	vadd.s32 v10, v32;
	[tilespmem:s4+$0x1455] =	vst v22;
	v22 =	vadd.s32 v23, v22;
	v30 =	vsub.s32 v33, v30  }
0x141: {  	(v2sf) =	vpush v33, $0xF;
	s8 =	sadd.s32 $0x0, s31;
	v23 =	vld [tilespmem:s6+$0x1455];
	v32 =	vadd.s32 v13, v32;
	[tilespmem:s4+$0x1866] =	vst v22;
	v24 =	vadd.s32 v24, v22  }
0x142: {  	v22 =	vld [tilespmem:s6+$0x1866];
	v32 =	vadd.s32 v15, v32;
	[tilespmem:s4+$0x1C77] =	vst v24;
	v24 =	vadd.s32 s8, v30  }
0x143: {  	v30 =	vld [tilespmem:s6+$0x1C77];
	v32 =	vadd.s32 v17, v32;
	[tilespmem:s4+$0xFFFFDF88] =	vst v24;
	v25 =	vadd.s32 v25, v24  }
0x144: {  	v32 =	vadd.s32 v19, v32;
	v24 =	vld [tilespmem:s6+$0xFFFFDF88];
	[tilespmem:s4+$0xFFFFE399] =	vst v25;
	v26 =	vadd.s32 v26, v25  }
0x145: {  	v32 =	vadd.s32 v21, v32;
	v25 =	vld [tilespmem:s6+$0xFFFFE399];
	[tilespmem:s4+$0xFFFFE7AA] =	vst v26;
	v27 =	vadd.s32 v27, v26  }
0x146: {  	v32 =	vadd.s32 v23, v32;
	v26 =	vld [tilespmem:s6+$0xFFFFE7AA];
	[tilespmem:s4+$0xFFFFEBBB] =	vst v27;
	v28 =	vadd.s32 v28, v27  }
0x147: {  	v32 =	vadd.s32 v22, v32;
	v27 =	vld [tilespmem:s6+$0xFFFFEBBB];
	[tilespmem:s4+$0xFFFFEFCC] =	vst v28;
	v29 =	vadd.s32 v29, v28  }
0x148: {  	s7 =	simm.s32 $0x2;
	s5 =	simm.s32 $0x76A8;
	v30 =	vadd.s32 v30, v32;
	v28 =	vld [tilespmem:s6+$0xFFFFEFCC];
	[tilespmem:s4+$0xFFFFF3DD] =	vst v29;
	v31 =	vadd.s32 v31, v29  }
.LBB2_8:
0x149: {  	s7 =	sadd.s32 $0x2, s7;
	v29 =	vld [tilespmem:s6+$0xFFFFF3DD];
	(xrf0) =	vadd.scan.msk.s32 $0xffff, v30;
	[tilespmem:s4+$0xFFFFF7EE] =	vst v31;
	v31 =	vadd.s32 v20, v31  }
0x14a: {  	p0 =	slt.u32 s7, $0x3E;
	v20 =	vld [tilespmem:s6+$0xFFFFF7EE];
	v32 =	vadd.s32 v24, v25;
	[tilespmem:s4+$0xFFFFFBFF] =	vst v31;
	v31 =	vadd.s32 v18, v31  }
0x14b: {  	s6 =	sadd.s32 $0x20, s6;
	v18 =	vld [tilespmem:s5+$0xFFFFFBFF];
	v32 =	vadd.s32 v26, v32;
	[tilespmem:s4+$0x10] =	vst v31;
	v31 =	vadd.s32 v16, v31  }
0x14c: {  	v16 =	vld [tilespmem:s5+$0x10];
	v32 =	vadd.s32 v27, v32;
	[tilespmem:s4+$0x421] =	vst v31;
	v31 =	vadd.s32 v14, v31  }
0x14d: {  	v14 =	vld [tilespmem:s5+$0x421];
	v32 =	vadd.s32 v28, v32;
	[tilespmem:s4+$0x832] =	vst v31;
	v31 =	vadd.s32 v12, v31  }
0x14e: {  	v12 =	vld [tilespmem:s5+$0x832];
	v32 =	vadd.s32 v29, v32;
	[tilespmem:s4+$0xC43] =	vst v31;
	v31 =	vadd.s32 v8, v31  }
0x14f: {  	v8 =	vld [tilespmem:s5+$0xC43];
	v32 =	vadd.s32 v20, v32;
	v33, _, _ =	vpop (xrf0);
	[tilespmem:s4+$0x1054] =	vst v31;
	v31 =	vadd.s32 v6, v31  }
0x150: {  	v6 =	vld [tilespmem:s5+$0x1054];
	v32 =	vadd.s32 v18, v32;
	(v2sf) =	vpush v33, $0xF;
	[tilespmem:s4+$0x1465] =	vst v31;
	v31 =	vadd.s32 v11, v31;
	s9 =	spop (v2sf)  }
0x151: {  	v30 =	vsub.s32 v33, v30;
	v11 =	vld [tilespmem:s5+$0x1465];
	v32 =	vadd.s32 v16, v32;
	[tilespmem:s4+$0x1876] =	vst v31;
	v31 =	vadd.s32 v4, v31;
	s8 =	sadd.s32 s8, s9  }
0x152: {  	v30 =	vadd.s32 s8, v30;
	v4 =	vld [tilespmem:s5+$0x1876];
	v32 =	vadd.s32 v14, v32;
	[tilespmem:s4+$0x1C87] =	vst v31;
	s4 =	smov.u32 s5;
	s5 =	smov.u32 s6  }
0x153: {  	[tilespmem:s4+$0xFFFFDF78] =	vst v30;
	v30 =	vadd.s32 v1, v30;
	v31 =	vld [tilespmem:s4+$0x1C87];
	v32 =	vadd.s32 v12, v32  }
0x154: {  	v1 =	vld [tilespmem:s6+$0xFFFFDF78];
	[tilespmem:s4+$0xFFFFE389] =	vst v30;
	v30 =	vadd.s32 v0, v30;
	v32 =	vadd.s32 v8, v32  }
0x155: {  	v0 =	vld [tilespmem:s6+$0xFFFFE389];
	[tilespmem:s4+$0xFFFFE79A] =	vst v30;
	v30 =	vadd.s32 v2, v30;
	v32 =	vadd.s32 v6, v32  }
0x156: {  	v2 =	vld [tilespmem:s6+$0xFFFFE79A];
	[tilespmem:s4+$0xFFFFEBAB] =	vst v30;
	v30 =	vadd.s32 v3, v30;
	v32 =	vadd.s32 v11, v32  }
0x157: {  	v3 =	vld [tilespmem:s6+$0xFFFFEBAB];
	[tilespmem:s4+$0xFFFFEFBC] =	vst v30;
	v30 =	vadd.s32 v5, v30;
	v32 =	vadd.s32 v4, v32  }
0x158: {  	v5 =	vld [tilespmem:s6+$0xFFFFEFBC];
	[tilespmem:s4+$0xFFFFF3CD] =	vst v30;
	v30 =	vadd.s32 v7, v30;
	v31 =	vadd.s32 v31, v32  }
0x159: {  	v7 =	vld [tilespmem:s6+$0xFFFFF3CD];
	[tilespmem:s4+$0xFFFFF7DE] =	vst v30;
	v30 =	vadd.s32 v9, v30;
	(xrf0) =	vadd.scan.msk.s32 $0xffff, v31  }
0x15a: {  	v9 =	vld [tilespmem:s6+$0xFFFFF7DE];
	v32 =	vadd.s32 v1, v0;
	[tilespmem:s4+$0xFFFFFBEF] =	vst v30;
	v30 =	vadd.s32 v10, v30  }
0x15b: {  	v10 =	vld [tilespmem:s6+$0xFFFFFBEF];
	v32 =	vadd.s32 v2, v32;
	[tilespmem:s4+$0x0] =	vst v30;
	v30 =	vadd.s32 v13, v30  }
0x15c: {  	v13 =	vld [tilespmem:s6+$0x0];
	v32 =	vadd.s32 v3, v32;
	[tilespmem:s4+$0x411] =	vst v30;
	v30 =	vadd.s32 v15, v30  }
0x15d: {  	v15 =	vld [tilespmem:s6+$0x411];
	v32 =	vadd.s32 v5, v32;
	[tilespmem:s4+$0x822] =	vst v30;
	v30 =	vadd.s32 v17, v30  }
0x15e: {  	v17 =	vld [tilespmem:s6+$0x822];
	v32 =	vadd.s32 v7, v32;
	[tilespmem:s4+$0xC33] =	vst v30;
	v30 =	vadd.s32 v19, v30  }
0x15f: {  	v19 =	vld [tilespmem:s6+$0xC33];
	v32 =	vadd.s32 v9, v32;
	[tilespmem:s4+$0x1044] =	vst v30;
	v30 =	vadd.s32 v21, v30;
	s9 =	spop (v2sf);
	v33, _, _ =	vpop (xrf0)  }
0x160: {  	v21 =	vld [tilespmem:s6+$0x1044];
	v32 =	vadd.s32 v10, v32;
	[tilespmem:s4+$0x1455] =	vst v30;
	v30 =	vadd.s32 v23, v30;
	s8 =	sadd.s32 s8, s9;
	v31 =	vsub.s32 v33, v31  }
0x161: {  	v23 =	vld [tilespmem:s6+$0x1455];
	v32 =	vadd.s32 v13, v32;
	[tilespmem:s4+$0x1866] =	vst v30;
	v30 =	vadd.s32 v22, v30;
	(v2sf) =	vpush v33, $0xF  }
0x162: {  	v22 =	vld [tilespmem:s6+$0x1866];
	v32 =	vadd.s32 v15, v32;
	[tilespmem:s4+$0x1C77] =	vst v30;
	v30 =	vadd.s32 s8, v31  }
0x163: {  	v31 =	vld [tilespmem:s6+$0x1C77];
	v32 =	vadd.s32 v17, v32;
	[tilespmem:s4+$0xFFFFDF88] =	vst v30;
	v30 =	vadd.s32 v24, v30  }
.Ltmp4:
0x164: {  	v32 =	vadd.s32 v19, v32;
	v24 =	vld [tilespmem:s6+$0xFFFFDF88];
	[tilespmem:s4+$0xFFFFE399] =	vst v30;
	v30 =	vadd.s32 v25, v30;
	(pc) =	sbr.rel @p0 .LBB2_8-.Ltmp4, $4  }
0x165: {  	v32 =	vadd.s32 v21, v32;
	v25 =	vld [tilespmem:s6+$0xFFFFE399];
	[tilespmem:s4+$0xFFFFE7AA] =	vst v30;
	v30 =	vadd.s32 v26, v30  }
0x166: {  	v32 =	vadd.s32 v23, v32;
	v26 =	vld [tilespmem:s6+$0xFFFFE7AA];
	[tilespmem:s4+$0xFFFFEBBB] =	vst v30;
	v30 =	vadd.s32 v27, v30  }
0x167: {  	v32 =	vadd.s32 v22, v32;
	v27 =	vld [tilespmem:s6+$0xFFFFEBBB];
	[tilespmem:s4+$0xFFFFEFCC] =	vst v30;
	v33 =	vadd.s32 v28, v30  }
0x168: {  	v30 =	vadd.s32 v31, v32;
	v28 =	vld [tilespmem:s6+$0xFFFFEFCC];
	[tilespmem:s4+$0xFFFFF3DD] =	vst v33;
	v31 =	vadd.s32 v29, v33  }
0x169: {  	v29 =	vld [tilespmem:s6+$0xFFFFF3DD];
	[tilespmem:s4+$0xFFFFF7EE] =	vst v31;
	v20 =	vadd.s32 v20, v31  }
0x16a: {  	(xrf0) =	vadd.scan.msk.s32 $0xffff, v30;
	v51 =	vld [tilespmem:s6+$0xFFFFF7EE];
	v32 =	vadd.s32 v24, v25;
	[tilespmem:s4+$0xFFFFFBFF] =	vst v20;
	v18 =	vadd.s32 v18, v20  }
0x16b: {  	v52 =	vld [tilespmem:s5+$0xFFFFFBFF];
	v32 =	vadd.s32 v26, v32;
	[tilespmem:s4+$0x10] =	vst v18;
	v16 =	vadd.s32 v16, v18  }
0x16c: {  	v53 =	vadd.s32 v27, v32;
	[tilespmem:s4+$0x421] =	vst v16;
	v14 =	vadd.s32 v14, v16  }
0x16d: {  	v54 =	vld [tilespmem:s5+$0x10];
	v18 =	vadd.s32 v28, v53;
	[tilespmem:s4+$0x832] =	vst v14;
	v12 =	vadd.s32 v12, v14  }
0x16e: {  	v55 =	vld [tilespmem:s5+$0x421];
	v18 =	vadd.s32 v29, v18;
	[tilespmem:s4+$0xC43] =	vst v12;
	v8 =	vadd.s32 v8, v12  }
0x16f: {  	v56 =	vld [tilespmem:s5+$0x832];
	v18 =	vadd.s32 v51, v18;
	[tilespmem:s4+$0x1054] =	vst v8;
	v6 =	vadd.s32 v6, v8  }
0x170: {  	v57 =	vld [tilespmem:s5+$0xC43];
	v58, _, _ =	vpop (xrf0);
	v18 =	vadd.s32 v52, v18;
	[tilespmem:s4+$0x1465] =	vst v6;
	v6 =	vadd.s32 v11, v6;
	s29 =	spop (v2sf)  }
0x171: {  	v59 =	vld [tilespmem:s5+$0x1054];
	(v2sf) =	vpush v58, $0xF;
	v60 =	vsub.s32 v58, v30;
	[tilespmem:s4+$0x1876] =	vst v6;
	v4 =	vadd.s32 v4, v6;
	s6 =	sadd.s32 s8, s29  }
0x172: {  	v61 =	vld [tilespmem:s5+$0x1465];
	v18 =	vadd.s32 v54, v18;
	v30 =	vadd.s32 s6, v60;
	[tilespmem:s4+$0x1C87] =	vst v4  }
0x173: {  	v62 =	vld [tilespmem:s5+$0x1876];
	v18 =	vadd.s32 v55, v18;
	[tilespmem:s5+$0xFFFFDF78] =	vst v30;
	v1 =	vadd.s32 v1, v30  }
0x174: {  	v63 =	vld [tilespmem:s5+$0x1C87];
	v18 =	vadd.s32 v56, v18;
	[tilespmem:s5+$0xFFFFE389] =	vst v1;
	v0 =	vadd.s32 v0, v1  }
0x175: {  	v1 =	vadd.s32 v57, v18;
	[tilespmem:s5+$0xFFFFE79A] =	vst v0;
	v0 =	vadd.s32 v2, v0  }
0x176: {  	v1 =	vadd.s32 v59, v1;
	[tilespmem:s5+$0xFFFFEBAB] =	vst v0;
	v0 =	vadd.s32 v3, v0  }
0x177: {  	v1 =	vadd.s32 v61, v1;
	[tilespmem:s5+$0xFFFFEFBC] =	vst v0;
	v0 =	vadd.s32 v5, v0  }
0x178: {  	v1 =	vadd.s32 v62, v1;
	[tilespmem:s5+$0xFFFFF3CD] =	vst v0;
	v0 =	vadd.s32 v7, v0  }
0x179: {  	v1 =	vadd.s32 v63, v1;
	[tilespmem:s5+$0xFFFFF7DE] =	vst v0;
	v0 =	vadd.s32 v9, v0  }
0x17a: {  	(xrf0) =	vadd.scan.msk.s32 $0xffff, v1;
	[tilespmem:s5+$0xFFFFFBEF] =	vst v0;
	v0 =	vadd.s32 v10, v0  }
0x17b: {  	[tilespmem:s5+$0x0] =	vst v0;
	v0 =	vadd.s32 v13, v0  }
0x17c: {  	[tilespmem:s5+$0x411] =	vst v0;
	v0 =	vadd.s32 v15, v0  }
0x17d: {  	[tilespmem:s5+$0x822] =	vst v0;
	v0 =	vadd.s32 v17, v0  }
0x17e: {  	[tilespmem:s5+$0xC33] =	vst v0;
	v0 =	vadd.s32 v19, v0  }
0x17f: {  	[tilespmem:s5+$0x1044] =	vst v0;
	v0 =	vadd.s32 v21, v0  }
0x180: {  	s30 =	spop (v2sf);
	v2, _, _ =	vpop (xrf0);
	[tilespmem:s5+$0x1455] =	vst v0;
	v0 =	vadd.s32 v23, v0  }
0x181: {  	s4 =	sadd.s32 s6, s30;
	v1 =	vsub.s32 v2, v1;
	[tilespmem:s5+$0x1866] =	vst v0;
	v0 =	vadd.s32 v22, v0  }
0x182: {  	[tilespmem:s5+$0x1C77] =	vst v0;
	v0 =	vadd.s32 s4, v1  }
0x183: {  	(v2sf) =	vpush v2, $0xF;
	[tilespmem:s5+$0xFFFFDF88] =	vst v0;
	v0 =	vadd.s32 v24, v0  }
0x184: {  	[tilespmem:s5+$0xFFFFE399] =	vst v0;
	v0 =	vadd.s32 v25, v0  }
0x185: {  	[tilespmem:s5+$0xFFFFE7AA] =	vst v0;
	v0 =	vadd.s32 v26, v0  }
0x186: {  	[tilespmem:s5+$0xFFFFEBBB] =	vst v0;
	v0 =	vadd.s32 v27, v0  }
0x187: {  	[tilespmem:s5+$0xFFFFEFCC] =	vst v0;
	v0 =	vadd.s32 v28, v0  }
0x188: {  	[tilespmem:s5+$0xFFFFF3DD] =	vst v0;
	v0 =	vadd.s32 v29, v0  }
0x189: {  	[tilespmem:s5+$0xFFFFF7EE] =	vst v0;
	v0 =	vadd.s32 v51, v0  }
0x18a: {  	[tilespmem:s5+$0xFFFFFBFF] =	vst v0;
	v0 =	vadd.s32 v52, v0  }
0x18b: {  	[tilespmem:s5+$0x10] =	vst v0;
	v0 =	vadd.s32 v54, v0  }
0x18c: {  	[tilespmem:s5+$0x421] =	vst v0;
	v0 =	vadd.s32 v55, v0  }
0x18d: {  	[tilespmem:s5+$0x832] =	vst v0;
	v0 =	vadd.s32 v56, v0  }
0x18e: {  	[tilespmem:s5+$0xC43] =	vst v0;
	v0 =	vadd.s32 v57, v0  }
0x18f: {  	[tilespmem:s5+$0x1054] =	vst v0;
	v0 =	vadd.s32 v59, v0  }
0x190: {  	[tilespmem:s5+$0x1465] =	vst v0;
	v0 =	vadd.s32 v61, v0  }
0x191: {  	s7 =	simm.s32 $0x2180;
	s8 =	simm.s32 $0x4480;
	s6 =	simm.s32 $0x1044;
	[tilespmem:s5+$0x1876] =	vst v0;
	v0 =	vadd.s32 v62, v0  }
0x192: {  	s4 =	simm.s32 $0x0;
	v1 =	vimm.s32 $0x1;
	s31 =	spop (v2sf);
	[tilespmem:s5+$0x1C87] =	vst v0;
	v0 =	vlaneseq.u32;
	s5 =	simm.s32 $0x5600  }
.LBB2_10:
0x193: {  	v2 =	vld [tilespmem:s6+$0xFFFFFFBC];
	_ =	sdelay $0x3  }
0x194: {  	v3 =	vmul.u32 $0x411, v0  }
0x195: {  	v4 =	vand.u32 $0x3FF, v2  }
0x196: {  	v4 =	vadd.s32 v3, v4;
	_ =	sdelay $0x4  }
0x197: {  	v5 =	vld.idx.msk [tilespmem:v4+s5+$0x0], $0xffff;
	_ =	sdelay $0x4  }
0x198: {  	v6 =	vand.u32 $0xFF, v5  }
0x199: {  	v6 =	vmul.u32 $0x11, v6  }
0x19a: {  	v5 =	vshrl.u32 v5, $0x8  }
0x19b: {  	v5 =	vadd.s32 v5, v6;
	_ =	sdelay $0x2  }
0x19c: {  	v43 =	vmul.u32 $0x100, v0  }
0x19d: {  	[tilespmem:v4+s5+$0x0] =	vst.idx.add.s32.msk $0xffff, v1  }
0x19e: {  	v44 =	vor.u32 s4, v43;
	[tilespmem:v5+s7+$0x0] =	vst.idx.msk $0xffff, v2  }
0x19f: {  	[tilespmem:v5+s8+$0x0] =	vst.idx.msk $0xffff, v44  }
0x1a0: {  	v2 =	vld [tilespmem:s6+$0xFFFFFFCD];
	_ =	sdelay $0x4  }
0x1a1: {  	v45 =	vand.u32 $0x3FF, v2  }
0x1a2: {  	v4 =	vadd.s32 v3, v45;
	_ =	sdelay $0x4  }
0x1a3: {  	v5 =	vld.idx.msk [tilespmem:v4+s5+$0x0], $0xffff;
	_ =	sdelay $0x4  }
0x1a4: {  	v7 =	vand.u32 $0xFF, v5  }
0x1a5: {  	v7 =	vmul.u32 $0x11, v7  }
0x1a6: {  	v5 =	vshrl.u32 v5, $0x8  }
0x1a7: {  	v5 =	vadd.s32 v5, v7;
	_ =	sdelay $0x3  }
0x1a8: {  	s9 =	sadd.s32 $0x1, s4;
	[tilespmem:v4+s5+$0x0] =	vst.idx.add.s32.msk $0xffff, v1  }
0x1a9: {  	v46 =	vor.u32 s9, v43;
	[tilespmem:v5+s7+$0x0] =	vst.idx.msk $0xffff, v2  }
0x1aa: {  	[tilespmem:v5+s8+$0x0] =	vst.idx.msk $0xffff, v46  }
0x1ab: {  	v2 =	vld [tilespmem:s6+$0xFFFFFFDE];
	_ =	sdelay $0x4  }
0x1ac: {  	v47 =	vand.u32 $0x3FF, v2  }
0x1ad: {  	v4 =	vadd.s32 v3, v47;
	_ =	sdelay $0x4  }
0x1ae: {  	v5 =	vld.idx.msk [tilespmem:v4+s5+$0x0], $0xffff;
	_ =	sdelay $0x4  }
0x1af: {  	v48 =	vand.u32 $0xFF, v5  }
0x1b0: {  	v7 =	vmul.u32 $0x11, v48  }
0x1b1: {  	v5 =	vshrl.u32 v5, $0x8  }
0x1b2: {  	v5 =	vadd.s32 v5, v7;
	_ =	sdelay $0x3  }
0x1b3: {  	s25 =	sadd.s32 $0x2, s4;
	[tilespmem:v4+s5+$0x0] =	vst.idx.add.s32.msk $0xffff, v1  }
0x1b4: {  	v49 =	vor.u32 s25, v43;
	[tilespmem:v5+s7+$0x0] =	vst.idx.msk $0xffff, v2  }
0x1b5: {  	[tilespmem:v5+s8+$0x0] =	vst.idx.msk $0xffff, v49  }
0x1b6: {  	v2 =	vld [tilespmem:s6+$0xFFFFFFEF];
	_ =	sdelay $0x4  }
0x1b7: {  	v50 =	vand.u32 $0x3FF, v2  }
0x1b8: {  	v4 =	vadd.s32 v3, v50;
	_ =	sdelay $0x4  }
0x1b9: {  	v5 =	vld.idx.msk [tilespmem:v4+s5+$0x0], $0xffff;
	_ =	sdelay $0x4  }
0x1ba: {  	v51 =	vand.u32 $0xFF, v5  }
0x1bb: {  	v7 =	vmul.u32 $0x11, v51  }
0x1bc: {  	v5 =	vshrl.u32 v5, $0x8  }
0x1bd: {  	v5 =	vadd.s32 v5, v7;
	_ =	sdelay $0x3  }
0x1be: {  	s26 =	sadd.s32 $0x3, s4;
	[tilespmem:v4+s5+$0x0] =	vst.idx.add.s32.msk $0xffff, v1  }
0x1bf: {  	v52 =	vor.u32 s26, v43;
	[tilespmem:v5+s7+$0x0] =	vst.idx.msk $0xffff, v2  }
0x1c0: {  	[tilespmem:v5+s8+$0x0] =	vst.idx.msk $0xffff, v52  }
0x1c1: {  	v2 =	vld [tilespmem:s6+$0x0];
	_ =	sdelay $0x4  }
0x1c2: {  	v53 =	vand.u32 $0x3FF, v2  }
0x1c3: {  	v4 =	vadd.s32 v3, v53;
	_ =	sdelay $0x4  }
0x1c4: {  	v5 =	vld.idx.msk [tilespmem:v4+s5+$0x0], $0xffff;
	_ =	sdelay $0x4  }
0x1c5: {  	v54 =	vand.u32 $0xFF, v5  }
0x1c6: {  	v7 =	vmul.u32 $0x11, v54  }
0x1c7: {  	v5 =	vshrl.u32 v5, $0x8  }
0x1c8: {  	v5 =	vadd.s32 v5, v7;
	_ =	sdelay $0x3  }
0x1c9: {  	s28 =	sadd.s32 $0x4, s4;
	[tilespmem:v4+s5+$0x0] =	vst.idx.add.s32.msk $0xffff, v1  }
0x1ca: {  	v55 =	vor.u32 s28, v43;
	[tilespmem:v5+s7+$0x0] =	vst.idx.msk $0xffff, v2  }
0x1cb: {  	[tilespmem:v5+s8+$0x0] =	vst.idx.msk $0xffff, v55  }
0x1cc: {  	v2 =	vld [tilespmem:s6+$0x11];
	_ =	sdelay $0x4  }
0x1cd: {  	v56 =	vand.u32 $0x3FF, v2  }
0x1ce: {  	v4 =	vadd.s32 v3, v56;
	_ =	sdelay $0x4  }
0x1cf: {  	v5 =	vld.idx.msk [tilespmem:v4+s5+$0x0], $0xffff;
	_ =	sdelay $0x4  }
0x1d0: {  	v57 =	vand.u32 $0xFF, v5  }
0x1d1: {  	v7 =	vmul.u32 $0x11, v57  }
0x1d2: {  	v5 =	vshrl.u32 v5, $0x8  }
0x1d3: {  	v5 =	vadd.s32 v5, v7;
	_ =	sdelay $0x3  }
0x1d4: {  	s29 =	sadd.s32 $0x5, s4;
	[tilespmem:v4+s5+$0x0] =	vst.idx.add.s32.msk $0xffff, v1  }
0x1d5: {  	v58 =	vor.u32 s29, v43;
	[tilespmem:v5+s7+$0x0] =	vst.idx.msk $0xffff, v2  }
0x1d6: {  	[tilespmem:v5+s8+$0x0] =	vst.idx.msk $0xffff, v58  }
0x1d7: {  	v2 =	vld [tilespmem:s6+$0x22];
	_ =	sdelay $0x4  }
0x1d8: {  	v59 =	vand.u32 $0x3FF, v2  }
0x1d9: {  	v4 =	vadd.s32 v3, v59;
	_ =	sdelay $0x4  }
0x1da: {  	v5 =	vld.idx.msk [tilespmem:v4+s5+$0x0], $0xffff;
	_ =	sdelay $0x4  }
0x1db: {  	v60 =	vand.u32 $0xFF, v5  }
0x1dc: {  	v7 =	vmul.u32 $0x11, v60  }
0x1dd: {  	v5 =	vshrl.u32 v5, $0x8  }
0x1de: {  	v5 =	vadd.s32 v5, v7;
	_ =	sdelay $0x3  }
0x1df: {  	s30 =	sadd.s32 $0x6, s4;
	[tilespmem:v4+s5+$0x0] =	vst.idx.add.s32.msk $0xffff, v1  }
0x1e0: {  	v61 =	vor.u32 s30, v43;
	[tilespmem:v5+s7+$0x0] =	vst.idx.msk $0xffff, v2  }
0x1e1: {  	[tilespmem:v5+s8+$0x0] =	vst.idx.msk $0xffff, v61  }
0x1e2: {  	v2 =	vld [tilespmem:s6+$0x33];
	_ =	sdelay $0x4  }
0x1e3: {  	v62 =	vand.u32 $0x3FF, v2  }
0x1e4: {  	v3 =	vadd.s32 v3, v62;
	_ =	sdelay $0x4  }
0x1e5: {  	v4 =	vld.idx.msk [tilespmem:v3+s5+$0x0], $0xffff;
	_ =	sdelay $0x4  }
0x1e6: {  	v63 =	vand.u32 $0xFF, v4  }
0x1e7: {  	v5 =	vmul.u32 $0x11, v63  }
0x1e8: {  	v4 =	vshrl.u32 v4, $0x8  }
0x1e9: {  	v4 =	vadd.s32 v4, v5  }
0x1ea: {  	p0 =	slt.u32 s4, $0xF8  }
.Ltmp5:
0x1eb: {  	_ = 	snop;
	(pc) =	sbr.rel @p0 .LBB2_10-.Ltmp5, $4  }
0x1ec: {  	_ = 	snop  }
0x1ed: {  	s31 =	sadd.s32 $0x7, s4;
	[tilespmem:v3+s5+$0x0] =	vst.idx.add.s32.msk $0xffff, v1  }
0x1ee: {  	v3 =	vor.u32 s31, v43;
	[tilespmem:v4+s7+$0x0] =	vst.idx.msk $0xffff, v2  }
0x1ef: {  	s4 =	sadd.s32 $0x8, s4;
	s6 =	sadd.s32 $0x88, s6;
	[tilespmem:v4+s8+$0x0] =	vst.idx.msk $0xffff, v3  }
0x1f0: {  	v0 =	vlaneseq.u32  }
0x1f1: {  	s4 =	simm.s32 $0xFFFFFFF8;
	s5 =	simm.s32 $0x21C4;
	v1 =	vimm.s32 $0x1;
	s6 =	simm.s32 $0x9780;
	v0 =	vmul.u32 $0x411, v0  }
.LBB2_12:
0x1f2: {  	v2 =	vld [tilespmem:s5+$0xFFFFFFBC];
	_ =	sdelay $0x4  }
0x1f3: {  	v2 =	vshrl.u32 v2, $0xA  }
0x1f4: {  	v2 =	vand.u32 $0x3FF, v2  }
0x1f5: {  	v2 =	vadd.s32 v0, v2;
	_ =	sdelay $0x4  }
0x1f6: {  	[tilespmem:v2+s6+$0x0] =	vst.idx.add.s32.msk $0xffff, v1  }
0x1f7: {  	v2 =	vld [tilespmem:s5+$0xFFFFFFCD];
	_ =	sdelay $0x4  }
0x1f8: {  	v2 =	vshrl.u32 v2, $0xA  }
0x1f9: {  	v2 =	vand.u32 $0x3FF, v2  }
0x1fa: {  	v2 =	vadd.s32 v0, v2;
	_ =	sdelay $0x4  }
0x1fb: {  	[tilespmem:v2+s6+$0x0] =	vst.idx.add.s32.msk $0xffff, v1  }
0x1fc: {  	v2 =	vld [tilespmem:s5+$0xFFFFFFDE];
	_ =	sdelay $0x4  }
0x1fd: {  	v2 =	vshrl.u32 v2, $0xA  }
0x1fe: {  	v2 =	vand.u32 $0x3FF, v2  }
0x1ff: {  	v2 =	vadd.s32 v0, v2;
	_ =	sdelay $0x4  }
0x200: {  	[tilespmem:v2+s6+$0x0] =	vst.idx.add.s32.msk $0xffff, v1  }
0x201: {  	v2 =	vld [tilespmem:s5+$0xFFFFFFEF];
	_ =	sdelay $0x4  }
0x202: {  	v2 =	vshrl.u32 v2, $0xA  }
0x203: {  	v2 =	vand.u32 $0x3FF, v2  }
0x204: {  	v2 =	vadd.s32 v0, v2;
	_ =	sdelay $0x4  }
0x205: {  	[tilespmem:v2+s6+$0x0] =	vst.idx.add.s32.msk $0xffff, v1  }
0x206: {  	v2 =	vld [tilespmem:s5+$0x0];
	_ =	sdelay $0x4  }
0x207: {  	v2 =	vshrl.u32 v2, $0xA  }
0x208: {  	v2 =	vand.u32 $0x3FF, v2  }
0x209: {  	v2 =	vadd.s32 v0, v2;
	_ =	sdelay $0x4  }
0x20a: {  	[tilespmem:v2+s6+$0x0] =	vst.idx.add.s32.msk $0xffff, v1  }
0x20b: {  	v2 =	vld [tilespmem:s5+$0x11];
	_ =	sdelay $0x4  }
0x20c: {  	v2 =	vshrl.u32 v2, $0xA  }
0x20d: {  	v2 =	vand.u32 $0x3FF, v2  }
0x20e: {  	v2 =	vadd.s32 v0, v2;
	_ =	sdelay $0x4  }
0x20f: {  	[tilespmem:v2+s6+$0x0] =	vst.idx.add.s32.msk $0xffff, v1  }
0x210: {  	v2 =	vld [tilespmem:s5+$0x22];
	_ =	sdelay $0x4  }
0x211: {  	v2 =	vshrl.u32 v2, $0xA  }
0x212: {  	v2 =	vand.u32 $0x3FF, v2  }
0x213: {  	v2 =	vadd.s32 v0, v2;
	_ =	sdelay $0x4  }
0x214: {  	[tilespmem:v2+s6+$0x0] =	vst.idx.add.s32.msk $0xffff, v1  }
0x215: {  	v2 =	vld [tilespmem:s5+$0x33];
	_ =	sdelay $0x4  }
0x216: {  	v2 =	vshrl.u32 v2, $0xA  }
0x217: {  	s4 =	sadd.s32 $0x8, s4;
	v2 =	vand.u32 $0x3FF, v2  }
0x218: {  	p0 =	slt.u32 s4, $0xF8;
	v2 =	vadd.s32 v0, v2  }
.Ltmp6:
0x219: {  	_ = 	snop;
	(pc) =	sbr.rel @p0 .LBB2_12-.Ltmp6, $2  }
0x21a: {  	_ =	sdelay $0x2  }
0x21b: {  	s5 =	sadd.s32 $0x88, s5;
	[tilespmem:v2+s6+$0x0] =	vst.idx.add.s32.msk $0xffff, v1  }
0x21c: {  	s4 =	simm.s32 $0xB808  }
0x21d: {  	v0 =	vld [tilespmem:s4+$0xFFFFDF78]  }
0x21e: {  	v2 =	vld [tilespmem:s4+$0xFFFFE389]  }
0x21f: {  	v3 =	vld [tilespmem:s4+$0xFFFFE79A]  }
0x220: {  	v5 =	vld [tilespmem:s4+$0xFFFFEBAB]  }
0x221: {  	v7 =	vld [tilespmem:s4+$0xFFFFEFBC]  }
0x222: {  	v9 =	vld [tilespmem:s4+$0xFFFFF3CD]  }
0x223: {  	v10 =	vld [tilespmem:s4+$0xFFFFF7DE]  }
0x224: {  	v13 =	vld [tilespmem:s4+$0xFFFFFBEF];
	v1 =	vadd.s32 v0, v2  }
0x225: {  	v15 =	vld [tilespmem:s4+$0x0];
	v1 =	vadd.s32 v3, v1  }
0x226: {  	v17 =	vld [tilespmem:s4+$0x411];
	v1 =	vadd.s32 v5, v1  }
0x227: {  	v19 =	vld [tilespmem:s4+$0x822];
	v1 =	vadd.s32 v7, v1  }
0x228: {  	v21 =	vld [tilespmem:s4+$0xC33];
	v1 =	vadd.s32 v9, v1  }
0x229: {  	v22 =	vld [tilespmem:s4+$0x1044];
	v1 =	vadd.s32 v10, v1  }
0x22a: {  	v23 =	vld [tilespmem:s4+$0x1455];
	v1 =	vadd.s32 v13, v1  }
0x22b: {  	v24 =	vld [tilespmem:s4+$0x1866];
	v1 =	vadd.s32 v15, v1  }
0x22c: {  	v4 =	vld [tilespmem:s4+$0x1C77];
	v1 =	vadd.s32 v17, v1  }
0x22d: {  	v25 =	vld [tilespmem:s4+$0xFFFFDF88];
	v1 =	vadd.s32 v19, v1  }
0x22e: {  	v26 =	vld [tilespmem:s4+$0xFFFFE399];
	v1 =	vadd.s32 v21, v1  }
0x22f: {  	v27 =	vld [tilespmem:s4+$0xFFFFE7AA];
	v1 =	vadd.s32 v22, v1  }
0x230: {  	v28 =	vld [tilespmem:s4+$0xFFFFEBBB];
	v1 =	vadd.s32 v23, v1  }
0x231: {  	v29 =	vld [tilespmem:s4+$0xFFFFEFCC];
	v1 =	vadd.s32 v24, v1  }
0x232: {  	v31 =	vld [tilespmem:s4+$0xFFFFF3DD];
	v1 =	vadd.s32 v4, v1  }
0x233: {  	v20 =	vld [tilespmem:s4+$0xFFFFF7EE];
	v4 =	vadd.s32 v25, v26;
	(xrf0) =	vadd.scan.msk.s32 $0xffff, v1  }
0x234: {  	v18 =	vld [tilespmem:s4+$0xFFFFFBFF];
	v4 =	vadd.s32 v27, v4  }
0x235: {  	v16 =	vld [tilespmem:s4+$0x10];
	v4 =	vadd.s32 v28, v4  }
0x236: {  	v14 =	vld [tilespmem:s4+$0x421];
	v4 =	vadd.s32 v29, v4  }
0x237: {  	v12 =	vld [tilespmem:s4+$0x832];
	v4 =	vadd.s32 v31, v4  }
0x238: {  	v8 =	vld [tilespmem:s4+$0xC43];
	v4 =	vadd.s32 v20, v4  }
0x239: {  	v6 =	vld [tilespmem:s4+$0x1054];
	v4 =	vadd.s32 v18, v4;
	v11, _, _ =	vpop (xrf0)  }
0x23a: {  	s5 =	simm.s32 $0x0;
	v30 =	vadd.s32 v16, v4;
	(v2sf) =	vpush v11, $0xF;
	v1 =	vsub.s32 v11, v1;
	v11 =	vld [tilespmem:s4+$0x1465]  }
0x23b: {  	v4 =	vld [tilespmem:s4+$0x1876];
	v30 =	vadd.s32 v14, v30;
	v1 =	vadd.s32 s5, v1  }
0x23c: {  	s6 =	simm.s32 $0xB828;
	v32 =	vld [tilespmem:s4+$0x1C87];
	v30 =	vadd.s32 v12, v30;
	[tilespmem:s4+$0xFFFFDF78] =	vst v1;
	v0 =	vadd.s32 v0, v1  }
0x23d: {  	v30 =	vadd.s32 v8, v30;
	v1 =	vld [tilespmem:s6+$0xFFFFDF78];
	[tilespmem:s4+$0xFFFFE389] =	vst v0;
	v2 =	vadd.s32 v2, v0  }
0x23e: {  	v30 =	vadd.s32 v6, v30;
	v0 =	vld [tilespmem:s6+$0xFFFFE389];
	[tilespmem:s4+$0xFFFFE79A] =	vst v2;
	v3 =	vadd.s32 v3, v2  }
0x23f: {  	v2 =	vld [tilespmem:s6+$0xFFFFE79A];
	[tilespmem:s4+$0xFFFFEBAB] =	vst v3;
	v5 =	vadd.s32 v5, v3;
	v30 =	vadd.s32 v11, v30  }
0x240: {  	v3 =	vld [tilespmem:s6+$0xFFFFEBAB];
	[tilespmem:s4+$0xFFFFEFBC] =	vst v5;
	v7 =	vadd.s32 v7, v5;
	v30 =	vadd.s32 v4, v30  }
0x241: {  	v5 =	vld [tilespmem:s6+$0xFFFFEFBC];
	[tilespmem:s4+$0xFFFFF3CD] =	vst v7;
	v9 =	vadd.s32 v9, v7;
	v30 =	vadd.s32 v32, v30  }
0x242: {  	v7 =	vld [tilespmem:s6+$0xFFFFF3CD];
	[tilespmem:s4+$0xFFFFF7DE] =	vst v9;
	v10 =	vadd.s32 v10, v9;
	(xrf0) =	vadd.scan.msk.s32 $0xffff, v30  }
0x243: {  	v9 =	vld [tilespmem:s6+$0xFFFFF7DE];
	v63 =	vadd.s32 v1, v0;
	[tilespmem:s4+$0xFFFFFBEF] =	vst v10;
	v13 =	vadd.s32 v13, v10  }
0x244: {  	v10 =	vld [tilespmem:s6+$0xFFFFFBEF];
	v32 =	vadd.s32 v2, v63;
	[tilespmem:s4+$0x0] =	vst v13;
	v15 =	vadd.s32 v15, v13  }
0x245: {  	v13 =	vld [tilespmem:s6+$0x0];
	v32 =	vadd.s32 v3, v32;
	[tilespmem:s4+$0x411] =	vst v15;
	v17 =	vadd.s32 v17, v15  }
0x246: {  	v15 =	vld [tilespmem:s6+$0x411];
	v32 =	vadd.s32 v5, v32;
	[tilespmem:s4+$0x822] =	vst v17;
	v19 =	vadd.s32 v19, v17  }
0x247: {  	v17 =	vld [tilespmem:s6+$0x822];
	v32 =	vadd.s32 v7, v32;
	[tilespmem:s4+$0xC33] =	vst v19;
	v21 =	vadd.s32 v21, v19  }
0x248: {  	v19 =	vld [tilespmem:s6+$0xC33];
	v32 =	vadd.s32 v9, v32;
	[tilespmem:s4+$0x1044] =	vst v21;
	v22 =	vadd.s32 v22, v21;
	v33, _, _ =	vpop (xrf0)  }
0x249: {  	s31 =	spop (v2sf);
	v21 =	vld [tilespmem:s6+$0x1044];
	v32 =	vadd.s32 v10, v32;
	[tilespmem:s4+$0x1455] =	vst v22;
	v22 =	vadd.s32 v23, v22;
	v30 =	vsub.s32 v33, v30  }
0x24a: {  	(v2sf) =	vpush v33, $0xF;
	s8 =	sadd.s32 $0x0, s31;
	v23 =	vld [tilespmem:s6+$0x1455];
	v32 =	vadd.s32 v13, v32;
	[tilespmem:s4+$0x1866] =	vst v22;
	v24 =	vadd.s32 v24, v22  }
0x24b: {  	v22 =	vld [tilespmem:s6+$0x1866];
	v32 =	vadd.s32 v15, v32;
	[tilespmem:s4+$0x1C77] =	vst v24;
	v24 =	vadd.s32 s8, v30  }
0x24c: {  	v30 =	vld [tilespmem:s6+$0x1C77];
	v32 =	vadd.s32 v17, v32;
	[tilespmem:s4+$0xFFFFDF88] =	vst v24;
	v25 =	vadd.s32 v25, v24  }
0x24d: {  	v32 =	vadd.s32 v19, v32;
	v24 =	vld [tilespmem:s6+$0xFFFFDF88];
	[tilespmem:s4+$0xFFFFE399] =	vst v25;
	v26 =	vadd.s32 v26, v25  }
0x24e: {  	v32 =	vadd.s32 v21, v32;
	v25 =	vld [tilespmem:s6+$0xFFFFE399];
	[tilespmem:s4+$0xFFFFE7AA] =	vst v26;
	v27 =	vadd.s32 v27, v26  }
0x24f: {  	v32 =	vadd.s32 v23, v32;
	v26 =	vld [tilespmem:s6+$0xFFFFE7AA];
	[tilespmem:s4+$0xFFFFEBBB] =	vst v27;
	v28 =	vadd.s32 v28, v27  }
0x250: {  	v32 =	vadd.s32 v22, v32;
	v27 =	vld [tilespmem:s6+$0xFFFFEBBB];
	[tilespmem:s4+$0xFFFFEFCC] =	vst v28;
	v29 =	vadd.s32 v29, v28  }
0x251: {  	s7 =	simm.s32 $0x2;
	s5 =	simm.s32 $0xB828;
	v30 =	vadd.s32 v30, v32;
	v28 =	vld [tilespmem:s6+$0xFFFFEFCC];
	[tilespmem:s4+$0xFFFFF3DD] =	vst v29;
	v31 =	vadd.s32 v31, v29  }
.LBB2_14:
0x252: {  	s7 =	sadd.s32 $0x2, s7;
	v29 =	vld [tilespmem:s6+$0xFFFFF3DD];
	(xrf0) =	vadd.scan.msk.s32 $0xffff, v30;
	[tilespmem:s4+$0xFFFFF7EE] =	vst v31;
	v31 =	vadd.s32 v20, v31  }
0x253: {  	p0 =	slt.u32 s7, $0x3E;
	v20 =	vld [tilespmem:s6+$0xFFFFF7EE];
	v32 =	vadd.s32 v24, v25;
	[tilespmem:s4+$0xFFFFFBFF] =	vst v31;
	v31 =	vadd.s32 v18, v31  }
0x254: {  	s6 =	sadd.s32 $0x20, s6;
	v18 =	vld [tilespmem:s5+$0xFFFFFBFF];
	v32 =	vadd.s32 v26, v32;
	[tilespmem:s4+$0x10] =	vst v31;
	v31 =	vadd.s32 v16, v31  }
0x255: {  	v16 =	vld [tilespmem:s5+$0x10];
	v32 =	vadd.s32 v27, v32;
	[tilespmem:s4+$0x421] =	vst v31;
	v31 =	vadd.s32 v14, v31  }
0x256: {  	v14 =	vld [tilespmem:s5+$0x421];
	v32 =	vadd.s32 v28, v32;
	[tilespmem:s4+$0x832] =	vst v31;
	v31 =	vadd.s32 v12, v31  }
0x257: {  	v12 =	vld [tilespmem:s5+$0x832];
	v32 =	vadd.s32 v29, v32;
	[tilespmem:s4+$0xC43] =	vst v31;
	v31 =	vadd.s32 v8, v31  }
0x258: {  	v8 =	vld [tilespmem:s5+$0xC43];
	v32 =	vadd.s32 v20, v32;
	v33, _, _ =	vpop (xrf0);
	[tilespmem:s4+$0x1054] =	vst v31;
	v31 =	vadd.s32 v6, v31  }
0x259: {  	v6 =	vld [tilespmem:s5+$0x1054];
	v32 =	vadd.s32 v18, v32;
	(v2sf) =	vpush v33, $0xF;
	[tilespmem:s4+$0x1465] =	vst v31;
	v31 =	vadd.s32 v11, v31;
	s9 =	spop (v2sf)  }
0x25a: {  	v30 =	vsub.s32 v33, v30;
	v11 =	vld [tilespmem:s5+$0x1465];
	v32 =	vadd.s32 v16, v32;
	[tilespmem:s4+$0x1876] =	vst v31;
	v31 =	vadd.s32 v4, v31;
	s8 =	sadd.s32 s8, s9  }
0x25b: {  	v30 =	vadd.s32 s8, v30;
	v4 =	vld [tilespmem:s5+$0x1876];
	v32 =	vadd.s32 v14, v32;
	[tilespmem:s4+$0x1C87] =	vst v31;
	s4 =	smov.u32 s5;
	s5 =	smov.u32 s6  }
0x25c: {  	[tilespmem:s4+$0xFFFFDF78] =	vst v30;
	v30 =	vadd.s32 v1, v30;
	v31 =	vld [tilespmem:s4+$0x1C87];
	v32 =	vadd.s32 v12, v32  }
0x25d: {  	v1 =	vld [tilespmem:s6+$0xFFFFDF78];
	[tilespmem:s4+$0xFFFFE389] =	vst v30;
	v30 =	vadd.s32 v0, v30;
	v32 =	vadd.s32 v8, v32  }
0x25e: {  	v0 =	vld [tilespmem:s6+$0xFFFFE389];
	[tilespmem:s4+$0xFFFFE79A] =	vst v30;
	v30 =	vadd.s32 v2, v30;
	v32 =	vadd.s32 v6, v32  }
0x25f: {  	v2 =	vld [tilespmem:s6+$0xFFFFE79A];
	[tilespmem:s4+$0xFFFFEBAB] =	vst v30;
	v30 =	vadd.s32 v3, v30;
	v32 =	vadd.s32 v11, v32  }
0x260: {  	v3 =	vld [tilespmem:s6+$0xFFFFEBAB];
	[tilespmem:s4+$0xFFFFEFBC] =	vst v30;
	v30 =	vadd.s32 v5, v30;
	v32 =	vadd.s32 v4, v32  }
0x261: {  	v5 =	vld [tilespmem:s6+$0xFFFFEFBC];
	[tilespmem:s4+$0xFFFFF3CD] =	vst v30;
	v30 =	vadd.s32 v7, v30;
	v31 =	vadd.s32 v31, v32  }
0x262: {  	v7 =	vld [tilespmem:s6+$0xFFFFF3CD];
	[tilespmem:s4+$0xFFFFF7DE] =	vst v30;
	v30 =	vadd.s32 v9, v30;
	(xrf0) =	vadd.scan.msk.s32 $0xffff, v31  }
0x263: {  	v9 =	vld [tilespmem:s6+$0xFFFFF7DE];
	v32 =	vadd.s32 v1, v0;
	[tilespmem:s4+$0xFFFFFBEF] =	vst v30;
	v30 =	vadd.s32 v10, v30  }
0x264: {  	v10 =	vld [tilespmem:s6+$0xFFFFFBEF];
	v32 =	vadd.s32 v2, v32;
	[tilespmem:s4+$0x0] =	vst v30;
	v30 =	vadd.s32 v13, v30  }
0x265: {  	v13 =	vld [tilespmem:s6+$0x0];
	v32 =	vadd.s32 v3, v32;
	[tilespmem:s4+$0x411] =	vst v30;
	v30 =	vadd.s32 v15, v30  }
0x266: {  	v15 =	vld [tilespmem:s6+$0x411];
	v32 =	vadd.s32 v5, v32;
	[tilespmem:s4+$0x822] =	vst v30;
	v30 =	vadd.s32 v17, v30  }
0x267: {  	v17 =	vld [tilespmem:s6+$0x822];
	v32 =	vadd.s32 v7, v32;
	[tilespmem:s4+$0xC33] =	vst v30;
	v30 =	vadd.s32 v19, v30  }
0x268: {  	v19 =	vld [tilespmem:s6+$0xC33];
	v32 =	vadd.s32 v9, v32;
	[tilespmem:s4+$0x1044] =	vst v30;
	v30 =	vadd.s32 v21, v30;
	s9 =	spop (v2sf);
	v33, _, _ =	vpop (xrf0)  }
0x269: {  	v21 =	vld [tilespmem:s6+$0x1044];
	v32 =	vadd.s32 v10, v32;
	[tilespmem:s4+$0x1455] =	vst v30;
	v30 =	vadd.s32 v23, v30;
	s8 =	sadd.s32 s8, s9;
	v31 =	vsub.s32 v33, v31  }
0x26a: {  	v23 =	vld [tilespmem:s6+$0x1455];
	v32 =	vadd.s32 v13, v32;
	[tilespmem:s4+$0x1866] =	vst v30;
	v30 =	vadd.s32 v22, v30;
	(v2sf) =	vpush v33, $0xF  }
0x26b: {  	v22 =	vld [tilespmem:s6+$0x1866];
	v32 =	vadd.s32 v15, v32;
	[tilespmem:s4+$0x1C77] =	vst v30;
	v30 =	vadd.s32 s8, v31  }
0x26c: {  	v31 =	vld [tilespmem:s6+$0x1C77];
	v32 =	vadd.s32 v17, v32;
	[tilespmem:s4+$0xFFFFDF88] =	vst v30;
	v30 =	vadd.s32 v24, v30  }
.Ltmp7:
0x26d: {  	v32 =	vadd.s32 v19, v32;
	v24 =	vld [tilespmem:s6+$0xFFFFDF88];
	[tilespmem:s4+$0xFFFFE399] =	vst v30;
	v30 =	vadd.s32 v25, v30;
	(pc) =	sbr.rel @p0 .LBB2_14-.Ltmp7, $4  }
0x26e: {  	v32 =	vadd.s32 v21, v32;
	v25 =	vld [tilespmem:s6+$0xFFFFE399];
	[tilespmem:s4+$0xFFFFE7AA] =	vst v30;
	v30 =	vadd.s32 v26, v30  }
0x26f: {  	v32 =	vadd.s32 v23, v32;
	v26 =	vld [tilespmem:s6+$0xFFFFE7AA];
	[tilespmem:s4+$0xFFFFEBBB] =	vst v30;
	v30 =	vadd.s32 v27, v30  }
0x270: {  	v32 =	vadd.s32 v22, v32;
	v27 =	vld [tilespmem:s6+$0xFFFFEBBB];
	[tilespmem:s4+$0xFFFFEFCC] =	vst v30;
	v33 =	vadd.s32 v28, v30  }
0x271: {  	v30 =	vadd.s32 v31, v32;
	v28 =	vld [tilespmem:s6+$0xFFFFEFCC];
	[tilespmem:s4+$0xFFFFF3DD] =	vst v33;
	v31 =	vadd.s32 v29, v33  }
0x272: {  	v29 =	vld [tilespmem:s6+$0xFFFFF3DD];
	[tilespmem:s4+$0xFFFFF7EE] =	vst v31;
	v20 =	vadd.s32 v20, v31  }
0x273: {  	(xrf0) =	vadd.scan.msk.s32 $0xffff, v30;
	v51 =	vld [tilespmem:s6+$0xFFFFF7EE];
	v32 =	vadd.s32 v24, v25;
	[tilespmem:s4+$0xFFFFFBFF] =	vst v20;
	v18 =	vadd.s32 v18, v20  }
0x274: {  	v52 =	vld [tilespmem:s5+$0xFFFFFBFF];
	v32 =	vadd.s32 v26, v32;
	[tilespmem:s4+$0x10] =	vst v18;
	v16 =	vadd.s32 v16, v18  }
0x275: {  	v53 =	vadd.s32 v27, v32;
	[tilespmem:s4+$0x421] =	vst v16;
	v14 =	vadd.s32 v14, v16  }
0x276: {  	v54 =	vld [tilespmem:s5+$0x10];
	v18 =	vadd.s32 v28, v53;
	[tilespmem:s4+$0x832] =	vst v14;
	v12 =	vadd.s32 v12, v14  }
0x277: {  	v55 =	vld [tilespmem:s5+$0x421];
	v18 =	vadd.s32 v29, v18;
	[tilespmem:s4+$0xC43] =	vst v12;
	v8 =	vadd.s32 v8, v12  }
0x278: {  	v56 =	vld [tilespmem:s5+$0x832];
	v18 =	vadd.s32 v51, v18;
	[tilespmem:s4+$0x1054] =	vst v8;
	v6 =	vadd.s32 v6, v8  }
0x279: {  	v57 =	vld [tilespmem:s5+$0xC43];
	v58, _, _ =	vpop (xrf0);
	v18 =	vadd.s32 v52, v18;
	[tilespmem:s4+$0x1465] =	vst v6;
	v6 =	vadd.s32 v11, v6;
	s29 =	spop (v2sf)  }
0x27a: {  	v59 =	vld [tilespmem:s5+$0x1054];
	(v2sf) =	vpush v58, $0xF;
	v60 =	vsub.s32 v58, v30;
	[tilespmem:s4+$0x1876] =	vst v6;
	v4 =	vadd.s32 v4, v6;
	s6 =	sadd.s32 s8, s29  }
0x27b: {  	v61 =	vld [tilespmem:s5+$0x1465];
	v18 =	vadd.s32 v54, v18;
	v30 =	vadd.s32 s6, v60;
	[tilespmem:s4+$0x1C87] =	vst v4  }
0x27c: {  	v62 =	vld [tilespmem:s5+$0x1876];
	v18 =	vadd.s32 v55, v18;
	[tilespmem:s5+$0xFFFFDF78] =	vst v30;
	v1 =	vadd.s32 v1, v30  }
0x27d: {  	v63 =	vld [tilespmem:s5+$0x1C87];
	v18 =	vadd.s32 v56, v18;
	[tilespmem:s5+$0xFFFFE389] =	vst v1;
	v0 =	vadd.s32 v0, v1  }
0x27e: {  	v1 =	vadd.s32 v57, v18;
	[tilespmem:s5+$0xFFFFE79A] =	vst v0;
	v0 =	vadd.s32 v2, v0  }
0x27f: {  	v1 =	vadd.s32 v59, v1;
	[tilespmem:s5+$0xFFFFEBAB] =	vst v0;
	v0 =	vadd.s32 v3, v0  }
0x280: {  	v1 =	vadd.s32 v61, v1;
	[tilespmem:s5+$0xFFFFEFBC] =	vst v0;
	v0 =	vadd.s32 v5, v0  }
0x281: {  	v1 =	vadd.s32 v62, v1;
	[tilespmem:s5+$0xFFFFF3CD] =	vst v0;
	v0 =	vadd.s32 v7, v0  }
0x282: {  	v1 =	vadd.s32 v63, v1;
	[tilespmem:s5+$0xFFFFF7DE] =	vst v0;
	v0 =	vadd.s32 v9, v0  }
0x283: {  	(xrf0) =	vadd.scan.msk.s32 $0xffff, v1;
	[tilespmem:s5+$0xFFFFFBEF] =	vst v0;
	v0 =	vadd.s32 v10, v0  }
0x284: {  	[tilespmem:s5+$0x0] =	vst v0;
	v0 =	vadd.s32 v13, v0  }
0x285: {  	[tilespmem:s5+$0x411] =	vst v0;
	v0 =	vadd.s32 v15, v0  }
0x286: {  	[tilespmem:s5+$0x822] =	vst v0;
	v0 =	vadd.s32 v17, v0  }
0x287: {  	[tilespmem:s5+$0xC33] =	vst v0;
	v0 =	vadd.s32 v19, v0  }
0x288: {  	[tilespmem:s5+$0x1044] =	vst v0;
	v0 =	vadd.s32 v21, v0  }
0x289: {  	s30 =	spop (v2sf);
	v2, _, _ =	vpop (xrf0);
	[tilespmem:s5+$0x1455] =	vst v0;
	v0 =	vadd.s32 v23, v0  }
0x28a: {  	s4 =	sadd.s32 s6, s30;
	v1 =	vsub.s32 v2, v1;
	[tilespmem:s5+$0x1866] =	vst v0;
	v0 =	vadd.s32 v22, v0  }
0x28b: {  	[tilespmem:s5+$0x1C77] =	vst v0;
	v0 =	vadd.s32 s4, v1  }
0x28c: {  	(v2sf) =	vpush v2, $0xF;
	[tilespmem:s5+$0xFFFFDF88] =	vst v0;
	v0 =	vadd.s32 v24, v0  }
0x28d: {  	[tilespmem:s5+$0xFFFFE399] =	vst v0;
	v0 =	vadd.s32 v25, v0  }
0x28e: {  	[tilespmem:s5+$0xFFFFE7AA] =	vst v0;
	v0 =	vadd.s32 v26, v0  }
0x28f: {  	[tilespmem:s5+$0xFFFFEBBB] =	vst v0;
	v0 =	vadd.s32 v27, v0  }
0x290: {  	[tilespmem:s5+$0xFFFFEFCC] =	vst v0;
	v0 =	vadd.s32 v28, v0  }
0x291: {  	[tilespmem:s5+$0xFFFFF3DD] =	vst v0;
	v0 =	vadd.s32 v29, v0  }
0x292: {  	[tilespmem:s5+$0xFFFFF7EE] =	vst v0;
	v0 =	vadd.s32 v51, v0  }
0x293: {  	[tilespmem:s5+$0xFFFFFBFF] =	vst v0;
	v0 =	vadd.s32 v52, v0  }
0x294: {  	[tilespmem:s5+$0x10] =	vst v0;
	v0 =	vadd.s32 v54, v0  }
0x295: {  	[tilespmem:s5+$0x421] =	vst v0;
	v0 =	vadd.s32 v55, v0  }
0x296: {  	[tilespmem:s5+$0x832] =	vst v0;
	v0 =	vadd.s32 v56, v0  }
0x297: {  	[tilespmem:s5+$0xC43] =	vst v0;
	v0 =	vadd.s32 v57, v0  }
0x298: {  	[tilespmem:s5+$0x1054] =	vst v0;
	v0 =	vadd.s32 v59, v0  }
0x299: {  	s7 =	simm.s32 $0x44C4;
	[tilespmem:s5+$0x1465] =	vst v0;
	v0 =	vadd.s32 v61, v0  }
0x29a: {  	s9 =	simm.s32 $0x3300;
	s8 =	simm.s32 $0x1000;
	s6 =	simm.s32 $0x21C4;
	v1 =	vlaneseq.u32;
	[tilespmem:s5+$0x1876] =	vst v0;
	v0 =	vadd.s32 v62, v0  }
0x29b: {  	s4 =	simm.s32 $0xFFFFFFF8;
	s31 =	spop (v2sf);
	[tilespmem:s5+$0x1C87] =	vst v0;
	v0 =	vmul.u32 $0x411, v1;
	s5 =	simm.s32 $0x9780;
	v1 =	vimm.s32 $0x1  }
.LBB2_16:
0x29c: {  	v2 =	vld [tilespmem:s6+$0xFFFFFFBC];
	_ =	sdelay $0x4  }
0x29d: {  	v3 =	vshrl.u32 v2, $0xA  }
0x29e: {  	v3 =	vand.u32 $0x3FF, v3  }
0x29f: {  	v3 =	vadd.s32 v0, v3;
	_ =	sdelay $0x4  }
0x2a0: {  	v4 =	vld.idx.msk [tilespmem:v3+s5+$0x0], $0xffff;
	_ =	sdelay $0x4  }
0x2a1: {  	v5 =	vand.u32 $0xFF, v4  }
0x2a2: {  	v5 =	vmul.u32 $0x11, v5  }
0x2a3: {  	v4 =	vshrl.u32 v4, $0x8  }
0x2a4: {  	[tilespmem:v3+s5+$0x0] =	vst.idx.add.s32.msk $0xffff, v1;
	v3 =	vadd.s32 v4, v5  }
0x2a5: {  	v49 =	vld [tilespmem:s7+$0xFFFFFFBC];
	_ =	sdelay $0x3  }
0x2a6: {  	[tilespmem:v3+s8+$0x0] =	vst.idx.msk $0xffff, v2  }
0x2a7: {  	[tilespmem:v3+s9+$0x0] =	vst.idx.msk $0xffff, v49  }
0x2a8: {  	v2 =	vld [tilespmem:s6+$0xFFFFFFCD];
	_ =	sdelay $0x4  }
0x2a9: {  	v3 =	vshrl.u32 v2, $0xA  }
0x2aa: {  	v3 =	vand.u32 $0x3FF, v3  }
0x2ab: {  	v3 =	vadd.s32 v0, v3;
	_ =	sdelay $0x4  }
0x2ac: {  	v4 =	vld.idx.msk [tilespmem:v3+s5+$0x0], $0xffff;
	_ =	sdelay $0x4  }
0x2ad: {  	v50 =	vand.u32 $0xFF, v4  }
0x2ae: {  	v5 =	vmul.u32 $0x11, v50  }
0x2af: {  	v4 =	vshrl.u32 v4, $0x8  }
0x2b0: {  	[tilespmem:v3+s5+$0x0] =	vst.idx.add.s32.msk $0xffff, v1;
	v3 =	vadd.s32 v4, v5  }
0x2b1: {  	v51 =	vld [tilespmem:s7+$0xFFFFFFCD];
	_ =	sdelay $0x3  }
0x2b2: {  	[tilespmem:v3+s8+$0x0] =	vst.idx.msk $0xffff, v2  }
0x2b3: {  	[tilespmem:v3+s9+$0x0] =	vst.idx.msk $0xffff, v51  }
0x2b4: {  	v2 =	vld [tilespmem:s6+$0xFFFFFFDE];
	_ =	sdelay $0x4  }
0x2b5: {  	v3 =	vshrl.u32 v2, $0xA  }
0x2b6: {  	v3 =	vand.u32 $0x3FF, v3  }
0x2b7: {  	v3 =	vadd.s32 v0, v3;
	_ =	sdelay $0x4  }
0x2b8: {  	v4 =	vld.idx.msk [tilespmem:v3+s5+$0x0], $0xffff;
	_ =	sdelay $0x4  }
0x2b9: {  	v52 =	vand.u32 $0xFF, v4  }
0x2ba: {  	v5 =	vmul.u32 $0x11, v52  }
0x2bb: {  	v4 =	vshrl.u32 v4, $0x8  }
0x2bc: {  	[tilespmem:v3+s5+$0x0] =	vst.idx.add.s32.msk $0xffff, v1;
	v3 =	vadd.s32 v4, v5  }
0x2bd: {  	v53 =	vld [tilespmem:s7+$0xFFFFFFDE];
	_ =	sdelay $0x3  }
0x2be: {  	[tilespmem:v3+s8+$0x0] =	vst.idx.msk $0xffff, v2  }
0x2bf: {  	[tilespmem:v3+s9+$0x0] =	vst.idx.msk $0xffff, v53  }
0x2c0: {  	v2 =	vld [tilespmem:s6+$0xFFFFFFEF];
	_ =	sdelay $0x4  }
0x2c1: {  	v3 =	vshrl.u32 v2, $0xA  }
0x2c2: {  	v3 =	vand.u32 $0x3FF, v3  }
0x2c3: {  	v3 =	vadd.s32 v0, v3;
	_ =	sdelay $0x4  }
0x2c4: {  	v4 =	vld.idx.msk [tilespmem:v3+s5+$0x0], $0xffff;
	_ =	sdelay $0x4  }
0x2c5: {  	v54 =	vand.u32 $0xFF, v4  }
0x2c6: {  	v5 =	vmul.u32 $0x11, v54  }
0x2c7: {  	v4 =	vshrl.u32 v4, $0x8  }
0x2c8: {  	[tilespmem:v3+s5+$0x0] =	vst.idx.add.s32.msk $0xffff, v1;
	v3 =	vadd.s32 v4, v5  }
0x2c9: {  	v55 =	vld [tilespmem:s7+$0xFFFFFFEF];
	_ =	sdelay $0x3  }
0x2ca: {  	[tilespmem:v3+s8+$0x0] =	vst.idx.msk $0xffff, v2  }
0x2cb: {  	[tilespmem:v3+s9+$0x0] =	vst.idx.msk $0xffff, v55  }
0x2cc: {  	v2 =	vld [tilespmem:s6+$0x0];
	_ =	sdelay $0x4  }
0x2cd: {  	v3 =	vshrl.u32 v2, $0xA  }
0x2ce: {  	v3 =	vand.u32 $0x3FF, v3  }
0x2cf: {  	v3 =	vadd.s32 v0, v3;
	_ =	sdelay $0x4  }
0x2d0: {  	v4 =	vld.idx.msk [tilespmem:v3+s5+$0x0], $0xffff;
	_ =	sdelay $0x4  }
0x2d1: {  	v56 =	vand.u32 $0xFF, v4  }
0x2d2: {  	v5 =	vmul.u32 $0x11, v56  }
0x2d3: {  	v4 =	vshrl.u32 v4, $0x8  }
0x2d4: {  	[tilespmem:v3+s5+$0x0] =	vst.idx.add.s32.msk $0xffff, v1;
	v3 =	vadd.s32 v4, v5  }
0x2d5: {  	v57 =	vld [tilespmem:s7+$0x0];
	_ =	sdelay $0x3  }
0x2d6: {  	[tilespmem:v3+s8+$0x0] =	vst.idx.msk $0xffff, v2  }
0x2d7: {  	[tilespmem:v3+s9+$0x0] =	vst.idx.msk $0xffff, v57  }
0x2d8: {  	v2 =	vld [tilespmem:s6+$0x11];
	_ =	sdelay $0x4  }
0x2d9: {  	v3 =	vshrl.u32 v2, $0xA  }
0x2da: {  	v3 =	vand.u32 $0x3FF, v3  }
0x2db: {  	v3 =	vadd.s32 v0, v3;
	_ =	sdelay $0x4  }
0x2dc: {  	v4 =	vld.idx.msk [tilespmem:v3+s5+$0x0], $0xffff;
	_ =	sdelay $0x4  }
0x2dd: {  	v58 =	vand.u32 $0xFF, v4  }
0x2de: {  	v5 =	vmul.u32 $0x11, v58  }
0x2df: {  	v4 =	vshrl.u32 v4, $0x8  }
0x2e0: {  	[tilespmem:v3+s5+$0x0] =	vst.idx.add.s32.msk $0xffff, v1;
	v3 =	vadd.s32 v4, v5  }
0x2e1: {  	v59 =	vld [tilespmem:s7+$0x11];
	_ =	sdelay $0x3  }
0x2e2: {  	[tilespmem:v3+s8+$0x0] =	vst.idx.msk $0xffff, v2  }
0x2e3: {  	[tilespmem:v3+s9+$0x0] =	vst.idx.msk $0xffff, v59  }
0x2e4: {  	v2 =	vld [tilespmem:s6+$0x22];
	_ =	sdelay $0x4  }
0x2e5: {  	v3 =	vshrl.u32 v2, $0xA  }
0x2e6: {  	v3 =	vand.u32 $0x3FF, v3  }
0x2e7: {  	v3 =	vadd.s32 v0, v3;
	_ =	sdelay $0x4  }
0x2e8: {  	v4 =	vld.idx.msk [tilespmem:v3+s5+$0x0], $0xffff;
	_ =	sdelay $0x4  }
0x2e9: {  	v60 =	vand.u32 $0xFF, v4  }
0x2ea: {  	v5 =	vmul.u32 $0x11, v60  }
0x2eb: {  	v4 =	vshrl.u32 v4, $0x8  }
0x2ec: {  	[tilespmem:v3+s5+$0x0] =	vst.idx.add.s32.msk $0xffff, v1;
	v3 =	vadd.s32 v4, v5  }
0x2ed: {  	v61 =	vld [tilespmem:s7+$0x22];
	_ =	sdelay $0x3  }
0x2ee: {  	[tilespmem:v3+s8+$0x0] =	vst.idx.msk $0xffff, v2  }
0x2ef: {  	[tilespmem:v3+s9+$0x0] =	vst.idx.msk $0xffff, v61  }
0x2f0: {  	v2 =	vld [tilespmem:s6+$0x33];
	_ =	sdelay $0x4  }
0x2f1: {  	v3 =	vshrl.u32 v2, $0xA  }
0x2f2: {  	v3 =	vand.u32 $0x3FF, v3  }
0x2f3: {  	v3 =	vadd.s32 v0, v3;
	_ =	sdelay $0x4  }
0x2f4: {  	v4 =	vld.idx.msk [tilespmem:v3+s5+$0x0], $0xffff;
	_ =	sdelay $0x4  }
0x2f5: {  	v62 =	vand.u32 $0xFF, v4  }
0x2f6: {  	v5 =	vmul.u32 $0x11, v62  }
0x2f7: {  	v4 =	vshrl.u32 v4, $0x8  }
0x2f8: {  	s4 =	sadd.s32 $0x8, s4;
	[tilespmem:v3+s5+$0x0] =	vst.idx.add.s32.msk $0xffff, v1;
	v3 =	vadd.s32 v4, v5  }
0x2f9: {  	p0 =	slt.u32 s4, $0xF8;
	v63 =	vld [tilespmem:s7+$0x33]  }
.Ltmp8:
0x2fa: {  	_ = 	snop;
	(pc) =	sbr.rel @p0 .LBB2_16-.Ltmp8, $3  }
0x2fb: {  	_ =	sdelay $0x1  }
0x2fc: {  	[tilespmem:v3+s8+$0x0] =	vst.idx.msk $0xffff, v2  }
0x2fd: {  	s6 =	sadd.s32 $0x88, s6;
	s7 =	sadd.s32 $0x88, s7;
	[tilespmem:v3+s9+$0x0] =	vst.idx.msk $0xffff, v63  }
0x2fe: {  	v0 =	vlaneseq.u32  }
0x2ff: {  	s4 =	simm.s32 $0xFFFFFFF8;
	s5 =	simm.s32 $0x1044;
	v1 =	vimm.s32 $0x1;
	s6 =	simm.s32 $0xD900;
	v0 =	vmul.u32 $0x411, v0  }
.LBB2_18:
0x300: {  	v2 =	vld [tilespmem:s5+$0xFFFFFFBC];
	_ =	sdelay $0x4  }
0x301: {  	v2 =	vshrl.u32 v2, $0x14  }
0x302: {  	v2 =	vand.u32 $0x3FF, v2  }
0x303: {  	v2 =	vadd.s32 v0, v2;
	_ =	sdelay $0x4  }
0x304: {  	[tilespmem:v2+s6+$0x0] =	vst.idx.add.s32.msk $0xffff, v1  }
0x305: {  	v2 =	vld [tilespmem:s5+$0xFFFFFFCD];
	_ =	sdelay $0x4  }
0x306: {  	v2 =	vshrl.u32 v2, $0x14  }
0x307: {  	v2 =	vand.u32 $0x3FF, v2  }
0x308: {  	v2 =	vadd.s32 v0, v2;
	_ =	sdelay $0x4  }
0x309: {  	[tilespmem:v2+s6+$0x0] =	vst.idx.add.s32.msk $0xffff, v1  }
0x30a: {  	v2 =	vld [tilespmem:s5+$0xFFFFFFDE];
	_ =	sdelay $0x4  }
0x30b: {  	v2 =	vshrl.u32 v2, $0x14  }
0x30c: {  	v2 =	vand.u32 $0x3FF, v2  }
0x30d: {  	v2 =	vadd.s32 v0, v2;
	_ =	sdelay $0x4  }
0x30e: {  	[tilespmem:v2+s6+$0x0] =	vst.idx.add.s32.msk $0xffff, v1  }
0x30f: {  	v2 =	vld [tilespmem:s5+$0xFFFFFFEF];
	_ =	sdelay $0x4  }
0x310: {  	v2 =	vshrl.u32 v2, $0x14  }
0x311: {  	v2 =	vand.u32 $0x3FF, v2  }
0x312: {  	v2 =	vadd.s32 v0, v2;
	_ =	sdelay $0x4  }
0x313: {  	[tilespmem:v2+s6+$0x0] =	vst.idx.add.s32.msk $0xffff, v1  }
0x314: {  	v2 =	vld [tilespmem:s5+$0x0];
	_ =	sdelay $0x4  }
0x315: {  	v2 =	vshrl.u32 v2, $0x14  }
0x316: {  	v2 =	vand.u32 $0x3FF, v2  }
0x317: {  	v2 =	vadd.s32 v0, v2;
	_ =	sdelay $0x4  }
0x318: {  	[tilespmem:v2+s6+$0x0] =	vst.idx.add.s32.msk $0xffff, v1  }
0x319: {  	v2 =	vld [tilespmem:s5+$0x11];
	_ =	sdelay $0x4  }
0x31a: {  	v2 =	vshrl.u32 v2, $0x14  }
0x31b: {  	v2 =	vand.u32 $0x3FF, v2  }
0x31c: {  	v2 =	vadd.s32 v0, v2;
	_ =	sdelay $0x4  }
0x31d: {  	[tilespmem:v2+s6+$0x0] =	vst.idx.add.s32.msk $0xffff, v1  }
0x31e: {  	v2 =	vld [tilespmem:s5+$0x22];
	_ =	sdelay $0x4  }
0x31f: {  	v2 =	vshrl.u32 v2, $0x14  }
0x320: {  	v2 =	vand.u32 $0x3FF, v2  }
0x321: {  	v2 =	vadd.s32 v0, v2;
	_ =	sdelay $0x4  }
0x322: {  	[tilespmem:v2+s6+$0x0] =	vst.idx.add.s32.msk $0xffff, v1  }
0x323: {  	v2 =	vld [tilespmem:s5+$0x33];
	_ =	sdelay $0x4  }
0x324: {  	v2 =	vshrl.u32 v2, $0x14  }
0x325: {  	s4 =	sadd.s32 $0x8, s4;
	v2 =	vand.u32 $0x3FF, v2  }
0x326: {  	p0 =	slt.u32 s4, $0xF8;
	v2 =	vadd.s32 v0, v2  }
.Ltmp9:
0x327: {  	_ = 	snop;
	(pc) =	sbr.rel @p0 .LBB2_18-.Ltmp9, $2  }
0x328: {  	_ =	sdelay $0x2  }
0x329: {  	s5 =	sadd.s32 $0x88, s5;
	[tilespmem:v2+s6+$0x0] =	vst.idx.add.s32.msk $0xffff, v1  }
0x32a: {  	s4 =	simm.s32 $0xF988  }
0x32b: {  	v0 =	vld [tilespmem:s4+$0xFFFFDF78]  }
0x32c: {  	v2 =	vld [tilespmem:s4+$0xFFFFE389]  }
0x32d: {  	v3 =	vld [tilespmem:s4+$0xFFFFE79A]  }
0x32e: {  	v5 =	vld [tilespmem:s4+$0xFFFFEBAB]  }
0x32f: {  	v7 =	vld [tilespmem:s4+$0xFFFFEFBC]  }
0x330: {  	v9 =	vld [tilespmem:s4+$0xFFFFF3CD]  }
0x331: {  	v10 =	vld [tilespmem:s4+$0xFFFFF7DE]  }
0x332: {  	v13 =	vld [tilespmem:s4+$0xFFFFFBEF];
	v1 =	vadd.s32 v0, v2  }
0x333: {  	v15 =	vld [tilespmem:s4+$0x0];
	v1 =	vadd.s32 v3, v1  }
0x334: {  	v17 =	vld [tilespmem:s4+$0x411];
	v1 =	vadd.s32 v5, v1  }
0x335: {  	v19 =	vld [tilespmem:s4+$0x822];
	v1 =	vadd.s32 v7, v1  }
0x336: {  	v21 =	vld [tilespmem:s4+$0xC33];
	v1 =	vadd.s32 v9, v1  }
0x337: {  	v22 =	vld [tilespmem:s4+$0x1044];
	v1 =	vadd.s32 v10, v1  }
0x338: {  	v23 =	vld [tilespmem:s4+$0x1455];
	v1 =	vadd.s32 v13, v1  }
0x339: {  	v24 =	vld [tilespmem:s4+$0x1866];
	v1 =	vadd.s32 v15, v1  }
0x33a: {  	v4 =	vld [tilespmem:s4+$0x1C77];
	v1 =	vadd.s32 v17, v1  }
0x33b: {  	v25 =	vld [tilespmem:s4+$0xFFFFDF88];
	v1 =	vadd.s32 v19, v1  }
0x33c: {  	v26 =	vld [tilespmem:s4+$0xFFFFE399];
	v1 =	vadd.s32 v21, v1  }
0x33d: {  	v27 =	vld [tilespmem:s4+$0xFFFFE7AA];
	v1 =	vadd.s32 v22, v1  }
0x33e: {  	v28 =	vld [tilespmem:s4+$0xFFFFEBBB];
	v1 =	vadd.s32 v23, v1  }
0x33f: {  	v29 =	vld [tilespmem:s4+$0xFFFFEFCC];
	v1 =	vadd.s32 v24, v1  }
0x340: {  	v31 =	vld [tilespmem:s4+$0xFFFFF3DD];
	v1 =	vadd.s32 v4, v1  }
0x341: {  	v20 =	vld [tilespmem:s4+$0xFFFFF7EE];
	v4 =	vadd.s32 v25, v26;
	(xrf0) =	vadd.scan.msk.s32 $0xffff, v1  }
0x342: {  	v18 =	vld [tilespmem:s4+$0xFFFFFBFF];
	v4 =	vadd.s32 v27, v4  }
0x343: {  	v16 =	vld [tilespmem:s4+$0x10];
	v4 =	vadd.s32 v28, v4  }
0x344: {  	v14 =	vld [tilespmem:s4+$0x421];
	v4 =	vadd.s32 v29, v4  }
0x345: {  	v12 =	vld [tilespmem:s4+$0x832];
	v4 =	vadd.s32 v31, v4  }
0x346: {  	v8 =	vld [tilespmem:s4+$0xC43];
	v4 =	vadd.s32 v20, v4  }
0x347: {  	v6 =	vld [tilespmem:s4+$0x1054];
	v4 =	vadd.s32 v18, v4;
	v11, _, _ =	vpop (xrf0)  }
0x348: {  	s5 =	simm.s32 $0x0;
	v30 =	vadd.s32 v16, v4;
	(v2sf) =	vpush v11, $0xF;
	v1 =	vsub.s32 v11, v1;
	v11 =	vld [tilespmem:s4+$0x1465]  }
0x349: {  	v4 =	vld [tilespmem:s4+$0x1876];
	v30 =	vadd.s32 v14, v30;
	v1 =	vadd.s32 s5, v1  }
0x34a: {  	s6 =	simm.s32 $0xF9A8;
	v32 =	vld [tilespmem:s4+$0x1C87];
	v30 =	vadd.s32 v12, v30;
	[tilespmem:s4+$0xFFFFDF78] =	vst v1;
	v0 =	vadd.s32 v0, v1  }
0x34b: {  	v30 =	vadd.s32 v8, v30;
	v1 =	vld [tilespmem:s6+$0xFFFFDF78];
	[tilespmem:s4+$0xFFFFE389] =	vst v0;
	v2 =	vadd.s32 v2, v0  }
0x34c: {  	v30 =	vadd.s32 v6, v30;
	v0 =	vld [tilespmem:s6+$0xFFFFE389];
	[tilespmem:s4+$0xFFFFE79A] =	vst v2;
	v3 =	vadd.s32 v3, v2  }
0x34d: {  	v2 =	vld [tilespmem:s6+$0xFFFFE79A];
	[tilespmem:s4+$0xFFFFEBAB] =	vst v3;
	v5 =	vadd.s32 v5, v3;
	v30 =	vadd.s32 v11, v30  }
0x34e: {  	v3 =	vld [tilespmem:s6+$0xFFFFEBAB];
	[tilespmem:s4+$0xFFFFEFBC] =	vst v5;
	v7 =	vadd.s32 v7, v5;
	v30 =	vadd.s32 v4, v30  }
0x34f: {  	v5 =	vld [tilespmem:s6+$0xFFFFEFBC];
	[tilespmem:s4+$0xFFFFF3CD] =	vst v7;
	v9 =	vadd.s32 v9, v7;
	v30 =	vadd.s32 v32, v30  }
0x350: {  	v7 =	vld [tilespmem:s6+$0xFFFFF3CD];
	[tilespmem:s4+$0xFFFFF7DE] =	vst v9;
	v10 =	vadd.s32 v10, v9;
	(xrf0) =	vadd.scan.msk.s32 $0xffff, v30  }
0x351: {  	v9 =	vld [tilespmem:s6+$0xFFFFF7DE];
	v63 =	vadd.s32 v1, v0;
	[tilespmem:s4+$0xFFFFFBEF] =	vst v10;
	v13 =	vadd.s32 v13, v10  }
0x352: {  	v10 =	vld [tilespmem:s6+$0xFFFFFBEF];
	v32 =	vadd.s32 v2, v63;
	[tilespmem:s4+$0x0] =	vst v13;
	v15 =	vadd.s32 v15, v13  }
0x353: {  	v13 =	vld [tilespmem:s6+$0x0];
	v32 =	vadd.s32 v3, v32;
	[tilespmem:s4+$0x411] =	vst v15;
	v17 =	vadd.s32 v17, v15  }
0x354: {  	v15 =	vld [tilespmem:s6+$0x411];
	v32 =	vadd.s32 v5, v32;
	[tilespmem:s4+$0x822] =	vst v17;
	v19 =	vadd.s32 v19, v17  }
0x355: {  	v17 =	vld [tilespmem:s6+$0x822];
	v32 =	vadd.s32 v7, v32;
	[tilespmem:s4+$0xC33] =	vst v19;
	v21 =	vadd.s32 v21, v19  }
0x356: {  	v19 =	vld [tilespmem:s6+$0xC33];
	v32 =	vadd.s32 v9, v32;
	[tilespmem:s4+$0x1044] =	vst v21;
	v22 =	vadd.s32 v22, v21;
	v33, _, _ =	vpop (xrf0)  }
0x357: {  	s31 =	spop (v2sf);
	v21 =	vld [tilespmem:s6+$0x1044];
	v32 =	vadd.s32 v10, v32;
	[tilespmem:s4+$0x1455] =	vst v22;
	v22 =	vadd.s32 v23, v22;
	v30 =	vsub.s32 v33, v30  }
0x358: {  	(v2sf) =	vpush v33, $0xF;
	s8 =	sadd.s32 $0x0, s31;
	v23 =	vld [tilespmem:s6+$0x1455];
	v32 =	vadd.s32 v13, v32;
	[tilespmem:s4+$0x1866] =	vst v22;
	v24 =	vadd.s32 v24, v22  }
0x359: {  	v22 =	vld [tilespmem:s6+$0x1866];
	v32 =	vadd.s32 v15, v32;
	[tilespmem:s4+$0x1C77] =	vst v24;
	v24 =	vadd.s32 s8, v30  }
0x35a: {  	v30 =	vld [tilespmem:s6+$0x1C77];
	v32 =	vadd.s32 v17, v32;
	[tilespmem:s4+$0xFFFFDF88] =	vst v24;
	v25 =	vadd.s32 v25, v24  }
0x35b: {  	v32 =	vadd.s32 v19, v32;
	v24 =	vld [tilespmem:s6+$0xFFFFDF88];
	[tilespmem:s4+$0xFFFFE399] =	vst v25;
	v26 =	vadd.s32 v26, v25  }
0x35c: {  	v32 =	vadd.s32 v21, v32;
	v25 =	vld [tilespmem:s6+$0xFFFFE399];
	[tilespmem:s4+$0xFFFFE7AA] =	vst v26;
	v27 =	vadd.s32 v27, v26  }
0x35d: {  	v32 =	vadd.s32 v23, v32;
	v26 =	vld [tilespmem:s6+$0xFFFFE7AA];
	[tilespmem:s4+$0xFFFFEBBB] =	vst v27;
	v28 =	vadd.s32 v28, v27  }
0x35e: {  	v32 =	vadd.s32 v22, v32;
	v27 =	vld [tilespmem:s6+$0xFFFFEBBB];
	[tilespmem:s4+$0xFFFFEFCC] =	vst v28;
	v29 =	vadd.s32 v29, v28  }
0x35f: {  	s7 =	simm.s32 $0x2;
	s5 =	simm.s32 $0xF9A8;
	v30 =	vadd.s32 v30, v32;
	v28 =	vld [tilespmem:s6+$0xFFFFEFCC];
	[tilespmem:s4+$0xFFFFF3DD] =	vst v29;
	v31 =	vadd.s32 v31, v29  }
.LBB2_20:
0x360: {  	s7 =	sadd.s32 $0x2, s7;
	v29 =	vld [tilespmem:s6+$0xFFFFF3DD];
	(xrf0) =	vadd.scan.msk.s32 $0xffff, v30;
	[tilespmem:s4+$0xFFFFF7EE] =	vst v31;
	v31 =	vadd.s32 v20, v31  }
0x361: {  	p0 =	slt.u32 s7, $0x3E;
	v20 =	vld [tilespmem:s6+$0xFFFFF7EE];
	v32 =	vadd.s32 v24, v25;
	[tilespmem:s4+$0xFFFFFBFF] =	vst v31;
	v31 =	vadd.s32 v18, v31  }
0x362: {  	s6 =	sadd.s32 $0x20, s6;
	v18 =	vld [tilespmem:s5+$0xFFFFFBFF];
	v32 =	vadd.s32 v26, v32;
	[tilespmem:s4+$0x10] =	vst v31;
	v31 =	vadd.s32 v16, v31  }
0x363: {  	v16 =	vld [tilespmem:s5+$0x10];
	v32 =	vadd.s32 v27, v32;
	[tilespmem:s4+$0x421] =	vst v31;
	v31 =	vadd.s32 v14, v31  }
0x364: {  	v14 =	vld [tilespmem:s5+$0x421];
	v32 =	vadd.s32 v28, v32;
	[tilespmem:s4+$0x832] =	vst v31;
	v31 =	vadd.s32 v12, v31  }
0x365: {  	v12 =	vld [tilespmem:s5+$0x832];
	v32 =	vadd.s32 v29, v32;
	[tilespmem:s4+$0xC43] =	vst v31;
	v31 =	vadd.s32 v8, v31  }
0x366: {  	v8 =	vld [tilespmem:s5+$0xC43];
	v32 =	vadd.s32 v20, v32;
	v33, _, _ =	vpop (xrf0);
	[tilespmem:s4+$0x1054] =	vst v31;
	v31 =	vadd.s32 v6, v31  }
0x367: {  	v6 =	vld [tilespmem:s5+$0x1054];
	v32 =	vadd.s32 v18, v32;
	(v2sf) =	vpush v33, $0xF;
	[tilespmem:s4+$0x1465] =	vst v31;
	v31 =	vadd.s32 v11, v31;
	s9 =	spop (v2sf)  }
0x368: {  	v30 =	vsub.s32 v33, v30;
	v11 =	vld [tilespmem:s5+$0x1465];
	v32 =	vadd.s32 v16, v32;
	[tilespmem:s4+$0x1876] =	vst v31;
	v31 =	vadd.s32 v4, v31;
	s8 =	sadd.s32 s8, s9  }
0x369: {  	v30 =	vadd.s32 s8, v30;
	v4 =	vld [tilespmem:s5+$0x1876];
	v32 =	vadd.s32 v14, v32;
	[tilespmem:s4+$0x1C87] =	vst v31;
	s4 =	smov.u32 s5;
	s5 =	smov.u32 s6  }
0x36a: {  	[tilespmem:s4+$0xFFFFDF78] =	vst v30;
	v30 =	vadd.s32 v1, v30;
	v31 =	vld [tilespmem:s4+$0x1C87];
	v32 =	vadd.s32 v12, v32  }
0x36b: {  	v1 =	vld [tilespmem:s6+$0xFFFFDF78];
	[tilespmem:s4+$0xFFFFE389] =	vst v30;
	v30 =	vadd.s32 v0, v30;
	v32 =	vadd.s32 v8, v32  }
0x36c: {  	v0 =	vld [tilespmem:s6+$0xFFFFE389];
	[tilespmem:s4+$0xFFFFE79A] =	vst v30;
	v30 =	vadd.s32 v2, v30;
	v32 =	vadd.s32 v6, v32  }
0x36d: {  	v2 =	vld [tilespmem:s6+$0xFFFFE79A];
	[tilespmem:s4+$0xFFFFEBAB] =	vst v30;
	v30 =	vadd.s32 v3, v30;
	v32 =	vadd.s32 v11, v32  }
0x36e: {  	v3 =	vld [tilespmem:s6+$0xFFFFEBAB];
	[tilespmem:s4+$0xFFFFEFBC] =	vst v30;
	v30 =	vadd.s32 v5, v30;
	v32 =	vadd.s32 v4, v32  }
0x36f: {  	v5 =	vld [tilespmem:s6+$0xFFFFEFBC];
	[tilespmem:s4+$0xFFFFF3CD] =	vst v30;
	v30 =	vadd.s32 v7, v30;
	v31 =	vadd.s32 v31, v32  }
0x370: {  	v7 =	vld [tilespmem:s6+$0xFFFFF3CD];
	[tilespmem:s4+$0xFFFFF7DE] =	vst v30;
	v30 =	vadd.s32 v9, v30;
	(xrf0) =	vadd.scan.msk.s32 $0xffff, v31  }
0x371: {  	v9 =	vld [tilespmem:s6+$0xFFFFF7DE];
	v32 =	vadd.s32 v1, v0;
	[tilespmem:s4+$0xFFFFFBEF] =	vst v30;
	v30 =	vadd.s32 v10, v30  }
0x372: {  	v10 =	vld [tilespmem:s6+$0xFFFFFBEF];
	v32 =	vadd.s32 v2, v32;
	[tilespmem:s4+$0x0] =	vst v30;
	v30 =	vadd.s32 v13, v30  }
0x373: {  	v13 =	vld [tilespmem:s6+$0x0];
	v32 =	vadd.s32 v3, v32;
	[tilespmem:s4+$0x411] =	vst v30;
	v30 =	vadd.s32 v15, v30  }
0x374: {  	v15 =	vld [tilespmem:s6+$0x411];
	v32 =	vadd.s32 v5, v32;
	[tilespmem:s4+$0x822] =	vst v30;
	v30 =	vadd.s32 v17, v30  }
0x375: {  	v17 =	vld [tilespmem:s6+$0x822];
	v32 =	vadd.s32 v7, v32;
	[tilespmem:s4+$0xC33] =	vst v30;
	v30 =	vadd.s32 v19, v30  }
0x376: {  	v19 =	vld [tilespmem:s6+$0xC33];
	v32 =	vadd.s32 v9, v32;
	[tilespmem:s4+$0x1044] =	vst v30;
	v30 =	vadd.s32 v21, v30;
	s9 =	spop (v2sf);
	v33, _, _ =	vpop (xrf0)  }
0x377: {  	v21 =	vld [tilespmem:s6+$0x1044];
	v32 =	vadd.s32 v10, v32;
	[tilespmem:s4+$0x1455] =	vst v30;
	v30 =	vadd.s32 v23, v30;
	s8 =	sadd.s32 s8, s9;
	v31 =	vsub.s32 v33, v31  }
0x378: {  	v23 =	vld [tilespmem:s6+$0x1455];
	v32 =	vadd.s32 v13, v32;
	[tilespmem:s4+$0x1866] =	vst v30;
	v30 =	vadd.s32 v22, v30;
	(v2sf) =	vpush v33, $0xF  }
0x379: {  	v22 =	vld [tilespmem:s6+$0x1866];
	v32 =	vadd.s32 v15, v32;
	[tilespmem:s4+$0x1C77] =	vst v30;
	v30 =	vadd.s32 s8, v31  }
0x37a: {  	v31 =	vld [tilespmem:s6+$0x1C77];
	v32 =	vadd.s32 v17, v32;
	[tilespmem:s4+$0xFFFFDF88] =	vst v30;
	v30 =	vadd.s32 v24, v30  }
.Ltmp10:
0x37b: {  	v32 =	vadd.s32 v19, v32;
	v24 =	vld [tilespmem:s6+$0xFFFFDF88];
	[tilespmem:s4+$0xFFFFE399] =	vst v30;
	v30 =	vadd.s32 v25, v30;
	(pc) =	sbr.rel @p0 .LBB2_20-.Ltmp10, $4  }
0x37c: {  	v32 =	vadd.s32 v21, v32;
	v25 =	vld [tilespmem:s6+$0xFFFFE399];
	[tilespmem:s4+$0xFFFFE7AA] =	vst v30;
	v30 =	vadd.s32 v26, v30  }
0x37d: {  	v32 =	vadd.s32 v23, v32;
	v26 =	vld [tilespmem:s6+$0xFFFFE7AA];
	[tilespmem:s4+$0xFFFFEBBB] =	vst v30;
	v30 =	vadd.s32 v27, v30  }
0x37e: {  	v32 =	vadd.s32 v22, v32;
	v27 =	vld [tilespmem:s6+$0xFFFFEBBB];
	[tilespmem:s4+$0xFFFFEFCC] =	vst v30;
	v33 =	vadd.s32 v28, v30  }
0x37f: {  	v30 =	vadd.s32 v31, v32;
	v28 =	vld [tilespmem:s6+$0xFFFFEFCC];
	[tilespmem:s4+$0xFFFFF3DD] =	vst v33;
	v31 =	vadd.s32 v29, v33  }
0x380: {  	v29 =	vld [tilespmem:s6+$0xFFFFF3DD];
	[tilespmem:s4+$0xFFFFF7EE] =	vst v31;
	v20 =	vadd.s32 v20, v31  }
0x381: {  	(xrf0) =	vadd.scan.msk.s32 $0xffff, v30;
	v51 =	vld [tilespmem:s6+$0xFFFFF7EE];
	v32 =	vadd.s32 v24, v25;
	[tilespmem:s4+$0xFFFFFBFF] =	vst v20;
	v18 =	vadd.s32 v18, v20  }
0x382: {  	v52 =	vld [tilespmem:s5+$0xFFFFFBFF];
	v32 =	vadd.s32 v26, v32;
	[tilespmem:s4+$0x10] =	vst v18;
	v16 =	vadd.s32 v16, v18  }
0x383: {  	v53 =	vadd.s32 v27, v32;
	[tilespmem:s4+$0x421] =	vst v16;
	v14 =	vadd.s32 v14, v16  }
0x384: {  	v54 =	vld [tilespmem:s5+$0x10];
	v18 =	vadd.s32 v28, v53;
	[tilespmem:s4+$0x832] =	vst v14;
	v12 =	vadd.s32 v12, v14  }
0x385: {  	v55 =	vld [tilespmem:s5+$0x421];
	v18 =	vadd.s32 v29, v18;
	[tilespmem:s4+$0xC43] =	vst v12;
	v8 =	vadd.s32 v8, v12  }
0x386: {  	v56 =	vld [tilespmem:s5+$0x832];
	v18 =	vadd.s32 v51, v18;
	[tilespmem:s4+$0x1054] =	vst v8;
	v6 =	vadd.s32 v6, v8  }
0x387: {  	v57 =	vld [tilespmem:s5+$0xC43];
	v58, _, _ =	vpop (xrf0);
	v18 =	vadd.s32 v52, v18;
	[tilespmem:s4+$0x1465] =	vst v6;
	v6 =	vadd.s32 v11, v6;
	s29 =	spop (v2sf)  }
0x388: {  	v59 =	vld [tilespmem:s5+$0x1054];
	(v2sf) =	vpush v58, $0xF;
	v60 =	vsub.s32 v58, v30;
	[tilespmem:s4+$0x1876] =	vst v6;
	v4 =	vadd.s32 v4, v6;
	s6 =	sadd.s32 s8, s29  }
0x389: {  	v61 =	vld [tilespmem:s5+$0x1465];
	v18 =	vadd.s32 v54, v18;
	v30 =	vadd.s32 s6, v60;
	[tilespmem:s4+$0x1C87] =	vst v4  }
0x38a: {  	v62 =	vld [tilespmem:s5+$0x1876];
	v18 =	vadd.s32 v55, v18;
	[tilespmem:s5+$0xFFFFDF78] =	vst v30;
	v1 =	vadd.s32 v1, v30  }
0x38b: {  	v63 =	vld [tilespmem:s5+$0x1C87];
	v18 =	vadd.s32 v56, v18;
	[tilespmem:s5+$0xFFFFE389] =	vst v1;
	v0 =	vadd.s32 v0, v1  }
0x38c: {  	v1 =	vadd.s32 v57, v18;
	[tilespmem:s5+$0xFFFFE79A] =	vst v0;
	v0 =	vadd.s32 v2, v0  }
0x38d: {  	v1 =	vadd.s32 v59, v1;
	[tilespmem:s5+$0xFFFFEBAB] =	vst v0;
	v0 =	vadd.s32 v3, v0  }
0x38e: {  	v1 =	vadd.s32 v61, v1;
	[tilespmem:s5+$0xFFFFEFBC] =	vst v0;
	v0 =	vadd.s32 v5, v0  }
0x38f: {  	v1 =	vadd.s32 v62, v1;
	[tilespmem:s5+$0xFFFFF3CD] =	vst v0;
	v0 =	vadd.s32 v7, v0  }
0x390: {  	v1 =	vadd.s32 v63, v1;
	[tilespmem:s5+$0xFFFFF7DE] =	vst v0;
	v0 =	vadd.s32 v9, v0  }
0x391: {  	(xrf0) =	vadd.scan.msk.s32 $0xffff, v1;
	[tilespmem:s5+$0xFFFFFBEF] =	vst v0;
	v0 =	vadd.s32 v10, v0  }
0x392: {  	[tilespmem:s5+$0x0] =	vst v0;
	v0 =	vadd.s32 v13, v0  }
0x393: {  	[tilespmem:s5+$0x411] =	vst v0;
	v0 =	vadd.s32 v15, v0  }
0x394: {  	[tilespmem:s5+$0x822] =	vst v0;
	v0 =	vadd.s32 v17, v0  }
0x395: {  	[tilespmem:s5+$0xC33] =	vst v0;
	v0 =	vadd.s32 v19, v0  }
0x396: {  	[tilespmem:s5+$0x1044] =	vst v0;
	v0 =	vadd.s32 v21, v0  }
0x397: {  	s30 =	spop (v2sf);
	v2, _, _ =	vpop (xrf0);
	[tilespmem:s5+$0x1455] =	vst v0;
	v0 =	vadd.s32 v23, v0  }
0x398: {  	s4 =	sadd.s32 s6, s30;
	v1 =	vsub.s32 v2, v1;
	[tilespmem:s5+$0x1866] =	vst v0;
	v0 =	vadd.s32 v22, v0  }
0x399: {  	[tilespmem:s5+$0x1C77] =	vst v0;
	v0 =	vadd.s32 s4, v1  }
0x39a: {  	(v2sf) =	vpush v2, $0xF;
	[tilespmem:s5+$0xFFFFDF88] =	vst v0;
	v0 =	vadd.s32 v24, v0  }
0x39b: {  	[tilespmem:s5+$0xFFFFE399] =	vst v0;
	v0 =	vadd.s32 v25, v0  }
0x39c: {  	[tilespmem:s5+$0xFFFFE7AA] =	vst v0;
	v0 =	vadd.s32 v26, v0  }
0x39d: {  	[tilespmem:s5+$0xFFFFEBBB] =	vst v0;
	v0 =	vadd.s32 v27, v0  }
0x39e: {  	[tilespmem:s5+$0xFFFFEFCC] =	vst v0;
	v0 =	vadd.s32 v28, v0  }
0x39f: {  	[tilespmem:s5+$0xFFFFF3DD] =	vst v0;
	v0 =	vadd.s32 v29, v0  }
0x3a0: {  	[tilespmem:s5+$0xFFFFF7EE] =	vst v0;
	v0 =	vadd.s32 v51, v0  }
0x3a1: {  	[tilespmem:s5+$0xFFFFFBFF] =	vst v0;
	v0 =	vadd.s32 v52, v0  }
0x3a2: {  	[tilespmem:s5+$0x10] =	vst v0;
	v0 =	vadd.s32 v54, v0  }
0x3a3: {  	[tilespmem:s5+$0x421] =	vst v0;
	v0 =	vadd.s32 v55, v0  }
0x3a4: {  	[tilespmem:s5+$0x832] =	vst v0;
	v0 =	vadd.s32 v56, v0  }
0x3a5: {  	[tilespmem:s5+$0xC43] =	vst v0;
	v0 =	vadd.s32 v57, v0  }
0x3a6: {  	[tilespmem:s5+$0x1054] =	vst v0;
	v0 =	vadd.s32 v59, v0  }
0x3a7: {  	s7 =	simm.s32 $0x3344;
	[tilespmem:s5+$0x1465] =	vst v0;
	v0 =	vadd.s32 v61, v0  }
0x3a8: {  	s9 =	simm.s32 $0x4480;
	s8 =	simm.s32 $0x0;
	s6 =	simm.s32 $0x1044;
	v1 =	vlaneseq.u32;
	[tilespmem:s5+$0x1876] =	vst v0;
	v0 =	vadd.s32 v62, v0  }
0x3a9: {  	s4 =	simm.s32 $0xFFFFFFF8;
	s31 =	spop (v2sf);
	[tilespmem:s5+$0x1C87] =	vst v0;
	v0 =	vmul.u32 $0x411, v1;
	s5 =	simm.s32 $0xD900;
	v1 =	vimm.s32 $0x1  }
.LBB2_22:
0x3aa: {  	v2 =	vld [tilespmem:s6+$0xFFFFFFBC];
	_ =	sdelay $0x4  }
0x3ab: {  	v3 =	vshrl.u32 v2, $0x14  }
0x3ac: {  	v3 =	vand.u32 $0x3FF, v3  }
0x3ad: {  	v3 =	vadd.s32 v0, v3;
	_ =	sdelay $0x4  }
0x3ae: {  	v4 =	vld.idx.msk [tilespmem:v3+s5+$0x0], $0xffff;
	_ =	sdelay $0x2  }
0x3af: {  	[tilespmem:v3+s5+$0x0] =	vst.idx.add.s32.msk $0xffff, v1  }
0x3b0: {  	v3 =	vld [tilespmem:s7+$0xFFFFFFBC];
	_ =	sdelay $0x1  }
0x3b1: {  	v5 =	vxor.u32 $0x7FFFFFFF, v2;
	vm0 =	vlt.s32 v2, $0x0  }
0x3b2: {  	v2 =	vsel vm0, v2, v5  }
0x3b3: {  	[tilespmem:v4+s8+$0x0] =	vst.idx.msk $0xffff, v2  }
0x3b4: {  	[tilespmem:v4+s9+$0x0] =	vst.idx.msk $0xffff, v3  }
0x3b5: {  	v2 =	vld [tilespmem:s6+$0xFFFFFFCD];
	_ =	sdelay $0x4  }
0x3b6: {  	v3 =	vshrl.u32 v2, $0x14  }
0x3b7: {  	v3 =	vand.u32 $0x3FF, v3  }
0x3b8: {  	v3 =	vadd.s32 v0, v3;
	_ =	sdelay $0x4  }
0x3b9: {  	v4 =	vld.idx.msk [tilespmem:v3+s5+$0x0], $0xffff;
	_ =	sdelay $0x2  }
0x3ba: {  	[tilespmem:v3+s5+$0x0] =	vst.idx.add.s32.msk $0xffff, v1  }
0x3bb: {  	v3 =	vld [tilespmem:s7+$0xFFFFFFCD];
	_ =	sdelay $0x1  }
0x3bc: {  	v57 =	vxor.u32 $0x7FFFFFFF, v2;
	vm9 =	vlt.s32 v2, $0x0  }
0x3bd: {  	v2 =	vsel vm9, v2, v57  }
0x3be: {  	[tilespmem:v4+s8+$0x0] =	vst.idx.msk $0xffff, v2  }
0x3bf: {  	[tilespmem:v4+s9+$0x0] =	vst.idx.msk $0xffff, v3  }
0x3c0: {  	v2 =	vld [tilespmem:s6+$0xFFFFFFDE];
	_ =	sdelay $0x4  }
0x3c1: {  	v3 =	vshrl.u32 v2, $0x14  }
0x3c2: {  	v3 =	vand.u32 $0x3FF, v3  }
0x3c3: {  	v3 =	vadd.s32 v0, v3;
	_ =	sdelay $0x4  }
0x3c4: {  	v4 =	vld.idx.msk [tilespmem:v3+s5+$0x0], $0xffff;
	_ =	sdelay $0x2  }
0x3c5: {  	[tilespmem:v3+s5+$0x0] =	vst.idx.add.s32.msk $0xffff, v1  }
0x3c6: {  	v3 =	vld [tilespmem:s7+$0xFFFFFFDE];
	_ =	sdelay $0x1  }
0x3c7: {  	v58 =	vxor.u32 $0x7FFFFFFF, v2;
	vm10 =	vlt.s32 v2, $0x0  }
0x3c8: {  	v2 =	vsel vm10, v2, v58  }
0x3c9: {  	[tilespmem:v4+s8+$0x0] =	vst.idx.msk $0xffff, v2  }
0x3ca: {  	[tilespmem:v4+s9+$0x0] =	vst.idx.msk $0xffff, v3  }
0x3cb: {  	v2 =	vld [tilespmem:s6+$0xFFFFFFEF];
	_ =	sdelay $0x4  }
0x3cc: {  	v3 =	vshrl.u32 v2, $0x14  }
0x3cd: {  	v3 =	vand.u32 $0x3FF, v3  }
0x3ce: {  	v3 =	vadd.s32 v0, v3;
	_ =	sdelay $0x4  }
0x3cf: {  	v4 =	vld.idx.msk [tilespmem:v3+s5+$0x0], $0xffff;
	_ =	sdelay $0x2  }
0x3d0: {  	[tilespmem:v3+s5+$0x0] =	vst.idx.add.s32.msk $0xffff, v1  }
0x3d1: {  	v3 =	vld [tilespmem:s7+$0xFFFFFFEF];
	_ =	sdelay $0x1  }
0x3d2: {  	v59 =	vxor.u32 $0x7FFFFFFF, v2;
	vm11 =	vlt.s32 v2, $0x0  }
0x3d3: {  	v2 =	vsel vm11, v2, v59  }
0x3d4: {  	[tilespmem:v4+s8+$0x0] =	vst.idx.msk $0xffff, v2  }
0x3d5: {  	[tilespmem:v4+s9+$0x0] =	vst.idx.msk $0xffff, v3  }
0x3d6: {  	v2 =	vld [tilespmem:s6+$0x0];
	_ =	sdelay $0x4  }
0x3d7: {  	v3 =	vshrl.u32 v2, $0x14  }
0x3d8: {  	v3 =	vand.u32 $0x3FF, v3  }
0x3d9: {  	v3 =	vadd.s32 v0, v3;
	_ =	sdelay $0x4  }
0x3da: {  	v4 =	vld.idx.msk [tilespmem:v3+s5+$0x0], $0xffff;
	_ =	sdelay $0x2  }
0x3db: {  	[tilespmem:v3+s5+$0x0] =	vst.idx.add.s32.msk $0xffff, v1  }
0x3dc: {  	v3 =	vld [tilespmem:s7+$0x0];
	_ =	sdelay $0x1  }
0x3dd: {  	v60 =	vxor.u32 $0x7FFFFFFF, v2;
	vm12 =	vlt.s32 v2, $0x0  }
0x3de: {  	v2 =	vsel vm12, v2, v60  }
0x3df: {  	[tilespmem:v4+s8+$0x0] =	vst.idx.msk $0xffff, v2  }
0x3e0: {  	[tilespmem:v4+s9+$0x0] =	vst.idx.msk $0xffff, v3  }
0x3e1: {  	v2 =	vld [tilespmem:s6+$0x11];
	_ =	sdelay $0x4  }
0x3e2: {  	v3 =	vshrl.u32 v2, $0x14  }
0x3e3: {  	v3 =	vand.u32 $0x3FF, v3  }
0x3e4: {  	v3 =	vadd.s32 v0, v3;
	_ =	sdelay $0x4  }
0x3e5: {  	v4 =	vld.idx.msk [tilespmem:v3+s5+$0x0], $0xffff;
	_ =	sdelay $0x2  }
0x3e6: {  	[tilespmem:v3+s5+$0x0] =	vst.idx.add.s32.msk $0xffff, v1  }
0x3e7: {  	v3 =	vld [tilespmem:s7+$0x11];
	_ =	sdelay $0x1  }
0x3e8: {  	v61 =	vxor.u32 $0x7FFFFFFF, v2;
	vm13 =	vlt.s32 v2, $0x0  }
0x3e9: {  	v2 =	vsel vm13, v2, v61  }
0x3ea: {  	[tilespmem:v4+s8+$0x0] =	vst.idx.msk $0xffff, v2  }
0x3eb: {  	[tilespmem:v4+s9+$0x0] =	vst.idx.msk $0xffff, v3  }
0x3ec: {  	v2 =	vld [tilespmem:s6+$0x22];
	_ =	sdelay $0x4  }
0x3ed: {  	v3 =	vshrl.u32 v2, $0x14  }
0x3ee: {  	v3 =	vand.u32 $0x3FF, v3  }
0x3ef: {  	v3 =	vadd.s32 v0, v3;
	_ =	sdelay $0x4  }
0x3f0: {  	v4 =	vld.idx.msk [tilespmem:v3+s5+$0x0], $0xffff;
	_ =	sdelay $0x2  }
0x3f1: {  	[tilespmem:v3+s5+$0x0] =	vst.idx.add.s32.msk $0xffff, v1  }
0x3f2: {  	v3 =	vld [tilespmem:s7+$0x22];
	_ =	sdelay $0x1  }
0x3f3: {  	v62 =	vxor.u32 $0x7FFFFFFF, v2;
	vm14 =	vlt.s32 v2, $0x0  }
0x3f4: {  	v2 =	vsel vm14, v2, v62  }
0x3f5: {  	[tilespmem:v4+s8+$0x0] =	vst.idx.msk $0xffff, v2  }
0x3f6: {  	[tilespmem:v4+s9+$0x0] =	vst.idx.msk $0xffff, v3  }
0x3f7: {  	v2 =	vld [tilespmem:s6+$0x33];
	_ =	sdelay $0x4  }
0x3f8: {  	v3 =	vshrl.u32 v2, $0x14  }
0x3f9: {  	v3 =	vand.u32 $0x3FF, v3  }
0x3fa: {  	v3 =	vadd.s32 v0, v3;
	_ =	sdelay $0x4  }
0x3fb: {  	v4 =	vld.idx.msk [tilespmem:v3+s5+$0x0], $0xffff;
	_ =	sdelay $0x2  }
0x3fc: {  	s4 =	sadd.s32 $0x8, s4;
	[tilespmem:v3+s5+$0x0] =	vst.idx.add.s32.msk $0xffff, v1  }
0x3fd: {  	p0 =	slt.u32 s4, $0xF8;
	v3 =	vld [tilespmem:s7+$0x33]  }
.Ltmp11:
0x3fe: {  	_ = 	snop;
	(pc) =	sbr.rel @p0 .LBB2_22-.Ltmp11, $4  }
0x3ff: {  	v63 =	vxor.u32 $0x7FFFFFFF, v2;
	vm15 =	vlt.s32 v2, $0x0  }
0x400: {  	v2 =	vsel vm15, v2, v63  }
0x401: {  	[tilespmem:v4+s8+$0x0] =	vst.idx.msk $0xffff, v2  }
0x402: {  	s6 =	sadd.s32 $0x88, s6;
	s7 =	sadd.s32 $0x88, s7;
	[tilespmem:v4+s9+$0x0] =	vst.idx.msk $0xffff, v3  }
0x403: {  	s4 =	simm.s32 $0x0;
	s31 =	simm.s32 $0x1  }
0x404: {  	[hbm4b:s3+s4] =	stream.linear.scatter [tilespmem:s4], [sflag:$0x1], $0x1000, $0x38;
	[tilespmem:$0x11A80] =	vst v63  }
0x405: {  	_ =	swait.ge [sflag:s31], $0x1000  }
0x406: {  	[sflag:s31] =	ssyncset.done $0x0  }
0x407: {  	s5 =	simm.s32 $0x4480;
	[sflag:s31] =	ssyncadd.s32 $0xFFFFF000  }
0x408: {  	[hbm4b:s2+s4] =	stream.linear.scatter [tilespmem:s5], [sflag:$0x1], $0x1000, $0x38;
	[tilespmem:$0x11A80] =	vst v63  }
0x409: {  	_ =	swait.ge [sflag:s31], $0x1000  }
0x40a: {  	[sflag:s31] =	ssyncset.done $0x0  }
0x40b: {  	[sflag:s31] =	ssyncadd.s32 $0xFFFFF000  }
.LBB2_24:
0x40c: {  	_ =	sfence.sel $0x180000  }
0x40d: {  	[bflag:$0x0] =	sbarrier.arrive $0xFFFF  }
0x40e: {  	p0 =	sne.s32 s1, $0x0;
	_ =	strace $0x90000047  }
0x40f: {  	s0 =	sadd.s32 @!p0 $0x100000, s0;
	[bflag:$0x2] =	sbarrier.arrive $0xFFFF  }
0x410: {  	[sflag:s0] =	ssyncadd.tile.s32 @!p0 $0x1;
	_ =	shalt  }
.Lfunc_end2:
_tile_overlayer_lowered:
.L_overlay_start_2:
0x411: {  	(tag) =	ssettag $0x2  }
0x412: {  	s0 =	rddreg [dreg:$0x0];
	s2 =	stileid.u32  }
0x413: {  	s1 =	rddreg [dreg:$0x1];
	p0 =	sne.s32 s2, $0x0  }
0x414: {  	s3 =	rddreg [dreg:$0x2];
	[bflag:$0x3] =	sbarrier.arrive $0xFFFF;
	s2 =	simm.s32 @!p0 $0x1C01  }
0x415: {  	[timem:s3], [sflag:s2] =	dma.local @!p0 [hbm:s0], s1  }
0x416: {  	s0 =	simm.s32 @!p0 $0x1  }
0x417: {  	_ =	swait.ge @!p0 [sflag:s0], s1  }
0x418: {  	s1 =	ssub.s32 @!p0 $0x0, s1;
	[sflag:s0] =	ssyncset.done @!p0 $0x0  }
0x419: {  	[sflag:s0] =	ssyncadd.s32 @!p0 s1  }
0x41a: {  	[bflag:$0x3] =	sbarrier.arrive $0xFFFF  }
0x41b: {  	_ =	shalt  }

</sc_bundles>
